<compile_context>
chip_gen: v7x
topology: tpu7x:2x2x1
jax: 0.10.2.dev20260603
libtpu: 0.0.44.dev20260713+nightly
codegen_flags: <defaults>
</compile_context>

<pallas_src>
import dataclasses

import numpy as np

import jax
import jax.numpy as jnp
from jax import lax
from jax.experimental import pallas as pl
from jax.experimental.pallas import tpu as pltpu
from jax.experimental.pallas import tpu_sc as plsc

N = 10000
E = 320000
D_IN = 128
HID = 64
HEADS = 4
NCLS = 40

NC = 2
NS = 16
LANES = 16

B = 80

F1 = 128
NH = N // 2
A1 = 5120
TR1 = 5112
DRH = 80
A2 = 2560
TR2 = 2520

ZSPAN1 = 320
ZCHUNK2 = 160


def _sc_compiler_params():
    cp = pltpu.CompilerParams()
    if "needs_layout_passes" in pltpu.CompilerParams.__dataclass_fields__:
        cp = dataclasses.replace(cp, needs_layout_passes=False)
    return cp


def _proj1_body(x_ref, wl_ref, wr_ref, xl_ref, xr_ref):
    xb = x_ref[...]
    l = jnp.dot(xb, wl_ref[...], preferred_element_type=jnp.float32)
    r = jnp.dot(xb, wr_ref[...], preferred_element_type=jnp.float32)
    xl_ref[0] = l[:, :F1]
    xl_ref[1] = l[:, F1:]
    xr_ref[0] = r[:, :F1]
    xr_ref[1] = r[:, F1:]


def _proj1(x, Wl1, Wr1):
    blk = 2000
    grid = N // blk
    out = jax.ShapeDtypeStruct((2, N, F1), jnp.float32)
    xl, xr = pl.pallas_call(
        _proj1_body,
        grid=(grid,),
        in_specs=[
            pl.BlockSpec((blk, D_IN), lambda i: (i, 0)),
            pl.BlockSpec((D_IN, 2 * F1), lambda i: (0, 0)),
            pl.BlockSpec((D_IN, 2 * F1), lambda i: (0, 0)),
        ],
        out_specs=[
            pl.BlockSpec((2, blk, F1), lambda i: (0, i, 0)),
            pl.BlockSpec((2, blk, F1), lambda i: (0, i, 0)),
        ],
        out_shape=[out, out],
    )(x, Wl1, Wr1)
    return xl.reshape(2 * N, F1), xr.reshape(2 * N, F1)


def _sc1(src, dst, xl_s, xr_s, atts, klo):

    def body(src_h, dst_h, xl_h, xr_h, att_h, out_h, den_h,
             src_v, dst_v, row_v, xlb, xrb, msgb, attv, denp, accs):
        c = lax.axis_index("c")
        s = lax.axis_index("s")

        zero16 = jnp.zeros((LANES,), jnp.float32)
        lane = lax.iota(jnp.int32, LANES)

        @pl.loop(0, B)
        def _zero_msg(i):
            for j in range(F1 // LANES):
                msgb[i, pl.ds(LANES * j, LANES)] = zero16

        @pl.loop(0, DRH)
        def _zero_den(i):
            for j in range(F1 // LANES):
                denp[i, pl.ds(LANES * j, LANES)] = zero16

        base_r = s * ZSPAN1
        for k in range(ZSPAN1 // B):
            pltpu.sync_copy(msgb, accs.at[pl.ds(base_r + B * k, B)])

        pltpu.sync_copy(att_h.at[pl.ds(c * F1, F1)], attv)
        plsc.subcore_barrier()

        att_regs = [attv[pl.ds(LANES * j, LANES)] for j in range(F1 // LANES)]
        tab_off = jnp.broadcast_to(c * N, (LANES,)).astype(jnp.int32)
        node_lo = jnp.broadcast_to(klo, (LANES,)).astype(jnp.int32)
        den_mask = lane < 2
        trash16 = jnp.broadcast_to(TR1, (LANES,)).astype(jnp.int32)

        edges_per_tile = E // NS
        n_blocks = edges_per_tile // B

        @pl.loop(0, n_blocks)
        def _blk(it):
            base = s * edges_per_tile + it * B
            pltpu.sync_copy(src_h.at[pl.ds(base, B)], src_v)
            pltpu.sync_copy(dst_h.at[pl.ds(base, B)], dst_v)

            @pl.loop(0, B, step=LANES)
            def _route(i):
                src_v[pl.ds(i, LANES)] = src_v[pl.ds(i, LANES)] + tab_off
                local = dst_v[pl.ds(i, LANES)] - node_lo
                inr = jnp.logical_and(local >= 0, local < NH)
                row_v[pl.ds(i, LANES)] = jnp.where(inr, local, trash16)

            pltpu.sync_copy(xl_h.at[src_v], xlb)
            pltpu.sync_copy(xr_h.at[dst_v], xrb)

            @plsc.parallel_loop(0, B, 1, unroll=4)
            def _edge(i):
                s0 = zero16
                s1 = zero16
                xs = []
                for j in range(F1 // LANES):
                    xlj = xlb[i, pl.ds(LANES * j, LANES)]
                    xrj = xrb[i, pl.ds(LANES * j, LANES)]
                    u = xlj + xrj
                    v = jnp.where(u > 0, u, 0.2 * u)
                    t = v * att_regs[j]
                    if j < 4:
                        s0 = s0 + t
                    else:
                        s1 = s1 + t
                    xs.append(xlj)
                e0 = jnp.exp(jnp.broadcast_to(jnp.sum(s0), (LANES,)))
                e1 = jnp.exp(jnp.broadcast_to(jnp.sum(s1), (LANES,)))
                for j in range(F1 // LANES):
                    msgb[i, pl.ds(LANES * j, LANES)] = (
                        (e0 if j < 4 else e1) * xs[j])
                lcl = plsc.load_gather(
                    row_v, [jnp.broadcast_to(i, (LANES,))])
                ok = lcl < NH
                fl = 2 * jnp.where(ok, lcl, 0) + lane
                denv = jnp.where(lane == 0, e0, e1)
                plsc.addupdate_scatter(
                    denp, [lax.shift_right_logical(fl, 7),
                           jnp.bitwise_and(fl, 127)], denv,
                    mask=jnp.logical_and(den_mask, ok))

            pltpu.sync_copy(msgb, accs.at[row_v], add=True)

        plsc.subcore_barrier()

        pltpu.sync_copy(accs.at[pl.ds(base_r, ZSPAN1)],
                        out_h.at[pl.ds(c * A1 + base_r, ZSPAN1)])
        pltpu.sync_copy(denp, den_h.at[pl.ds((c * NS + s) * DRH, DRH)])

    mesh = plsc.VectorSubcoreMesh(core_axis_name="c", subcore_axis_name="s")
    f = pl.kernel(
        body,
        out_type=[jax.ShapeDtypeStruct((2 * A1, F1), jnp.float32),
                  jax.ShapeDtypeStruct((2 * NS * DRH, F1), jnp.float32)],
        mesh=mesh,
        compiler_params=_sc_compiler_params(),
        scratch_types=[
            pltpu.VMEM((B,), jnp.int32),
            pltpu.VMEM((B,), jnp.int32),
            pltpu.VMEM((B,), jnp.int32),
            pltpu.VMEM((B, F1), jnp.float32),
            pltpu.VMEM((B, F1), jnp.float32),
            pltpu.VMEM((B, F1), jnp.float32),
            pltpu.VMEM((F1,), jnp.float32),
            pltpu.VMEM((DRH, F1), jnp.float32),
            pltpu.VMEM_SHARED((A1, F1), jnp.float32),
        ],
    )
    return f(src, dst, xl_s, xr_s, atts)


def _dmerge_body(*refs):
    ins, out = refs[:-1], refs[-1]
    acc = ins[0][...]
    for r in ins[1:]:
        acc = acc + r[...]
    out[...] = acc


def _dmerge(den_all):
    specs = [
        pl.BlockSpec((DRH, F1), (lambda c, j=j: (c * NS + j, 0)))
        for j in range(NS)
    ]
    return pl.pallas_call(
        _dmerge_body,
        grid=(2,),
        in_specs=specs,
        out_specs=pl.BlockSpec((DRH, F1), lambda c: (c, 0)),
        out_shape=jax.ShapeDtypeStruct((2 * DRH, F1), jnp.float32),
    )(*([den_all] * NS))


def _mid_body(a0_ref, a1_ref, d0_ref, d1_ref, b1_ref, wl_ref, wr_ref,
              xl_ref, xr_ref):
    a0 = a0_ref[...]
    a1 = a1_ref[...]
    d0 = d0_ref[...]
    d1 = d1_ref[...]
    eps = 1e-16
    h = jnp.concatenate([
        a0[:, 0:HID] / (d0[:, 0:1] + eps),
        a0[:, HID:F1] / (d0[:, 1:2] + eps),
        a1[:, 0:HID] / (d1[:, 0:1] + eps),
        a1[:, HID:F1] / (d1[:, 1:2] + eps),
    ], axis=1) + b1_ref[...]
    h = jnp.where(h > 0, h, jnp.exp(jnp.minimum(h, 0.0)) - 1.0)
    xl_ref[...] = jnp.dot(h, wl_ref[...], preferred_element_type=jnp.float32)
    xr_ref[...] = jnp.dot(h, wr_ref[...], preferred_element_type=jnp.float32)


def _mid(a0, a1, d0, d1, b1, Wl2p, Wr2p):
    blk = 1000
    grid = N // blk
    out = jax.ShapeDtypeStruct((N, F1), jnp.float32)
    wspec = pl.BlockSpec((HEADS * HID, F1), lambda i: (0, 0))
    return pl.pallas_call(
        _mid_body,
        grid=(grid,),
        in_specs=[
            pl.BlockSpec((blk, F1), lambda i: (i, 0)),
            pl.BlockSpec((blk, F1), lambda i: (i, 0)),
            pl.BlockSpec((blk, 2), lambda i: (i, 0)),
            pl.BlockSpec((blk, 2), lambda i: (i, 0)),
            pl.BlockSpec((1, HEADS * HID), lambda i: (0, 0)),
            wspec, wspec,
        ],
        out_specs=[
            pl.BlockSpec((blk, F1), lambda i: (i, 0)),
            pl.BlockSpec((blk, F1), lambda i: (i, 0)),
        ],
        out_shape=[out, out],
    )(a0, a1, d0, d1, b1, Wl2p, Wr2p)


def _sc2_body(src_h, dst_h, xl_h, xr_h, att_h, out_h,
              src_v, dst_v, row_v, xlb, xrb, msgb, attv, accs):
    c = lax.axis_index("c")
    s = lax.axis_index("s")

    zero16 = jnp.zeros((LANES,), jnp.float32)
    lane = lax.iota(jnp.int32, LANES)

    @pl.loop(0, B)
    def _zero_msg(i):
        for j in range(F1 // LANES):
            msgb[i, pl.ds(LANES * j, LANES)] = zero16

    base_r = s * ZCHUNK2
    for k in range(ZCHUNK2 // B):
        pltpu.sync_copy(msgb, accs.at[pl.ds(base_r + B * k, B)])

    pltpu.sync_copy(att_h, attv)
    plsc.subcore_barrier()

    natt = 48 // LANES
    att_regs = [attv[pl.ds(LANES * j, LANES)] for j in range(natt)]
    den1 = jnp.where(lane == (NCLS % LANES), 1.0, 0.0)
    node_lo = jnp.broadcast_to(c * NH, (LANES,)).astype(jnp.int32)
    trash16 = jnp.broadcast_to(TR2, (LANES,)).astype(jnp.int32)

    edges_per_tile = E // NS
    n_blocks = edges_per_tile // B

    @pl.loop(0, n_blocks)
    def _blk(it):
        base = s * edges_per_tile + it * B
        pltpu.sync_copy(src_h.at[pl.ds(base, B)], src_v)
        pltpu.sync_copy(dst_h.at[pl.ds(base, B)], dst_v)

        @pl.loop(0, B, step=LANES)
        def _route(i):
            local = dst_v[pl.ds(i, LANES)] - node_lo
            inr = jnp.logical_and(local >= 0, local < NH)
            row_v[pl.ds(i, LANES)] = jnp.where(
                inr, lax.shift_right_logical(local, 1), trash16)

        pltpu.sync_copy(xl_h.at[src_v], xlb)
        pltpu.sync_copy(xr_h.at[dst_v], xrb)

        @plsc.parallel_loop(0, B, 1, unroll=4)
        def _edge(i):
            acc = zero16
            xs = []
            for j in range(natt):
                xlj = xlb[i, pl.ds(LANES * j, LANES)]
                xrj = xrb[i, pl.ds(LANES * j, LANES)]
                u = xlj + xrj
                v = jnp.where(u > 0, u, 0.2 * u)
                acc = acc + v * att_regs[j]
                xs.append(xlj)
            e = jnp.exp(jnp.broadcast_to(jnp.sum(acc), (LANES,)))
            m0 = e * xs[0]
            m1 = e * xs[1]
            m2 = e * (xs[2] + den1)
            d = plsc.load_gather(dst_v, [jnp.broadcast_to(i, (LANES,))])
            odd = jnp.bitwise_and(d, 1) == 1
            for j, m in enumerate((m0, m1, m2)):
                msgb[i, pl.ds(LANES * j, LANES)] = jnp.where(odd, 0.0, m)
                msgb[i, pl.ds(64 + LANES * j, LANES)] = jnp.where(odd, m, 0.0)

        pltpu.sync_copy(msgb, accs.at[row_v], add=True)

    plsc.subcore_barrier()
    pltpu.sync_copy(accs.at[pl.ds(base_r, ZCHUNK2)],
                    out_h.at[pl.ds(c * A2 + base_r, ZCHUNK2)])


def _sc2(src, dst, xl2p, xr2p, att2p):
    mesh = plsc.VectorSubcoreMesh(core_axis_name="c", subcore_axis_name="s")
    f = pl.kernel(
        _sc2_body,
        out_type=jax.ShapeDtypeStruct((2 * A2, F1), jnp.float32),
        mesh=mesh,
        compiler_params=_sc_compiler_params(),
        scratch_types=[
            pltpu.VMEM((B,), jnp.int32),
            pltpu.VMEM((B,), jnp.int32),
            pltpu.VMEM((B,), jnp.int32),
            pltpu.VMEM((B, F1), jnp.float32),
            pltpu.VMEM((B, F1), jnp.float32),
            pltpu.VMEM((B, F1), jnp.float32),
            pltpu.VMEM((F1,), jnp.float32),
            pltpu.VMEM_SHARED((A2, F1), jnp.float32),
        ],
    )
    return f(src, dst, xl2p, xr2p, att2p)


def _fin_body(a_ref, b2_ref, o_ref):
    num = a_ref[...]
    den = num[:, NCLS:NCLS + 1] + 1e-16
    o = num[:, 0:NCLS] / den + b2_ref[...]
    m = jnp.max(o, axis=1, keepdims=True)
    z = o - m
    lse = jnp.log(jnp.sum(jnp.exp(z), axis=1, keepdims=True))
    o_ref[...] = z - lse


def _fin(acc2, b2):
    blk = 1000
    grid = N // blk
    return pl.pallas_call(
        _fin_body,
        grid=(grid,),
        in_specs=[
            pl.BlockSpec((blk, 64), lambda i: (i, 0)),
            pl.BlockSpec((1, NCLS), lambda i: (0, 0)),
        ],
        out_specs=pl.BlockSpec((blk, NCLS), lambda i: (i, 0)),
        out_shape=jax.ShapeDtypeStruct((N, NCLS), jnp.float32),
    )(acc2, b2)


def kernel(x, edge_index, Wl1, Wr1, att1, b1, Wl2, Wr2, att2, b2):
    src = edge_index[0]
    dst = edge_index[1]

    xl_s, xr_s = _proj1(x, Wl1, Wr1)
    atts = att1.reshape(2 * F1)

    msgA, denA = _sc1(src, dst, xl_s, xr_s, atts, 0)
    msgB, denB = _sc1(src, dst, xl_s, xr_s, atts, NH)
    dmA = _dmerge(denA)
    dmB = _dmerge(denB)

    a0 = jnp.concatenate([msgA[:NH], msgB[:NH]], axis=0)
    a1 = jnp.concatenate([msgA[A1:A1 + NH], msgB[A1:A1 + NH]], axis=0)
    d0 = jnp.concatenate([
        dmA[:DRH].reshape(-1)[:2 * NH].reshape(NH, 2),
        dmB[:DRH].reshape(-1)[:2 * NH].reshape(NH, 2)], axis=0)
    d1 = jnp.concatenate([
        dmA[DRH:].reshape(-1)[:2 * NH].reshape(NH, 2),
        dmB[DRH:].reshape(-1)[:2 * NH].reshape(NH, 2)], axis=0)

    Wl2p = jnp.pad(Wl2, ((0, 0), (0, F1 - NCLS)))
    Wr2p = jnp.pad(Wr2, ((0, 0), (0, F1 - NCLS)))
    att2p = jnp.pad(att2[0], (0, F1 - NCLS))
    xl2p, xr2p = _mid(a0, a1, d0, d1,
                      b1.reshape(1, HEADS * HID), Wl2p, Wr2p)

    acc2 = _sc2(src, dst, xl2p, xr2p, att2p)
    o = jnp.concatenate([
        acc2[0:NH // 2].reshape(NH, 64),
        acc2[A2:A2 + NH // 2].reshape(NH, 64),
    ], axis=0)
    return _fin(o, b2.reshape(1, NCLS))

# --- scband reference (transcript-rebuilt; emitter-appended) ---
"""Pipeline reference for scband-gatv2-64836826300770 (READ-ONLY COPY).

The authoritative reference and input builder live on the scoring server;
editing this copy changes nothing except your own understanding.
"""

import jax, jax.numpy as jnp
import numpy as np

N_NODES = 10000
E_EDGES = 320000
D_IN = 128
HID = 64
HEADS = 4
N_CLASSES = 40


def setup_inputs(seed: int = 0) -> dict:
    key = jax.random.key(seed)
    ks = jax.random.split(key, 12)
    x = jax.random.normal(ks[0], (N_NODES, D_IN), dtype=jnp.float32)
    edge_index = jax.random.randint(ks[1], (2, E_EDGES), 0, N_NODES, dtype=jnp.int32)
    # GATv2Conv layer 1: in=128, out=HID per head, heads=4, concat=True
    Wl1 = jax.random.normal(ks[2], (D_IN, HEADS * HID), dtype=jnp.float32) * 0.08
    Wr1 = jax.random.normal(ks[3], (D_IN, HEADS * HID), dtype=jnp.float32) * 0.08
    att1 = jax.random.normal(ks[4], (HEADS, HID), dtype=jnp.float32) * 0.1
    b1 = jnp.zeros((HEADS * HID,), dtype=jnp.float32)
    # GATv2Conv layer 2: in=HEADS*HID=256, out=N_CLASSES, heads=1, concat=False
    Wl2 = jax.random.normal(ks[5], (HEADS * HID, N_CLASSES), dtype=jnp.float32) * 0.06
    Wr2 = jax.random.normal(ks[6], (HEADS * HID, N_CLASSES), dtype=jnp.float32) * 0.06
    att2 = jax.random.normal(ks[7], (1, N_CLASSES), dtype=jnp.float32) * 0.1
    b2 = jnp.zeros((N_CLASSES,), dtype=jnp.float32)
    return {"x": x, "edge_index": edge_index, "Wl1": Wl1, "Wr1": Wr1, "att1": att1, "b1": b1, "Wl2": Wl2, "Wr2": Wr2, "att2": att2, "b2": b2}


def _gatv2_layer(x, src, dst, Wl, Wr, att, b, heads, out_ch, concat):
    n = x.shape[0]
    xl = (x @ Wl).reshape(n, heads, out_ch)
    xr = (x @ Wr).reshape(n, heads, out_ch)
    # GATv2 attention: e_ij = att . leaky_relu(xl[src] + xr[dst])
    e = jax.nn.leaky_relu(xl[src] + xr[dst], negative_slope=0.2)  # [E, H, C]
    logit = jnp.sum(e * att[None, :, :], axis=-1)  # [E, H]
    # softmax over incoming edges per destination node
    m = jax.ops.segment_max(logit, dst, num_segments=n)  # [N, H]
    m = jnp.where(jnp.isfinite(m), m, 0.0)
    ex = jnp.exp(logit - m[dst])
    den = jax.ops.segment_sum(ex, dst, num_segments=n)
    alpha = ex / (den[dst] + 1e-16)  # [E, H]
    msg = xl[src] * alpha[:, :, None]  # [E, H, C]
    out = jax.ops.segment_sum(msg, dst, num_segments=n)  # [N, H, C]
    if concat:
        out = out.reshape(n, heads * out_ch)
    else:
        out = out.mean(axis=1)
    return out + b


def reference(x, edge_index, Wl1, Wr1, att1, b1, Wl2, Wr2, att2, b2):
    src, dst = edge_index[0], edge_index[1]
    # dropout is identity in eval mode
    h = _gatv2_layer(x, src, dst, Wl1, Wr1, att1, b1, HEADS, HID, True)
    h = jax.nn.elu(h)
    o = _gatv2_layer(h, src, dst, Wl2, Wr2, att2, b2, 1, N_CLASSES, False)
    return jax.nn.log_softmax(o, axis=1)

if __name__ == "__main__":
    import jax
    _d = setup_inputs()
    print(jax.jit(kernel)(*tuple(_d.values())))

</pallas_src>

<mosaic_0001>
#map = affine_map<(d0, d1) -> (0)>
#map1 = affine_map<(d0, d1) -> (0, 0)>
module attributes {stable_mosaic.version = 14 : i64} {
  func.func @body(%arg0: i32, %arg1: i32, %arg2: memref<320000xi32, #tpu.memory_space<hbm>>, %arg3: memref<320000xi32, #tpu.memory_space<hbm>>, %arg4: memref<20000x128xf32, #tpu.memory_space<hbm>>, %arg5: memref<20000x128xf32, #tpu.memory_space<hbm>>, %arg6: memref<256xf32, #tpu.memory_space<hbm>>, %arg7: memref<10240x128xf32, #tpu.memory_space<hbm>>, %arg8: memref<2560x128xf32, #tpu.memory_space<hbm>>, %arg9: memref<80xi32, #tpu.memory_space<vmem>>, %arg10: memref<80xi32, #tpu.memory_space<vmem>>, %arg11: memref<80xi32, #tpu.memory_space<vmem>>, %arg12: memref<80x128xf32, #tpu.memory_space<vmem>>, %arg13: memref<80x128xf32, #tpu.memory_space<vmem>>, %arg14: memref<80x128xf32, #tpu.memory_space<vmem>>, %arg15: memref<128xf32, #tpu.memory_space<vmem>>, %arg16: memref<80x128xf32, #tpu.memory_space<vmem>>, %arg17: memref<5120x128xf32, #tpu.memory_space<vmem_shared>>) attributes {dimension_semantics = [#tpu.dimension_semantics<core_parallel>, #tpu.dimension_semantics<subcore_parallel>], iteration_bounds = array<i64: 2, 16>, scalar_prefetch = 0 : i64, scratch_operands = 9 : i64, tpu.core_type = #tpu.core_type<sc_vector_subcore>, window_params = [{transform_indices = #map}, {transform_indices = #map}, {transform_indices = #map1}, {transform_indices = #map1}, {transform_indices = #map}, {transform_indices = #map1}, {transform_indices = #map1}]} {
    %broadcast_in_dim3A = arith.constant 0.000000e+00 : f32
    %broadcast_in_dim3A_0 = vector.broadcast %broadcast_in_dim3A : f32 to vector<16xf32>
    %iota3A = tpu.iota {dimensions = array<i32: 0>} : vector<16xi32>
    %scan3A = arith.constant 0 : i32
    %scan3A_1 = arith.constant 80 : i32
    %scan3A_2 = arith.addi %scan3A, %scan3A_1 : i32
    %scan3A_3 = arith.constant 1 : i32
    scf.for %scan3A_58 = %scan3A to %scan3A_2 step %scan3A_3  : i32 {
      %mul3A_59 = arith.constant 1 : i32
      %mul3A_60 = arith.muli %scan3A_58, %mul3A_59 : i32
      %add3A_61 = arith.constant 0 : i32
      %add3A_62 = arith.addi %add3A_61, %mul3A_60 : i32
      %swap3A = arith.index_cast %add3A_62 : i32 to index
      %swap3A_63 = arith.constant 0 : index
      %swap3A_64 = tpu.vector_load %arg14[%swap3A, %swap3A_63] {strides = array<i32>} : memref<80x128xf32, #tpu.memory_space<vmem>>, vector<16xf32>,
      tpu.vector_store %arg14[%swap3A, %swap3A_63], %broadcast_in_dim3A_0 {strides = array<i32>} : memref<80x128xf32, #tpu.memory_space<vmem>>, vector<16xf32>,
      %swap3A_65 = arith.index_cast %add3A_62 : i32 to index
      %swap3A_66 = arith.constant 16 : index
      %swap3A_67 = tpu.vector_load %arg14[%swap3A_65, %swap3A_66] {strides = array<i32>} : memref<80x128xf32, #tpu.memory_space<vmem>>, vector<16xf32>,
      tpu.vector_store %arg14[%swap3A_65, %swap3A_66], %broadcast_in_dim3A_0 {strides = array<i32>} : memref<80x128xf32, #tpu.memory_space<vmem>>, vector<16xf32>,
      %swap3A_68 = arith.index_cast %add3A_62 : i32 to index
      %swap3A_69 = arith.constant 32 : index
      %swap3A_70 = tpu.vector_load %arg14[%swap3A_68, %swap3A_69] {strides = array<i32>} : memref<80x128xf32, #tpu.memory_space<vmem>>, vector<16xf32>,
      tpu.vector_store %arg14[%swap3A_68, %swap3A_69], %broadcast_in_dim3A_0 {strides = array<i32>} : memref<80x128xf32, #tpu.memory_space<vmem>>, vector<16xf32>,
      %swap3A_71 = arith.index_cast %add3A_62 : i32 to index
      %swap3A_72 = arith.constant 48 : index
      %swap3A_73 = tpu.vector_load %arg14[%swap3A_71, %swap3A_72] {strides = array<i32>} : memref<80x128xf32, #tpu.memory_space<vmem>>, vector<16xf32>,
      tpu.vector_store %arg14[%swap3A_71, %swap3A_72], %broadcast_in_dim3A_0 {strides = array<i32>} : memref<80x128xf32, #tpu.memory_space<vmem>>, vector<16xf32>,
      %swap3A_74 = arith.index_cast %add3A_62 : i32 to index
      %swap3A_75 = arith.constant 64 : index
      %swap3A_76 = tpu.vector_load %arg14[%swap3A_74, %swap3A_75] {strides = array<i32>} : memref<80x128xf32, #tpu.memory_space<vmem>>, vector<16xf32>,
      tpu.vector_store %arg14[%swap3A_74, %swap3A_75], %broadcast_in_dim3A_0 {strides = array<i32>} : memref<80x128xf32, #tpu.memory_space<vmem>>, vector<16xf32>,
      %swap3A_77 = arith.index_cast %add3A_62 : i32 to index
      %swap3A_78 = arith.constant 80 : index
      %swap3A_79 = tpu.vector_load %arg14[%swap3A_77, %swap3A_78] {strides = array<i32>} : memref<80x128xf32, #tpu.memory_space<vmem>>, vector<16xf32>,
      tpu.vector_store %arg14[%swap3A_77, %swap3A_78], %broadcast_in_dim3A_0 {strides = array<i32>} : memref<80x128xf32, #tpu.memory_space<vmem>>, vector<16xf32>,
      %swap3A_80 = arith.index_cast %add3A_62 : i32 to index
      %swap3A_81 = arith.constant 96 : index
      %swap3A_82 = tpu.vector_load %arg14[%swap3A_80, %swap3A_81] {strides = array<i32>} : memref<80x128xf32, #tpu.memory_space<vmem>>, vector<16xf32>,
      tpu.vector_store %arg14[%swap3A_80, %swap3A_81], %broadcast_in_dim3A_0 {strides = array<i32>} : memref<80x128xf32, #tpu.memory_space<vmem>>, vector<16xf32>,
      %swap3A_83 = arith.index_cast %add3A_62 : i32 to index
      %swap3A_84 = arith.constant 112 : index
      %swap3A_85 = tpu.vector_load %arg14[%swap3A_83, %swap3A_84] {strides = array<i32>} : memref<80x128xf32, #tpu.memory_space<vmem>>, vector<16xf32>,
      tpu.vector_store %arg14[%swap3A_83, %swap3A_84], %broadcast_in_dim3A_0 {strides = array<i32>} : memref<80x128xf32, #tpu.memory_space<vmem>>, vector<16xf32>,
    }
    %scan3A_4 = arith.constant 80 : i32
    %scan3A_5 = arith.constant 0 : i32
    %scan3A_6 = arith.constant 80 : i32
    %scan3A_7 = arith.addi %scan3A_5, %scan3A_6 : i32
    %scan3A_8 = arith.constant 1 : i32
    scf.for %scan3A_58 = %scan3A_5 to %scan3A_7 step %scan3A_8  : i32 {
      %mul3A_59 = arith.constant 1 : i32
      %mul3A_60 = arith.muli %scan3A_58, %mul3A_59 : i32
      %add3A_61 = arith.constant 0 : i32
      %add3A_62 = arith.addi %add3A_61, %mul3A_60 : i32
      %swap3A = arith.index_cast %add3A_62 : i32 to index
      %swap3A_63 = arith.constant 0 : index
      %swap3A_64 = tpu.vector_load %arg16[%swap3A, %swap3A_63] {strides = array<i32>} : memref<80x128xf32, #tpu.memory_space<vmem>>, vector<16xf32>,
      tpu.vector_store %arg16[%swap3A, %swap3A_63], %broadcast_in_dim3A_0 {strides = array<i32>} : memref<80x128xf32, #tpu.memory_space<vmem>>, vector<16xf32>,
      %swap3A_65 = arith.index_cast %add3A_62 : i32 to index
      %swap3A_66 = arith.constant 16 : index
      %swap3A_67 = tpu.vector_load %arg16[%swap3A_65, %swap3A_66] {strides = array<i32>} : memref<80x128xf32, #tpu.memory_space<vmem>>, vector<16xf32>,
      tpu.vector_store %arg16[%swap3A_65, %swap3A_66], %broadcast_in_dim3A_0 {strides = array<i32>} : memref<80x128xf32, #tpu.memory_space<vmem>>, vector<16xf32>,
      %swap3A_68 = arith.index_cast %add3A_62 : i32 to index
      %swap3A_69 = arith.constant 32 : index
      %swap3A_70 = tpu.vector_load %arg16[%swap3A_68, %swap3A_69] {strides = array<i32>} : memref<80x128xf32, #tpu.memory_space<vmem>>, vector<16xf32>,
      tpu.vector_store %arg16[%swap3A_68, %swap3A_69], %broadcast_in_dim3A_0 {strides = array<i32>} : memref<80x128xf32, #tpu.memory_space<vmem>>, vector<16xf32>,
      %swap3A_71 = arith.index_cast %add3A_62 : i32 to index
      %swap3A_72 = arith.constant 48 : index
      %swap3A_73 = tpu.vector_load %arg16[%swap3A_71, %swap3A_72] {strides = array<i32>} : memref<80x128xf32, #tpu.memory_space<vmem>>, vector<16xf32>,
      tpu.vector_store %arg16[%swap3A_71, %swap3A_72], %broadcast_in_dim3A_0 {strides = array<i32>} : memref<80x128xf32, #tpu.memory_space<vmem>>, vector<16xf32>,
      %swap3A_74 = arith.index_cast %add3A_62 : i32 to index
      %swap3A_75 = arith.constant 64 : index
      %swap3A_76 = tpu.vector_load %arg16[%swap3A_74, %swap3A_75] {strides = array<i32>} : memref<80x128xf32, #tpu.memory_space<vmem>>, vector<16xf32>,
      tpu.vector_store %arg16[%swap3A_74, %swap3A_75], %broadcast_in_dim3A_0 {strides = array<i32>} : memref<80x128xf32, #tpu.memory_space<vmem>>, vector<16xf32>,
      %swap3A_77 = arith.index_cast %add3A_62 : i32 to index
      %swap3A_78 = arith.constant 80 : index
      %swap3A_79 = tpu.vector_load %arg16[%swap3A_77, %swap3A_78] {strides = array<i32>} : memref<80x128xf32, #tpu.memory_space<vmem>>, vector<16xf32>,
      tpu.vector_store %arg16[%swap3A_77, %swap3A_78], %broadcast_in_dim3A_0 {strides = array<i32>} : memref<80x128xf32, #tpu.memory_space<vmem>>, vector<16xf32>,
      %swap3A_80 = arith.index_cast %add3A_62 : i32 to index
      %swap3A_81 = arith.constant 96 : index
      %swap3A_82 = tpu.vector_load %arg16[%swap3A_80, %swap3A_81] {strides = array<i32>} : memref<80x128xf32, #tpu.memory_space<vmem>>, vector<16xf32>,
      tpu.vector_store %arg16[%swap3A_80, %swap3A_81], %broadcast_in_dim3A_0 {strides = array<i32>} : memref<80x128xf32, #tpu.memory_space<vmem>>, vector<16xf32>,
      %swap3A_83 = arith.index_cast %add3A_62 : i32 to index
      %swap3A_84 = arith.constant 112 : index
      %swap3A_85 = tpu.vector_load %arg16[%swap3A_83, %swap3A_84] {strides = array<i32>} : memref<80x128xf32, #tpu.memory_space<vmem>>, vector<16xf32>,
      tpu.vector_store %arg16[%swap3A_83, %swap3A_84], %broadcast_in_dim3A_0 {strides = array<i32>} : memref<80x128xf32, #tpu.memory_space<vmem>>, vector<16xf32>,
    }
    %scan3A_9 = arith.constant 80 : i32
    %mul3A = arith.constant 320 : i32
    %mul3A_10 = arith.muli %arg1, %mul3A : i32
    %add3A = arith.constant 0 : i32
    %add3A_11 = arith.addi %mul3A_10, %add3A : i32
    "tpu.region"() ({
      %run_scoped3A = tpu.sem_alloc : memref<!tpu.dma_semaphore, #tpu.memory_space<semaphore_mem>>
      %dma_start3A = arith.constant 0 : i32
      %dma_start3A_58 = tpu.memref_slice %arg17[%add3A_11, %dma_start3A] : memref<5120x128xf32, #tpu.memory_space<vmem_shared>> -> memref<80x128xf32, #tpu.memory_space<vmem_shared>>
      %dma_start3A_59 = arith.constant 0 : i32
      %dma_start3A_60 = tpu.memref_slice %arg17[%add3A_11, %dma_start3A_59] : memref<5120x128xf32, #tpu.memory_space<vmem_shared>> -> memref<80x128xf32, #tpu.memory_space<vmem_shared>>
      tpu.enqueue_dma source(%arg14 : memref<80x128xf32, #tpu.memory_space<vmem>>) target(%dma_start3A_60 : memref<80x128xf32, #tpu.memory_space<vmem_shared>>) target_semaphore(%run_scoped3A : memref<!tpu.dma_semaphore, #tpu.memory_space<semaphore_mem>>)
      %dma_wait3A = arith.constant 0 : i32
      %dma_wait3A_61 = tpu.memref_slice %arg17[%add3A_11, %dma_wait3A] : memref<5120x128xf32, #tpu.memory_space<vmem_shared>> -> memref<80x128xf32, #tpu.memory_space<vmem_shared>>
      %dma_wait3A_62 = arith.constant 0 : i32
      %dma_wait3A_63 = tpu.memref_slice %arg17[%add3A_11, %dma_wait3A_62] : memref<5120x128xf32, #tpu.memory_space<vmem_shared>> -> memref<80x128xf32, #tpu.memory_space<vmem_shared>>
      tpu.wait_dma2 semaphore(%run_scoped3A : memref<!tpu.dma_semaphore, #tpu.memory_space<semaphore_mem>>) src(%arg14 : memref<80x128xf32, #tpu.memory_space<vmem>>) dst(%dma_wait3A_63 : memref<80x128xf32, #tpu.memory_space<vmem_shared>>)
      tpu.yield
    }) : () -> ()
    %add3A_12 = arith.constant 80 : i32
    %add3A_13 = arith.addi %mul3A_10, %add3A_12 : i32
    "tpu.region"() ({
      %run_scoped3A = tpu.sem_alloc : memref<!tpu.dma_semaphore, #tpu.memory_space<semaphore_mem>>
      %dma_start3A = arith.constant 0 : i32
      %dma_start3A_58 = tpu.memref_slice %arg17[%add3A_13, %dma_start3A] : memref<5120x128xf32, #tpu.memory_space<vmem_shared>> -> memref<80x128xf32, #tpu.memory_space<vmem_shared>>
      %dma_start3A_59 = arith.constant 0 : i32
      %dma_start3A_60 = tpu.memref_slice %arg17[%add3A_13, %dma_start3A_59] : memref<5120x128xf32, #tpu.memory_space<vmem_shared>> -> memref<80x128xf32, #tpu.memory_space<vmem_shared>>
      tpu.enqueue_dma source(%arg14 : memref<80x128xf32, #tpu.memory_space<vmem>>) target(%dma_start3A_60 : memref<80x128xf32, #tpu.memory_space<vmem_shared>>) target_semaphore(%run_scoped3A : memref<!tpu.dma_semaphore, #tpu.memory_space<semaphore_mem>>)
      %dma_wait3A = arith.constant 0 : i32
      %dma_wait3A_61 = tpu.memref_slice %arg17[%add3A_13, %dma_wait3A] : memref<5120x128xf32, #tpu.memory_space<vmem_shared>> -> memref<80x128xf32, #tpu.memory_space<vmem_shared>>
      %dma_wait3A_62 = arith.constant 0 : i32
      %dma_wait3A_63 = tpu.memref_slice %arg17[%add3A_13, %dma_wait3A_62] : memref<5120x128xf32, #tpu.memory_space<vmem_shared>> -> memref<80x128xf32, #tpu.memory_space<vmem_shared>>
      tpu.wait_dma2 semaphore(%run_scoped3A : memref<!tpu.dma_semaphore, #tpu.memory_space<semaphore_mem>>) src(%arg14 : memref<80x128xf32, #tpu.memory_space<vmem>>) dst(%dma_wait3A_63 : memref<80x128xf32, #tpu.memory_space<vmem_shared>>)
      tpu.yield
    }) : () -> ()
    %add3A_14 = arith.constant 160 : i32
    %add3A_15 = arith.addi %mul3A_10, %add3A_14 : i32
    "tpu.region"() ({
      %run_scoped3A = tpu.sem_alloc : memref<!tpu.dma_semaphore, #tpu.memory_space<semaphore_mem>>
      %dma_start3A = arith.constant 0 : i32
      %dma_start3A_58 = tpu.memref_slice %arg17[%add3A_15, %dma_start3A] : memref<5120x128xf32, #tpu.memory_space<vmem_shared>> -> memref<80x128xf32, #tpu.memory_space<vmem_shared>>
      %dma_start3A_59 = arith.constant 0 : i32
      %dma_start3A_60 = tpu.memref_slice %arg17[%add3A_15, %dma_start3A_59] : memref<5120x128xf32, #tpu.memory_space<vmem_shared>> -> memref<80x128xf32, #tpu.memory_space<vmem_shared>>
      tpu.enqueue_dma source(%arg14 : memref<80x128xf32, #tpu.memory_space<vmem>>) target(%dma_start3A_60 : memref<80x128xf32, #tpu.memory_space<vmem_shared>>) target_semaphore(%run_scoped3A : memref<!tpu.dma_semaphore, #tpu.memory_space<semaphore_mem>>)
      %dma_wait3A = arith.constant 0 : i32
      %dma_wait3A_61 = tpu.memref_slice %arg17[%add3A_15, %dma_wait3A] : memref<5120x128xf32, #tpu.memory_space<vmem_shared>> -> memref<80x128xf32, #tpu.memory_space<vmem_shared>>
      %dma_wait3A_62 = arith.constant 0 : i32
      %dma_wait3A_63 = tpu.memref_slice %arg17[%add3A_15, %dma_wait3A_62] : memref<5120x128xf32, #tpu.memory_space<vmem_shared>> -> memref<80x128xf32, #tpu.memory_space<vmem_shared>>
      tpu.wait_dma2 semaphore(%run_scoped3A : memref<!tpu.dma_semaphore, #tpu.memory_space<semaphore_mem>>) src(%arg14 : memref<80x128xf32, #tpu.memory_space<vmem>>) dst(%dma_wait3A_63 : memref<80x128xf32, #tpu.memory_space<vmem_shared>>)
      tpu.yield
    }) : () -> ()
    %add3A_16 = arith.constant 240 : i32
    %add3A_17 = arith.addi %mul3A_10, %add3A_16 : i32
    "tpu.region"() ({
      %run_scoped3A = tpu.sem_alloc : memref<!tpu.dma_semaphore, #tpu.memory_space<semaphore_mem>>
      %dma_start3A = arith.constant 0 : i32
      %dma_start3A_58 = tpu.memref_slice %arg17[%add3A_17, %dma_start3A] : memref<5120x128xf32, #tpu.memory_space<vmem_shared>> -> memref<80x128xf32, #tpu.memory_space<vmem_shared>>
      %dma_start3A_59 = arith.constant 0 : i32
      %dma_start3A_60 = tpu.memref_slice %arg17[%add3A_17, %dma_start3A_59] : memref<5120x128xf32, #tpu.memory_space<vmem_shared>> -> memref<80x128xf32, #tpu.memory_space<vmem_shared>>
      tpu.enqueue_dma source(%arg14 : memref<80x128xf32, #tpu.memory_space<vmem>>) target(%dma_start3A_60 : memref<80x128xf32, #tpu.memory_space<vmem_shared>>) target_semaphore(%run_scoped3A : memref<!tpu.dma_semaphore, #tpu.memory_space<semaphore_mem>>)
      %dma_wait3A = arith.constant 0 : i32
      %dma_wait3A_61 = tpu.memref_slice %arg17[%add3A_17, %dma_wait3A] : memref<5120x128xf32, #tpu.memory_space<vmem_shared>> -> memref<80x128xf32, #tpu.memory_space<vmem_shared>>
      %dma_wait3A_62 = arith.constant 0 : i32
      %dma_wait3A_63 = tpu.memref_slice %arg17[%add3A_17, %dma_wait3A_62] : memref<5120x128xf32, #tpu.memory_space<vmem_shared>> -> memref<80x128xf32, #tpu.memory_space<vmem_shared>>
      tpu.wait_dma2 semaphore(%run_scoped3A : memref<!tpu.dma_semaphore, #tpu.memory_space<semaphore_mem>>) src(%arg14 : memref<80x128xf32, #tpu.memory_space<vmem>>) dst(%dma_wait3A_63 : memref<80x128xf32, #tpu.memory_space<vmem_shared>>)
      tpu.yield
    }) : () -> ()
    %mul3A_18 = arith.constant 128 : i32
    %mul3A_19 = arith.muli %arg0, %mul3A_18 : i32
    "tpu.region"() ({
      %run_scoped3A = tpu.sem_alloc : memref<!tpu.dma_semaphore, #tpu.memory_space<semaphore_mem>>
      %dma_start3A = tpu.memref_slice %arg6[%mul3A_19] : memref<256xf32, #tpu.memory_space<hbm>> -> memref<128xf32, #tpu.memory_space<hbm>>
      %dma_start3A_58 = tpu.memref_slice %arg6[%mul3A_19] : memref<256xf32, #tpu.memory_space<hbm>> -> memref<128xf32, #tpu.memory_space<hbm>>
      tpu.enqueue_dma source(%dma_start3A_58 : memref<128xf32, #tpu.memory_space<hbm>>) target(%arg15 : memref<128xf32, #tpu.memory_space<vmem>>) target_semaphore(%run_scoped3A : memref<!tpu.dma_semaphore, #tpu.memory_space<semaphore_mem>>)
      %dma_wait3A = tpu.memref_slice %arg6[%mul3A_19] : memref<256xf32, #tpu.memory_space<hbm>> -> memref<128xf32, #tpu.memory_space<hbm>>
      %dma_wait3A_59 = tpu.memref_slice %arg6[%mul3A_19] : memref<256xf32, #tpu.memory_space<hbm>> -> memref<128xf32, #tpu.memory_space<hbm>>
      tpu.wait_dma2 semaphore(%run_scoped3A : memref<!tpu.dma_semaphore, #tpu.memory_space<semaphore_mem>>) src(%dma_wait3A_59 : memref<128xf32, #tpu.memory_space<hbm>>) dst(%arg15 : memref<128xf32, #tpu.memory_space<vmem>>)
      tpu.yield
    }) : () -> ()
    %barrier3A = arith.constant 0 : index
    tpu.barrier barrier_id(%barrier3A)
    %get3A = arith.constant 0 : index
    %get3A_20 = tpu.vector_load %arg15[%get3A] {strides = array<i32>} : memref<128xf32, #tpu.memory_space<vmem>>, vector<16xf32>,
    %get3A_21 = arith.constant 16 : index
    %get3A_22 = tpu.vector_load %arg15[%get3A_21] {strides = array<i32>} : memref<128xf32, #tpu.memory_space<vmem>>, vector<16xf32>,
    %get3A_23 = arith.constant 32 : index
    %get3A_24 = tpu.vector_load %arg15[%get3A_23] {strides = array<i32>} : memref<128xf32, #tpu.memory_space<vmem>>, vector<16xf32>,
    %get3A_25 = arith.constant 48 : index
    %get3A_26 = tpu.vector_load %arg15[%get3A_25] {strides = array<i32>} : memref<128xf32, #tpu.memory_space<vmem>>, vector<16xf32>,
    %get3A_27 = arith.constant 64 : index
    %get3A_28 = tpu.vector_load %arg15[%get3A_27] {strides = array<i32>} : memref<128xf32, #tpu.memory_space<vmem>>, vector<16xf32>,
    %get3A_29 = arith.constant 80 : index
    %get3A_30 = tpu.vector_load %arg15[%get3A_29] {strides = array<i32>} : memref<128xf32, #tpu.memory_space<vmem>>, vector<16xf32>,
    %get3A_31 = arith.constant 96 : index
    %get3A_32 = tpu.vector_load %arg15[%get3A_31] {strides = array<i32>} : memref<128xf32, #tpu.memory_space<vmem>>, vector<16xf32>,
    %get3A_33 = arith.constant 112 : index
    %get3A_34 = tpu.vector_load %arg15[%get3A_33] {strides = array<i32>} : memref<128xf32, #tpu.memory_space<vmem>>, vector<16xf32>,
    %mul3A_35 = arith.constant 10000 : i32
    %mul3A_36 = arith.muli %arg0, %mul3A_35 : i32
    %broadcast_in_dim3A_37 = vector.broadcast %mul3A_36 : i32 to vector<16xi32>
    %broadcast_in_dim3A_38 = arith.constant 5000 : i32
    %broadcast_in_dim3A_39 = vector.broadcast %broadcast_in_dim3A_38 : i32 to vector<16xi32>
    %lt3A = arith.constant 2 : i32
    %lt3A_40 = vector.broadcast %lt3A : i32 to vector<16xi32>
    %lt3A_41 = arith.cmpi slt, %iota3A, %lt3A_40 : vector<16xi32>
    %broadcast_in_dim3A_42 = arith.constant 5112 : i32
    %broadcast_in_dim3A_43 = vector.broadcast %broadcast_in_dim3A_42 : i32 to vector<16xi32>
    %scan3A_44 = arith.constant 0 : i32
    %scan3A_45 = arith.constant 250 : i32
    %scan3A_46 = arith.addi %scan3A_44, %scan3A_45 : i32
    %scan3A_47 = arith.constant 1 : i32
    scf.for %scan3A_58 = %scan3A_44 to %scan3A_46 step %scan3A_47  : i32 {
      %mul3A_59 = arith.constant 1 : i32
      %mul3A_60 = arith.muli %scan3A_58, %mul3A_59 : i32
      %add3A_61 = arith.constant 0 : i32
      %add3A_62 = arith.addi %add3A_61, %mul3A_60 : i32
      %mul3A_63 = arith.constant 20000 : i32
      %mul3A_64 = arith.muli %arg1, %mul3A_63 : i32
      %mul3A_65 = arith.constant 80 : i32
      %mul3A_66 = arith.muli %add3A_62, %mul3A_65 : i32
      %add3A_67 = arith.addi %mul3A_64, %mul3A_66 : i32
      "tpu.region"() ({
        %run_scoped3A = tpu.sem_alloc : memref<!tpu.dma_semaphore, #tpu.memory_space<semaphore_mem>>
        %dma_start3A = tpu.memref_slice %arg2[%add3A_67] : memref<320000xi32, #tpu.memory_space<hbm>> -> memref<80xi32, #tpu.memory_space<hbm>>
        %dma_start3A_75 = tpu.memref_slice %arg2[%add3A_67] : memref<320000xi32, #tpu.memory_space<hbm>> -> memref<80xi32, #tpu.memory_space<hbm>>
        tpu.enqueue_dma source(%dma_start3A_75 : memref<80xi32, #tpu.memory_space<hbm>>) target(%arg9 : memref<80xi32, #tpu.memory_space<vmem>>) target_semaphore(%run_scoped3A : memref<!tpu.dma_semaphore, #tpu.memory_space<semaphore_mem>>)
        %dma_wait3A = tpu.memref_slice %arg2[%add3A_67] : memref<320000xi32, #tpu.memory_space<hbm>> -> memref<80xi32, #tpu.memory_space<hbm>>
        %dma_wait3A_76 = tpu.memref_slice %arg2[%add3A_67] : memref<320000xi32, #tpu.memory_space<hbm>> -> memref<80xi32, #tpu.memory_space<hbm>>
        tpu.wait_dma2 semaphore(%run_scoped3A : memref<!tpu.dma_semaphore, #tpu.memory_space<semaphore_mem>>) src(%dma_wait3A_76 : memref<80xi32, #tpu.memory_space<hbm>>) dst(%arg9 : memref<80xi32, #tpu.memory_space<vmem>>)
        tpu.yield
      }) : () -> ()
      "tpu.region"() ({
        %run_scoped3A = tpu.sem_alloc : memref<!tpu.dma_semaphore, #tpu.memory_space<semaphore_mem>>
        %dma_start3A = tpu.memref_slice %arg3[%add3A_67] : memref<320000xi32, #tpu.memory_space<hbm>> -> memref<80xi32, #tpu.memory_space<hbm>>
        %dma_start3A_75 = tpu.memref_slice %arg3[%add3A_67] : memref<320000xi32, #tpu.memory_space<hbm>> -> memref<80xi32, #tpu.memory_space<hbm>>
        tpu.enqueue_dma source(%dma_start3A_75 : memref<80xi32, #tpu.memory_space<hbm>>) target(%arg10 : memref<80xi32, #tpu.memory_space<vmem>>) target_semaphore(%run_scoped3A : memref<!tpu.dma_semaphore, #tpu.memory_space<semaphore_mem>>)
        %dma_wait3A = tpu.memref_slice %arg3[%add3A_67] : memref<320000xi32, #tpu.memory_space<hbm>> -> memref<80xi32, #tpu.memory_space<hbm>>
        %dma_wait3A_76 = tpu.memref_slice %arg3[%add3A_67] : memref<320000xi32, #tpu.memory_space<hbm>> -> memref<80xi32, #tpu.memory_space<hbm>>
        tpu.wait_dma2 semaphore(%run_scoped3A : memref<!tpu.dma_semaphore, #tpu.memory_space<semaphore_mem>>) src(%dma_wait3A_76 : memref<80xi32, #tpu.memory_space<hbm>>) dst(%arg10 : memref<80xi32, #tpu.memory_space<vmem>>)
        tpu.yield
      }) : () -> ()
      %scan3A_68 = arith.constant 0 : i32
      %scan3A_69 = arith.constant 5 : i32
      %scan3A_70 = arith.addi %scan3A_68, %scan3A_69 : i32
      %scan3A_71 = arith.constant 1 : i32
      scf.for %scan3A_75 = %scan3A_68 to %scan3A_70 step %scan3A_71  : i32 {
        %mul3A_76 = arith.constant 16 : i32
        %mul3A_77 = arith.muli %scan3A_75, %mul3A_76 : i32
        %add3A_78 = arith.constant 0 : i32
        %add3A_79 = arith.addi %add3A_78, %mul3A_77 : i32
        %get3A_80 = arith.index_cast %add3A_79 : i32 to index
        %get3A_81 = tpu.vector_load %arg9[%get3A_80] {strides = array<i32>} : memref<80xi32, #tpu.memory_space<vmem>>, vector<16xi32>,
        %add3A_82 = arith.addi %get3A_81, %broadcast_in_dim3A_37 : vector<16xi32>
        %swap3A = arith.index_cast %add3A_79 : i32 to index
        %swap3A_83 = tpu.vector_load %arg9[%swap3A] {strides = array<i32>} : memref<80xi32, #tpu.memory_space<vmem>>, vector<16xi32>,
        tpu.vector_store %arg9[%swap3A], %add3A_82 {strides = array<i32>} : memref<80xi32, #tpu.memory_space<vmem>>, vector<16xi32>,
        %get3A_84 = arith.index_cast %add3A_79 : i32 to index
        %get3A_85 = tpu.vector_load %arg10[%get3A_84] {strides = array<i32>} : memref<80xi32, #tpu.memory_space<vmem>>, vector<16xi32>,
        %sub3A = arith.subi %get3A_85, %broadcast_in_dim3A_39 : vector<16xi32>
        %ge3A = arith.constant 0 : i32
        %ge3A_86 = vector.broadcast %ge3A : i32 to vector<16xi32>
        %ge3A_87 = arith.cmpi sge, %sub3A, %ge3A_86 : vector<16xi32>
        %lt3A_88 = arith.constant 5000 : i32
        %lt3A_89 = vector.broadcast %lt3A_88 : i32 to vector<16xi32>
        %lt3A_90 = arith.cmpi slt, %sub3A, %lt3A_89 : vector<16xi32>
        %and3A = arith.andi %ge3A_87, %lt3A_90 : vector<16xi1>
        %select_n3A = arith.select %and3A, %sub3A, %broadcast_in_dim3A_43 : vector<16xi1>, vector<16xi32>
        %swap3A_91 = arith.index_cast %add3A_79 : i32 to index
        %swap3A_92 = tpu.vector_load %arg11[%swap3A_91] {strides = array<i32>} : memref<80xi32, #tpu.memory_space<vmem>>, vector<16xi32>,
        tpu.vector_store %arg11[%swap3A_91], %select_n3A {strides = array<i32>} : memref<80xi32, #tpu.memory_space<vmem>>, vector<16xi32>,
      }
      %scan3A_72 = arith.constant 5 : i32
      "tpu.region"() ({
        %run_scoped3A = tpu.sem_alloc : memref<!tpu.dma_semaphore, #tpu.memory_space<semaphore_mem>>
        %dma_start3A = arith.constant 0 : i32
        %dma_start3A_75 = arith.constant 0 : i32
        %dma_start3A_76 = tpu.memref_slice %arg4[%dma_start3A, %dma_start3A_75] : memref<20000x128xf32, #tpu.memory_space<hbm>> -> memref<20000x128xf32, #tpu.memory_space<hbm>>
        tpu.enqueue_indirect_dma source(%dma_start3A_76 : memref<20000x128xf32, #tpu.memory_space<hbm>>) target(%arg12 : memref<80x128xf32, #tpu.memory_space<vmem>>) offsets(%arg9 : memref<80xi32, #tpu.memory_space<vmem>>) semaphore(%run_scoped3A : memref<!tpu.dma_semaphore, #tpu.memory_space<semaphore_mem>>)
        %dma_wait3A = arith.constant 0 : i32
        %dma_wait3A_77 = arith.constant 0 : i32
        %dma_wait3A_78 = tpu.memref_slice %arg4[%dma_wait3A, %dma_wait3A_77] : memref<20000x128xf32, #tpu.memory_space<hbm>> -> memref<20000x128xf32, #tpu.memory_space<hbm>>
        tpu.wait_indirect_dma semaphore(%run_scoped3A : memref<!tpu.dma_semaphore, #tpu.memory_space<semaphore_mem>>) src(%dma_wait3A_78 : memref<20000x128xf32, #tpu.memory_space<hbm>>) dst(%arg12 : memref<80x128xf32, #tpu.memory_space<vmem>>)
        tpu.yield
      }) : () -> ()
      "tpu.region"() ({
        %run_scoped3A = tpu.sem_alloc : memref<!tpu.dma_semaphore, #tpu.memory_space<semaphore_mem>>
        %dma_start3A = arith.constant 0 : i32
        %dma_start3A_75 = arith.constant 0 : i32
        %dma_start3A_76 = tpu.memref_slice %arg5[%dma_start3A, %dma_start3A_75] : memref<20000x128xf32, #tpu.memory_space<hbm>> -> memref<20000x128xf32, #tpu.memory_space<hbm>>
        tpu.enqueue_indirect_dma source(%dma_start3A_76 : memref<20000x128xf32, #tpu.memory_space<hbm>>) target(%arg13 : memref<80x128xf32, #tpu.memory_space<vmem>>) offsets(%arg10 : memref<80xi32, #tpu.memory_space<vmem>>) semaphore(%run_scoped3A : memref<!tpu.dma_semaphore, #tpu.memory_space<semaphore_mem>>)
        %dma_wait3A = arith.constant 0 : i32
        %dma_wait3A_77 = arith.constant 0 : i32
        %dma_wait3A_78 = tpu.memref_slice %arg5[%dma_wait3A, %dma_wait3A_77] : memref<20000x128xf32, #tpu.memory_space<hbm>> -> memref<20000x128xf32, #tpu.memory_space<hbm>>
        tpu.wait_indirect_dma semaphore(%run_scoped3A : memref<!tpu.dma_semaphore, #tpu.memory_space<semaphore_mem>>) src(%dma_wait3A_78 : memref<20000x128xf32, #tpu.memory_space<hbm>>) dst(%arg13 : memref<80x128xf32, #tpu.memory_space<vmem>>)
        tpu.yield
      }) : () -> ()
      %parallel_loop3A = arith.constant 0 : i32
      %parallel_loop3A_73 = arith.constant 80 : i32
      %parallel_loop3A_74 = arith.constant 1 : i32
      scf.for %parallel_loop3A_75 = %parallel_loop3A to %parallel_loop3A_73 step %parallel_loop3A_74  : i32 {
        %parallel_loop3A_76 = arith.index_cast %parallel_loop3A_75 : i32 to index
        %parallel_loop3A_77 = arith.constant 0 : index
        %parallel_loop3A_78 = tpu.vector_load %arg12[%parallel_loop3A_76, %parallel_loop3A_77] {strides = array<i32>} : memref<80x128xf32, #tpu.memory_space<vmem>>, vector<16xf32>,
        %parallel_loop3A_79 = arith.index_cast %parallel_loop3A_75 : i32 to index
        %parallel_loop3A_80 = arith.constant 0 : index
        %parallel_loop3A_81 = tpu.vector_load %arg13[%parallel_loop3A_79, %parallel_loop3A_80] {strides = array<i32>} : memref<80x128xf32, #tpu.memory_space<vmem>>, vector<16xf32>,
        %parallel_loop3A_82 = arith.addf %parallel_loop3A_78, %parallel_loop3A_81 : vector<16xf32>
        %parallel_loop3A_83 = arith.constant 0.000000e+00 : f32
        %parallel_loop3A_84 = vector.broadcast %parallel_loop3A_83 : f32 to vector<16xf32>
        %parallel_loop3A_85 = arith.cmpf ogt, %parallel_loop3A_82, %parallel_loop3A_84 : vector<16xf32>
        %parallel_loop3A_86 = arith.constant 2.000000e-01 : f32
        %parallel_loop3A_87 = vector.broadcast %parallel_loop3A_86 : f32 to vector<16xf32>
        %parallel_loop3A_88 = arith.mulf %parallel_loop3A_87, %parallel_loop3A_82 : vector<16xf32>
        %parallel_loop3A_89 = arith.select %parallel_loop3A_85, %parallel_loop3A_82, %parallel_loop3A_88 : vector<16xi1>, vector<16xf32>
        %parallel_loop3A_90 = arith.mulf %parallel_loop3A_89, %get3A_20 : vector<16xf32>
        %parallel_loop3A_91 = arith.addf %broadcast_in_dim3A_0, %parallel_loop3A_90 : vector<16xf32>
        %parallel_loop3A_92 = arith.index_cast %parallel_loop3A_75 : i32 to index
        %parallel_loop3A_93 = arith.constant 16 : index
        %parallel_loop3A_94 = tpu.vector_load %arg12[%parallel_loop3A_92, %parallel_loop3A_93] {strides = array<i32>} : memref<80x128xf32, #tpu.memory_space<vmem>>, vector<16xf32>,
        %parallel_loop3A_95 = arith.index_cast %parallel_loop3A_75 : i32 to index
        %parallel_loop3A_96 = arith.constant 16 : index
        %parallel_loop3A_97 = tpu.vector_load %arg13[%parallel_loop3A_95, %parallel_loop3A_96] {strides = array<i32>} : memref<80x128xf32, #tpu.memory_space<vmem>>, vector<16xf32>,
        %parallel_loop3A_98 = arith.addf %parallel_loop3A_94, %parallel_loop3A_97 : vector<16xf32>
        %parallel_loop3A_99 = arith.constant 0.000000e+00 : f32
        %parallel_loop3A_100 = vector.broadcast %parallel_loop3A_99 : f32 to vector<16xf32>
        %parallel_loop3A_101 = arith.cmpf ogt, %parallel_loop3A_98, %parallel_loop3A_100 : vector<16xf32>
        %parallel_loop3A_102 = arith.constant 2.000000e-01 : f32
        %parallel_loop3A_103 = vector.broadcast %parallel_loop3A_102 : f32 to vector<16xf32>
        %parallel_loop3A_104 = arith.mulf %parallel_loop3A_103, %parallel_loop3A_98 : vector<16xf32>
        %parallel_loop3A_105 = arith.select %parallel_loop3A_101, %parallel_loop3A_98, %parallel_loop3A_104 : vector<16xi1>, vector<16xf32>
        %parallel_loop3A_106 = arith.mulf %parallel_loop3A_105, %get3A_22 : vector<16xf32>
        %parallel_loop3A_107 = arith.addf %parallel_loop3A_91, %parallel_loop3A_106 : vector<16xf32>
        %parallel_loop3A_108 = arith.index_cast %parallel_loop3A_75 : i32 to index
        %parallel_loop3A_109 = arith.constant 32 : index
        %parallel_loop3A_110 = tpu.vector_load %arg12[%parallel_loop3A_108, %parallel_loop3A_109] {strides = array<i32>} : memref<80x128xf32, #tpu.memory_space<vmem>>, vector<16xf32>,
        %parallel_loop3A_111 = arith.index_cast %parallel_loop3A_75 : i32 to index
        %parallel_loop3A_112 = arith.constant 32 : index
        %parallel_loop3A_113 = tpu.vector_load %arg13[%parallel_loop3A_111, %parallel_loop3A_112] {strides = array<i32>} : memref<80x128xf32, #tpu.memory_space<vmem>>, vector<16xf32>,
        %parallel_loop3A_114 = arith.addf %parallel_loop3A_110, %parallel_loop3A_113 : vector<16xf32>
        %parallel_loop3A_115 = arith.constant 0.000000e+00 : f32
        %parallel_loop3A_116 = vector.broadcast %parallel_loop3A_115 : f32 to vector<16xf32>
        %parallel_loop3A_117 = arith.cmpf ogt, %parallel_loop3A_114, %parallel_loop3A_116 : vector<16xf32>
        %parallel_loop3A_118 = arith.constant 2.000000e-01 : f32
        %parallel_loop3A_119 = vector.broadcast %parallel_loop3A_118 : f32 to vector<16xf32>
        %parallel_loop3A_120 = arith.mulf %parallel_loop3A_119, %parallel_loop3A_114 : vector<16xf32>
        %parallel_loop3A_121 = arith.select %parallel_loop3A_117, %parallel_loop3A_114, %parallel_loop3A_120 : vector<16xi1>, vector<16xf32>
        %parallel_loop3A_122 = arith.mulf %parallel_loop3A_121, %get3A_24 : vector<16xf32>
        %parallel_loop3A_123 = arith.addf %parallel_loop3A_107, %parallel_loop3A_122 : vector<16xf32>
        %parallel_loop3A_124 = arith.index_cast %parallel_loop3A_75 : i32 to index
        %parallel_loop3A_125 = arith.constant 48 : index
        %parallel_loop3A_126 = tpu.vector_load %arg12[%parallel_loop3A_124, %parallel_loop3A_125] {strides = array<i32>} : memref<80x128xf32, #tpu.memory_space<vmem>>, vector<16xf32>,
        %parallel_loop3A_127 = arith.index_cast %parallel_loop3A_75 : i32 to index
        %parallel_loop3A_128 = arith.constant 48 : index
        %parallel_loop3A_129 = tpu.vector_load %arg13[%parallel_loop3A_127, %parallel_loop3A_128] {strides = array<i32>} : memref<80x128xf32, #tpu.memory_space<vmem>>, vector<16xf32>,
        %parallel_loop3A_130 = arith.addf %parallel_loop3A_126, %parallel_loop3A_129 : vector<16xf32>
        %parallel_loop3A_131 = arith.constant 0.000000e+00 : f32
        %parallel_loop3A_132 = vector.broadcast %parallel_loop3A_131 : f32 to vector<16xf32>
        %parallel_loop3A_133 = arith.cmpf ogt, %parallel_loop3A_130, %parallel_loop3A_132 : vector<16xf32>
        %parallel_loop3A_134 = arith.constant 2.000000e-01 : f32
        %parallel_loop3A_135 = vector.broadcast %parallel_loop3A_134 : f32 to vector<16xf32>
        %parallel_loop3A_136 = arith.mulf %parallel_loop3A_135, %parallel_loop3A_130 : vector<16xf32>
        %parallel_loop3A_137 = arith.select %parallel_loop3A_133, %parallel_loop3A_130, %parallel_loop3A_136 : vector<16xi1>, vector<16xf32>
        %parallel_loop3A_138 = arith.mulf %parallel_loop3A_137, %get3A_26 : vector<16xf32>
        %parallel_loop3A_139 = arith.addf %parallel_loop3A_123, %parallel_loop3A_138 : vector<16xf32>
        %parallel_loop3A_140 = arith.index_cast %parallel_loop3A_75 : i32 to index
        %parallel_loop3A_141 = arith.constant 64 : index
        %parallel_loop3A_142 = tpu.vector_load %arg12[%parallel_loop3A_140, %parallel_loop3A_141] {strides = array<i32>} : memref<80x128xf32, #tpu.memory_space<vmem>>, vector<16xf32>,
        %parallel_loop3A_143 = arith.index_cast %parallel_loop3A_75 : i32 to index
        %parallel_loop3A_144 = arith.constant 64 : index
        %parallel_loop3A_145 = tpu.vector_load %arg13[%parallel_loop3A_143, %parallel_loop3A_144] {strides = array<i32>} : memref<80x128xf32, #tpu.memory_space<vmem>>, vector<16xf32>,
        %parallel_loop3A_146 = arith.addf %parallel_loop3A_142, %parallel_loop3A_145 : vector<16xf32>
        %parallel_loop3A_147 = arith.constant 0.000000e+00 : f32
        %parallel_loop3A_148 = vector.broadcast %parallel_loop3A_147 : f32 to vector<16xf32>
        %parallel_loop3A_149 = arith.cmpf ogt, %parallel_loop3A_146, %parallel_loop3A_148 : vector<16xf32>
        %parallel_loop3A_150 = arith.constant 2.000000e-01 : f32
        %parallel_loop3A_151 = vector.broadcast %parallel_loop3A_150 : f32 to vector<16xf32>
        %parallel_loop3A_152 = arith.mulf %parallel_loop3A_151, %parallel_loop3A_146 : vector<16xf32>
        %parallel_loop3A_153 = arith.select %parallel_loop3A_149, %parallel_loop3A_146, %parallel_loop3A_152 : vector<16xi1>, vector<16xf32>
        %parallel_loop3A_154 = arith.mulf %parallel_loop3A_153, %get3A_28 : vector<16xf32>
        %parallel_loop3A_155 = arith.addf %broadcast_in_dim3A_0, %parallel_loop3A_154 : vector<16xf32>
        %parallel_loop3A_156 = arith.index_cast %parallel_loop3A_75 : i32 to index
        %parallel_loop3A_157 = arith.constant 80 : index
        %parallel_loop3A_158 = tpu.vector_load %arg12[%parallel_loop3A_156, %parallel_loop3A_157] {strides = array<i32>} : memref<80x128xf32, #tpu.memory_space<vmem>>, vector<16xf32>,
        %parallel_loop3A_159 = arith.index_cast %parallel_loop3A_75 : i32 to index
        %parallel_loop3A_160 = arith.constant 80 : index
        %parallel_loop3A_161 = tpu.vector_load %arg13[%parallel_loop3A_159, %parallel_loop3A_160] {strides = array<i32>} : memref<80x128xf32, #tpu.memory_space<vmem>>, vector<16xf32>,
        %parallel_loop3A_162 = arith.addf %parallel_loop3A_158, %parallel_loop3A_161 : vector<16xf32>
        %parallel_loop3A_163 = arith.constant 0.000000e+00 : f32
        %parallel_loop3A_164 = vector.broadcast %parallel_loop3A_163 : f32 to vector<16xf32>
        %parallel_loop3A_165 = arith.cmpf ogt, %parallel_loop3A_162, %parallel_loop3A_164 : vector<16xf32>
        %parallel_loop3A_166 = arith.constant 2.000000e-01 : f32
        %parallel_loop3A_167 = vector.broadcast %parallel_loop3A_166 : f32 to vector<16xf32>
        %parallel_loop3A_168 = arith.mulf %parallel_loop3A_167, %parallel_loop3A_162 : vector<16xf32>
        %parallel_loop3A_169 = arith.select %parallel_loop3A_165, %parallel_loop3A_162, %parallel_loop3A_168 : vector<16xi1>, vector<16xf32>
        %parallel_loop3A_170 = arith.mulf %parallel_loop3A_169, %get3A_30 : vector<16xf32>
        %parallel_loop3A_171 = arith.addf %parallel_loop3A_155, %parallel_loop3A_170 : vector<16xf32>
        %parallel_loop3A_172 = arith.index_cast %parallel_loop3A_75 : i32 to index
        %parallel_loop3A_173 = arith.constant 96 : index
        %parallel_loop3A_174 = tpu.vector_load %arg12[%parallel_loop3A_172, %parallel_loop3A_173] {strides = array<i32>} : memref<80x128xf32, #tpu.memory_space<vmem>>, vector<16xf32>,
        %parallel_loop3A_175 = arith.index_cast %parallel_loop3A_75 : i32 to index
        %parallel_loop3A_176 = arith.constant 96 : index
        %parallel_loop3A_177 = tpu.vector_load %arg13[%parallel_loop3A_175, %parallel_loop3A_176] {strides = array<i32>} : memref<80x128xf32, #tpu.memory_space<vmem>>, vector<16xf32>,
        %parallel_loop3A_178 = arith.addf %parallel_loop3A_174, %parallel_loop3A_177 : vector<16xf32>
        %parallel_loop3A_179 = arith.constant 0.000000e+00 : f32
        %parallel_loop3A_180 = vector.broadcast %parallel_loop3A_179 : f32 to vector<16xf32>
        %parallel_loop3A_181 = arith.cmpf ogt, %parallel_loop3A_178, %parallel_loop3A_180 : vector<16xf32>
        %parallel_loop3A_182 = arith.constant 2.000000e-01 : f32
        %parallel_loop3A_183 = vector.broadcast %parallel_loop3A_182 : f32 to vector<16xf32>
        %parallel_loop3A_184 = arith.mulf %parallel_loop3A_183, %parallel_loop3A_178 : vector<16xf32>
        %parallel_loop3A_185 = arith.select %parallel_loop3A_181, %parallel_loop3A_178, %parallel_loop3A_184 : vector<16xi1>, vector<16xf32>
        %parallel_loop3A_186 = arith.mulf %parallel_loop3A_185, %get3A_32 : vector<16xf32>
        %parallel_loop3A_187 = arith.addf %parallel_loop3A_171, %parallel_loop3A_186 : vector<16xf32>
        %parallel_loop3A_188 = arith.index_cast %parallel_loop3A_75 : i32 to index
        %parallel_loop3A_189 = arith.constant 112 : index
        %parallel_loop3A_190 = tpu.vector_load %arg12[%parallel_loop3A_188, %parallel_loop3A_189] {strides = array<i32>} : memref<80x128xf32, #tpu.memory_space<vmem>>, vector<16xf32>,
        %parallel_loop3A_191 = arith.index_cast %parallel_loop3A_75 : i32 to index
        %parallel_loop3A_192 = arith.constant 112 : index
        %parallel_loop3A_193 = tpu.vector_load %arg13[%parallel_loop3A_191, %parallel_loop3A_192] {strides = array<i32>} : memref<80x128xf32, #tpu.memory_space<vmem>>, vector<16xf32>,
        %parallel_loop3A_194 = arith.addf %parallel_loop3A_190, %parallel_loop3A_193 : vector<16xf32>
        %parallel_loop3A_195 = arith.constant 0.000000e+00 : f32
        %parallel_loop3A_196 = vector.broadcast %parallel_loop3A_195 : f32 to vector<16xf32>
        %parallel_loop3A_197 = arith.cmpf ogt, %parallel_loop3A_194, %parallel_loop3A_196 : vector<16xf32>
        %parallel_loop3A_198 = arith.constant 2.000000e-01 : f32
        %parallel_loop3A_199 = vector.broadcast %parallel_loop3A_198 : f32 to vector<16xf32>
        %parallel_loop3A_200 = arith.mulf %parallel_loop3A_199, %parallel_loop3A_194 : vector<16xf32>
        %parallel_loop3A_201 = arith.select %parallel_loop3A_197, %parallel_loop3A_194, %parallel_loop3A_200 : vector<16xi1>, vector<16xf32>
        %parallel_loop3A_202 = arith.mulf %parallel_loop3A_201, %get3A_34 : vector<16xf32>
        %parallel_loop3A_203 = arith.addf %parallel_loop3A_187, %parallel_loop3A_202 : vector<16xf32>
        %parallel_loop3A_204 = arith.constant true
        %parallel_loop3A_205 = vector.broadcast %parallel_loop3A_204 : i1 to vector<16xi1>
        %parallel_loop3A_206 = tpu.scan <sum>, %parallel_loop3A_139 masked %parallel_loop3A_205 : vector<16xf32>, vector<16xi1> -> vector<16xf32>
        %parallel_loop3A_207 = vector.extract %parallel_loop3A_206[15] : f32 from vector<16xf32>
        %parallel_loop3A_208 = vector.broadcast %parallel_loop3A_207 : f32 to vector<16xf32>
        %parallel_loop3A_209 = math.exp %parallel_loop3A_208 : vector<16xf32>
        %parallel_loop3A_210 = arith.constant true
        %parallel_loop3A_211 = vector.broadcast %parallel_loop3A_210 : i1 to vector<16xi1>
        %parallel_loop3A_212 = tpu.scan <sum>, %parallel_loop3A_203 masked %parallel_loop3A_211 : vector<16xf32>, vector<16xi1> -> vector<16xf32>
        %parallel_loop3A_213 = vector.extract %parallel_loop3A_212[15] : f32 from vector<16xf32>
        %parallel_loop3A_214 = vector.broadcast %parallel_loop3A_213 : f32 to vector<16xf32>
        %parallel_loop3A_215 = math.exp %parallel_loop3A_214 : vector<16xf32>
        %parallel_loop3A_216 = arith.mulf %parallel_loop3A_209, %parallel_loop3A_78 : vector<16xf32>
        %parallel_loop3A_217 = arith.index_cast %parallel_loop3A_75 : i32 to index
        %parallel_loop3A_218 = arith.constant 0 : index
        %parallel_loop3A_219 = tpu.vector_load %arg14[%parallel_loop3A_217, %parallel_loop3A_218] {strides = array<i32>} : memref<80x128xf32, #tpu.memory_space<vmem>>, vector<16xf32>,
        tpu.vector_store %arg14[%parallel_loop3A_217, %parallel_loop3A_218], %parallel_loop3A_216 {strides = array<i32>} : memref<80x128xf32, #tpu.memory_space<vmem>>, vector<16xf32>,
        %parallel_loop3A_220 = arith.mulf %parallel_loop3A_209, %parallel_loop3A_94 : vector<16xf32>
        %parallel_loop3A_221 = arith.index_cast %parallel_loop3A_75 : i32 to index
        %parallel_loop3A_222 = arith.constant 16 : index
        %parallel_loop3A_223 = tpu.vector_load %arg14[%parallel_loop3A_221, %parallel_loop3A_222] {strides = array<i32>} : memref<80x128xf32, #tpu.memory_space<vmem>>, vector<16xf32>,
        tpu.vector_store %arg14[%parallel_loop3A_221, %parallel_loop3A_222], %parallel_loop3A_220 {strides = array<i32>} : memref<80x128xf32, #tpu.memory_space<vmem>>, vector<16xf32>,
        %parallel_loop3A_224 = arith.mulf %parallel_loop3A_209, %parallel_loop3A_110 : vector<16xf32>
        %parallel_loop3A_225 = arith.index_cast %parallel_loop3A_75 : i32 to index
        %parallel_loop3A_226 = arith.constant 32 : index
        %parallel_loop3A_227 = tpu.vector_load %arg14[%parallel_loop3A_225, %parallel_loop3A_226] {strides = array<i32>} : memref<80x128xf32, #tpu.memory_space<vmem>>, vector<16xf32>,
        tpu.vector_store %arg14[%parallel_loop3A_225, %parallel_loop3A_226], %parallel_loop3A_224 {strides = array<i32>} : memref<80x128xf32, #tpu.memory_space<vmem>>, vector<16xf32>,
        %parallel_loop3A_228 = arith.mulf %parallel_loop3A_209, %parallel_loop3A_126 : vector<16xf32>
        %parallel_loop3A_229 = arith.index_cast %parallel_loop3A_75 : i32 to index
        %parallel_loop3A_230 = arith.constant 48 : index
        %parallel_loop3A_231 = tpu.vector_load %arg14[%parallel_loop3A_229, %parallel_loop3A_230] {strides = array<i32>} : memref<80x128xf32, #tpu.memory_space<vmem>>, vector<16xf32>,
        tpu.vector_store %arg14[%parallel_loop3A_229, %parallel_loop3A_230], %parallel_loop3A_228 {strides = array<i32>} : memref<80x128xf32, #tpu.memory_space<vmem>>, vector<16xf32>,
        %parallel_loop3A_232 = arith.mulf %parallel_loop3A_215, %parallel_loop3A_142 : vector<16xf32>
        %parallel_loop3A_233 = arith.index_cast %parallel_loop3A_75 : i32 to index
        %parallel_loop3A_234 = arith.constant 64 : index
        %parallel_loop3A_235 = tpu.vector_load %arg14[%parallel_loop3A_233, %parallel_loop3A_234] {strides = array<i32>} : memref<80x128xf32, #tpu.memory_space<vmem>>, vector<16xf32>,
        tpu.vector_store %arg14[%parallel_loop3A_233, %parallel_loop3A_234], %parallel_loop3A_232 {strides = array<i32>} : memref<80x128xf32, #tpu.memory_space<vmem>>, vector<16xf32>,
        %parallel_loop3A_236 = arith.mulf %parallel_loop3A_215, %parallel_loop3A_158 : vector<16xf32>
        %parallel_loop3A_237 = arith.index_cast %parallel_loop3A_75 : i32 to index
        %parallel_loop3A_238 = arith.constant 80 : index
        %parallel_loop3A_239 = tpu.vector_load %arg14[%parallel_loop3A_237, %parallel_loop3A_238] {strides = array<i32>} : memref<80x128xf32, #tpu.memory_space<vmem>>, vector<16xf32>,
        tpu.vector_store %arg14[%parallel_loop3A_237, %parallel_loop3A_238], %parallel_loop3A_236 {strides = array<i32>} : memref<80x128xf32, #tpu.memory_space<vmem>>, vector<16xf32>,
        %parallel_loop3A_240 = arith.mulf %parallel_loop3A_215, %parallel_loop3A_174 : vector<16xf32>
        %parallel_loop3A_241 = arith.index_cast %parallel_loop3A_75 : i32 to index
        %parallel_loop3A_242 = arith.constant 96 : index
        %parallel_loop3A_243 = tpu.vector_load %arg14[%parallel_loop3A_241, %parallel_loop3A_242] {strides = array<i32>} : memref<80x128xf32, #tpu.memory_space<vmem>>, vector<16xf32>,
        tpu.vector_store %arg14[%parallel_loop3A_241, %parallel_loop3A_242], %parallel_loop3A_240 {strides = array<i32>} : memref<80x128xf32, #tpu.memory_space<vmem>>, vector<16xf32>,
        %parallel_loop3A_244 = arith.mulf %parallel_loop3A_215, %parallel_loop3A_190 : vector<16xf32>
        %parallel_loop3A_245 = arith.index_cast %parallel_loop3A_75 : i32 to index
        %parallel_loop3A_246 = arith.constant 112 : index
        %parallel_loop3A_247 = tpu.vector_load %arg14[%parallel_loop3A_245, %parallel_loop3A_246] {strides = array<i32>} : memref<80x128xf32, #tpu.memory_space<vmem>>, vector<16xf32>,
        tpu.vector_store %arg14[%parallel_loop3A_245, %parallel_loop3A_246], %parallel_loop3A_244 {strides = array<i32>} : memref<80x128xf32, #tpu.memory_space<vmem>>, vector<16xf32>,
        %parallel_loop3A_248 = vector.broadcast %parallel_loop3A_75 : i32 to vector<16xi32>
        %parallel_loop3A_249 = tpu.vector_load_idx %arg11[%parallel_loop3A_248] : memref<80xi32, #tpu.memory_space<vmem>>[vector<16xi32>], vector<16xi32>,
        %parallel_loop3A_250 = arith.constant 5000 : i32
        %parallel_loop3A_251 = vector.broadcast %parallel_loop3A_250 : i32 to vector<16xi32>
        %parallel_loop3A_252 = arith.cmpi slt, %parallel_loop3A_249, %parallel_loop3A_251 : vector<16xi32>
        %parallel_loop3A_253 = arith.constant 0 : i32
        %parallel_loop3A_254 = vector.broadcast %parallel_loop3A_253 : i32 to vector<16xi32>
        %parallel_loop3A_255 = arith.select %parallel_loop3A_252, %parallel_loop3A_249, %parallel_loop3A_254 : vector<16xi1>, vector<16xi32>
        %parallel_loop3A_256 = arith.constant 2 : i32
        %parallel_loop3A_257 = vector.broadcast %parallel_loop3A_256 : i32 to vector<16xi32>
        %parallel_loop3A_258 = arith.muli %parallel_loop3A_257, %parallel_loop3A_255 : vector<16xi32>
        %parallel_loop3A_259 = arith.addi %parallel_loop3A_258, %iota3A : vector<16xi32>
        %parallel_loop3A_260 = arith.constant 0 : i32
        %parallel_loop3A_261 = vector.broadcast %parallel_loop3A_260 : i32 to vector<16xi32>
        %parallel_loop3A_262 = arith.cmpi eq, %iota3A, %parallel_loop3A_261 : vector<16xi32>
        %parallel_loop3A_263 = arith.select %parallel_loop3A_262, %parallel_loop3A_209, %parallel_loop3A_215 : vector<16xi1>, vector<16xf32>
        %parallel_loop3A_264 = arith.constant 7 : i32
        %parallel_loop3A_265 = vector.broadcast %parallel_loop3A_264 : i32 to vector<16xi32>
        %parallel_loop3A_266 = arith.shrui %parallel_loop3A_259, %parallel_loop3A_265 : vector<16xi32>
        %parallel_loop3A_267 = arith.constant 127 : i32
        %parallel_loop3A_268 = vector.broadcast %parallel_loop3A_267 : i32 to vector<16xi32>
        %parallel_loop3A_269 = arith.andi %parallel_loop3A_259, %parallel_loop3A_268 : vector<16xi32>
        %parallel_loop3A_270 = arith.andi %lt3A_41, %parallel_loop3A_252 : vector<16xi1>
        tpu.vector_store_idx %arg16[%parallel_loop3A_266, %parallel_loop3A_269], %parallel_loop3A_263 masked %parallel_loop3A_270 {add = true} : memref<80x128xf32, #tpu.memory_space<vmem>>[vector<16xi32>, vector<16xi32>], vector<16xf32>, vector<16xi1>
      } {sc.loop_unroll_factor = 4 : i64, sc.parallel_access}
      "tpu.region"() ({
        %run_scoped3A = tpu.sem_alloc : memref<!tpu.dma_semaphore, #tpu.memory_space<semaphore_mem>>
        %dma_start3A = arith.constant 0 : i32
        %dma_start3A_75 = arith.constant 0 : i32
        %dma_start3A_76 = tpu.memref_slice %arg17[%dma_start3A, %dma_start3A_75] : memref<5120x128xf32, #tpu.memory_space<vmem_shared>> -> memref<5120x128xf32, #tpu.memory_space<vmem_shared>>
        tpu.enqueue_indirect_dma source(%arg14 : memref<80x128xf32, #tpu.memory_space<vmem>>) target(%dma_start3A_76 : memref<5120x128xf32, #tpu.memory_space<vmem_shared>>) offsets(%arg11 : memref<80xi32, #tpu.memory_space<vmem>>) semaphore(%run_scoped3A : memref<!tpu.dma_semaphore, #tpu.memory_space<semaphore_mem>>) {add = true}
        %dma_wait3A = arith.constant 0 : i32
        %dma_wait3A_77 = arith.constant 0 : i32
        %dma_wait3A_78 = tpu.memref_slice %arg17[%dma_wait3A, %dma_wait3A_77] : memref<5120x128xf32, #tpu.memory_space<vmem_shared>> -> memref<5120x128xf32, #tpu.memory_space<vmem_shared>>
        tpu.wait_indirect_dma semaphore(%run_scoped3A : memref<!tpu.dma_semaphore, #tpu.memory_space<semaphore_mem>>) src(%arg14 : memref<80x128xf32, #tpu.memory_space<vmem>>) dst(%dma_wait3A_78 : memref<5120x128xf32, #tpu.memory_space<vmem_shared>>)
        tpu.yield
      }) : () -> ()
    }
    %scan3A_48 = arith.constant 250 : i32
    %barrier3A_49 = arith.constant 0 : index
    tpu.barrier barrier_id(%barrier3A_49)
    %mul3A_50 = arith.constant 5120 : i32
    %mul3A_51 = arith.muli %arg0, %mul3A_50 : i32
    %add3A_52 = arith.addi %mul3A_51, %mul3A_10 : i32
    "tpu.region"() ({
      %run_scoped3A = tpu.sem_alloc : memref<!tpu.dma_semaphore, #tpu.memory_space<semaphore_mem>>
      %dma_start3A = arith.constant 0 : i32
      %dma_start3A_58 = tpu.memref_slice %arg7[%add3A_52, %dma_start3A] : memref<10240x128xf32, #tpu.memory_space<hbm>> -> memref<320x128xf32, #tpu.memory_space<hbm>>
      %dma_start3A_59 = arith.constant 0 : i32
      %dma_start3A_60 = tpu.memref_slice %arg17[%mul3A_10, %dma_start3A_59] : memref<5120x128xf32, #tpu.memory_space<vmem_shared>> -> memref<320x128xf32, #tpu.memory_space<vmem_shared>>
      tpu.enqueue_dma source(%dma_start3A_60 : memref<320x128xf32, #tpu.memory_space<vmem_shared>>) target(%dma_start3A_58 : memref<320x128xf32, #tpu.memory_space<hbm>>) target_semaphore(%run_scoped3A : memref<!tpu.dma_semaphore, #tpu.memory_space<semaphore_mem>>)
      %dma_wait3A = arith.constant 0 : i32
      %dma_wait3A_61 = tpu.memref_slice %arg7[%add3A_52, %dma_wait3A] : memref<10240x128xf32, #tpu.memory_space<hbm>> -> memref<320x128xf32, #tpu.memory_space<hbm>>
      %dma_wait3A_62 = arith.constant 0 : i32
      %dma_wait3A_63 = tpu.memref_slice %arg17[%mul3A_10, %dma_wait3A_62] : memref<5120x128xf32, #tpu.memory_space<vmem_shared>> -> memref<320x128xf32, #tpu.memory_space<vmem_shared>>
      tpu.wait_dma2 semaphore(%run_scoped3A : memref<!tpu.dma_semaphore, #tpu.memory_space<semaphore_mem>>) src(%dma_wait3A_63 : memref<320x128xf32, #tpu.memory_space<vmem_shared>>) dst(%dma_wait3A_61 : memref<320x128xf32, #tpu.memory_space<hbm>>)
      tpu.yield
    }) : () -> ()
    %mul3A_53 = arith.constant 16 : i32
    %mul3A_54 = arith.muli %arg0, %mul3A_53 : i32
    %add3A_55 = arith.addi %mul3A_54, %arg1 : i32
    %mul3A_56 = arith.constant 80 : i32
    %mul3A_57 = arith.muli %add3A_55, %mul3A_56 : i32
    "tpu.region"() ({
      %run_scoped3A = tpu.sem_alloc : memref<!tpu.dma_semaphore, #tpu.memory_space<semaphore_mem>>
      %dma_start3A = arith.constant 0 : i32
      %dma_start3A_58 = tpu.memref_slice %arg8[%mul3A_57, %dma_start3A] : memref<2560x128xf32, #tpu.memory_space<hbm>> -> memref<80x128xf32, #tpu.memory_space<hbm>>
      %dma_start3A_59 = arith.constant 0 : i32
      %dma_start3A_60 = tpu.memref_slice %arg8[%mul3A_57, %dma_start3A_59] : memref<2560x128xf32, #tpu.memory_space<hbm>> -> memref<80x128xf32, #tpu.memory_space<hbm>>
      tpu.enqueue_dma source(%arg16 : memref<80x128xf32, #tpu.memory_space<vmem>>) target(%dma_start3A_60 : memref<80x128xf32, #tpu.memory_space<hbm>>) target_semaphore(%run_scoped3A : memref<!tpu.dma_semaphore, #tpu.memory_space<semaphore_mem>>)
      %dma_wait3A = arith.constant 0 : i32
      %dma_wait3A_61 = tpu.memref_slice %arg8[%mul3A_57, %dma_wait3A] : memref<2560x128xf32, #tpu.memory_space<hbm>> -> memref<80x128xf32, #tpu.memory_space<hbm>>
      %dma_wait3A_62 = arith.constant 0 : i32
      %dma_wait3A_63 = tpu.memref_slice %arg8[%mul3A_57, %dma_wait3A_62] : memref<2560x128xf32, #tpu.memory_space<hbm>> -> memref<80x128xf32, #tpu.memory_space<hbm>>
      tpu.wait_dma2 semaphore(%run_scoped3A : memref<!tpu.dma_semaphore, #tpu.memory_space<semaphore_mem>>) src(%arg16 : memref<80x128xf32, #tpu.memory_space<vmem>>) dst(%dma_wait3A_63 : memref<80x128xf32, #tpu.memory_space<hbm>>)
      tpu.yield
    }) : () -> ()
    return
  }
}

#map = affine_map<(d0, d1) -> (0)>
#map1 = affine_map<(d0, d1) -> (0, 0)>
module attributes {stable_mosaic.version = 14 : i64} {
  func.func @body(%arg0: i32, %arg1: i32, %arg2: memref<320000xi32, #tpu.memory_space<hbm>>, %arg3: memref<320000xi32, #tpu.memory_space<hbm>>, %arg4: memref<20000x128xf32, #tpu.memory_space<hbm>>, %arg5: memref<20000x128xf32, #tpu.memory_space<hbm>>, %arg6: memref<256xf32, #tpu.memory_space<hbm>>, %arg7: memref<10240x128xf32, #tpu.memory_space<hbm>>, %arg8: memref<2560x128xf32, #tpu.memory_space<hbm>>, %arg9: memref<80xi32, #tpu.memory_space<vmem>>, %arg10: memref<80xi32, #tpu.memory_space<vmem>>, %arg11: memref<80xi32, #tpu.memory_space<vmem>>, %arg12: memref<80x128xf32, #tpu.memory_space<vmem>>, %arg13: memref<80x128xf32, #tpu.memory_space<vmem>>, %arg14: memref<80x128xf32, #tpu.memory_space<vmem>>, %arg15: memref<128xf32, #tpu.memory_space<vmem>>, %arg16: memref<80x128xf32, #tpu.memory_space<vmem>>, %arg17: memref<5120x128xf32, #tpu.memory_space<vmem_shared>>) attributes {dimension_semantics = [#tpu.dimension_semantics<core_parallel>, #tpu.dimension_semantics<subcore_parallel>], iteration_bounds = array<i64: 2, 16>, scalar_prefetch = 0 : i64, scratch_operands = 9 : i64, tpu.core_type = #tpu.core_type<sc_vector_subcore>, window_params = [{transform_indices = #map}, {transform_indices = #map}, {transform_indices = #map1}, {transform_indices = #map1}, {transform_indices = #map}, {transform_indices = #map1}, {transform_indices = #map1}]} {
    %broadcast_in_dim3A = arith.constant 0.000000e+00 : f32
    %broadcast_in_dim3A_0 = vector.broadcast %broadcast_in_dim3A : f32 to vector<16xf32>
    %iota3A = tpu.iota {dimensions = array<i32: 0>} : vector<16xi32>
    %scan3A = arith.constant 0 : i32
    %scan3A_1 = arith.constant 80 : i32
    %scan3A_2 = arith.addi %scan3A, %scan3A_1 : i32
    %scan3A_3 = arith.constant 1 : i32
    scf.for %scan3A_58 = %scan3A to %scan3A_2 step %scan3A_3  : i32 {
      %mul3A_59 = arith.constant 1 : i32
      %mul3A_60 = arith.muli %scan3A_58, %mul3A_59 : i32
      %add3A_61 = arith.constant 0 : i32
      %add3A_62 = arith.addi %add3A_61, %mul3A_60 : i32
      %swap3A = arith.index_cast %add3A_62 : i32 to index
      %swap3A_63 = arith.constant 0 : index
      %swap3A_64 = tpu.vector_load %arg14[%swap3A, %swap3A_63] {strides = array<i32>} : memref<80x128xf32, #tpu.memory_space<vmem>>, vector<16xf32>,
      tpu.vector_store %arg14[%swap3A, %swap3A_63], %broadcast_in_dim3A_0 {strides = array<i32>} : memref<80x128xf32, #tpu.memory_space<vmem>>, vector<16xf32>,
      %swap3A_65 = arith.index_cast %add3A_62 : i32 to index
      %swap3A_66 = arith.constant 16 : index
      %swap3A_67 = tpu.vector_load %arg14[%swap3A_65, %swap3A_66] {strides = array<i32>} : memref<80x128xf32, #tpu.memory_space<vmem>>, vector<16xf32>,
      tpu.vector_store %arg14[%swap3A_65, %swap3A_66], %broadcast_in_dim3A_0 {strides = array<i32>} : memref<80x128xf32, #tpu.memory_space<vmem>>, vector<16xf32>,
      %swap3A_68 = arith.index_cast %add3A_62 : i32 to index
      %swap3A_69 = arith.constant 32 : index
      %swap3A_70 = tpu.vector_load %arg14[%swap3A_68, %swap3A_69] {strides = array<i32>} : memref<80x128xf32, #tpu.memory_space<vmem>>, vector<16xf32>,
      tpu.vector_store %arg14[%swap3A_68, %swap3A_69], %broadcast_in_dim3A_0 {strides = array<i32>} : memref<80x128xf32, #tpu.memory_space<vmem>>, vector<16xf32>,
      %swap3A_71 = arith.index_cast %add3A_62 : i32 to index
      %swap3A_72 = arith.constant 48 : index
      %swap3A_73 = tpu.vector_load %arg14[%swap3A_71, %swap3A_72] {strides = array<i32>} : memref<80x128xf32, #tpu.memory_space<vmem>>, vector<16xf32>,
      tpu.vector_store %arg14[%swap3A_71, %swap3A_72], %broadcast_in_dim3A_0 {strides = array<i32>} : memref<80x128xf32, #tpu.memory_space<vmem>>, vector<16xf32>,
      %swap3A_74 = arith.index_cast %add3A_62 : i32 to index
      %swap3A_75 = arith.constant 64 : index
      %swap3A_76 = tpu.vector_load %arg14[%swap3A_74, %swap3A_75] {strides = array<i32>} : memref<80x128xf32, #tpu.memory_space<vmem>>, vector<16xf32>,
      tpu.vector_store %arg14[%swap3A_74, %swap3A_75], %broadcast_in_dim3A_0 {strides = array<i32>} : memref<80x128xf32, #tpu.memory_space<vmem>>, vector<16xf32>,
      %swap3A_77 = arith.index_cast %add3A_62 : i32 to index
      %swap3A_78 = arith.constant 80 : index
      %swap3A_79 = tpu.vector_load %arg14[%swap3A_77, %swap3A_78] {strides = array<i32>} : memref<80x128xf32, #tpu.memory_space<vmem>>, vector<16xf32>,
      tpu.vector_store %arg14[%swap3A_77, %swap3A_78], %broadcast_in_dim3A_0 {strides = array<i32>} : memref<80x128xf32, #tpu.memory_space<vmem>>, vector<16xf32>,
      %swap3A_80 = arith.index_cast %add3A_62 : i32 to index
      %swap3A_81 = arith.constant 96 : index
      %swap3A_82 = tpu.vector_load %arg14[%swap3A_80, %swap3A_81] {strides = array<i32>} : memref<80x128xf32, #tpu.memory_space<vmem>>, vector<16xf32>,
      tpu.vector_store %arg14[%swap3A_80, %swap3A_81], %broadcast_in_dim3A_0 {strides = array<i32>} : memref<80x128xf32, #tpu.memory_space<vmem>>, vector<16xf32>,
      %swap3A_83 = arith.index_cast %add3A_62 : i32 to index
      %swap3A_84 = arith.constant 112 : index
      %swap3A_85 = tpu.vector_load %arg14[%swap3A_83, %swap3A_84] {strides = array<i32>} : memref<80x128xf32, #tpu.memory_space<vmem>>, vector<16xf32>,
      tpu.vector_store %arg14[%swap3A_83, %swap3A_84], %broadcast_in_dim3A_0 {strides = array<i32>} : memref<80x128xf32, #tpu.memory_space<vmem>>, vector<16xf32>,
    }
    %scan3A_4 = arith.constant 80 : i32
    %scan3A_5 = arith.constant 0 : i32
    %scan3A_6 = arith.constant 80 : i32
    %scan3A_7 = arith.addi %scan3A_5, %scan3A_6 : i32
    %scan3A_8 = arith.constant 1 : i32
    scf.for %scan3A_58 = %scan3A_5 to %scan3A_7 step %scan3A_8  : i32 {
      %mul3A_59 = arith.constant 1 : i32
      %mul3A_60 = arith.muli %scan3A_58, %mul3A_59 : i32
      %add3A_61 = arith.constant 0 : i32
      %add3A_62 = arith.addi %add3A_61, %mul3A_60 : i32
      %swap3A = arith.index_cast %add3A_62 : i32 to index
      %swap3A_63 = arith.constant 0 : index
      %swap3A_64 = tpu.vector_load %arg16[%swap3A, %swap3A_63] {strides = array<i32>} : memref<80x128xf32, #tpu.memory_space<vmem>>, vector<16xf32>,
      tpu.vector_store %arg16[%swap3A, %swap3A_63], %broadcast_in_dim3A_0 {strides = array<i32>} : memref<80x128xf32, #tpu.memory_space<vmem>>, vector<16xf32>,
      %swap3A_65 = arith.index_cast %add3A_62 : i32 to index
      %swap3A_66 = arith.constant 16 : index
      %swap3A_67 = tpu.vector_load %arg16[%swap3A_65, %swap3A_66] {strides = array<i32>} : memref<80x128xf32, #tpu.memory_space<vmem>>, vector<16xf32>,
      tpu.vector_store %arg16[%swap3A_65, %swap3A_66], %broadcast_in_dim3A_0 {strides = array<i32>} : memref<80x128xf32, #tpu.memory_space<vmem>>, vector<16xf32>,
      %swap3A_68 = arith.index_cast %add3A_62 : i32 to index
      %swap3A_69 = arith.constant 32 : index
      %swap3A_70 = tpu.vector_load %arg16[%swap3A_68, %swap3A_69] {strides = array<i32>} : memref<80x128xf32, #tpu.memory_space<vmem>>, vector<16xf32>,
      tpu.vector_store %arg16[%swap3A_68, %swap3A_69], %broadcast_in_dim3A_0 {strides = array<i32>} : memref<80x128xf32, #tpu.memory_space<vmem>>, vector<16xf32>,
      %swap3A_71 = arith.index_cast %add3A_62 : i32 to index
      %swap3A_72 = arith.constant 48 : index
      %swap3A_73 = tpu.vector_load %arg16[%swap3A_71, %swap3A_72] {strides = array<i32>} : memref<80x128xf32, #tpu.memory_space<vmem>>, vector<16xf32>,
      tpu.vector_store %arg16[%swap3A_71, %swap3A_72], %broadcast_in_dim3A_0 {strides = array<i32>} : memref<80x128xf32, #tpu.memory_space<vmem>>, vector<16xf32>,
      %swap3A_74 = arith.index_cast %add3A_62 : i32 to index
      %swap3A_75 = arith.constant 64 : index
      %swap3A_76 = tpu.vector_load %arg16[%swap3A_74, %swap3A_75] {strides = array<i32>} : memref<80x128xf32, #tpu.memory_space<vmem>>, vector<16xf32>,
      tpu.vector_store %arg16[%swap3A_74, %swap3A_75], %broadcast_in_dim3A_0 {strides = array<i32>} : memref<80x128xf32, #tpu.memory_space<vmem>>, vector<16xf32>,
      %swap3A_77 = arith.index_cast %add3A_62 : i32 to index
      %swap3A_78 = arith.constant 80 : index
      %swap3A_79 = tpu.vector_load %arg16[%swap3A_77, %swap3A_78] {strides = array<i32>} : memref<80x128xf32, #tpu.memory_space<vmem>>, vector<16xf32>,
      tpu.vector_store %arg16[%swap3A_77, %swap3A_78], %broadcast_in_dim3A_0 {strides = array<i32>} : memref<80x128xf32, #tpu.memory_space<vmem>>, vector<16xf32>,
      %swap3A_80 = arith.index_cast %add3A_62 : i32 to index
      %swap3A_81 = arith.constant 96 : index
      %swap3A_82 = tpu.vector_load %arg16[%swap3A_80, %swap3A_81] {strides = array<i32>} : memref<80x128xf32, #tpu.memory_space<vmem>>, vector<16xf32>,
      tpu.vector_store %arg16[%swap3A_80, %swap3A_81], %broadcast_in_dim3A_0 {strides = array<i32>} : memref<80x128xf32, #tpu.memory_space<vmem>>, vector<16xf32>,
      %swap3A_83 = arith.index_cast %add3A_62 : i32 to index
      %swap3A_84 = arith.constant 112 : index
      %swap3A_85 = tpu.vector_load %arg16[%swap3A_83, %swap3A_84] {strides = array<i32>} : memref<80x128xf32, #tpu.memory_space<vmem>>, vector<16xf32>,
      tpu.vector_store %arg16[%swap3A_83, %swap3A_84], %broadcast_in_dim3A_0 {strides = array<i32>} : memref<80x128xf32, #tpu.memory_space<vmem>>, vector<16xf32>,
    }
    %scan3A_9 = arith.constant 80 : i32
    %mul3A = arith.constant 320 : i32
    %mul3A_10 = arith.muli %arg1, %mul3A : i32
    %add3A = arith.constant 0 : i32
    %add3A_11 = arith.addi %mul3A_10, %add3A : i32
    "tpu.region"() ({
      %run_scoped3A = tpu.sem_alloc : memref<!tpu.dma_semaphore, #tpu.memory_space<semaphore_mem>>
      %dma_start3A = arith.constant 0 : i32
      %dma_start3A_58 = tpu.memref_slice %arg17[%add3A_11, %dma_start3A] : memref<5120x128xf32, #tpu.memory_space<vmem_shared>> -> memref<80x128xf32, #tpu.memory_space<vmem_shared>>
      %dma_start3A_59 = arith.constant 0 : i32
      %dma_start3A_60 = tpu.memref_slice %arg17[%add3A_11, %dma_start3A_59] : memref<5120x128xf32, #tpu.memory_space<vmem_shared>> -> memref<80x128xf32, #tpu.memory_space<vmem_shared>>
      tpu.enqueue_dma source(%arg14 : memref<80x128xf32, #tpu.memory_space<vmem>>) target(%dma_start3A_60 : memref<80x128xf32, #tpu.memory_space<vmem_shared>>) target_semaphore(%run_scoped3A : memref<!tpu.dma_semaphore, #tpu.memory_space<semaphore_mem>>)
      %dma_wait3A = arith.constant 0 : i32
      %dma_wait3A_61 = tpu.memref_slice %arg17[%add3A_11, %dma_wait3A] : memref<5120x128xf32, #tpu.memory_space<vmem_shared>> -> memref<80x128xf32, #tpu.memory_space<vmem_shared>>
      %dma_wait3A_62 = arith.constant 0 : i32
      %dma_wait3A_63 = tpu.memref_slice %arg17[%add3A_11, %dma_wait3A_62] : memref<5120x128xf32, #tpu.memory_space<vmem_shared>> -> memref<80x128xf32, #tpu.memory_space<vmem_shared>>
      tpu.wait_dma2 semaphore(%run_scoped3A : memref<!tpu.dma_semaphore, #tpu.memory_space<semaphore_mem>>) src(%arg14 : memref<80x128xf32, #tpu.memory_space<vmem>>) dst(%dma_wait3A_63 : memref<80x128xf32, #tpu.memory_space<vmem_shared>>)
      tpu.yield
    }) : () -> ()
    %add3A_12 = arith.constant 80 : i32
    %add3A_13 = arith.addi %mul3A_10, %add3A_12 : i32
    "tpu.region"() ({
      %run_scoped3A = tpu.sem_alloc : memref<!tpu.dma_semaphore, #tpu.memory_space<semaphore_mem>>
      %dma_start3A = arith.constant 0 : i32
      %dma_start3A_58 = tpu.memref_slice %arg17[%add3A_13, %dma_start3A] : memref<5120x128xf32, #tpu.memory_space<vmem_shared>> -> memref<80x128xf32, #tpu.memory_space<vmem_shared>>
      %dma_start3A_59 = arith.constant 0 : i32
      %dma_start3A_60 = tpu.memref_slice %arg17[%add3A_13, %dma_start3A_59] : memref<5120x128xf32, #tpu.memory_space<vmem_shared>> -> memref<80x128xf32, #tpu.memory_space<vmem_shared>>
      tpu.enqueue_dma source(%arg14 : memref<80x128xf32, #tpu.memory_space<vmem>>) target(%dma_start3A_60 : memref<80x128xf32, #tpu.memory_space<vmem_shared>>) target_semaphore(%run_scoped3A : memref<!tpu.dma_semaphore, #tpu.memory_space<semaphore_mem>>)
      %dma_wait3A = arith.constant 0 : i32
      %dma_wait3A_61 = tpu.memref_slice %arg17[%add3A_13, %dma_wait3A] : memref<5120x128xf32, #tpu.memory_space<vmem_shared>> -> memref<80x128xf32, #tpu.memory_space<vmem_shared>>
      %dma_wait3A_62 = arith.constant 0 : i32
      %dma_wait3A_63 = tpu.memref_slice %arg17[%add3A_13, %dma_wait3A_62] : memref<5120x128xf32, #tpu.memory_space<vmem_shared>> -> memref<80x128xf32, #tpu.memory_space<vmem_shared>>
      tpu.wait_dma2 semaphore(%run_scoped3A : memref<!tpu.dma_semaphore, #tpu.memory_space<semaphore_mem>>) src(%arg14 : memref<80x128xf32, #tpu.memory_space<vmem>>) dst(%dma_wait3A_63 : memref<80x128xf32, #tpu.memory_space<vmem_shared>>)
      tpu.yield
    }) : () -> ()
    %add3A_14 = arith.constant 160 : i32
    %add3A_15 = arith.addi %mul3A_10, %add3A_14 : i32
    "tpu.region"() ({
      %run_scoped3A = tpu.sem_alloc : memref<!tpu.dma_semaphore, #tpu.memory_space<semaphore_mem>>
      %dma_start3A = arith.constant 0 : i32
      %dma_start3A_58 = tpu.memref_slice %arg17[%add3A_15, %dma_start3A] : memref<5120x128xf32, #tpu.memory_space<vmem_shared>> -> memref<80x128xf32, #tpu.memory_space<vmem_shared>>
      %dma_start3A_59 = arith.constant 0 : i32
      %dma_start3A_60 = tpu.memref_slice %arg17[%add3A_15, %dma_start3A_59] : memref<5120x128xf32, #tpu.memory_space<vmem_shared>> -> memref<80x128xf32, #tpu.memory_space<vmem_shared>>
      tpu.enqueue_dma source(%arg14 : memref<80x128xf32, #tpu.memory_space<vmem>>) target(%dma_start3A_60 : memref<80x128xf32, #tpu.memory_space<vmem_shared>>) target_semaphore(%run_scoped3A : memref<!tpu.dma_semaphore, #tpu.memory_space<semaphore_mem>>)
      %dma_wait3A = arith.constant 0 : i32
      %dma_wait3A_61 = tpu.memref_slice %arg17[%add3A_15, %dma_wait3A] : memref<5120x128xf32, #tpu.memory_space<vmem_shared>> -> memref<80x128xf32, #tpu.memory_space<vmem_shared>>
      %dma_wait3A_62 = arith.constant 0 : i32
      %dma_wait3A_63 = tpu.memref_slice %arg17[%add3A_15, %dma_wait3A_62] : memref<5120x128xf32, #tpu.memory_space<vmem_shared>> -> memref<80x128xf32, #tpu.memory_space<vmem_shared>>
      tpu.wait_dma2 semaphore(%run_scoped3A : memref<!tpu.dma_semaphore, #tpu.memory_space<semaphore_mem>>) src(%arg14 : memref<80x128xf32, #tpu.memory_space<vmem>>) dst(%dma_wait3A_63 : memref<80x128xf32, #tpu.memory_space<vmem_shared>>)
      tpu.yield
    }) : () -> ()
    %add3A_16 = arith.constant 240 : i32
    %add3A_17 = arith.addi %mul3A_10, %add3A_16 : i32
    "tpu.region"() ({
      %run_scoped3A = tpu.sem_alloc : memref<!tpu.dma_semaphore, #tpu.memory_space<semaphore_mem>>
      %dma_start3A = arith.constant 0 : i32
      %dma_start3A_58 = tpu.memref_slice %arg17[%add3A_17, %dma_start3A] : memref<5120x128xf32, #tpu.memory_space<vmem_shared>> -> memref<80x128xf32, #tpu.memory_space<vmem_shared>>
      %dma_start3A_59 = arith.constant 0 : i32
      %dma_start3A_60 = tpu.memref_slice %arg17[%add3A_17, %dma_start3A_59] : memref<5120x128xf32, #tpu.memory_space<vmem_shared>> -> memref<80x128xf32, #tpu.memory_space<vmem_shared>>
      tpu.enqueue_dma source(%arg14 : memref<80x128xf32, #tpu.memory_space<vmem>>) target(%dma_start3A_60 : memref<80x128xf32, #tpu.memory_space<vmem_shared>>) target_semaphore(%run_scoped3A : memref<!tpu.dma_semaphore, #tpu.memory_space<semaphore_mem>>)
      %dma_wait3A = arith.constant 0 : i32
      %dma_wait3A_61 = tpu.memref_slice %arg17[%add3A_17, %dma_wait3A] : memref<5120x128xf32, #tpu.memory_space<vmem_shared>> -> memref<80x128xf32, #tpu.memory_space<vmem_shared>>
      %dma_wait3A_62 = arith.constant 0 : i32
      %dma_wait3A_63 = tpu.memref_slice %arg17[%add3A_17, %dma_wait3A_62] : memref<5120x128xf32, #tpu.memory_space<vmem_shared>> -> memref<80x128xf32, #tpu.memory_space<vmem_shared>>
      tpu.wait_dma2 semaphore(%run_scoped3A : memref<!tpu.dma_semaphore, #tpu.memory_space<semaphore_mem>>) src(%arg14 : memref<80x128xf32, #tpu.memory_space<vmem>>) dst(%dma_wait3A_63 : memref<80x128xf32, #tpu.memory_space<vmem_shared>>)
      tpu.yield
    }) : () -> ()
    %mul3A_18 = arith.constant 128 : i32
    %mul3A_19 = arith.muli %arg0, %mul3A_18 : i32
    "tpu.region"() ({
      %run_scoped3A = tpu.sem_alloc : memref<!tpu.dma_semaphore, #tpu.memory_space<semaphore_mem>>
      %dma_start3A = tpu.memref_slice %arg6[%mul3A_19] : memref<256xf32, #tpu.memory_space<hbm>> -> memref<128xf32, #tpu.memory_space<hbm>>
      %dma_start3A_58 = tpu.memref_slice %arg6[%mul3A_19] : memref<256xf32, #tpu.memory_space<hbm>> -> memref<128xf32, #tpu.memory_space<hbm>>
      tpu.enqueue_dma source(%dma_start3A_58 : memref<128xf32, #tpu.memory_space<hbm>>) target(%arg15 : memref<128xf32, #tpu.memory_space<vmem>>) target_semaphore(%run_scoped3A : memref<!tpu.dma_semaphore, #tpu.memory_space<semaphore_mem>>)
      %dma_wait3A = tpu.memref_slice %arg6[%mul3A_19] : memref<256xf32, #tpu.memory_space<hbm>> -> memref<128xf32, #tpu.memory_space<hbm>>
      %dma_wait3A_59 = tpu.memref_slice %arg6[%mul3A_19] : memref<256xf32, #tpu.memory_space<hbm>> -> memref<128xf32, #tpu.memory_space<hbm>>
      tpu.wait_dma2 semaphore(%run_scoped3A : memref<!tpu.dma_semaphore, #tpu.memory_space<semaphore_mem>>) src(%dma_wait3A_59 : memref<128xf32, #tpu.memory_space<hbm>>) dst(%arg15 : memref<128xf32, #tpu.memory_space<vmem>>)
      tpu.yield
    }) : () -> ()
    %barrier3A = arith.constant 0 : index
    tpu.barrier barrier_id(%barrier3A)
    %get3A = arith.constant 0 : index
    %get3A_20 = tpu.vector_load %arg15[%get3A] {strides = array<i32>} : memref<128xf32, #tpu.memory_space<vmem>>, vector<16xf32>,
    %get3A_21 = arith.constant 16 : index
    %get3A_22 = tpu.vector_load %arg15[%get3A_21] {strides = array<i32>} : memref<128xf32, #tpu.memory_space<vmem>>, vector<16xf32>,
    %get3A_23 = arith.constant 32 : index
    %get3A_24 = tpu.vector_load %arg15[%get3A_23] {strides = array<i32>} : memref<128xf32, #tpu.memory_space<vmem>>, vector<16xf32>,
    %get3A_25 = arith.constant 48 : index
    %get3A_26 = tpu.vector_load %arg15[%get3A_25] {strides = array<i32>} : memref<128xf32, #tpu.memory_space<vmem>>, vector<16xf32>,
    %get3A_27 = arith.constant 64 : index
    %get3A_28 = tpu.vector_load %arg15[%get3A_27] {strides = array<i32>} : memref<128xf32, #tpu.memory_space<vmem>>, vector<16xf32>,
    %get3A_29 = arith.constant 80 : index
    %get3A_30 = tpu.vector_load %arg15[%get3A_29] {strides = array<i32>} : memref<128xf32, #tpu.memory_space<vmem>>, vector<16xf32>,
    %get3A_31 = arith.constant 96 : index
    %get3A_32 = tpu.vector_load %arg15[%get3A_31] {strides = array<i32>} : memref<128xf32, #tpu.memory_space<vmem>>, vector<16xf32>,
    %get3A_33 = arith.constant 112 : index
    %get3A_34 = tpu.vector_load %arg15[%get3A_33] {strides = array<i32>} : memref<128xf32, #tpu.memory_space<vmem>>, vector<16xf32>,
    %mul3A_35 = arith.constant 10000 : i32
    %mul3A_36 = arith.muli %arg0, %mul3A_35 : i32
    %broadcast_in_dim3A_37 = vector.broadcast %mul3A_36 : i32 to vector<16xi32>
    %broadcast_in_dim3A_38 = arith.constant 0 : i32
    %broadcast_in_dim3A_39 = vector.broadcast %broadcast_in_dim3A_38 : i32 to vector<16xi32>
    %lt3A = arith.constant 2 : i32
    %lt3A_40 = vector.broadcast %lt3A : i32 to vector<16xi32>
    %lt3A_41 = arith.cmpi slt, %iota3A, %lt3A_40 : vector<16xi32>
    %broadcast_in_dim3A_42 = arith.constant 5112 : i32
    %broadcast_in_dim3A_43 = vector.broadcast %broadcast_in_dim3A_42 : i32 to vector<16xi32>
    %scan3A_44 = arith.constant 0 : i32
    %scan3A_45 = arith.constant 250 : i32
    %scan3A_46 = arith.addi %scan3A_44, %scan3A_45 : i32
    %scan3A_47 = arith.constant 1 : i32
    scf.for %scan3A_58 = %scan3A_44 to %scan3A_46 step %scan3A_47  : i32 {
      %mul3A_59 = arith.constant 1 : i32
      %mul3A_60 = arith.muli %scan3A_58, %mul3A_59 : i32
      %add3A_61 = arith.constant 0 : i32
      %add3A_62 = arith.addi %add3A_61, %mul3A_60 : i32
      %mul3A_63 = arith.constant 20000 : i32
      %mul3A_64 = arith.muli %arg1, %mul3A_63 : i32
      %mul3A_65 = arith.constant 80 : i32
      %mul3A_66 = arith.muli %add3A_62, %mul3A_65 : i32
      %add3A_67 = arith.addi %mul3A_64, %mul3A_66 : i32
      "tpu.region"() ({
        %run_scoped3A = tpu.sem_alloc : memref<!tpu.dma_semaphore, #tpu.memory_space<semaphore_mem>>
        %dma_start3A = tpu.memref_slice %arg2[%add3A_67] : memref<320000xi32, #tpu.memory_space<hbm>> -> memref<80xi32, #tpu.memory_space<hbm>>
        %dma_start3A_75 = tpu.memref_slice %arg2[%add3A_67] : memref<320000xi32, #tpu.memory_space<hbm>> -> memref<80xi32, #tpu.memory_space<hbm>>
        tpu.enqueue_dma source(%dma_start3A_75 : memref<80xi32, #tpu.memory_space<hbm>>) target(%arg9 : memref<80xi32, #tpu.memory_space<vmem>>) target_semaphore(%run_scoped3A : memref<!tpu.dma_semaphore, #tpu.memory_space<semaphore_mem>>)
        %dma_wait3A = tpu.memref_slice %arg2[%add3A_67] : memref<320000xi32, #tpu.memory_space<hbm>> -> memref<80xi32, #tpu.memory_space<hbm>>
        %dma_wait3A_76 = tpu.memref_slice %arg2[%add3A_67] : memref<320000xi32, #tpu.memory_space<hbm>> -> memref<80xi32, #tpu.memory_space<hbm>>
        tpu.wait_dma2 semaphore(%run_scoped3A : memref<!tpu.dma_semaphore, #tpu.memory_space<semaphore_mem>>) src(%dma_wait3A_76 : memref<80xi32, #tpu.memory_space<hbm>>) dst(%arg9 : memref<80xi32, #tpu.memory_space<vmem>>)
        tpu.yield
      }) : () -> ()
      "tpu.region"() ({
        %run_scoped3A = tpu.sem_alloc : memref<!tpu.dma_semaphore, #tpu.memory_space<semaphore_mem>>
        %dma_start3A = tpu.memref_slice %arg3[%add3A_67] : memref<320000xi32, #tpu.memory_space<hbm>> -> memref<80xi32, #tpu.memory_space<hbm>>
        %dma_start3A_75 = tpu.memref_slice %arg3[%add3A_67] : memref<320000xi32, #tpu.memory_space<hbm>> -> memref<80xi32, #tpu.memory_space<hbm>>
        tpu.enqueue_dma source(%dma_start3A_75 : memref<80xi32, #tpu.memory_space<hbm>>) target(%arg10 : memref<80xi32, #tpu.memory_space<vmem>>) target_semaphore(%run_scoped3A : memref<!tpu.dma_semaphore, #tpu.memory_space<semaphore_mem>>)
        %dma_wait3A = tpu.memref_slice %arg3[%add3A_67] : memref<320000xi32, #tpu.memory_space<hbm>> -> memref<80xi32, #tpu.memory_space<hbm>>
        %dma_wait3A_76 = tpu.memref_slice %arg3[%add3A_67] : memref<320000xi32, #tpu.memory_space<hbm>> -> memref<80xi32, #tpu.memory_space<hbm>>
        tpu.wait_dma2 semaphore(%run_scoped3A : memref<!tpu.dma_semaphore, #tpu.memory_space<semaphore_mem>>) src(%dma_wait3A_76 : memref<80xi32, #tpu.memory_space<hbm>>) dst(%arg10 : memref<80xi32, #tpu.memory_space<vmem>>)
        tpu.yield
      }) : () -> ()
      %scan3A_68 = arith.constant 0 : i32
      %scan3A_69 = arith.constant 5 : i32
      %scan3A_70 = arith.addi %scan3A_68, %scan3A_69 : i32
      %scan3A_71 = arith.constant 1 : i32
      scf.for %scan3A_75 = %scan3A_68 to %scan3A_70 step %scan3A_71  : i32 {
        %mul3A_76 = arith.constant 16 : i32
        %mul3A_77 = arith.muli %scan3A_75, %mul3A_76 : i32
        %add3A_78 = arith.constant 0 : i32
        %add3A_79 = arith.addi %add3A_78, %mul3A_77 : i32
        %get3A_80 = arith.index_cast %add3A_79 : i32 to index
        %get3A_81 = tpu.vector_load %arg9[%get3A_80] {strides = array<i32>} : memref<80xi32, #tpu.memory_space<vmem>>, vector<16xi32>,
        %add3A_82 = arith.addi %get3A_81, %broadcast_in_dim3A_37 : vector<16xi32>
        %swap3A = arith.index_cast %add3A_79 : i32 to index
        %swap3A_83 = tpu.vector_load %arg9[%swap3A] {strides = array<i32>} : memref<80xi32, #tpu.memory_space<vmem>>, vector<16xi32>,
        tpu.vector_store %arg9[%swap3A], %add3A_82 {strides = array<i32>} : memref<80xi32, #tpu.memory_space<vmem>>, vector<16xi32>,
        %get3A_84 = arith.index_cast %add3A_79 : i32 to index
        %get3A_85 = tpu.vector_load %arg10[%get3A_84] {strides = array<i32>} : memref<80xi32, #tpu.memory_space<vmem>>, vector<16xi32>,
        %sub3A = arith.subi %get3A_85, %broadcast_in_dim3A_39 : vector<16xi32>
        %ge3A = arith.constant 0 : i32
        %ge3A_86 = vector.broadcast %ge3A : i32 to vector<16xi32>
        %ge3A_87 = arith.cmpi sge, %sub3A, %ge3A_86 : vector<16xi32>
        %lt3A_88 = arith.constant 5000 : i32
        %lt3A_89 = vector.broadcast %lt3A_88 : i32 to vector<16xi32>
        %lt3A_90 = arith.cmpi slt, %sub3A, %lt3A_89 : vector<16xi32>
        %and3A = arith.andi %ge3A_87, %lt3A_90 : vector<16xi1>
        %select_n3A = arith.select %and3A, %sub3A, %broadcast_in_dim3A_43 : vector<16xi1>, vector<16xi32>
        %swap3A_91 = arith.index_cast %add3A_79 : i32 to index
        %swap3A_92 = tpu.vector_load %arg11[%swap3A_91] {strides = array<i32>} : memref<80xi32, #tpu.memory_space<vmem>>, vector<16xi32>,
        tpu.vector_store %arg11[%swap3A_91], %select_n3A {strides = array<i32>} : memref<80xi32, #tpu.memory_space<vmem>>, vector<16xi32>,
      }
      %scan3A_72 = arith.constant 5 : i32
      "tpu.region"() ({
        %run_scoped3A = tpu.sem_alloc : memref<!tpu.dma_semaphore, #tpu.memory_space<semaphore_mem>>
        %dma_start3A = arith.constant 0 : i32
        %dma_start3A_75 = arith.constant 0 : i32
        %dma_start3A_76 = tpu.memref_slice %arg4[%dma_start3A, %dma_start3A_75] : memref<20000x128xf32, #tpu.memory_space<hbm>> -> memref<20000x128xf32, #tpu.memory_space<hbm>>
        tpu.enqueue_indirect_dma source(%dma_start3A_76 : memref<20000x128xf32, #tpu.memory_space<hbm>>) target(%arg12 : memref<80x128xf32, #tpu.memory_space<vmem>>) offsets(%arg9 : memref<80xi32, #tpu.memory_space<vmem>>) semaphore(%run_scoped3A : memref<!tpu.dma_semaphore, #tpu.memory_space<semaphore_mem>>)
        %dma_wait3A = arith.constant 0 : i32
        %dma_wait3A_77 = arith.constant 0 : i32
        %dma_wait3A_78 = tpu.memref_slice %arg4[%dma_wait3A, %dma_wait3A_77] : memref<20000x128xf32, #tpu.memory_space<hbm>> -> memref<20000x128xf32, #tpu.memory_space<hbm>>
        tpu.wait_indirect_dma semaphore(%run_scoped3A : memref<!tpu.dma_semaphore, #tpu.memory_space<semaphore_mem>>) src(%dma_wait3A_78 : memref<20000x128xf32, #tpu.memory_space<hbm>>) dst(%arg12 : memref<80x128xf32, #tpu.memory_space<vmem>>)
        tpu.yield
      }) : () -> ()
      "tpu.region"() ({
        %run_scoped3A = tpu.sem_alloc : memref<!tpu.dma_semaphore, #tpu.memory_space<semaphore_mem>>
        %dma_start3A = arith.constant 0 : i32
        %dma_start3A_75 = arith.constant 0 : i32
        %dma_start3A_76 = tpu.memref_slice %arg5[%dma_start3A, %dma_start3A_75] : memref<20000x128xf32, #tpu.memory_space<hbm>> -> memref<20000x128xf32, #tpu.memory_space<hbm>>
        tpu.enqueue_indirect_dma source(%dma_start3A_76 : memref<20000x128xf32, #tpu.memory_space<hbm>>) target(%arg13 : memref<80x128xf32, #tpu.memory_space<vmem>>) offsets(%arg10 : memref<80xi32, #tpu.memory_space<vmem>>) semaphore(%run_scoped3A : memref<!tpu.dma_semaphore, #tpu.memory_space<semaphore_mem>>)
        %dma_wait3A = arith.constant 0 : i32
        %dma_wait3A_77 = arith.constant 0 : i32
        %dma_wait3A_78 = tpu.memref_slice %arg5[%dma_wait3A, %dma_wait3A_77] : memref<20000x128xf32, #tpu.memory_space<hbm>> -> memref<20000x128xf32, #tpu.memory_space<hbm>>
        tpu.wait_indirect_dma semaphore(%run_scoped3A : memref<!tpu.dma_semaphore, #tpu.memory_space<semaphore_mem>>) src(%dma_wait3A_78 : memref<20000x128xf32, #tpu.memory_space<hbm>>) dst(%arg13 : memref<80x128xf32, #tpu.memory_space<vmem>>)
        tpu.yield
      }) : () -> ()
      %parallel_loop3A = arith.constant 0 : i32
      %parallel_loop3A_73 = arith.constant 80 : i32
      %parallel_loop3A_74 = arith.constant 1 : i32
      scf.for %parallel_loop3A_75 = %parallel_loop3A to %parallel_loop3A_73 step %parallel_loop3A_74  : i32 {
        %parallel_loop3A_76 = arith.index_cast %parallel_loop3A_75 : i32 to index
        %parallel_loop3A_77 = arith.constant 0 : index
        %parallel_loop3A_78 = tpu.vector_load %arg12[%parallel_loop3A_76, %parallel_loop3A_77] {strides = array<i32>} : memref<80x128xf32, #tpu.memory_space<vmem>>, vector<16xf32>,
        %parallel_loop3A_79 = arith.index_cast %parallel_loop3A_75 : i32 to index
        %parallel_loop3A_80 = arith.constant 0 : index
        %parallel_loop3A_81 = tpu.vector_load %arg13[%parallel_loop3A_79, %parallel_loop3A_80] {strides = array<i32>} : memref<80x128xf32, #tpu.memory_space<vmem>>, vector<16xf32>,
        %parallel_loop3A_82 = arith.addf %parallel_loop3A_78, %parallel_loop3A_81 : vector<16xf32>
        %parallel_loop3A_83 = arith.constant 0.000000e+00 : f32
        %parallel_loop3A_84 = vector.broadcast %parallel_loop3A_83 : f32 to vector<16xf32>
        %parallel_loop3A_85 = arith.cmpf ogt, %parallel_loop3A_82, %parallel_loop3A_84 : vector<16xf32>
        %parallel_loop3A_86 = arith.constant 2.000000e-01 : f32
        %parallel_loop3A_87 = vector.broadcast %parallel_loop3A_86 : f32 to vector<16xf32>
        %parallel_loop3A_88 = arith.mulf %parallel_loop3A_87, %parallel_loop3A_82 : vector<16xf32>
        %parallel_loop3A_89 = arith.select %parallel_loop3A_85, %parallel_loop3A_82, %parallel_loop3A_88 : vector<16xi1>, vector<16xf32>
        %parallel_loop3A_90 = arith.mulf %parallel_loop3A_89, %get3A_20 : vector<16xf32>
        %parallel_loop3A_91 = arith.addf %broadcast_in_dim3A_0, %parallel_loop3A_90 : vector<16xf32>
        %parallel_loop3A_92 = arith.index_cast %parallel_loop3A_75 : i32 to index
        %parallel_loop3A_93 = arith.constant 16 : index
        %parallel_loop3A_94 = tpu.vector_load %arg12[%parallel_loop3A_92, %parallel_loop3A_93] {strides = array<i32>} : memref<80x128xf32, #tpu.memory_space<vmem>>, vector<16xf32>,
        %parallel_loop3A_95 = arith.index_cast %parallel_loop3A_75 : i32 to index
        %parallel_loop3A_96 = arith.constant 16 : index
        %parallel_loop3A_97 = tpu.vector_load %arg13[%parallel_loop3A_95, %parallel_loop3A_96] {strides = array<i32>} : memref<80x128xf32, #tpu.memory_space<vmem>>, vector<16xf32>,
        %parallel_loop3A_98 = arith.addf %parallel_loop3A_94, %parallel_loop3A_97 : vector<16xf32>
        %parallel_loop3A_99 = arith.constant 0.000000e+00 : f32
        %parallel_loop3A_100 = vector.broadcast %parallel_loop3A_99 : f32 to vector<16xf32>
        %parallel_loop3A_101 = arith.cmpf ogt, %parallel_loop3A_98, %parallel_loop3A_100 : vector<16xf32>
        %parallel_loop3A_102 = arith.constant 2.000000e-01 : f32
        %parallel_loop3A_103 = vector.broadcast %parallel_loop3A_102 : f32 to vector<16xf32>
        %parallel_loop3A_104 = arith.mulf %parallel_loop3A_103, %parallel_loop3A_98 : vector<16xf32>
        %parallel_loop3A_105 = arith.select %parallel_loop3A_101, %parallel_loop3A_98, %parallel_loop3A_104 : vector<16xi1>, vector<16xf32>
        %parallel_loop3A_106 = arith.mulf %parallel_loop3A_105, %get3A_22 : vector<16xf32>
        %parallel_loop3A_107 = arith.addf %parallel_loop3A_91, %parallel_loop3A_106 : vector<16xf32>
        %parallel_loop3A_108 = arith.index_cast %parallel_loop3A_75 : i32 to index
        %parallel_loop3A_109 = arith.constant 32 : index
        %parallel_loop3A_110 = tpu.vector_load %arg12[%parallel_loop3A_108, %parallel_loop3A_109] {strides = array<i32>} : memref<80x128xf32, #tpu.memory_space<vmem>>, vector<16xf32>,
        %parallel_loop3A_111 = arith.index_cast %parallel_loop3A_75 : i32 to index
        %parallel_loop3A_112 = arith.constant 32 : index
        %parallel_loop3A_113 = tpu.vector_load %arg13[%parallel_loop3A_111, %parallel_loop3A_112] {strides = array<i32>} : memref<80x128xf32, #tpu.memory_space<vmem>>, vector<16xf32>,
        %parallel_loop3A_114 = arith.addf %parallel_loop3A_110, %parallel_loop3A_113 : vector<16xf32>
        %parallel_loop3A_115 = arith.constant 0.000000e+00 : f32
        %parallel_loop3A_116 = vector.broadcast %parallel_loop3A_115 : f32 to vector<16xf32>
        %parallel_loop3A_117 = arith.cmpf ogt, %parallel_loop3A_114, %parallel_loop3A_116 : vector<16xf32>
        %parallel_loop3A_118 = arith.constant 2.000000e-01 : f32
        %parallel_loop3A_119 = vector.broadcast %parallel_loop3A_118 : f32 to vector<16xf32>
        %parallel_loop3A_120 = arith.mulf %parallel_loop3A_119, %parallel_loop3A_114 : vector<16xf32>
        %parallel_loop3A_121 = arith.select %parallel_loop3A_117, %parallel_loop3A_114, %parallel_loop3A_120 : vector<16xi1>, vector<16xf32>
        %parallel_loop3A_122 = arith.mulf %parallel_loop3A_121, %get3A_24 : vector<16xf32>
        %parallel_loop3A_123 = arith.addf %parallel_loop3A_107, %parallel_loop3A_122 : vector<16xf32>
        %parallel_loop3A_124 = arith.index_cast %parallel_loop3A_75 : i32 to index
        %parallel_loop3A_125 = arith.constant 48 : index
        %parallel_loop3A_126 = tpu.vector_load %arg12[%parallel_loop3A_124, %parallel_loop3A_125] {strides = array<i32>} : memref<80x128xf32, #tpu.memory_space<vmem>>, vector<16xf32>,
        %parallel_loop3A_127 = arith.index_cast %parallel_loop3A_75 : i32 to index
        %parallel_loop3A_128 = arith.constant 48 : index
        %parallel_loop3A_129 = tpu.vector_load %arg13[%parallel_loop3A_127, %parallel_loop3A_128] {strides = array<i32>} : memref<80x128xf32, #tpu.memory_space<vmem>>, vector<16xf32>,
        %parallel_loop3A_130 = arith.addf %parallel_loop3A_126, %parallel_loop3A_129 : vector<16xf32>
        %parallel_loop3A_131 = arith.constant 0.000000e+00 : f32
        %parallel_loop3A_132 = vector.broadcast %parallel_loop3A_131 : f32 to vector<16xf32>
        %parallel_loop3A_133 = arith.cmpf ogt, %parallel_loop3A_130, %parallel_loop3A_132 : vector<16xf32>
        %parallel_loop3A_134 = arith.constant 2.000000e-01 : f32
        %parallel_loop3A_135 = vector.broadcast %parallel_loop3A_134 : f32 to vector<16xf32>
        %parallel_loop3A_136 = arith.mulf %parallel_loop3A_135, %parallel_loop3A_130 : vector<16xf32>
        %parallel_loop3A_137 = arith.select %parallel_loop3A_133, %parallel_loop3A_130, %parallel_loop3A_136 : vector<16xi1>, vector<16xf32>
        %parallel_loop3A_138 = arith.mulf %parallel_loop3A_137, %get3A_26 : vector<16xf32>
        %parallel_loop3A_139 = arith.addf %parallel_loop3A_123, %parallel_loop3A_138 : vector<16xf32>
        %parallel_loop3A_140 = arith.index_cast %parallel_loop3A_75 : i32 to index
        %parallel_loop3A_141 = arith.constant 64 : index
        %parallel_loop3A_142 = tpu.vector_load %arg12[%parallel_loop3A_140, %parallel_loop3A_141] {strides = array<i32>} : memref<80x128xf32, #tpu.memory_space<vmem>>, vector<16xf32>,
        %parallel_loop3A_143 = arith.index_cast %parallel_loop3A_75 : i32 to index
        %parallel_loop3A_144 = arith.constant 64 : index
        %parallel_loop3A_145 = tpu.vector_load %arg13[%parallel_loop3A_143, %parallel_loop3A_144] {strides = array<i32>} : memref<80x128xf32, #tpu.memory_space<vmem>>, vector<16xf32>,
        %parallel_loop3A_146 = arith.addf %parallel_loop3A_142, %parallel_loop3A_145 : vector<16xf32>
        %parallel_loop3A_147 = arith.constant 0.000000e+00 : f32
        %parallel_loop3A_148 = vector.broadcast %parallel_loop3A_147 : f32 to vector<16xf32>
        %parallel_loop3A_149 = arith.cmpf ogt, %parallel_loop3A_146, %parallel_loop3A_148 : vector<16xf32>
        %parallel_loop3A_150 = arith.constant 2.000000e-01 : f32
        %parallel_loop3A_151 = vector.broadcast %parallel_loop3A_150 : f32 to vector<16xf32>
        %parallel_loop3A_152 = arith.mulf %parallel_loop3A_151, %parallel_loop3A_146 : vector<16xf32>
        %parallel_loop3A_153 = arith.select %parallel_loop3A_149, %parallel_loop3A_146, %parallel_loop3A_152 : vector<16xi1>, vector<16xf32>
        %parallel_loop3A_154 = arith.mulf %parallel_loop3A_153, %get3A_28 : vector<16xf32>
        %parallel_loop3A_155 = arith.addf %broadcast_in_dim3A_0, %parallel_loop3A_154 : vector<16xf32>
        %parallel_loop3A_156 = arith.index_cast %parallel_loop3A_75 : i32 to index
        %parallel_loop3A_157 = arith.constant 80 : index
        %parallel_loop3A_158 = tpu.vector_load %arg12[%parallel_loop3A_156, %parallel_loop3A_157] {strides = array<i32>} : memref<80x128xf32, #tpu.memory_space<vmem>>, vector<16xf32>,
        %parallel_loop3A_159 = arith.index_cast %parallel_loop3A_75 : i32 to index
        %parallel_loop3A_160 = arith.constant 80 : index
        %parallel_loop3A_161 = tpu.vector_load %arg13[%parallel_loop3A_159, %parallel_loop3A_160] {strides = array<i32>} : memref<80x128xf32, #tpu.memory_space<vmem>>, vector<16xf32>,
        %parallel_loop3A_162 = arith.addf %parallel_loop3A_158, %parallel_loop3A_161 : vector<16xf32>
        %parallel_loop3A_163 = arith.constant 0.000000e+00 : f32
        %parallel_loop3A_164 = vector.broadcast %parallel_loop3A_163 : f32 to vector<16xf32>
        %parallel_loop3A_165 = arith.cmpf ogt, %parallel_loop3A_162, %parallel_loop3A_164 : vector<16xf32>
        %parallel_loop3A_166 = arith.constant 2.000000e-01 : f32
        %parallel_loop3A_167 = vector.broadcast %parallel_loop3A_166 : f32 to vector<16xf32>
        %parallel_loop3A_168 = arith.mulf %parallel_loop3A_167, %parallel_loop3A_162 : vector<16xf32>
        %parallel_loop3A_169 = arith.select %parallel_loop3A_165, %parallel_loop3A_162, %parallel_loop3A_168 : vector<16xi1>, vector<16xf32>
        %parallel_loop3A_170 = arith.mulf %parallel_loop3A_169, %get3A_30 : vector<16xf32>
        %parallel_loop3A_171 = arith.addf %parallel_loop3A_155, %parallel_loop3A_170 : vector<16xf32>
        %parallel_loop3A_172 = arith.index_cast %parallel_loop3A_75 : i32 to index
        %parallel_loop3A_173 = arith.constant 96 : index
        %parallel_loop3A_174 = tpu.vector_load %arg12[%parallel_loop3A_172, %parallel_loop3A_173] {strides = array<i32>} : memref<80x128xf32, #tpu.memory_space<vmem>>, vector<16xf32>,
        %parallel_loop3A_175 = arith.index_cast %parallel_loop3A_75 : i32 to index
        %parallel_loop3A_176 = arith.constant 96 : index
        %parallel_loop3A_177 = tpu.vector_load %arg13[%parallel_loop3A_175, %parallel_loop3A_176] {strides = array<i32>} : memref<80x128xf32, #tpu.memory_space<vmem>>, vector<16xf32>,
        %parallel_loop3A_178 = arith.addf %parallel_loop3A_174, %parallel_loop3A_177 : vector<16xf32>
        %parallel_loop3A_179 = arith.constant 0.000000e+00 : f32
        %parallel_loop3A_180 = vector.broadcast %parallel_loop3A_179 : f32 to vector<16xf32>
        %parallel_loop3A_181 = arith.cmpf ogt, %parallel_loop3A_178, %parallel_loop3A_180 : vector<16xf32>
        %parallel_loop3A_182 = arith.constant 2.000000e-01 : f32
        %parallel_loop3A_183 = vector.broadcast %parallel_loop3A_182 : f32 to vector<16xf32>
        %parallel_loop3A_184 = arith.mulf %parallel_loop3A_183, %parallel_loop3A_178 : vector<16xf32>
        %parallel_loop3A_185 = arith.select %parallel_loop3A_181, %parallel_loop3A_178, %parallel_loop3A_184 : vector<16xi1>, vector<16xf32>
        %parallel_loop3A_186 = arith.mulf %parallel_loop3A_185, %get3A_32 : vector<16xf32>
        %parallel_loop3A_187 = arith.addf %parallel_loop3A_171, %parallel_loop3A_186 : vector<16xf32>
        %parallel_loop3A_188 = arith.index_cast %parallel_loop3A_75 : i32 to index
        %parallel_loop3A_189 = arith.constant 112 : index
        %parallel_loop3A_190 = tpu.vector_load %arg12[%parallel_loop3A_188, %parallel_loop3A_189] {strides = array<i32>} : memref<80x128xf32, #tpu.memory_space<vmem>>, vector<16xf32>,
        %parallel_loop3A_191 = arith.index_cast %parallel_loop3A_75 : i32 to index
        %parallel_loop3A_192 = arith.constant 112 : index
        %parallel_loop3A_193 = tpu.vector_load %arg13[%parallel_loop3A_191, %parallel_loop3A_192] {strides = array<i32>} : memref<80x128xf32, #tpu.memory_space<vmem>>, vector<16xf32>,
        %parallel_loop3A_194 = arith.addf %parallel_loop3A_190, %parallel_loop3A_193 : vector<16xf32>
        %parallel_loop3A_195 = arith.constant 0.000000e+00 : f32
        %parallel_loop3A_196 = vector.broadcast %parallel_loop3A_195 : f32 to vector<16xf32>
        %parallel_loop3A_197 = arith.cmpf ogt, %parallel_loop3A_194, %parallel_loop3A_196 : vector<16xf32>
        %parallel_loop3A_198 = arith.constant 2.000000e-01 : f32
        %parallel_loop3A_199 = vector.broadcast %parallel_loop3A_198 : f32 to vector<16xf32>
        %parallel_loop3A_200 = arith.mulf %parallel_loop3A_199, %parallel_loop3A_194 : vector<16xf32>
        %parallel_loop3A_201 = arith.select %parallel_loop3A_197, %parallel_loop3A_194, %parallel_loop3A_200 : vector<16xi1>, vector<16xf32>
        %parallel_loop3A_202 = arith.mulf %parallel_loop3A_201, %get3A_34 : vector<16xf32>
        %parallel_loop3A_203 = arith.addf %parallel_loop3A_187, %parallel_loop3A_202 : vector<16xf32>
        %parallel_loop3A_204 = arith.constant true
        %parallel_loop3A_205 = vector.broadcast %parallel_loop3A_204 : i1 to vector<16xi1>
        %parallel_loop3A_206 = tpu.scan <sum>, %parallel_loop3A_139 masked %parallel_loop3A_205 : vector<16xf32>, vector<16xi1> -> vector<16xf32>
        %parallel_loop3A_207 = vector.extract %parallel_loop3A_206[15] : f32 from vector<16xf32>
        %parallel_loop3A_208 = vector.broadcast %parallel_loop3A_207 : f32 to vector<16xf32>
        %parallel_loop3A_209 = math.exp %parallel_loop3A_208 : vector<16xf32>
        %parallel_loop3A_210 = arith.constant true
        %parallel_loop3A_211 = vector.broadcast %parallel_loop3A_210 : i1 to vector<16xi1>
        %parallel_loop3A_212 = tpu.scan <sum>, %parallel_loop3A_203 masked %parallel_loop3A_211 : vector<16xf32>, vector<16xi1> -> vector<16xf32>
        %parallel_loop3A_213 = vector.extract %parallel_loop3A_212[15] : f32 from vector<16xf32>
        %parallel_loop3A_214 = vector.broadcast %parallel_loop3A_213 : f32 to vector<16xf32>
        %parallel_loop3A_215 = math.exp %parallel_loop3A_214 : vector<16xf32>
        %parallel_loop3A_216 = arith.mulf %parallel_loop3A_209, %parallel_loop3A_78 : vector<16xf32>
        %parallel_loop3A_217 = arith.index_cast %parallel_loop3A_75 : i32 to index
        %parallel_loop3A_218 = arith.constant 0 : index
        %parallel_loop3A_219 = tpu.vector_load %arg14[%parallel_loop3A_217, %parallel_loop3A_218] {strides = array<i32>} : memref<80x128xf32, #tpu.memory_space<vmem>>, vector<16xf32>,
        tpu.vector_store %arg14[%parallel_loop3A_217, %parallel_loop3A_218], %parallel_loop3A_216 {strides = array<i32>} : memref<80x128xf32, #tpu.memory_space<vmem>>, vector<16xf32>,
        %parallel_loop3A_220 = arith.mulf %parallel_loop3A_209, %parallel_loop3A_94 : vector<16xf32>
        %parallel_loop3A_221 = arith.index_cast %parallel_loop3A_75 : i32 to index
        %parallel_loop3A_222 = arith.constant 16 : index
        %parallel_loop3A_223 = tpu.vector_load %arg14[%parallel_loop3A_221, %parallel_loop3A_222] {strides = array<i32>} : memref<80x128xf32, #tpu.memory_space<vmem>>, vector<16xf32>,
        tpu.vector_store %arg14[%parallel_loop3A_221, %parallel_loop3A_222], %parallel_loop3A_220 {strides = array<i32>} : memref<80x128xf32, #tpu.memory_space<vmem>>, vector<16xf32>,
        %parallel_loop3A_224 = arith.mulf %parallel_loop3A_209, %parallel_loop3A_110 : vector<16xf32>
        %parallel_loop3A_225 = arith.index_cast %parallel_loop3A_75 : i32 to index
        %parallel_loop3A_226 = arith.constant 32 : index
        %parallel_loop3A_227 = tpu.vector_load %arg14[%parallel_loop3A_225, %parallel_loop3A_226] {strides = array<i32>} : memref<80x128xf32, #tpu.memory_space<vmem>>, vector<16xf32>,
        tpu.vector_store %arg14[%parallel_loop3A_225, %parallel_loop3A_226], %parallel_loop3A_224 {strides = array<i32>} : memref<80x128xf32, #tpu.memory_space<vmem>>, vector<16xf32>,
        %parallel_loop3A_228 = arith.mulf %parallel_loop3A_209, %parallel_loop3A_126 : vector<16xf32>
        %parallel_loop3A_229 = arith.index_cast %parallel_loop3A_75 : i32 to index
        %parallel_loop3A_230 = arith.constant 48 : index
        %parallel_loop3A_231 = tpu.vector_load %arg14[%parallel_loop3A_229, %parallel_loop3A_230] {strides = array<i32>} : memref<80x128xf32, #tpu.memory_space<vmem>>, vector<16xf32>,
        tpu.vector_store %arg14[%parallel_loop3A_229, %parallel_loop3A_230], %parallel_loop3A_228 {strides = array<i32>} : memref<80x128xf32, #tpu.memory_space<vmem>>, vector<16xf32>,
        %parallel_loop3A_232 = arith.mulf %parallel_loop3A_215, %parallel_loop3A_142 : vector<16xf32>
        %parallel_loop3A_233 = arith.index_cast %parallel_loop3A_75 : i32 to index
        %parallel_loop3A_234 = arith.constant 64 : index
        %parallel_loop3A_235 = tpu.vector_load %arg14[%parallel_loop3A_233, %parallel_loop3A_234] {strides = array<i32>} : memref<80x128xf32, #tpu.memory_space<vmem>>, vector<16xf32>,
        tpu.vector_store %arg14[%parallel_loop3A_233, %parallel_loop3A_234], %parallel_loop3A_232 {strides = array<i32>} : memref<80x128xf32, #tpu.memory_space<vmem>>, vector<16xf32>,
        %parallel_loop3A_236 = arith.mulf %parallel_loop3A_215, %parallel_loop3A_158 : vector<16xf32>
        %parallel_loop3A_237 = arith.index_cast %parallel_loop3A_75 : i32 to index
        %parallel_loop3A_238 = arith.constant 80 : index
        %parallel_loop3A_239 = tpu.vector_load %arg14[%parallel_loop3A_237, %parallel_loop3A_238] {strides = array<i32>} : memref<80x128xf32, #tpu.memory_space<vmem>>, vector<16xf32>,
        tpu.vector_store %arg14[%parallel_loop3A_237, %parallel_loop3A_238], %parallel_loop3A_236 {strides = array<i32>} : memref<80x128xf32, #tpu.memory_space<vmem>>, vector<16xf32>,
        %parallel_loop3A_240 = arith.mulf %parallel_loop3A_215, %parallel_loop3A_174 : vector<16xf32>
        %parallel_loop3A_241 = arith.index_cast %parallel_loop3A_75 : i32 to index
        %parallel_loop3A_242 = arith.constant 96 : index
        %parallel_loop3A_243 = tpu.vector_load %arg14[%parallel_loop3A_241, %parallel_loop3A_242] {strides = array<i32>} : memref<80x128xf32, #tpu.memory_space<vmem>>, vector<16xf32>,
        tpu.vector_store %arg14[%parallel_loop3A_241, %parallel_loop3A_242], %parallel_loop3A_240 {strides = array<i32>} : memref<80x128xf32, #tpu.memory_space<vmem>>, vector<16xf32>,
        %parallel_loop3A_244 = arith.mulf %parallel_loop3A_215, %parallel_loop3A_190 : vector<16xf32>
        %parallel_loop3A_245 = arith.index_cast %parallel_loop3A_75 : i32 to index
        %parallel_loop3A_246 = arith.constant 112 : index
        %parallel_loop3A_247 = tpu.vector_load %arg14[%parallel_loop3A_245, %parallel_loop3A_246] {strides = array<i32>} : memref<80x128xf32, #tpu.memory_space<vmem>>, vector<16xf32>,
        tpu.vector_store %arg14[%parallel_loop3A_245, %parallel_loop3A_246], %parallel_loop3A_244 {strides = array<i32>} : memref<80x128xf32, #tpu.memory_space<vmem>>, vector<16xf32>,
        %parallel_loop3A_248 = vector.broadcast %parallel_loop3A_75 : i32 to vector<16xi32>
        %parallel_loop3A_249 = tpu.vector_load_idx %arg11[%parallel_loop3A_248] : memref<80xi32, #tpu.memory_space<vmem>>[vector<16xi32>], vector<16xi32>,
        %parallel_loop3A_250 = arith.constant 5000 : i32
        %parallel_loop3A_251 = vector.broadcast %parallel_loop3A_250 : i32 to vector<16xi32>
        %parallel_loop3A_252 = arith.cmpi slt, %parallel_loop3A_249, %parallel_loop3A_251 : vector<16xi32>
        %parallel_loop3A_253 = arith.constant 0 : i32
        %parallel_loop3A_254 = vector.broadcast %parallel_loop3A_253 : i32 to vector<16xi32>
        %parallel_loop3A_255 = arith.select %parallel_loop3A_252, %parallel_loop3A_249, %parallel_loop3A_254 : vector<16xi1>, vector<16xi32>
        %parallel_loop3A_256 = arith.constant 2 : i32
        %parallel_loop3A_257 = vector.broadcast %parallel_loop3A_256 : i32 to vector<16xi32>
        %parallel_loop3A_258 = arith.muli %parallel_loop3A_257, %parallel_loop3A_255 : vector<16xi32>
        %parallel_loop3A_259 = arith.addi %parallel_loop3A_258, %iota3A : vector<16xi32>
        %parallel_loop3A_260 = arith.constant 0 : i32
        %parallel_loop3A_261 = vector.broadcast %parallel_loop3A_260 : i32 to vector<16xi32>
        %parallel_loop3A_262 = arith.cmpi eq, %iota3A, %parallel_loop3A_261 : vector<16xi32>
        %parallel_loop3A_263 = arith.select %parallel_loop3A_262, %parallel_loop3A_209, %parallel_loop3A_215 : vector<16xi1>, vector<16xf32>
        %parallel_loop3A_264 = arith.constant 7 : i32
        %parallel_loop3A_265 = vector.broadcast %parallel_loop3A_264 : i32 to vector<16xi32>
        %parallel_loop3A_266 = arith.shrui %parallel_loop3A_259, %parallel_loop3A_265 : vector<16xi32>
        %parallel_loop3A_267 = arith.constant 127 : i32
        %parallel_loop3A_268 = vector.broadcast %parallel_loop3A_267 : i32 to vector<16xi32>
        %parallel_loop3A_269 = arith.andi %parallel_loop3A_259, %parallel_loop3A_268 : vector<16xi32>
        %parallel_loop3A_270 = arith.andi %lt3A_41, %parallel_loop3A_252 : vector<16xi1>
        tpu.vector_store_idx %arg16[%parallel_loop3A_266, %parallel_loop3A_269], %parallel_loop3A_263 masked %parallel_loop3A_270 {add = true} : memref<80x128xf32, #tpu.memory_space<vmem>>[vector<16xi32>, vector<16xi32>], vector<16xf32>, vector<16xi1>
      } {sc.loop_unroll_factor = 4 : i64, sc.parallel_access}
      "tpu.region"() ({
        %run_scoped3A = tpu.sem_alloc : memref<!tpu.dma_semaphore, #tpu.memory_space<semaphore_mem>>
        %dma_start3A = arith.constant 0 : i32
        %dma_start3A_75 = arith.constant 0 : i32
        %dma_start3A_76 = tpu.memref_slice %arg17[%dma_start3A, %dma_start3A_75] : memref<5120x128xf32, #tpu.memory_space<vmem_shared>> -> memref<5120x128xf32, #tpu.memory_space<vmem_shared>>
        tpu.enqueue_indirect_dma source(%arg14 : memref<80x128xf32, #tpu.memory_space<vmem>>) target(%dma_start3A_76 : memref<5120x128xf32, #tpu.memory_space<vmem_shared>>) offsets(%arg11 : memref<80xi32, #tpu.memory_space<vmem>>) semaphore(%run_scoped3A : memref<!tpu.dma_semaphore, #tpu.memory_space<semaphore_mem>>) {add = true}
        %dma_wait3A = arith.constant 0 : i32
        %dma_wait3A_77 = arith.constant 0 : i32
        %dma_wait3A_78 = tpu.memref_slice %arg17[%dma_wait3A, %dma_wait3A_77] : memref<5120x128xf32, #tpu.memory_space<vmem_shared>> -> memref<5120x128xf32, #tpu.memory_space<vmem_shared>>
        tpu.wait_indirect_dma semaphore(%run_scoped3A : memref<!tpu.dma_semaphore, #tpu.memory_space<semaphore_mem>>) src(%arg14 : memref<80x128xf32, #tpu.memory_space<vmem>>) dst(%dma_wait3A_78 : memref<5120x128xf32, #tpu.memory_space<vmem_shared>>)
        tpu.yield
      }) : () -> ()
    }
    %scan3A_48 = arith.constant 250 : i32
    %barrier3A_49 = arith.constant 0 : index
    tpu.barrier barrier_id(%barrier3A_49)
    %mul3A_50 = arith.constant 5120 : i32
    %mul3A_51 = arith.muli %arg0, %mul3A_50 : i32
    %add3A_52 = arith.addi %mul3A_51, %mul3A_10 : i32
    "tpu.region"() ({
      %run_scoped3A = tpu.sem_alloc : memref<!tpu.dma_semaphore, #tpu.memory_space<semaphore_mem>>
      %dma_start3A = arith.constant 0 : i32
      %dma_start3A_58 = tpu.memref_slice %arg7[%add3A_52, %dma_start3A] : memref<10240x128xf32, #tpu.memory_space<hbm>> -> memref<320x128xf32, #tpu.memory_space<hbm>>
      %dma_start3A_59 = arith.constant 0 : i32
      %dma_start3A_60 = tpu.memref_slice %arg17[%mul3A_10, %dma_start3A_59] : memref<5120x128xf32, #tpu.memory_space<vmem_shared>> -> memref<320x128xf32, #tpu.memory_space<vmem_shared>>
      tpu.enqueue_dma source(%dma_start3A_60 : memref<320x128xf32, #tpu.memory_space<vmem_shared>>) target(%dma_start3A_58 : memref<320x128xf32, #tpu.memory_space<hbm>>) target_semaphore(%run_scoped3A : memref<!tpu.dma_semaphore, #tpu.memory_space<semaphore_mem>>)
      %dma_wait3A = arith.constant 0 : i32
      %dma_wait3A_61 = tpu.memref_slice %arg7[%add3A_52, %dma_wait3A] : memref<10240x128xf32, #tpu.memory_space<hbm>> -> memref<320x128xf32, #tpu.memory_space<hbm>>
      %dma_wait3A_62 = arith.constant 0 : i32
      %dma_wait3A_63 = tpu.memref_slice %arg17[%mul3A_10, %dma_wait3A_62] : memref<5120x128xf32, #tpu.memory_space<vmem_shared>> -> memref<320x128xf32, #tpu.memory_space<vmem_shared>>
      tpu.wait_dma2 semaphore(%run_scoped3A : memref<!tpu.dma_semaphore, #tpu.memory_space<semaphore_mem>>) src(%dma_wait3A_63 : memref<320x128xf32, #tpu.memory_space<vmem_shared>>) dst(%dma_wait3A_61 : memref<320x128xf32, #tpu.memory_space<hbm>>)
      tpu.yield
    }) : () -> ()
    %mul3A_53 = arith.constant 16 : i32
    %mul3A_54 = arith.muli %arg0, %mul3A_53 : i32
    %add3A_55 = arith.addi %mul3A_54, %arg1 : i32
    %mul3A_56 = arith.constant 80 : i32
    %mul3A_57 = arith.muli %add3A_55, %mul3A_56 : i32
    "tpu.region"() ({
      %run_scoped3A = tpu.sem_alloc : memref<!tpu.dma_semaphore, #tpu.memory_space<semaphore_mem>>
      %dma_start3A = arith.constant 0 : i32
      %dma_start3A_58 = tpu.memref_slice %arg8[%mul3A_57, %dma_start3A] : memref<2560x128xf32, #tpu.memory_space<hbm>> -> memref<80x128xf32, #tpu.memory_space<hbm>>
      %dma_start3A_59 = arith.constant 0 : i32
      %dma_start3A_60 = tpu.memref_slice %arg8[%mul3A_57, %dma_start3A_59] : memref<2560x128xf32, #tpu.memory_space<hbm>> -> memref<80x128xf32, #tpu.memory_space<hbm>>
      tpu.enqueue_dma source(%arg16 : memref<80x128xf32, #tpu.memory_space<vmem>>) target(%dma_start3A_60 : memref<80x128xf32, #tpu.memory_space<hbm>>) target_semaphore(%run_scoped3A : memref<!tpu.dma_semaphore, #tpu.memory_space<semaphore_mem>>)
      %dma_wait3A = arith.constant 0 : i32
      %dma_wait3A_61 = tpu.memref_slice %arg8[%mul3A_57, %dma_wait3A] : memref<2560x128xf32, #tpu.memory_space<hbm>> -> memref<80x128xf32, #tpu.memory_space<hbm>>
      %dma_wait3A_62 = arith.constant 0 : i32
      %dma_wait3A_63 = tpu.memref_slice %arg8[%mul3A_57, %dma_wait3A_62] : memref<2560x128xf32, #tpu.memory_space<hbm>> -> memref<80x128xf32, #tpu.memory_space<hbm>>
      tpu.wait_dma2 semaphore(%run_scoped3A : memref<!tpu.dma_semaphore, #tpu.memory_space<semaphore_mem>>) src(%arg16 : memref<80x128xf32, #tpu.memory_space<vmem>>) dst(%dma_wait3A_63 : memref<80x128xf32, #tpu.memory_space<hbm>>)
      tpu.yield
    }) : () -> ()
    return
  }
}

#map = affine_map<(d0, d1) -> (0)>
#map1 = affine_map<(d0, d1) -> (0, 0)>
module attributes {stable_mosaic.version = 14 : i64} {
  func.func @_sc2_body(%arg0: i32, %arg1: i32, %arg2: memref<320000xi32, #tpu.memory_space<hbm>>, %arg3: memref<320000xi32, #tpu.memory_space<hbm>>, %arg4: memref<10000x128xf32, #tpu.memory_space<hbm>>, %arg5: memref<10000x128xf32, #tpu.memory_space<hbm>>, %arg6: memref<128xf32, #tpu.memory_space<hbm>>, %arg7: memref<5120x128xf32, #tpu.memory_space<hbm>>, %arg8: memref<80xi32, #tpu.memory_space<vmem>>, %arg9: memref<80xi32, #tpu.memory_space<vmem>>, %arg10: memref<80xi32, #tpu.memory_space<vmem>>, %arg11: memref<80x128xf32, #tpu.memory_space<vmem>>, %arg12: memref<80x128xf32, #tpu.memory_space<vmem>>, %arg13: memref<80x128xf32, #tpu.memory_space<vmem>>, %arg14: memref<128xf32, #tpu.memory_space<vmem>>, %arg15: memref<2560x128xf32, #tpu.memory_space<vmem_shared>>) attributes {dimension_semantics = [#tpu.dimension_semantics<core_parallel>, #tpu.dimension_semantics<subcore_parallel>], iteration_bounds = array<i64: 2, 16>, scalar_prefetch = 0 : i64, scratch_operands = 8 : i64, tpu.core_type = #tpu.core_type<sc_vector_subcore>, window_params = [{transform_indices = #map}, {transform_indices = #map}, {transform_indices = #map1}, {transform_indices = #map1}, {transform_indices = #map}, {transform_indices = #map1}]} {
    %broadcast_in_dim3A = arith.constant 0.000000e+00 : f32
    %broadcast_in_dim3A_0 = vector.broadcast %broadcast_in_dim3A : f32 to vector<16xf32>
    %iota3A = tpu.iota {dimensions = array<i32: 0>} : vector<16xi32>
    %scan3A = arith.constant 0 : i32
    %scan3A_1 = arith.constant 80 : i32
    %scan3A_2 = arith.addi %scan3A, %scan3A_1 : i32
    %scan3A_3 = arith.constant 1 : i32
    scf.for %scan3A_33 = %scan3A to %scan3A_2 step %scan3A_3  : i32 {
      %mul3A_34 = arith.constant 1 : i32
      %mul3A_35 = arith.muli %scan3A_33, %mul3A_34 : i32
      %add3A_36 = arith.constant 0 : i32
      %add3A_37 = arith.addi %add3A_36, %mul3A_35 : i32
      %swap3A = arith.index_cast %add3A_37 : i32 to index
      %swap3A_38 = arith.constant 0 : index
      %swap3A_39 = tpu.vector_load %arg13[%swap3A, %swap3A_38] {strides = array<i32>} : memref<80x128xf32, #tpu.memory_space<vmem>>, vector<16xf32>,
      tpu.vector_store %arg13[%swap3A, %swap3A_38], %broadcast_in_dim3A_0 {strides = array<i32>} : memref<80x128xf32, #tpu.memory_space<vmem>>, vector<16xf32>,
      %swap3A_40 = arith.index_cast %add3A_37 : i32 to index
      %swap3A_41 = arith.constant 16 : index
      %swap3A_42 = tpu.vector_load %arg13[%swap3A_40, %swap3A_41] {strides = array<i32>} : memref<80x128xf32, #tpu.memory_space<vmem>>, vector<16xf32>,
      tpu.vector_store %arg13[%swap3A_40, %swap3A_41], %broadcast_in_dim3A_0 {strides = array<i32>} : memref<80x128xf32, #tpu.memory_space<vmem>>, vector<16xf32>,
      %swap3A_43 = arith.index_cast %add3A_37 : i32 to index
      %swap3A_44 = arith.constant 32 : index
      %swap3A_45 = tpu.vector_load %arg13[%swap3A_43, %swap3A_44] {strides = array<i32>} : memref<80x128xf32, #tpu.memory_space<vmem>>, vector<16xf32>,
      tpu.vector_store %arg13[%swap3A_43, %swap3A_44], %broadcast_in_dim3A_0 {strides = array<i32>} : memref<80x128xf32, #tpu.memory_space<vmem>>, vector<16xf32>,
      %swap3A_46 = arith.index_cast %add3A_37 : i32 to index
      %swap3A_47 = arith.constant 48 : index
      %swap3A_48 = tpu.vector_load %arg13[%swap3A_46, %swap3A_47] {strides = array<i32>} : memref<80x128xf32, #tpu.memory_space<vmem>>, vector<16xf32>,
      tpu.vector_store %arg13[%swap3A_46, %swap3A_47], %broadcast_in_dim3A_0 {strides = array<i32>} : memref<80x128xf32, #tpu.memory_space<vmem>>, vector<16xf32>,
      %swap3A_49 = arith.index_cast %add3A_37 : i32 to index
      %swap3A_50 = arith.constant 64 : index
      %swap3A_51 = tpu.vector_load %arg13[%swap3A_49, %swap3A_50] {strides = array<i32>} : memref<80x128xf32, #tpu.memory_space<vmem>>, vector<16xf32>,
      tpu.vector_store %arg13[%swap3A_49, %swap3A_50], %broadcast_in_dim3A_0 {strides = array<i32>} : memref<80x128xf32, #tpu.memory_space<vmem>>, vector<16xf32>,
      %swap3A_52 = arith.index_cast %add3A_37 : i32 to index
      %swap3A_53 = arith.constant 80 : index
      %swap3A_54 = tpu.vector_load %arg13[%swap3A_52, %swap3A_53] {strides = array<i32>} : memref<80x128xf32, #tpu.memory_space<vmem>>, vector<16xf32>,
      tpu.vector_store %arg13[%swap3A_52, %swap3A_53], %broadcast_in_dim3A_0 {strides = array<i32>} : memref<80x128xf32, #tpu.memory_space<vmem>>, vector<16xf32>,
      %swap3A_55 = arith.index_cast %add3A_37 : i32 to index
      %swap3A_56 = arith.constant 96 : index
      %swap3A_57 = tpu.vector_load %arg13[%swap3A_55, %swap3A_56] {strides = array<i32>} : memref<80x128xf32, #tpu.memory_space<vmem>>, vector<16xf32>,
      tpu.vector_store %arg13[%swap3A_55, %swap3A_56], %broadcast_in_dim3A_0 {strides = array<i32>} : memref<80x128xf32, #tpu.memory_space<vmem>>, vector<16xf32>,
      %swap3A_58 = arith.index_cast %add3A_37 : i32 to index
      %swap3A_59 = arith.constant 112 : index
      %swap3A_60 = tpu.vector_load %arg13[%swap3A_58, %swap3A_59] {strides = array<i32>} : memref<80x128xf32, #tpu.memory_space<vmem>>, vector<16xf32>,
      tpu.vector_store %arg13[%swap3A_58, %swap3A_59], %broadcast_in_dim3A_0 {strides = array<i32>} : memref<80x128xf32, #tpu.memory_space<vmem>>, vector<16xf32>,
    }
    %scan3A_4 = arith.constant 80 : i32
    %mul3A = arith.constant 160 : i32
    %mul3A_5 = arith.muli %arg1, %mul3A : i32
    %add3A = arith.constant 0 : i32
    %add3A_6 = arith.addi %mul3A_5, %add3A : i32
    "tpu.region"() ({
      %run_scoped3A = tpu.sem_alloc : memref<!tpu.dma_semaphore, #tpu.memory_space<semaphore_mem>>
      %dma_start3A = arith.constant 0 : i32
      %dma_start3A_33 = tpu.memref_slice %arg15[%add3A_6, %dma_start3A] : memref<2560x128xf32, #tpu.memory_space<vmem_shared>> -> memref<80x128xf32, #tpu.memory_space<vmem_shared>>
      %dma_start3A_34 = arith.constant 0 : i32
      %dma_start3A_35 = tpu.memref_slice %arg15[%add3A_6, %dma_start3A_34] : memref<2560x128xf32, #tpu.memory_space<vmem_shared>> -> memref<80x128xf32, #tpu.memory_space<vmem_shared>>
      tpu.enqueue_dma source(%arg13 : memref<80x128xf32, #tpu.memory_space<vmem>>) target(%dma_start3A_35 : memref<80x128xf32, #tpu.memory_space<vmem_shared>>) target_semaphore(%run_scoped3A : memref<!tpu.dma_semaphore, #tpu.memory_space<semaphore_mem>>)
      %dma_wait3A = arith.constant 0 : i32
      %dma_wait3A_36 = tpu.memref_slice %arg15[%add3A_6, %dma_wait3A] : memref<2560x128xf32, #tpu.memory_space<vmem_shared>> -> memref<80x128xf32, #tpu.memory_space<vmem_shared>>
      %dma_wait3A_37 = arith.constant 0 : i32
      %dma_wait3A_38 = tpu.memref_slice %arg15[%add3A_6, %dma_wait3A_37] : memref<2560x128xf32, #tpu.memory_space<vmem_shared>> -> memref<80x128xf32, #tpu.memory_space<vmem_shared>>
      tpu.wait_dma2 semaphore(%run_scoped3A : memref<!tpu.dma_semaphore, #tpu.memory_space<semaphore_mem>>) src(%arg13 : memref<80x128xf32, #tpu.memory_space<vmem>>) dst(%dma_wait3A_38 : memref<80x128xf32, #tpu.memory_space<vmem_shared>>)
      tpu.yield
    }) : () -> ()
    %add3A_7 = arith.constant 80 : i32
    %add3A_8 = arith.addi %mul3A_5, %add3A_7 : i32
    "tpu.region"() ({
      %run_scoped3A = tpu.sem_alloc : memref<!tpu.dma_semaphore, #tpu.memory_space<semaphore_mem>>
      %dma_start3A = arith.constant 0 : i32
      %dma_start3A_33 = tpu.memref_slice %arg15[%add3A_8, %dma_start3A] : memref<2560x128xf32, #tpu.memory_space<vmem_shared>> -> memref<80x128xf32, #tpu.memory_space<vmem_shared>>
      %dma_start3A_34 = arith.constant 0 : i32
      %dma_start3A_35 = tpu.memref_slice %arg15[%add3A_8, %dma_start3A_34] : memref<2560x128xf32, #tpu.memory_space<vmem_shared>> -> memref<80x128xf32, #tpu.memory_space<vmem_shared>>
      tpu.enqueue_dma source(%arg13 : memref<80x128xf32, #tpu.memory_space<vmem>>) target(%dma_start3A_35 : memref<80x128xf32, #tpu.memory_space<vmem_shared>>) target_semaphore(%run_scoped3A : memref<!tpu.dma_semaphore, #tpu.memory_space<semaphore_mem>>)
      %dma_wait3A = arith.constant 0 : i32
      %dma_wait3A_36 = tpu.memref_slice %arg15[%add3A_8, %dma_wait3A] : memref<2560x128xf32, #tpu.memory_space<vmem_shared>> -> memref<80x128xf32, #tpu.memory_space<vmem_shared>>
      %dma_wait3A_37 = arith.constant 0 : i32
      %dma_wait3A_38 = tpu.memref_slice %arg15[%add3A_8, %dma_wait3A_37] : memref<2560x128xf32, #tpu.memory_space<vmem_shared>> -> memref<80x128xf32, #tpu.memory_space<vmem_shared>>
      tpu.wait_dma2 semaphore(%run_scoped3A : memref<!tpu.dma_semaphore, #tpu.memory_space<semaphore_mem>>) src(%arg13 : memref<80x128xf32, #tpu.memory_space<vmem>>) dst(%dma_wait3A_38 : memref<80x128xf32, #tpu.memory_space<vmem_shared>>)
      tpu.yield
    }) : () -> ()
    "tpu.region"() ({
      %run_scoped3A = tpu.sem_alloc : memref<!tpu.dma_semaphore, #tpu.memory_space<semaphore_mem>>
      tpu.enqueue_dma source(%arg6 : memref<128xf32, #tpu.memory_space<hbm>>) target(%arg14 : memref<128xf32, #tpu.memory_space<vmem>>) target_semaphore(%run_scoped3A : memref<!tpu.dma_semaphore, #tpu.memory_space<semaphore_mem>>)
      tpu.wait_dma2 semaphore(%run_scoped3A : memref<!tpu.dma_semaphore, #tpu.memory_space<semaphore_mem>>) src(%arg6 : memref<128xf32, #tpu.memory_space<hbm>>) dst(%arg14 : memref<128xf32, #tpu.memory_space<vmem>>)
      tpu.yield
    }) : () -> ()
    %barrier3A = arith.constant 0 : index
    tpu.barrier barrier_id(%barrier3A)
    %get3A = arith.constant 0 : index
    %get3A_9 = tpu.vector_load %arg14[%get3A] {strides = array<i32>} : memref<128xf32, #tpu.memory_space<vmem>>, vector<16xf32>,
    %get3A_10 = arith.constant 16 : index
    %get3A_11 = tpu.vector_load %arg14[%get3A_10] {strides = array<i32>} : memref<128xf32, #tpu.memory_space<vmem>>, vector<16xf32>,
    %get3A_12 = arith.constant 32 : index
    %get3A_13 = tpu.vector_load %arg14[%get3A_12] {strides = array<i32>} : memref<128xf32, #tpu.memory_space<vmem>>, vector<16xf32>,
    %eq3A = arith.constant 8 : i32
    %eq3A_14 = vector.broadcast %eq3A : i32 to vector<16xi32>
    %eq3A_15 = arith.cmpi eq, %iota3A, %eq3A_14 : vector<16xi32>
    %jit3A = arith.constant 1.000000e+00 : f32
    %jit3A_16 = arith.constant 0.000000e+00 : f32
    %broadcast_in_dim3A_17 = vector.broadcast %jit3A : f32 to vector<16xf32>
    %broadcast_in_dim3A_18 = vector.broadcast %jit3A_16 : f32 to vector<16xf32>
    %select_n3A = arith.select %eq3A_15, %broadcast_in_dim3A_17, %broadcast_in_dim3A_18 : vector<16xi1>, vector<16xf32>
    %mul3A_19 = arith.constant 5000 : i32
    %mul3A_20 = arith.muli %arg0, %mul3A_19 : i32
    %broadcast_in_dim3A_21 = vector.broadcast %mul3A_20 : i32 to vector<16xi32>
    %broadcast_in_dim3A_22 = arith.constant 2520 : i32
    %broadcast_in_dim3A_23 = vector.broadcast %broadcast_in_dim3A_22 : i32 to vector<16xi32>
    %scan3A_24 = arith.constant 0 : i32
    %scan3A_25 = arith.constant 250 : i32
    %scan3A_26 = arith.addi %scan3A_24, %scan3A_25 : i32
    %scan3A_27 = arith.constant 1 : i32
    scf.for %scan3A_33 = %scan3A_24 to %scan3A_26 step %scan3A_27  : i32 {
      %mul3A_34 = arith.constant 1 : i32
      %mul3A_35 = arith.muli %scan3A_33, %mul3A_34 : i32
      %add3A_36 = arith.constant 0 : i32
      %add3A_37 = arith.addi %add3A_36, %mul3A_35 : i32
      %mul3A_38 = arith.constant 20000 : i32
      %mul3A_39 = arith.muli %arg1, %mul3A_38 : i32
      %mul3A_40 = arith.constant 80 : i32
      %mul3A_41 = arith.muli %add3A_37, %mul3A_40 : i32
      %add3A_42 = arith.addi %mul3A_39, %mul3A_41 : i32
      "tpu.region"() ({
        %run_scoped3A = tpu.sem_alloc : memref<!tpu.dma_semaphore, #tpu.memory_space<semaphore_mem>>
        %dma_start3A = tpu.memref_slice %arg2[%add3A_42] : memref<320000xi32, #tpu.memory_space<hbm>> -> memref<80xi32, #tpu.memory_space<hbm>>
        %dma_start3A_50 = tpu.memref_slice %arg2[%add3A_42] : memref<320000xi32, #tpu.memory_space<hbm>> -> memref<80xi32, #tpu.memory_space<hbm>>
        tpu.enqueue_dma source(%dma_start3A_50 : memref<80xi32, #tpu.memory_space<hbm>>) target(%arg8 : memref<80xi32, #tpu.memory_space<vmem>>) target_semaphore(%run_scoped3A : memref<!tpu.dma_semaphore, #tpu.memory_space<semaphore_mem>>)
        %dma_wait3A = tpu.memref_slice %arg2[%add3A_42] : memref<320000xi32, #tpu.memory_space<hbm>> -> memref<80xi32, #tpu.memory_space<hbm>>
        %dma_wait3A_51 = tpu.memref_slice %arg2[%add3A_42] : memref<320000xi32, #tpu.memory_space<hbm>> -> memref<80xi32, #tpu.memory_space<hbm>>
        tpu.wait_dma2 semaphore(%run_scoped3A : memref<!tpu.dma_semaphore, #tpu.memory_space<semaphore_mem>>) src(%dma_wait3A_51 : memref<80xi32, #tpu.memory_space<hbm>>) dst(%arg8 : memref<80xi32, #tpu.memory_space<vmem>>)
        tpu.yield
      }) : () -> ()
      "tpu.region"() ({
        %run_scoped3A = tpu.sem_alloc : memref<!tpu.dma_semaphore, #tpu.memory_space<semaphore_mem>>
        %dma_start3A = tpu.memref_slice %arg3[%add3A_42] : memref<320000xi32, #tpu.memory_space<hbm>> -> memref<80xi32, #tpu.memory_space<hbm>>
        %dma_start3A_50 = tpu.memref_slice %arg3[%add3A_42] : memref<320000xi32, #tpu.memory_space<hbm>> -> memref<80xi32, #tpu.memory_space<hbm>>
        tpu.enqueue_dma source(%dma_start3A_50 : memref<80xi32, #tpu.memory_space<hbm>>) target(%arg9 : memref<80xi32, #tpu.memory_space<vmem>>) target_semaphore(%run_scoped3A : memref<!tpu.dma_semaphore, #tpu.memory_space<semaphore_mem>>)
        %dma_wait3A = tpu.memref_slice %arg3[%add3A_42] : memref<320000xi32, #tpu.memory_space<hbm>> -> memref<80xi32, #tpu.memory_space<hbm>>
        %dma_wait3A_51 = tpu.memref_slice %arg3[%add3A_42] : memref<320000xi32, #tpu.memory_space<hbm>> -> memref<80xi32, #tpu.memory_space<hbm>>
        tpu.wait_dma2 semaphore(%run_scoped3A : memref<!tpu.dma_semaphore, #tpu.memory_space<semaphore_mem>>) src(%dma_wait3A_51 : memref<80xi32, #tpu.memory_space<hbm>>) dst(%arg9 : memref<80xi32, #tpu.memory_space<vmem>>)
        tpu.yield
      }) : () -> ()
      %scan3A_43 = arith.constant 0 : i32
      %scan3A_44 = arith.constant 5 : i32
      %scan3A_45 = arith.addi %scan3A_43, %scan3A_44 : i32
      %scan3A_46 = arith.constant 1 : i32
      scf.for %scan3A_50 = %scan3A_43 to %scan3A_45 step %scan3A_46  : i32 {
        %mul3A_51 = arith.constant 16 : i32
        %mul3A_52 = arith.muli %scan3A_50, %mul3A_51 : i32
        %add3A_53 = arith.constant 0 : i32
        %add3A_54 = arith.addi %add3A_53, %mul3A_52 : i32
        %get3A_55 = arith.index_cast %add3A_54 : i32 to index
        %get3A_56 = tpu.vector_load %arg9[%get3A_55] {strides = array<i32>} : memref<80xi32, #tpu.memory_space<vmem>>, vector<16xi32>,
        %sub3A = arith.subi %get3A_56, %broadcast_in_dim3A_21 : vector<16xi32>
        %ge3A = arith.constant 0 : i32
        %ge3A_57 = vector.broadcast %ge3A : i32 to vector<16xi32>
        %ge3A_58 = arith.cmpi sge, %sub3A, %ge3A_57 : vector<16xi32>
        %lt3A = arith.constant 5000 : i32
        %lt3A_59 = vector.broadcast %lt3A : i32 to vector<16xi32>
        %lt3A_60 = arith.cmpi slt, %sub3A, %lt3A_59 : vector<16xi32>
        %and3A = arith.andi %ge3A_58, %lt3A_60 : vector<16xi1>
        %shift_right_logical3A = arith.constant 1 : i32
        %shift_right_logical3A_61 = vector.broadcast %shift_right_logical3A : i32 to vector<16xi32>
        %shift_right_logical3A_62 = arith.shrui %sub3A, %shift_right_logical3A_61 : vector<16xi32>
        %select_n3A_63 = arith.select %and3A, %shift_right_logical3A_62, %broadcast_in_dim3A_23 : vector<16xi1>, vector<16xi32>
        %swap3A = arith.index_cast %add3A_54 : i32 to index
        %swap3A_64 = tpu.vector_load %arg10[%swap3A] {strides = array<i32>} : memref<80xi32, #tpu.memory_space<vmem>>, vector<16xi32>,
        tpu.vector_store %arg10[%swap3A], %select_n3A_63 {strides = array<i32>} : memref<80xi32, #tpu.memory_space<vmem>>, vector<16xi32>,
      }
      %scan3A_47 = arith.constant 5 : i32
      "tpu.region"() ({
        %run_scoped3A = tpu.sem_alloc : memref<!tpu.dma_semaphore, #tpu.memory_space<semaphore_mem>>
        %dma_start3A = arith.constant 0 : i32
        %dma_start3A_50 = arith.constant 0 : i32
        %dma_start3A_51 = tpu.memref_slice %arg4[%dma_start3A, %dma_start3A_50] : memref<10000x128xf32, #tpu.memory_space<hbm>> -> memref<10000x128xf32, #tpu.memory_space<hbm>>
        tpu.enqueue_indirect_dma source(%dma_start3A_51 : memref<10000x128xf32, #tpu.memory_space<hbm>>) target(%arg11 : memref<80x128xf32, #tpu.memory_space<vmem>>) offsets(%arg8 : memref<80xi32, #tpu.memory_space<vmem>>) semaphore(%run_scoped3A : memref<!tpu.dma_semaphore, #tpu.memory_space<semaphore_mem>>)
        %dma_wait3A = arith.constant 0 : i32
        %dma_wait3A_52 = arith.constant 0 : i32
        %dma_wait3A_53 = tpu.memref_slice %arg4[%dma_wait3A, %dma_wait3A_52] : memref<10000x128xf32, #tpu.memory_space<hbm>> -> memref<10000x128xf32, #tpu.memory_space<hbm>>
        tpu.wait_indirect_dma semaphore(%run_scoped3A : memref<!tpu.dma_semaphore, #tpu.memory_space<semaphore_mem>>) src(%dma_wait3A_53 : memref<10000x128xf32, #tpu.memory_space<hbm>>) dst(%arg11 : memref<80x128xf32, #tpu.memory_space<vmem>>)
        tpu.yield
      }) : () -> ()
      "tpu.region"() ({
        %run_scoped3A = tpu.sem_alloc : memref<!tpu.dma_semaphore, #tpu.memory_space<semaphore_mem>>
        %dma_start3A = arith.constant 0 : i32
        %dma_start3A_50 = arith.constant 0 : i32
        %dma_start3A_51 = tpu.memref_slice %arg5[%dma_start3A, %dma_start3A_50] : memref<10000x128xf32, #tpu.memory_space<hbm>> -> memref<10000x128xf32, #tpu.memory_space<hbm>>
        tpu.enqueue_indirect_dma source(%dma_start3A_51 : memref<10000x128xf32, #tpu.memory_space<hbm>>) target(%arg12 : memref<80x128xf32, #tpu.memory_space<vmem>>) offsets(%arg9 : memref<80xi32, #tpu.memory_space<vmem>>) semaphore(%run_scoped3A : memref<!tpu.dma_semaphore, #tpu.memory_space<semaphore_mem>>)
        %dma_wait3A = arith.constant 0 : i32
        %dma_wait3A_52 = arith.constant 0 : i32
        %dma_wait3A_53 = tpu.memref_slice %arg5[%dma_wait3A, %dma_wait3A_52] : memref<10000x128xf32, #tpu.memory_space<hbm>> -> memref<10000x128xf32, #tpu.memory_space<hbm>>
        tpu.wait_indirect_dma semaphore(%run_scoped3A : memref<!tpu.dma_semaphore, #tpu.memory_space<semaphore_mem>>) src(%dma_wait3A_53 : memref<10000x128xf32, #tpu.memory_space<hbm>>) dst(%arg12 : memref<80x128xf32, #tpu.memory_space<vmem>>)
        tpu.yield
      }) : () -> ()
      %parallel_loop3A = arith.constant 0 : i32
      %parallel_loop3A_48 = arith.constant 80 : i32
      %parallel_loop3A_49 = arith.constant 1 : i32
      scf.for %parallel_loop3A_50 = %parallel_loop3A to %parallel_loop3A_48 step %parallel_loop3A_49  : i32 {
        %parallel_loop3A_51 = arith.index_cast %parallel_loop3A_50 : i32 to index
        %parallel_loop3A_52 = arith.constant 0 : index
        %parallel_loop3A_53 = tpu.vector_load %arg11[%parallel_loop3A_51, %parallel_loop3A_52] {strides = array<i32>} : memref<80x128xf32, #tpu.memory_space<vmem>>, vector<16xf32>,
        %parallel_loop3A_54 = arith.index_cast %parallel_loop3A_50 : i32 to index
        %parallel_loop3A_55 = arith.constant 0 : index
        %parallel_loop3A_56 = tpu.vector_load %arg12[%parallel_loop3A_54, %parallel_loop3A_55] {strides = array<i32>} : memref<80x128xf32, #tpu.memory_space<vmem>>, vector<16xf32>,
        %parallel_loop3A_57 = arith.addf %parallel_loop3A_53, %parallel_loop3A_56 : vector<16xf32>
        %parallel_loop3A_58 = arith.constant 0.000000e+00 : f32
        %parallel_loop3A_59 = vector.broadcast %parallel_loop3A_58 : f32 to vector<16xf32>
        %parallel_loop3A_60 = arith.cmpf ogt, %parallel_loop3A_57, %parallel_loop3A_59 : vector<16xf32>
        %parallel_loop3A_61 = arith.constant 2.000000e-01 : f32
        %parallel_loop3A_62 = vector.broadcast %parallel_loop3A_61 : f32 to vector<16xf32>
        %parallel_loop3A_63 = arith.mulf %parallel_loop3A_62, %parallel_loop3A_57 : vector<16xf32>
        %parallel_loop3A_64 = arith.select %parallel_loop3A_60, %parallel_loop3A_57, %parallel_loop3A_63 : vector<16xi1>, vector<16xf32>
        %parallel_loop3A_65 = arith.mulf %parallel_loop3A_64, %get3A_9 : vector<16xf32>
        %parallel_loop3A_66 = arith.addf %broadcast_in_dim3A_0, %parallel_loop3A_65 : vector<16xf32>
        %parallel_loop3A_67 = arith.index_cast %parallel_loop3A_50 : i32 to index
        %parallel_loop3A_68 = arith.constant 16 : index
        %parallel_loop3A_69 = tpu.vector_load %arg11[%parallel_loop3A_67, %parallel_loop3A_68] {strides = array<i32>} : memref<80x128xf32, #tpu.memory_space<vmem>>, vector<16xf32>,
        %parallel_loop3A_70 = arith.index_cast %parallel_loop3A_50 : i32 to index
        %parallel_loop3A_71 = arith.constant 16 : index
        %parallel_loop3A_72 = tpu.vector_load %arg12[%parallel_loop3A_70, %parallel_loop3A_71] {strides = array<i32>} : memref<80x128xf32, #tpu.memory_space<vmem>>, vector<16xf32>,
        %parallel_loop3A_73 = arith.addf %parallel_loop3A_69, %parallel_loop3A_72 : vector<16xf32>
        %parallel_loop3A_74 = arith.constant 0.000000e+00 : f32
        %parallel_loop3A_75 = vector.broadcast %parallel_loop3A_74 : f32 to vector<16xf32>
        %parallel_loop3A_76 = arith.cmpf ogt, %parallel_loop3A_73, %parallel_loop3A_75 : vector<16xf32>
        %parallel_loop3A_77 = arith.constant 2.000000e-01 : f32
        %parallel_loop3A_78 = vector.broadcast %parallel_loop3A_77 : f32 to vector<16xf32>
        %parallel_loop3A_79 = arith.mulf %parallel_loop3A_78, %parallel_loop3A_73 : vector<16xf32>
        %parallel_loop3A_80 = arith.select %parallel_loop3A_76, %parallel_loop3A_73, %parallel_loop3A_79 : vector<16xi1>, vector<16xf32>
        %parallel_loop3A_81 = arith.mulf %parallel_loop3A_80, %get3A_11 : vector<16xf32>
        %parallel_loop3A_82 = arith.addf %parallel_loop3A_66, %parallel_loop3A_81 : vector<16xf32>
        %parallel_loop3A_83 = arith.index_cast %parallel_loop3A_50 : i32 to index
        %parallel_loop3A_84 = arith.constant 32 : index
        %parallel_loop3A_85 = tpu.vector_load %arg11[%parallel_loop3A_83, %parallel_loop3A_84] {strides = array<i32>} : memref<80x128xf32, #tpu.memory_space<vmem>>, vector<16xf32>,
        %parallel_loop3A_86 = arith.index_cast %parallel_loop3A_50 : i32 to index
        %parallel_loop3A_87 = arith.constant 32 : index
        %parallel_loop3A_88 = tpu.vector_load %arg12[%parallel_loop3A_86, %parallel_loop3A_87] {strides = array<i32>} : memref<80x128xf32, #tpu.memory_space<vmem>>, vector<16xf32>,
        %parallel_loop3A_89 = arith.addf %parallel_loop3A_85, %parallel_loop3A_88 : vector<16xf32>
        %parallel_loop3A_90 = arith.constant 0.000000e+00 : f32
        %parallel_loop3A_91 = vector.broadcast %parallel_loop3A_90 : f32 to vector<16xf32>
        %parallel_loop3A_92 = arith.cmpf ogt, %parallel_loop3A_89, %parallel_loop3A_91 : vector<16xf32>
        %parallel_loop3A_93 = arith.constant 2.000000e-01 : f32
        %parallel_loop3A_94 = vector.broadcast %parallel_loop3A_93 : f32 to vector<16xf32>
        %parallel_loop3A_95 = arith.mulf %parallel_loop3A_94, %parallel_loop3A_89 : vector<16xf32>
        %parallel_loop3A_96 = arith.select %parallel_loop3A_92, %parallel_loop3A_89, %parallel_loop3A_95 : vector<16xi1>, vector<16xf32>
        %parallel_loop3A_97 = arith.mulf %parallel_loop3A_96, %get3A_13 : vector<16xf32>
        %parallel_loop3A_98 = arith.addf %parallel_loop3A_82, %parallel_loop3A_97 : vector<16xf32>
        %parallel_loop3A_99 = arith.constant true
        %parallel_loop3A_100 = vector.broadcast %parallel_loop3A_99 : i1 to vector<16xi1>
        %parallel_loop3A_101 = tpu.scan <sum>, %parallel_loop3A_98 masked %parallel_loop3A_100 : vector<16xf32>, vector<16xi1> -> vector<16xf32>
        %parallel_loop3A_102 = vector.extract %parallel_loop3A_101[15] : f32 from vector<16xf32>
        %parallel_loop3A_103 = vector.broadcast %parallel_loop3A_102 : f32 to vector<16xf32>
        %parallel_loop3A_104 = math.exp %parallel_loop3A_103 : vector<16xf32>
        %parallel_loop3A_105 = arith.mulf %parallel_loop3A_104, %parallel_loop3A_53 : vector<16xf32>
        %parallel_loop3A_106 = arith.mulf %parallel_loop3A_104, %parallel_loop3A_69 : vector<16xf32>
        %parallel_loop3A_107 = arith.addf %parallel_loop3A_85, %select_n3A : vector<16xf32>
        %parallel_loop3A_108 = arith.mulf %parallel_loop3A_104, %parallel_loop3A_107 : vector<16xf32>
        %parallel_loop3A_109 = vector.broadcast %parallel_loop3A_50 : i32 to vector<16xi32>
        %parallel_loop3A_110 = tpu.vector_load_idx %arg9[%parallel_loop3A_109] : memref<80xi32, #tpu.memory_space<vmem>>[vector<16xi32>], vector<16xi32>,
        %parallel_loop3A_111 = arith.constant 1 : i32
        %parallel_loop3A_112 = vector.broadcast %parallel_loop3A_111 : i32 to vector<16xi32>
        %parallel_loop3A_113 = arith.andi %parallel_loop3A_110, %parallel_loop3A_112 : vector<16xi32>
        %parallel_loop3A_114 = arith.constant 1 : i32
        %parallel_loop3A_115 = vector.broadcast %parallel_loop3A_114 : i32 to vector<16xi32>
        %parallel_loop3A_116 = arith.cmpi eq, %parallel_loop3A_113, %parallel_loop3A_115 : vector<16xi32>
        %parallel_loop3A_117 = arith.constant 0.000000e+00 : f32
        %parallel_loop3A_118 = vector.broadcast %parallel_loop3A_117 : f32 to vector<16xf32>
        %parallel_loop3A_119 = arith.select %parallel_loop3A_116, %parallel_loop3A_118, %parallel_loop3A_105 : vector<16xi1>, vector<16xf32>
        %parallel_loop3A_120 = arith.index_cast %parallel_loop3A_50 : i32 to index
        %parallel_loop3A_121 = arith.constant 0 : index
        %parallel_loop3A_122 = tpu.vector_load %arg13[%parallel_loop3A_120, %parallel_loop3A_121] {strides = array<i32>} : memref<80x128xf32, #tpu.memory_space<vmem>>, vector<16xf32>,
        tpu.vector_store %arg13[%parallel_loop3A_120, %parallel_loop3A_121], %parallel_loop3A_119 {strides = array<i32>} : memref<80x128xf32, #tpu.memory_space<vmem>>, vector<16xf32>,
        %parallel_loop3A_123 = arith.constant 0.000000e+00 : f32
        %parallel_loop3A_124 = vector.broadcast %parallel_loop3A_123 : f32 to vector<16xf32>
        %parallel_loop3A_125 = arith.select %parallel_loop3A_116, %parallel_loop3A_105, %parallel_loop3A_124 : vector<16xi1>, vector<16xf32>
        %parallel_loop3A_126 = arith.index_cast %parallel_loop3A_50 : i32 to index
        %parallel_loop3A_127 = arith.constant 64 : index
        %parallel_loop3A_128 = tpu.vector_load %arg13[%parallel_loop3A_126, %parallel_loop3A_127] {strides = array<i32>} : memref<80x128xf32, #tpu.memory_space<vmem>>, vector<16xf32>,
        tpu.vector_store %arg13[%parallel_loop3A_126, %parallel_loop3A_127], %parallel_loop3A_125 {strides = array<i32>} : memref<80x128xf32, #tpu.memory_space<vmem>>, vector<16xf32>,
        %parallel_loop3A_129 = arith.constant 0.000000e+00 : f32
        %parallel_loop3A_130 = vector.broadcast %parallel_loop3A_129 : f32 to vector<16xf32>
        %parallel_loop3A_131 = arith.select %parallel_loop3A_116, %parallel_loop3A_130, %parallel_loop3A_106 : vector<16xi1>, vector<16xf32>
        %parallel_loop3A_132 = arith.index_cast %parallel_loop3A_50 : i32 to index
        %parallel_loop3A_133 = arith.constant 16 : index
        %parallel_loop3A_134 = tpu.vector_load %arg13[%parallel_loop3A_132, %parallel_loop3A_133] {strides = array<i32>} : memref<80x128xf32, #tpu.memory_space<vmem>>, vector<16xf32>,
        tpu.vector_store %arg13[%parallel_loop3A_132, %parallel_loop3A_133], %parallel_loop3A_131 {strides = array<i32>} : memref<80x128xf32, #tpu.memory_space<vmem>>, vector<16xf32>,
        %parallel_loop3A_135 = arith.constant 0.000000e+00 : f32
        %parallel_loop3A_136 = vector.broadcast %parallel_loop3A_135 : f32 to vector<16xf32>
        %parallel_loop3A_137 = arith.select %parallel_loop3A_116, %parallel_loop3A_106, %parallel_loop3A_136 : vector<16xi1>, vector<16xf32>
        %parallel_loop3A_138 = arith.index_cast %parallel_loop3A_50 : i32 to index
        %parallel_loop3A_139 = arith.constant 80 : index
        %parallel_loop3A_140 = tpu.vector_load %arg13[%parallel_loop3A_138, %parallel_loop3A_139] {strides = array<i32>} : memref<80x128xf32, #tpu.memory_space<vmem>>, vector<16xf32>,
        tpu.vector_store %arg13[%parallel_loop3A_138, %parallel_loop3A_139], %parallel_loop3A_137 {strides = array<i32>} : memref<80x128xf32, #tpu.memory_space<vmem>>, vector<16xf32>,
        %parallel_loop3A_141 = arith.constant 0.000000e+00 : f32
        %parallel_loop3A_142 = vector.broadcast %parallel_loop3A_141 : f32 to vector<16xf32>
        %parallel_loop3A_143 = arith.select %parallel_loop3A_116, %parallel_loop3A_142, %parallel_loop3A_108 : vector<16xi1>, vector<16xf32>
        %parallel_loop3A_144 = arith.index_cast %parallel_loop3A_50 : i32 to index
        %parallel_loop3A_145 = arith.constant 32 : index
        %parallel_loop3A_146 = tpu.vector_load %arg13[%parallel_loop3A_144, %parallel_loop3A_145] {strides = array<i32>} : memref<80x128xf32, #tpu.memory_space<vmem>>, vector<16xf32>,
        tpu.vector_store %arg13[%parallel_loop3A_144, %parallel_loop3A_145], %parallel_loop3A_143 {strides = array<i32>} : memref<80x128xf32, #tpu.memory_space<vmem>>, vector<16xf32>,
        %parallel_loop3A_147 = arith.constant 0.000000e+00 : f32
        %parallel_loop3A_148 = vector.broadcast %parallel_loop3A_147 : f32 to vector<16xf32>
        %parallel_loop3A_149 = arith.select %parallel_loop3A_116, %parallel_loop3A_108, %parallel_loop3A_148 : vector<16xi1>, vector<16xf32>
        %parallel_loop3A_150 = arith.index_cast %parallel_loop3A_50 : i32 to index
        %parallel_loop3A_151 = arith.constant 96 : index
        %parallel_loop3A_152 = tpu.vector_load %arg13[%parallel_loop3A_150, %parallel_loop3A_151] {strides = array<i32>} : memref<80x128xf32, #tpu.memory_space<vmem>>, vector<16xf32>,
        tpu.vector_store %arg13[%parallel_loop3A_150, %parallel_loop3A_151], %parallel_loop3A_149 {strides = array<i32>} : memref<80x128xf32, #tpu.memory_space<vmem>>, vector<16xf32>,
      } {sc.loop_unroll_factor = 4 : i64, sc.parallel_access}
      "tpu.region"() ({
        %run_scoped3A = tpu.sem_alloc : memref<!tpu.dma_semaphore, #tpu.memory_space<semaphore_mem>>
        %dma_start3A = arith.constant 0 : i32
        %dma_start3A_50 = arith.constant 0 : i32
        %dma_start3A_51 = tpu.memref_slice %arg15[%dma_start3A, %dma_start3A_50] : memref<2560x128xf32, #tpu.memory_space<vmem_shared>> -> memref<2560x128xf32, #tpu.memory_space<vmem_shared>>
        tpu.enqueue_indirect_dma source(%arg13 : memref<80x128xf32, #tpu.memory_space<vmem>>) target(%dma_start3A_51 : memref<2560x128xf32, #tpu.memory_space<vmem_shared>>) offsets(%arg10 : memref<80xi32, #tpu.memory_space<vmem>>) semaphore(%run_scoped3A : memref<!tpu.dma_semaphore, #tpu.memory_space<semaphore_mem>>) {add = true}
        %dma_wait3A = arith.constant 0 : i32
        %dma_wait3A_52 = arith.constant 0 : i32
        %dma_wait3A_53 = tpu.memref_slice %arg15[%dma_wait3A, %dma_wait3A_52] : memref<2560x128xf32, #tpu.memory_space<vmem_shared>> -> memref<2560x128xf32, #tpu.memory_space<vmem_shared>>
        tpu.wait_indirect_dma semaphore(%run_scoped3A : memref<!tpu.dma_semaphore, #tpu.memory_space<semaphore_mem>>) src(%arg13 : memref<80x128xf32, #tpu.memory_space<vmem>>) dst(%dma_wait3A_53 : memref<2560x128xf32, #tpu.memory_space<vmem_shared>>)
        tpu.yield
      }) : () -> ()
    }
    %scan3A_28 = arith.constant 250 : i32
    %barrier3A_29 = arith.constant 0 : index
    tpu.barrier barrier_id(%barrier3A_29)
    %mul3A_30 = arith.constant 2560 : i32
    %mul3A_31 = arith.muli %arg0, %mul3A_30 : i32
    %add3A_32 = arith.addi %mul3A_31, %mul3A_5 : i32
    "tpu.region"() ({
      %run_scoped3A = tpu.sem_alloc : memref<!tpu.dma_semaphore, #tpu.memory_space<semaphore_mem>>
      %dma_start3A = arith.constant 0 : i32
      %dma_start3A_33 = tpu.memref_slice %arg7[%add3A_32, %dma_start3A] : memref<5120x128xf32, #tpu.memory_space<hbm>> -> memref<160x128xf32, #tpu.memory_space<hbm>>
      %dma_start3A_34 = arith.constant 0 : i32
      %dma_start3A_35 = tpu.memref_slice %arg15[%mul3A_5, %dma_start3A_34] : memref<2560x128xf32, #tpu.memory_space<vmem_shared>> -> memref<160x128xf32, #tpu.memory_space<vmem_shared>>
      tpu.enqueue_dma source(%dma_start3A_35 : memref<160x128xf32, #tpu.memory_space<vmem_shared>>) target(%dma_start3A_33 : memref<160x128xf32, #tpu.memory_space<hbm>>) target_semaphore(%run_scoped3A : memref<!tpu.dma_semaphore, #tpu.memory_space<semaphore_mem>>)
      %dma_wait3A = arith.constant 0 : i32
      %dma_wait3A_36 = tpu.memref_slice %arg7[%add3A_32, %dma_wait3A] : memref<5120x128xf32, #tpu.memory_space<hbm>> -> memref<160x128xf32, #tpu.memory_space<hbm>>
      %dma_wait3A_37 = arith.constant 0 : i32
      %dma_wait3A_38 = tpu.memref_slice %arg15[%mul3A_5, %dma_wait3A_37] : memref<2560x128xf32, #tpu.memory_space<vmem_shared>> -> memref<160x128xf32, #tpu.memory_space<vmem_shared>>
      tpu.wait_dma2 semaphore(%run_scoped3A : memref<!tpu.dma_semaphore, #tpu.memory_space<semaphore_mem>>) src(%dma_wait3A_38 : memref<160x128xf32, #tpu.memory_space<vmem_shared>>) dst(%dma_wait3A_36 : memref<160x128xf32, #tpu.memory_space<hbm>>)
      tpu.yield
    }) : () -> ()
    return
  }
}

module attributes {stable_mosaic.version = 14 : i64} {
  func.func @_proj1_body(%arg0: i32, %arg1: memref<2000x128xf32, #tpu.memory_space<vmem>>, %arg2: memref<128x256xf32, #tpu.memory_space<vmem>>, %arg3: memref<128x256xf32, #tpu.memory_space<vmem>>, %arg4: memref<2x2000x128xf32, #tpu.memory_space<vmem>>, %arg5: memref<2x2000x128xf32, #tpu.memory_space<vmem>>) attributes {dimension_semantics = [#tpu.dimension_semantics<arbitrary>], iteration_bounds = array<i64: 5>, scalar_prefetch = 0 : i64, scratch_operands = 0 : i64, tpu.core_type = #tpu.core_type<tc>, window_params = [{transform_indices = @transform_0, window_bounds = array<i64: 2000, 128>}, {pipeline_mode = #tpu.pipeline_mode<synchronous>, transform_indices = @transform_1, window_bounds = array<i64: 128, 256>}, {pipeline_mode = #tpu.pipeline_mode<synchronous>, transform_indices = @transform_2, window_bounds = array<i64: 128, 256>}, {transform_indices = @transform_3, window_bounds = array<i64: 2, 2000, 128>}, {transform_indices = @transform_4, window_bounds = array<i64: 2, 2000, 128>}]} {
    %get3A = arith.constant 0 : index
    %get3A_0 = arith.constant 0 : index
    %get3A_1 = vector.load %arg1[%get3A, %get3A_0] : memref<2000x128xf32, #tpu.memory_space<vmem>>, vector<2000x128xf32>
    %get3A_2 = arith.constant 0 : index
    %get3A_3 = arith.constant 0 : index
    %get3A_4 = vector.load %arg2[%get3A_2, %get3A_3] : memref<128x256xf32, #tpu.memory_space<vmem>>, vector<128x256xf32>
    %dot_general3A = arith.constant dense<0.000000e+00> : vector<2000x256xf32>
    %dot_general3A_5 = tpu.matmul %get3A_1, %get3A_4, %dot_general3A {dimension_numbers = #tpu.dot_dimension_numbers<[1], [0], [0], [1], [0, 0, 1, 1], [], []>, transpose_lhs_hint = false} : vector<2000x128xf32>, vector<128x256xf32>, vector<2000x256xf32> -> vector<2000x256xf32>
    %get3A_6 = arith.constant 0 : index
    %get3A_7 = arith.constant 0 : index
    %get3A_8 = vector.load %arg3[%get3A_6, %get3A_7] : memref<128x256xf32, #tpu.memory_space<vmem>>, vector<128x256xf32>
    %dot_general3A_9 = arith.constant dense<0.000000e+00> : vector<2000x256xf32>
    %dot_general3A_10 = tpu.matmul %get3A_1, %get3A_8, %dot_general3A_9 {dimension_numbers = #tpu.dot_dimension_numbers<[1], [0], [0], [1], [0, 0, 1, 1], [], []>, transpose_lhs_hint = false} : vector<2000x128xf32>, vector<128x256xf32>, vector<2000x256xf32> -> vector<2000x256xf32>
    %slice3A = vector.extract_strided_slice %dot_general3A_5 {offsets = [0, 0], sizes = [2000, 128], strides = [1, 1]} : vector<2000x256xf32> to vector<2000x128xf32>
    %swap3A = arith.constant 0 : index
    %swap3A_11 = arith.constant 0 : index
    %swap3A_12 = arith.constant 0 : index
    %swap3A_13 = vector.load %arg4[%swap3A, %swap3A_11, %swap3A_12] : memref<2x2000x128xf32, #tpu.memory_space<vmem>>, vector<1x2000x128xf32>
    %swap3A_14 = vector.shape_cast %swap3A_13 : vector<1x2000x128xf32> to vector<2000x128xf32>
    %swap3A_15 = vector.shape_cast %slice3A : vector<2000x128xf32> to vector<1x2000x128xf32>
    tpu.vector_store %arg4[%swap3A, %swap3A_11, %swap3A_12], %swap3A_15 {strides = array<i32>} : memref<2x2000x128xf32, #tpu.memory_space<vmem>>, vector<1x2000x128xf32>,
    %slice3A_16 = vector.extract_strided_slice %dot_general3A_5 {offsets = [0, 128], sizes = [2000, 128], strides = [1, 1]} : vector<2000x256xf32> to vector<2000x128xf32>
    %swap3A_17 = arith.constant 1 : index
    %swap3A_18 = arith.constant 0 : index
    %swap3A_19 = arith.constant 0 : index
    %swap3A_20 = vector.load %arg4[%swap3A_17, %swap3A_18, %swap3A_19] : memref<2x2000x128xf32, #tpu.memory_space<vmem>>, vector<1x2000x128xf32>
    %swap3A_21 = vector.shape_cast %swap3A_20 : vector<1x2000x128xf32> to vector<2000x128xf32>
    %swap3A_22 = vector.shape_cast %slice3A_16 : vector<2000x128xf32> to vector<1x2000x128xf32>
    tpu.vector_store %arg4[%swap3A_17, %swap3A_18, %swap3A_19], %swap3A_22 {strides = array<i32>} : memref<2x2000x128xf32, #tpu.memory_space<vmem>>, vector<1x2000x128xf32>,
    %slice3A_23 = vector.extract_strided_slice %dot_general3A_10 {offsets = [0, 0], sizes = [2000, 128], strides = [1, 1]} : vector<2000x256xf32> to vector<2000x128xf32>
    %swap3A_24 = arith.constant 0 : index
    %swap3A_25 = arith.constant 0 : index
    %swap3A_26 = arith.constant 0 : index
    %swap3A_27 = vector.load %arg5[%swap3A_24, %swap3A_25, %swap3A_26] : memref<2x2000x128xf32, #tpu.memory_space<vmem>>, vector<1x2000x128xf32>
    %swap3A_28 = vector.shape_cast %swap3A_27 : vector<1x2000x128xf32> to vector<2000x128xf32>
    %swap3A_29 = vector.shape_cast %slice3A_23 : vector<2000x128xf32> to vector<1x2000x128xf32>
    tpu.vector_store %arg5[%swap3A_24, %swap3A_25, %swap3A_26], %swap3A_29 {strides = array<i32>} : memref<2x2000x128xf32, #tpu.memory_space<vmem>>, vector<1x2000x128xf32>,
    %slice3A_30 = vector.extract_strided_slice %dot_general3A_10 {offsets = [0, 128], sizes = [2000, 128], strides = [1, 1]} : vector<2000x256xf32> to vector<2000x128xf32>
    %swap3A_31 = arith.constant 1 : index
    %swap3A_32 = arith.constant 0 : index
    %swap3A_33 = arith.constant 0 : index
    %swap3A_34 = vector.load %arg5[%swap3A_31, %swap3A_32, %swap3A_33] : memref<2x2000x128xf32, #tpu.memory_space<vmem>>, vector<1x2000x128xf32>
    %swap3A_35 = vector.shape_cast %swap3A_34 : vector<1x2000x128xf32> to vector<2000x128xf32>
    %swap3A_36 = vector.shape_cast %slice3A_30 : vector<2000x128xf32> to vector<1x2000x128xf32>
    tpu.vector_store %arg5[%swap3A_31, %swap3A_32, %swap3A_33], %swap3A_36 {strides = array<i32>} : memref<2x2000x128xf32, #tpu.memory_space<vmem>>, vector<1x2000x128xf32>,
    return
  }
  func.func @transform_0(%arg0: i32) -> (i32, i32) {
    %c0_i32 = arith.constant 0 : i32
    %c0_i32_0 = arith.constant 0 : i32
    return %arg0, %c0_i32 : i32, i32
  }
  func.func @transform_1(%arg0: i32) -> (i32, i32) {
    %c0_i32 = arith.constant 0 : i32
    %c0_i32_0 = arith.constant 0 : i32
    %c0_i32_1 = arith.constant 0 : i32
    return %c0_i32, %c0_i32_0 : i32, i32
  }
  func.func @transform_2(%arg0: i32) -> (i32, i32) {
    %c0_i32 = arith.constant 0 : i32
    %c0_i32_0 = arith.constant 0 : i32
    %c0_i32_1 = arith.constant 0 : i32
    return %c0_i32, %c0_i32_0 : i32, i32
  }
  func.func @transform_3(%arg0: i32) -> (i32, i32, i32) {
    %c0_i32 = arith.constant 0 : i32
    %c0_i32_0 = arith.constant 0 : i32
    %c0_i32_1 = arith.constant 0 : i32
    return %c0_i32, %arg0, %c0_i32_0 : i32, i32, i32
  }
  func.func @transform_4(%arg0: i32) -> (i32, i32, i32) {
    %c0_i32 = arith.constant 0 : i32
    %c0_i32_0 = arith.constant 0 : i32
    %c0_i32_1 = arith.constant 0 : i32
    return %c0_i32, %arg0, %c0_i32_0 : i32, i32, i32
  }
}

module attributes {stable_mosaic.version = 14 : i64} {
  func.func @_dmerge_body(%arg0: i32, %arg1: memref<80x128xf32, #tpu.memory_space<vmem>>, %arg2: memref<80x128xf32, #tpu.memory_space<vmem>>, %arg3: memref<80x128xf32, #tpu.memory_space<vmem>>, %arg4: memref<80x128xf32, #tpu.memory_space<vmem>>, %arg5: memref<80x128xf32, #tpu.memory_space<vmem>>, %arg6: memref<80x128xf32, #tpu.memory_space<vmem>>, %arg7: memref<80x128xf32, #tpu.memory_space<vmem>>, %arg8: memref<80x128xf32, #tpu.memory_space<vmem>>, %arg9: memref<80x128xf32, #tpu.memory_space<vmem>>, %arg10: memref<80x128xf32, #tpu.memory_space<vmem>>, %arg11: memref<80x128xf32, #tpu.memory_space<vmem>>, %arg12: memref<80x128xf32, #tpu.memory_space<vmem>>, %arg13: memref<80x128xf32, #tpu.memory_space<vmem>>, %arg14: memref<80x128xf32, #tpu.memory_space<vmem>>, %arg15: memref<80x128xf32, #tpu.memory_space<vmem>>, %arg16: memref<80x128xf32, #tpu.memory_space<vmem>>, %arg17: memref<80x128xf32, #tpu.memory_space<vmem>>) attributes {dimension_semantics = [#tpu.dimension_semantics<arbitrary>], iteration_bounds = array<i64: 2>, scalar_prefetch = 0 : i64, scratch_operands = 0 : i64, tpu.core_type = #tpu.core_type<tc>, window_params = [{transform_indices = @transform_0, window_bounds = array<i64: 80, 128>}, {transform_indices = @transform_1, window_bounds = array<i64: 80, 128>}, {transform_indices = @transform_2, window_bounds = array<i64: 80, 128>}, {transform_indices = @transform_3, window_bounds = array<i64: 80, 128>}, {transform_indices = @transform_4, window_bounds = array<i64: 80, 128>}, {transform_indices = @transform_5, window_bounds = array<i64: 80, 128>}, {transform_indices = @transform_6, window_bounds = array<i64: 80, 128>}, {transform_indices = @transform_7, window_bounds = array<i64: 80, 128>}, {transform_indices = @transform_8, window_bounds = array<i64: 80, 128>}, {transform_indices = @transform_9, window_bounds = array<i64: 80, 128>}, {transform_indices = @transform_10, window_bounds = array<i64: 80, 128>}, {transform_indices = @transform_11, window_bounds = array<i64: 80, 128>}, {transform_indices = @transform_12, window_bounds = array<i64: 80, 128>}, {transform_indices = @transform_13, window_bounds = array<i64: 80, 128>}, {transform_indices = @transform_14, window_bounds = array<i64: 80, 128>}, {transform_indices = @transform_15, window_bounds = array<i64: 80, 128>}, {transform_indices = @transform_16, window_bounds = array<i64: 80, 128>}]} {
    %get3A = arith.constant 0 : index
    %get3A_0 = arith.constant 0 : index
    %get3A_1 = vector.load %arg1[%get3A, %get3A_0] : memref<80x128xf32, #tpu.memory_space<vmem>>, vector<80x128xf32>
    %get3A_2 = arith.constant 0 : index
    %get3A_3 = arith.constant 0 : index
    %get3A_4 = vector.load %arg2[%get3A_2, %get3A_3] : memref<80x128xf32, #tpu.memory_space<vmem>>, vector<80x128xf32>
    %add3A = arith.addf %get3A_1, %get3A_4 : vector<80x128xf32>
    %get3A_5 = arith.constant 0 : index
    %get3A_6 = arith.constant 0 : index
    %get3A_7 = vector.load %arg3[%get3A_5, %get3A_6] : memref<80x128xf32, #tpu.memory_space<vmem>>, vector<80x128xf32>
    %add3A_8 = arith.addf %add3A, %get3A_7 : vector<80x128xf32>
    %get3A_9 = arith.constant 0 : index
    %get3A_10 = arith.constant 0 : index
    %get3A_11 = vector.load %arg4[%get3A_9, %get3A_10] : memref<80x128xf32, #tpu.memory_space<vmem>>, vector<80x128xf32>
    %add3A_12 = arith.addf %add3A_8, %get3A_11 : vector<80x128xf32>
    %get3A_13 = arith.constant 0 : index
    %get3A_14 = arith.constant 0 : index
    %get3A_15 = vector.load %arg5[%get3A_13, %get3A_14] : memref<80x128xf32, #tpu.memory_space<vmem>>, vector<80x128xf32>
    %add3A_16 = arith.addf %add3A_12, %get3A_15 : vector<80x128xf32>
    %get3A_17 = arith.constant 0 : index
    %get3A_18 = arith.constant 0 : index
    %get3A_19 = vector.load %arg6[%get3A_17, %get3A_18] : memref<80x128xf32, #tpu.memory_space<vmem>>, vector<80x128xf32>
    %add3A_20 = arith.addf %add3A_16, %get3A_19 : vector<80x128xf32>
    %get3A_21 = arith.constant 0 : index
    %get3A_22 = arith.constant 0 : index
    %get3A_23 = vector.load %arg7[%get3A_21, %get3A_22] : memref<80x128xf32, #tpu.memory_space<vmem>>, vector<80x128xf32>
    %add3A_24 = arith.addf %add3A_20, %get3A_23 : vector<80x128xf32>
    %get3A_25 = arith.constant 0 : index
    %get3A_26 = arith.constant 0 : index
    %get3A_27 = vector.load %arg8[%get3A_25, %get3A_26] : memref<80x128xf32, #tpu.memory_space<vmem>>, vector<80x128xf32>
    %add3A_28 = arith.addf %add3A_24, %get3A_27 : vector<80x128xf32>
    %get3A_29 = arith.constant 0 : index
    %get3A_30 = arith.constant 0 : index
    %get3A_31 = vector.load %arg9[%get3A_29, %get3A_30] : memref<80x128xf32, #tpu.memory_space<vmem>>, vector<80x128xf32>
    %add3A_32 = arith.addf %add3A_28, %get3A_31 : vector<80x128xf32>
    %get3A_33 = arith.constant 0 : index
    %get3A_34 = arith.constant 0 : index
    %get3A_35 = vector.load %arg10[%get3A_33, %get3A_34] : memref<80x128xf32, #tpu.memory_space<vmem>>, vector<80x128xf32>
    %add3A_36 = arith.addf %add3A_32, %get3A_35 : vector<80x128xf32>
    %get3A_37 = arith.constant 0 : index
    %get3A_38 = arith.constant 0 : index
    %get3A_39 = vector.load %arg11[%get3A_37, %get3A_38] : memref<80x128xf32, #tpu.memory_space<vmem>>, vector<80x128xf32>
    %add3A_40 = arith.addf %add3A_36, %get3A_39 : vector<80x128xf32>
    %get3A_41 = arith.constant 0 : index
    %get3A_42 = arith.constant 0 : index
    %get3A_43 = vector.load %arg12[%get3A_41, %get3A_42] : memref<80x128xf32, #tpu.memory_space<vmem>>, vector<80x128xf32>
    %add3A_44 = arith.addf %add3A_40, %get3A_43 : vector<80x128xf32>
    %get3A_45 = arith.constant 0 : index
    %get3A_46 = arith.constant 0 : index
    %get3A_47 = vector.load %arg13[%get3A_45, %get3A_46] : memref<80x128xf32, #tpu.memory_space<vmem>>, vector<80x128xf32>
    %add3A_48 = arith.addf %add3A_44, %get3A_47 : vector<80x128xf32>
    %get3A_49 = arith.constant 0 : index
    %get3A_50 = arith.constant 0 : index
    %get3A_51 = vector.load %arg14[%get3A_49, %get3A_50] : memref<80x128xf32, #tpu.memory_space<vmem>>, vector<80x128xf32>
    %add3A_52 = arith.addf %add3A_48, %get3A_51 : vector<80x128xf32>
    %get3A_53 = arith.constant 0 : index
    %get3A_54 = arith.constant 0 : index
    %get3A_55 = vector.load %arg15[%get3A_53, %get3A_54] : memref<80x128xf32, #tpu.memory_space<vmem>>, vector<80x128xf32>
    %add3A_56 = arith.addf %add3A_52, %get3A_55 : vector<80x128xf32>
    %get3A_57 = arith.constant 0 : index
    %get3A_58 = arith.constant 0 : index
    %get3A_59 = vector.load %arg16[%get3A_57, %get3A_58] : memref<80x128xf32, #tpu.memory_space<vmem>>, vector<80x128xf32>
    %add3A_60 = arith.addf %add3A_56, %get3A_59 : vector<80x128xf32>
    %swap3A = arith.constant 0 : index
    %swap3A_61 = arith.constant 0 : index
    %swap3A_62 = vector.load %arg17[%swap3A, %swap3A_61] : memref<80x128xf32, #tpu.memory_space<vmem>>, vector<80x128xf32>
    tpu.vector_store %arg17[%swap3A, %swap3A_61], %add3A_60 {strides = array<i32>} : memref<80x128xf32, #tpu.memory_space<vmem>>, vector<80x128xf32>,
    return
  }
  func.func @transform_0(%arg0: i32) -> (i32, i32) {
    %mul3A = arith.constant 16 : i32
    %mul3A_0 = arith.muli %arg0, %mul3A : i32
    %add3A = arith.constant 0 : i32
    %add3A_1 = arith.addi %mul3A_0, %add3A : i32
    %c0_i32 = arith.constant 0 : i32
    %c0_i32_2 = arith.constant 0 : i32
    return %add3A_1, %c0_i32 : i32, i32
  }
  func.func @transform_1(%arg0: i32) -> (i32, i32) {
    %mul3A = arith.constant 16 : i32
    %mul3A_0 = arith.muli %arg0, %mul3A : i32
    %add3A = arith.constant 1 : i32
    %add3A_1 = arith.addi %mul3A_0, %add3A : i32
    %c0_i32 = arith.constant 0 : i32
    %c0_i32_2 = arith.constant 0 : i32
    return %add3A_1, %c0_i32 : i32, i32
  }
  func.func @transform_2(%arg0: i32) -> (i32, i32) {
    %mul3A = arith.constant 16 : i32
    %mul3A_0 = arith.muli %arg0, %mul3A : i32
    %add3A = arith.constant 2 : i32
    %add3A_1 = arith.addi %mul3A_0, %add3A : i32
    %c0_i32 = arith.constant 0 : i32
    %c0_i32_2 = arith.constant 0 : i32
    return %add3A_1, %c0_i32 : i32, i32
  }
  func.func @transform_3(%arg0: i32) -> (i32, i32) {
    %mul3A = arith.constant 16 : i32
    %mul3A_0 = arith.muli %arg0, %mul3A : i32
    %add3A = arith.constant 3 : i32
    %add3A_1 = arith.addi %mul3A_0, %add3A : i32
    %c0_i32 = arith.constant 0 : i32
    %c0_i32_2 = arith.constant 0 : i32
    return %add3A_1, %c0_i32 : i32, i32
  }
  func.func @transform_4(%arg0: i32) -> (i32, i32) {
    %mul3A = arith.constant 16 : i32
    %mul3A_0 = arith.muli %arg0, %mul3A : i32
    %add3A = arith.constant 4 : i32
    %add3A_1 = arith.addi %mul3A_0, %add3A : i32
    %c0_i32 = arith.constant 0 : i32
    %c0_i32_2 = arith.constant 0 : i32
    return %add3A_1, %c0_i32 : i32, i32
  }
  func.func @transform_5(%arg0: i32) -> (i32, i32) {
    %mul3A = arith.constant 16 : i32
    %mul3A_0 = arith.muli %arg0, %mul3A : i32
    %add3A = arith.constant 5 : i32
    %add3A_1 = arith.addi %mul3A_0, %add3A : i32
    %c0_i32 = arith.constant 0 : i32
    %c0_i32_2 = arith.constant 0 : i32
    return %add3A_1, %c0_i32 : i32, i32
  }
  func.func @transform_6(%arg0: i32) -> (i32, i32) {
    %mul3A = arith.constant 16 : i32
    %mul3A_0 = arith.muli %arg0, %mul3A : i32
    %add3A = arith.constant 6 : i32
    %add3A_1 = arith.addi %mul3A_0, %add3A : i32
    %c0_i32 = arith.constant 0 : i32
    %c0_i32_2 = arith.constant 0 : i32
    return %add3A_1, %c0_i32 : i32, i32
  }
  func.func @transform_7(%arg0: i32) -> (i32, i32) {
    %mul3A = arith.constant 16 : i32
    %mul3A_0 = arith.muli %arg0, %mul3A : i32
    %add3A = arith.constant 7 : i32
    %add3A_1 = arith.addi %mul3A_0, %add3A : i32
    %c0_i32 = arith.constant 0 : i32
    %c0_i32_2 = arith.constant 0 : i32
    return %add3A_1, %c0_i32 : i32, i32
  }
  func.func @transform_8(%arg0: i32) -> (i32, i32) {
    %mul3A = arith.constant 16 : i32
    %mul3A_0 = arith.muli %arg0, %mul3A : i32
    %add3A = arith.constant 8 : i32
    %add3A_1 = arith.addi %mul3A_0, %add3A : i32
    %c0_i32 = arith.constant 0 : i32
    %c0_i32_2 = arith.constant 0 : i32
    return %add3A_1, %c0_i32 : i32, i32
  }
  func.func @transform_9(%arg0: i32) -> (i32, i32) {
    %mul3A = arith.constant 16 : i32
    %mul3A_0 = arith.muli %arg0, %mul3A : i32
    %add3A = arith.constant 9 : i32
    %add3A_1 = arith.addi %mul3A_0, %add3A : i32
    %c0_i32 = arith.constant 0 : i32
    %c0_i32_2 = arith.constant 0 : i32
    return %add3A_1, %c0_i32 : i32, i32
  }
  func.func @transform_10(%arg0: i32) -> (i32, i32) {
    %mul3A = arith.constant 16 : i32
    %mul3A_0 = arith.muli %arg0, %mul3A : i32
    %add3A = arith.constant 10 : i32
    %add3A_1 = arith.addi %mul3A_0, %add3A : i32
    %c0_i32 = arith.constant 0 : i32
    %c0_i32_2 = arith.constant 0 : i32
    return %add3A_1, %c0_i32 : i32, i32
  }
  func.func @transform_11(%arg0: i32) -> (i32, i32) {
    %mul3A = arith.constant 16 : i32
    %mul3A_0 = arith.muli %arg0, %mul3A : i32
    %add3A = arith.constant 11 : i32
    %add3A_1 = arith.addi %mul3A_0, %add3A : i32
    %c0_i32 = arith.constant 0 : i32
    %c0_i32_2 = arith.constant 0 : i32
    return %add3A_1, %c0_i32 : i32, i32
  }
  func.func @transform_12(%arg0: i32) -> (i32, i32) {
    %mul3A = arith.constant 16 : i32
    %mul3A_0 = arith.muli %arg0, %mul3A : i32
    %add3A = arith.constant 12 : i32
    %add3A_1 = arith.addi %mul3A_0, %add3A : i32
    %c0_i32 = arith.constant 0 : i32
    %c0_i32_2 = arith.constant 0 : i32
    return %add3A_1, %c0_i32 : i32, i32
  }
  func.func @transform_13(%arg0: i32) -> (i32, i32) {
    %mul3A = arith.constant 16 : i32
    %mul3A_0 = arith.muli %arg0, %mul3A : i32
    %add3A = arith.constant 13 : i32
    %add3A_1 = arith.addi %mul3A_0, %add3A : i32
    %c0_i32 = arith.constant 0 : i32
    %c0_i32_2 = arith.constant 0 : i32
    return %add3A_1, %c0_i32 : i32, i32
  }
  func.func @transform_14(%arg0: i32) -> (i32, i32) {
    %mul3A = arith.constant 16 : i32
    %mul3A_0 = arith.muli %arg0, %mul3A : i32
    %add3A = arith.constant 14 : i32
    %add3A_1 = arith.addi %mul3A_0, %add3A : i32
    %c0_i32 = arith.constant 0 : i32
    %c0_i32_2 = arith.constant 0 : i32
    return %add3A_1, %c0_i32 : i32, i32
  }
  func.func @transform_15(%arg0: i32) -> (i32, i32) {
    %mul3A = arith.constant 16 : i32
    %mul3A_0 = arith.muli %arg0, %mul3A : i32
    %add3A = arith.constant 15 : i32
    %add3A_1 = arith.addi %mul3A_0, %add3A : i32
    %c0_i32 = arith.constant 0 : i32
    %c0_i32_2 = arith.constant 0 : i32
    return %add3A_1, %c0_i32 : i32, i32
  }
  func.func @transform_16(%arg0: i32) -> (i32, i32) {
    %c0_i32 = arith.constant 0 : i32
    %c0_i32_0 = arith.constant 0 : i32
    return %arg0, %c0_i32 : i32, i32
  }
}

module attributes {stable_mosaic.version = 14 : i64} {
  func.func @_mid_body(%arg0: i32, %arg1: memref<1000x128xf32, #tpu.memory_space<vmem>>, %arg2: memref<1000x128xf32, #tpu.memory_space<vmem>>, %arg3: memref<1000x2xf32, #tpu.memory_space<vmem>>, %arg4: memref<1000x2xf32, #tpu.memory_space<vmem>>, %arg5: memref<1x256xf32, #tpu.memory_space<vmem>>, %arg6: memref<256x128xf32, #tpu.memory_space<vmem>>, %arg7: memref<256x128xf32, #tpu.memory_space<vmem>>, %arg8: memref<1000x128xf32, #tpu.memory_space<vmem>>, %arg9: memref<1000x128xf32, #tpu.memory_space<vmem>>) attributes {dimension_semantics = [#tpu.dimension_semantics<arbitrary>], iteration_bounds = array<i64: 10>, scalar_prefetch = 0 : i64, scratch_operands = 0 : i64, tpu.core_type = #tpu.core_type<tc>, window_params = [{transform_indices = @transform_0, window_bounds = array<i64: 1000, 128>}, {transform_indices = @transform_1, window_bounds = array<i64: 1000, 128>}, {transform_indices = @transform_2, window_bounds = array<i64: 1000, 2>}, {transform_indices = @transform_3, window_bounds = array<i64: 1000, 2>}, {pipeline_mode = #tpu.pipeline_mode<synchronous>, transform_indices = @transform_4, window_bounds = array<i64: 1, 256>}, {pipeline_mode = #tpu.pipeline_mode<synchronous>, transform_indices = @transform_5, window_bounds = array<i64: 256, 128>}, {pipeline_mode = #tpu.pipeline_mode<synchronous>, transform_indices = @transform_6, window_bounds = array<i64: 256, 128>}, {transform_indices = @transform_7, window_bounds = array<i64: 1000, 128>}, {transform_indices = @transform_8, window_bounds = array<i64: 1000, 128>}]} {
    %get3A = arith.constant 0 : index
    %get3A_0 = arith.constant 0 : index
    %get3A_1 = vector.load %arg1[%get3A, %get3A_0] : memref<1000x128xf32, #tpu.memory_space<vmem>>, vector<1000x128xf32>
    %get3A_2 = arith.constant 0 : index
    %get3A_3 = arith.constant 0 : index
    %get3A_4 = vector.load %arg2[%get3A_2, %get3A_3] : memref<1000x128xf32, #tpu.memory_space<vmem>>, vector<1000x128xf32>
    %get3A_5 = arith.constant 0 : index
    %get3A_6 = arith.constant 0 : index
    %get3A_7 = vector.load %arg3[%get3A_5, %get3A_6] : memref<1000x2xf32, #tpu.memory_space<vmem>>, vector<1000x2xf32>
    %get3A_8 = arith.constant 0 : index
    %get3A_9 = arith.constant 0 : index
    %get3A_10 = vector.load %arg4[%get3A_8, %get3A_9] : memref<1000x2xf32, #tpu.memory_space<vmem>>, vector<1000x2xf32>
    %slice3A = vector.extract_strided_slice %get3A_1 {offsets = [0, 0], sizes = [1000, 64], strides = [1, 1]} : vector<1000x128xf32> to vector<1000x64xf32>
    %slice3A_11 = vector.extract_strided_slice %get3A_7 {offsets = [0, 0], sizes = [1000, 1], strides = [1, 1]} : vector<1000x2xf32> to vector<1000x1xf32>
    %add3A = arith.constant 1.000000e-16 : f32
    %add3A_12 = vector.broadcast %add3A : f32 to vector<1000x1xf32>
    %add3A_13 = arith.addf %slice3A_11, %add3A_12 : vector<1000x1xf32>
    %div3A = vector.broadcast %add3A_13 : vector<1000x1xf32> to vector<1000x64xf32>
    %div3A_14 = arith.divf %slice3A, %div3A : vector<1000x64xf32>
    %slice3A_15 = vector.extract_strided_slice %get3A_1 {offsets = [0, 64], sizes = [1000, 64], strides = [1, 1]} : vector<1000x128xf32> to vector<1000x64xf32>
    %slice3A_16 = vector.extract_strided_slice %get3A_7 {offsets = [0, 1], sizes = [1000, 1], strides = [1, 1]} : vector<1000x2xf32> to vector<1000x1xf32>
    %add3A_17 = arith.constant 1.000000e-16 : f32
    %add3A_18 = vector.broadcast %add3A_17 : f32 to vector<1000x1xf32>
    %add3A_19 = arith.addf %slice3A_16, %add3A_18 : vector<1000x1xf32>
    %div3A_20 = vector.broadcast %add3A_19 : vector<1000x1xf32> to vector<1000x64xf32>
    %div3A_21 = arith.divf %slice3A_15, %div3A_20 : vector<1000x64xf32>
    %slice3A_22 = vector.extract_strided_slice %get3A_4 {offsets = [0, 0], sizes = [1000, 64], strides = [1, 1]} : vector<1000x128xf32> to vector<1000x64xf32>
    %slice3A_23 = vector.extract_strided_slice %get3A_10 {offsets = [0, 0], sizes = [1000, 1], strides = [1, 1]} : vector<1000x2xf32> to vector<1000x1xf32>
    %add3A_24 = arith.constant 1.000000e-16 : f32
    %add3A_25 = vector.broadcast %add3A_24 : f32 to vector<1000x1xf32>
    %add3A_26 = arith.addf %slice3A_23, %add3A_25 : vector<1000x1xf32>
    %div3A_27 = vector.broadcast %add3A_26 : vector<1000x1xf32> to vector<1000x64xf32>
    %div3A_28 = arith.divf %slice3A_22, %div3A_27 : vector<1000x64xf32>
    %slice3A_29 = vector.extract_strided_slice %get3A_4 {offsets = [0, 64], sizes = [1000, 64], strides = [1, 1]} : vector<1000x128xf32> to vector<1000x64xf32>
    %slice3A_30 = vector.extract_strided_slice %get3A_10 {offsets = [0, 1], sizes = [1000, 1], strides = [1, 1]} : vector<1000x2xf32> to vector<1000x1xf32>
    %add3A_31 = arith.constant 1.000000e-16 : f32
    %add3A_32 = vector.broadcast %add3A_31 : f32 to vector<1000x1xf32>
    %add3A_33 = arith.addf %slice3A_30, %add3A_32 : vector<1000x1xf32>
    %div3A_34 = vector.broadcast %add3A_33 : vector<1000x1xf32> to vector<1000x64xf32>
    %div3A_35 = arith.divf %slice3A_29, %div3A_34 : vector<1000x64xf32>
    %concatenate3A = tpu.concatenate %div3A_14, %div3A_21, %div3A_28, %div3A_35 in 1 : vector<1000x64xf32>, vector<1000x64xf32>, vector<1000x64xf32>, vector<1000x64xf32> -> vector<1000x256xf32>
    %get3A_36 = arith.constant 0 : index
    %get3A_37 = arith.constant 0 : index
    %get3A_38 = vector.load %arg5[%get3A_36, %get3A_37] : memref<1x256xf32, #tpu.memory_space<vmem>>, vector<1x256xf32>
    %add3A_39 = vector.broadcast %get3A_38 : vector<1x256xf32> to vector<1000x256xf32>
    %add3A_40 = arith.addf %concatenate3A, %add3A_39 : vector<1000x256xf32>
    %gt3A = arith.constant 0.000000e+00 : f32
    %gt3A_41 = vector.broadcast %gt3A : f32 to vector<1000x256xf32>
    %gt3A_42 = arith.cmpf ogt, %add3A_40, %gt3A_41 : vector<1000x256xf32>
    %min3A = arith.constant 0.000000e+00 : f32
    %min3A_43 = vector.broadcast %min3A : f32 to vector<1000x256xf32>
    %min3A_44 = arith.minimumf %add3A_40, %min3A_43 : vector<1000x256xf32>
    %exp3A = math.exp %min3A_44 : vector<1000x256xf32>
    %sub3A = arith.constant 1.000000e+00 : f32
    %sub3A_45 = vector.broadcast %sub3A : f32 to vector<1000x256xf32>
    %sub3A_46 = arith.subf %exp3A, %sub3A_45 : vector<1000x256xf32>
    %select_n3A = arith.select %gt3A_42, %add3A_40, %sub3A_46 : vector<1000x256xi1>, vector<1000x256xf32>
    %get3A_47 = arith.constant 0 : index
    %get3A_48 = arith.constant 0 : index
    %get3A_49 = vector.load %arg6[%get3A_47, %get3A_48] : memref<256x128xf32, #tpu.memory_space<vmem>>, vector<256x128xf32>
    %dot_general3A = arith.constant dense<0.000000e+00> : vector<1000x128xf32>
    %dot_general3A_50 = tpu.matmul %select_n3A, %get3A_49, %dot_general3A {dimension_numbers = #tpu.dot_dimension_numbers<[1], [0], [0], [1], [0, 0, 1, 1], [], []>, transpose_lhs_hint = false} : vector<1000x256xf32>, vector<256x128xf32>, vector<1000x128xf32> -> vector<1000x128xf32>
    %swap3A = arith.constant 0 : index
    %swap3A_51 = arith.constant 0 : index
    %swap3A_52 = vector.load %arg8[%swap3A, %swap3A_51] : memref<1000x128xf32, #tpu.memory_space<vmem>>, vector<1000x128xf32>
    tpu.vector_store %arg8[%swap3A, %swap3A_51], %dot_general3A_50 {strides = array<i32>} : memref<1000x128xf32, #tpu.memory_space<vmem>>, vector<1000x128xf32>,
    %get3A_53 = arith.constant 0 : index
    %get3A_54 = arith.constant 0 : index
    %get3A_55 = vector.load %arg7[%get3A_53, %get3A_54] : memref<256x128xf32, #tpu.memory_space<vmem>>, vector<256x128xf32>
    %dot_general3A_56 = arith.constant dense<0.000000e+00> : vector<1000x128xf32>
    %dot_general3A_57 = tpu.matmul %select_n3A, %get3A_55, %dot_general3A_56 {dimension_numbers = #tpu.dot_dimension_numbers<[1], [0], [0], [1], [0, 0, 1, 1], [], []>, transpose_lhs_hint = false} : vector<1000x256xf32>, vector<256x128xf32>, vector<1000x128xf32> -> vector<1000x128xf32>
    %swap3A_58 = arith.constant 0 : index
    %swap3A_59 = arith.constant 0 : index
    %swap3A_60 = vector.load %arg9[%swap3A_58, %swap3A_59] : memref<1000x128xf32, #tpu.memory_space<vmem>>, vector<1000x128xf32>
    tpu.vector_store %arg9[%swap3A_58, %swap3A_59], %dot_general3A_57 {strides = array<i32>} : memref<1000x128xf32, #tpu.memory_space<vmem>>, vector<1000x128xf32>,
    return
  }
  func.func @transform_0(%arg0: i32) -> (i32, i32) {
    %c0_i32 = arith.constant 0 : i32
    %c0_i32_0 = arith.constant 0 : i32
    return %arg0, %c0_i32 : i32, i32
  }
  func.func @transform_1(%arg0: i32) -> (i32, i32) {
    %c0_i32 = arith.constant 0 : i32
    %c0_i32_0 = arith.constant 0 : i32
    return %arg0, %c0_i32 : i32, i32
  }
  func.func @transform_2(%arg0: i32) -> (i32, i32) {
    %c0_i32 = arith.constant 0 : i32
    %c0_i32_0 = arith.constant 0 : i32
    return %arg0, %c0_i32 : i32, i32
  }
  func.func @transform_3(%arg0: i32) -> (i32, i32) {
    %c0_i32 = arith.constant 0 : i32
    %c0_i32_0 = arith.constant 0 : i32
    return %arg0, %c0_i32 : i32, i32
  }
  func.func @transform_4(%arg0: i32) -> (i32, i32) {
    %c0_i32 = arith.constant 0 : i32
    %c0_i32_0 = arith.constant 0 : i32
    %c0_i32_1 = arith.constant 0 : i32
    return %c0_i32, %c0_i32_0 : i32, i32
  }
  func.func @transform_5(%arg0: i32) -> (i32, i32) {
    %c0_i32 = arith.constant 0 : i32
    %c0_i32_0 = arith.constant 0 : i32
    %c0_i32_1 = arith.constant 0 : i32
    return %c0_i32, %c0_i32_0 : i32, i32
  }
  func.func @transform_6(%arg0: i32) -> (i32, i32) {
    %c0_i32 = arith.constant 0 : i32
    %c0_i32_0 = arith.constant 0 : i32
    %c0_i32_1 = arith.constant 0 : i32
    return %c0_i32, %c0_i32_0 : i32, i32
  }
  func.func @transform_7(%arg0: i32) -> (i32, i32) {
    %c0_i32 = arith.constant 0 : i32
    %c0_i32_0 = arith.constant 0 : i32
    return %arg0, %c0_i32 : i32, i32
  }
  func.func @transform_8(%arg0: i32) -> (i32, i32) {
    %c0_i32 = arith.constant 0 : i32
    %c0_i32_0 = arith.constant 0 : i32
    return %arg0, %c0_i32 : i32, i32
  }
}

module attributes {stable_mosaic.version = 14 : i64} {
  func.func @_fin_body(%arg0: i32, %arg1: memref<1000x64xf32, #tpu.memory_space<vmem>>, %arg2: memref<1x40xf32, #tpu.memory_space<vmem>>, %arg3: memref<1000x40xf32, #tpu.memory_space<vmem>>) attributes {dimension_semantics = [#tpu.dimension_semantics<arbitrary>], iteration_bounds = array<i64: 10>, scalar_prefetch = 0 : i64, scratch_operands = 0 : i64, tpu.core_type = #tpu.core_type<tc>, window_params = [{transform_indices = @transform_0, window_bounds = array<i64: 1000, 64>}, {pipeline_mode = #tpu.pipeline_mode<synchronous>, transform_indices = @transform_1, window_bounds = array<i64: 1, 40>}, {transform_indices = @transform_2, window_bounds = array<i64: 1000, 40>}]} {
    %get3A = arith.constant 0 : index
    %get3A_0 = arith.constant 0 : index
    %get3A_1 = vector.load %arg1[%get3A, %get3A_0] : memref<1000x64xf32, #tpu.memory_space<vmem>>, vector<1000x64xf32>
    %slice3A = vector.extract_strided_slice %get3A_1 {offsets = [0, 40], sizes = [1000, 1], strides = [1, 1]} : vector<1000x64xf32> to vector<1000x1xf32>
    %add3A = arith.constant 1.000000e-16 : f32
    %add3A_2 = vector.broadcast %add3A : f32 to vector<1000x1xf32>
    %add3A_3 = arith.addf %slice3A, %add3A_2 : vector<1000x1xf32>
    %slice3A_4 = vector.extract_strided_slice %get3A_1 {offsets = [0, 0], sizes = [1000, 40], strides = [1, 1]} : vector<1000x64xf32> to vector<1000x40xf32>
    %div3A = vector.broadcast %add3A_3 : vector<1000x1xf32> to vector<1000x40xf32>
    %div3A_5 = arith.divf %slice3A_4, %div3A : vector<1000x40xf32>
    %get3A_6 = arith.constant 0 : index
    %get3A_7 = arith.constant 0 : index
    %get3A_8 = vector.load %arg2[%get3A_6, %get3A_7] : memref<1x40xf32, #tpu.memory_space<vmem>>, vector<1x40xf32>
    %add3A_9 = vector.broadcast %get3A_8 : vector<1x40xf32> to vector<1000x40xf32>
    %add3A_10 = arith.addf %div3A_5, %add3A_9 : vector<1000x40xf32>
    %reduce_max3A = arith.constant dense<0xFF800000> : vector<1000xf32>
    %reduce_max3A_11 = vector.multi_reduction <maximumf>, %add3A_10, %reduce_max3A [1] : vector<1000x40xf32> to vector<1000xf32>
    %broadcast_in_dim3A = vector.shape_cast %reduce_max3A_11 : vector<1000xf32> to vector<1000x1xf32>
    %sub3A = vector.broadcast %broadcast_in_dim3A : vector<1000x1xf32> to vector<1000x40xf32>
    %sub3A_12 = arith.subf %add3A_10, %sub3A : vector<1000x40xf32>
    %exp3A = math.exp %sub3A_12 : vector<1000x40xf32>
    %reduce_sum3A = arith.constant dense<0.000000e+00> : vector<1000xf32>
    %reduce_sum3A_13 = vector.multi_reduction <add>, %exp3A, %reduce_sum3A [1] : vector<1000x40xf32> to vector<1000xf32>
    %broadcast_in_dim3A_14 = vector.shape_cast %reduce_sum3A_13 : vector<1000xf32> to vector<1000x1xf32>
    %log3A = math.log %broadcast_in_dim3A_14 : vector<1000x1xf32>
    %sub3A_15 = vector.broadcast %log3A : vector<1000x1xf32> to vector<1000x40xf32>
    %sub3A_16 = arith.subf %sub3A_12, %sub3A_15 : vector<1000x40xf32>
    %swap3A = arith.constant 0 : index
    %swap3A_17 = arith.constant 0 : index
    %swap3A_18 = vector.load %arg3[%swap3A, %swap3A_17] : memref<1000x40xf32, #tpu.memory_space<vmem>>, vector<1000x40xf32>
    tpu.vector_store %arg3[%swap3A, %swap3A_17], %sub3A_16 {strides = array<i32>} : memref<1000x40xf32, #tpu.memory_space<vmem>>, vector<1000x40xf32>,
    return
  }
  func.func @transform_0(%arg0: i32) -> (i32, i32) {
    %c0_i32 = arith.constant 0 : i32
    %c0_i32_0 = arith.constant 0 : i32
    return %arg0, %c0_i32 : i32, i32
  }
  func.func @transform_1(%arg0: i32) -> (i32, i32) {
    %c0_i32 = arith.constant 0 : i32
    %c0_i32_0 = arith.constant 0 : i32
    %c0_i32_1 = arith.constant 0 : i32
    return %c0_i32, %c0_i32_0 : i32, i32
  }
  func.func @transform_2(%arg0: i32) -> (i32, i32) {
    %c0_i32 = arith.constant 0 : i32
    %c0_i32_0 = arith.constant 0 : i32
    return %arg0, %c0_i32 : i32, i32
  }
}

</mosaic_0001>

<sc_bundles>
// kernel: kernel.10.cloned.1.call-start
scs
__scs_entry_jumppad:
0x0: {  	(pc) =	sbr.rel $0x88, $3  }
0x1: {  	(tag) =	ssettag $0x0;
	lr =	simm.s32 $0x1  }
0x2: {  	[smem:$0x3F97] =	sst lr;
	_ =	strace $0xD0000000  }
0x3: {  	_ = 	snop  }
0x4: {  	_ = 	snop  }
0x5: {  	_ = 	snop  }
0x6: {  	_ = 	snop  }
0x7: {  	_ = 	snop  }
__scs_overlays_trampoline_lowered:
0x8: {  	[smem:$0x3FA6] =	sst s0  }
0x9: {  	[smem:$0x3FA7] =	sst s1  }
0xa: {  	[smem:$0x3FA8] =	sst s2  }
0xb: {  	[smem:$0x3FA9] =	sst s3  }
0xc: {  	[smem:$0x3FAA] =	sst s4  }
0xd: {  	[smem:$0x3FAB] =	sst s5  }
0xe: {  	[smem:$0x3FAC] =	sst s6  }
0xf: {  	[smem:$0x3FAD] =	sst s7  }
0x10: {  	[smem:$0x3FAE] =	sst s8  }
0x11: {  	[smem:$0x3FAF] =	sst s9;
	s0 =	simm.s32 @!p0 $0x0  }
0x12: {  	s1 =	sld [smem:$0x3F95];
	s0 =	simm.s32 @p0 $0x1  }
0x13: {  	[smem:$0x3FB0] =	sst s0;
	s0 =	simm.s32 @!p1 $0x0  }
0x14: {  	s2 =	sld [smem:$0x3F94];
	s0 =	simm.s32 @p1 $0x1  }
0x15: {  	[smem:$0x3FB1] =	sst s0;
	s0 =	simm.s32 @!p2 $0x0  }
0x16: {  	s3 =	sld [smem:$0x3FDB];
	s0 =	simm.s32 @p2 $0x1  }
0x17: {  	s4 =	simm.s32 $0x1BF5;
	[smem:$0x3FB3] =	sst s0  }
0x18: {  	s0 =	sld [smem:$0x3F96];
	_ =	swait.ge [sflag:s4], $0x0  }
0x19: {  	s7 =	sld [smem:$0x3F97]  }
0x1a: {  	s8 =	sadd.s32 $0xFFFFE003, lr  }
0x1b: {  	s9 =	sadd.s32 $0xFFFFFEF7, lr;
	s5 =	simm.s32 $0xFFFFFFFF;
	p2 =	slt.u32 s8, $0xFFFFF086  }
0x1c: {  	p1 =	slt.u32 s9, $0xF7A;
	s5 =	simm.s32 @!p2 $0x0  }
0x1d: {  	s5 =	simm.s32 @p1 $0x1;
	p0 =	seq.s32 s7, s2  }
0x1e: {  	s7 =	smul.u32 @!p0 $0xF7A, s2;
	p2 =	seq.s32 @!p0 s5, $0x0  }
0x1f: {  	s9 =	smul.u32 $0xF7A, s1;
	s8 =	simm.s32 @!p0 $0x1BF5;
	p2 =	por !p2, p0  }
0x20: {  	[sflag:s8] =	ssyncset.s32 @!p0 $0xFFFFF086;
	s6 =	sadd.s32 @!p0 s3, s7;
	s7 =	simm.s32 @!p0 $0x108  }
0x21: {  	s3 =	sadd.s32 s3, s9;
	s6 =	sadd.s32 @!p0 $0x88, s6;
	s7 =	simm.s32 @p2 $0x1082  }
0x22: {  	[simem:s7], [sflag:s8] =	dma.local @!p0 [hbm:s6], $0xF7A  }
0x23: {  	s9 =	sor.u32 $0xD0000000, s2;
	s6 =	simm.s32 $0x108;
	_ =	swait.ge @!p0 [sflag:s8], $0x0  }
0x24: {  	s3 =	sadd.s32 $0x88, s3;
	s6 =	simm.s32 @!p1 $0x1082;
	[sflag:s4] =	ssyncset.s32 $0xFFFFF086  }
0x25: {  	[simem:s6], [sflag:s4] =	dma.local [hbm:s3], $0xF7A  }
0x26: {  	[smem:$0x3F97] =	sst s1;
	(tag) =	ssettag s2;
	_ =	strace s9  }
0x27: {  	s1 =	sld [smem:$0x3FA7]  }
0x28: {  	s2 =	sld [smem:$0x3FA8]  }
0x29: {  	s4 =	sld [smem:$0x3FAA]  }
0x2a: {  	p0 =	seq.s32 s5, $0x0;
	s5 =	sld [smem:$0x3FAB]  }
0x2b: {  	s6 =	sld [smem:$0x3FAC]  }
0x2c: {  	s7 =	sld [smem:$0x3FAD]  }
0x2d: {  	s3 =	simm.s32 $0x108;
	s8 =	sld [smem:$0x3FAE]  }
0x2e: {  	s3 =	simm.s32 @!p0 $0x1082;
	s9 =	sld [smem:$0x3FAF]  }
0x2f: {  	lr =	sadd.s32 s0, s3;
	s0 =	sld [smem:$0x3FA6]  }
0x30: {  	s3 =	sld [smem:$0x3FA9]  }
0x31: {  	[smem:$0x3FB2] =	sst s10  }
0x32: {  	s10 =	sld [smem:$0x3FB0];
	_ =	sdelay $0x3  }
0x33: {  	p0 =	seq.s32 s10, $0x1;
	s10 =	sld [smem:$0x3FB2];
	_ =	sdelay $0x3  }
0x34: {  	[smem:$0x3FB2] =	sst s10  }
0x35: {  	s10 =	sld [smem:$0x3FB1];
	_ =	sdelay $0x3  }
0x36: {  	p1 =	seq.s32 s10, $0x1;
	s10 =	sld [smem:$0x3FB2];
	_ =	sdelay $0x3  }
0x37: {  	[smem:$0x3FB2] =	sst s10  }
0x38: {  	s10 =	sld [smem:$0x3FB3]  }
0x39: {  	_ = 	snop;
	(pc) =	sbr.ind lr, $3  }
0x3a: {  	_ = 	snop  }
0x3b: {  	_ = 	snop  }
0x3c: {  	p2 =	seq.s32 s10, $0x1;
	s10 =	sld [smem:$0x3FB2]  }
0x3d: {  	_ =	shalt  }
0x3e: {  	_ =	shalt  }
0x3f: {  	_ =	shalt  }
0x40: {  	_ =	shalt  }
0x41: {  	_ =	shalt  }
0x42: {  	_ =	shalt  }
0x43: {  	_ =	shalt  }
0x44: {  	_ =	shalt  }
0x45: {  	_ =	shalt  }
0x46: {  	_ =	shalt  }
0x47: {  	_ =	shalt  }
0x48: {  	_ =	shalt  }
0x49: {  	_ =	shalt  }
0x4a: {  	_ =	shalt  }
0x4b: {  	_ =	shalt  }
0x4c: {  	_ =	shalt  }
0x4d: {  	_ =	shalt  }
0x4e: {  	_ =	shalt  }
0x4f: {  	_ =	shalt  }
0x50: {  	_ =	shalt  }
0x51: {  	_ =	shalt  }
0x52: {  	_ =	shalt  }
0x53: {  	_ =	shalt  }
0x54: {  	_ =	shalt  }
0x55: {  	_ =	shalt  }
0x56: {  	_ =	shalt  }
0x57: {  	_ =	shalt  }
0x58: {  	_ =	shalt  }
0x59: {  	_ =	shalt  }
0x5a: {  	_ =	shalt  }
0x5b: {  	_ =	shalt  }
0x5c: {  	_ =	shalt  }
0x5d: {  	_ =	shalt  }
0x5e: {  	_ =	shalt  }
0x5f: {  	_ =	shalt  }
0x60: {  	_ =	shalt  }
0x61: {  	_ =	shalt  }
0x62: {  	_ =	shalt  }
0x63: {  	_ =	shalt  }
0x64: {  	_ =	shalt  }
0x65: {  	_ =	shalt  }
0x66: {  	_ =	shalt  }
0x67: {  	_ =	shalt  }
0x68: {  	_ =	shalt  }
0x69: {  	_ =	shalt  }
0x6a: {  	_ =	shalt  }
0x6b: {  	_ =	shalt  }
0x6c: {  	_ =	shalt  }
0x6d: {  	_ =	shalt  }
0x6e: {  	_ =	shalt  }
0x6f: {  	_ =	shalt  }
0x70: {  	_ =	shalt  }
0x71: {  	_ =	shalt  }
0x72: {  	_ =	shalt  }
0x73: {  	_ =	shalt  }
0x74: {  	_ =	shalt  }
0x75: {  	_ =	shalt  }
0x76: {  	_ =	shalt  }
0x77: {  	_ =	shalt  }
0x78: {  	_ =	shalt  }
0x79: {  	_ =	shalt  }
0x7a: {  	_ =	shalt  }
0x7b: {  	_ =	shalt  }
0x7c: {  	_ =	shalt  }
0x7d: {  	_ =	shalt  }
0x7e: {  	_ =	shalt  }
0x7f: {  	_ =	shalt  }
0x80: {  	_ =	shalt  }
0x81: {  	_ =	shalt  }
0x82: {  	_ =	shalt  }
0x83: {  	_ =	shalt  }
0x84: {  	_ =	shalt  }
0x85: {  	_ =	shalt  }
0x86: {  	_ =	shalt  }
0x87: {  	_ =	shalt  }
.Lfunc_end0:
.L_simem_size_0:
called_computation_lowered:
.L_overlay_start_0:
0x88: {  	s2 =	sld [smem:$0x3FD9]  }
0x89: {  	s3 =	sld [smem:$0x3FFE];
	_ =	sdelay $0x1  }
0x8a: {  	s1 =	srdreg.scid  }
0x8b: {  	s0 =	sand.u32 $0x1, s1  }
0x8c: {  	s17 =	sshll.u32 s0, $0xA;
	s2 =	sadd.s32 s3, s2  }
0x8d: {  	s2 =	sadd.s32 s2, s17  }
0x8e: {  	[smem:$0x3FBE] =	sst s2  }
0x8f: {  	_ = 	snop  }
0x90: {  	s18 =	sld [smem:$0x3FD0];
	(tm) =	ssettm $0x1  }
0x91: {  	s19 =	sld [smem:$0x3FFB];
	_ =	sdelay $0x3  }
0x92: {  	_ =	strace s19  }
0x93: {  	s2 =	sld [smem:$0x3FFC];
	_ =	sdelay $0x3  }
0x94: {  	_ =	strace s2  }
0x95: {  	s2 =	sld [smem:$0x3FFD];
	_ =	sdelay $0x3  }
0x96: {  	_ =	strace s2  }
0x97: {  	_ =	strace $0x8FFFFFFF  }
0x98: {  	s20 =	sld [smem:$0x3FDB];
	_ =	sdelay $0x1  }
0x99: {  	s4 =	simm.s32 $_scs_section_size  }
0x9a: {  	s5 =	simm.s32 $_size__tile_overlayer_lowered;
	s6 =	simm.s32 $_tile_overlayer_lowered  }
0x9b: {  	s7 =	simm.s32 $0x1BFF;
	s21 =	sshll.u32 s6, $0x1;
	s4 =	sadd.s32 s4, s20  }
0x9c: {  	s22 =	simm.s32 $0x0;
	s5 =	sshll.u32 s5, $0x1;
	s6 =	sadd.s32 s21, s4  }
0x9d: {  	[timem:s22], [sflag:s7] =	dma.local [hbm:s6], s5  }
0x9e: {  	_ =	swait.ge [sflag:s7], s5  }
0x9f: {  	s5 =	ssub.s32 $0x0, s5;
	[sflag:s7] =	ssyncset.done $0x0  }
0xa0: {  	[sflag:s7] =	ssyncadd.s32 s5;
	_ =	sdelay $0x1  }
0xa1: {  	s23 =	simm.s32 $0x1B8B  }
0xa2: {  	_ =	swait.ge [sflag:s23], $0x1  }
0xa3: {  	[sflag:s23] =	ssyncset.done $0x0  }
0xa4: {  	[sflag:s23] =	ssyncadd.s32 $0xFFFFFFFF  }
0xa5: {  	s5 =	sld [smem:$0x0]  }
0xa6: {  	s6 =	sand.u32 $0xFFFFFFFE, s1  }
0xa7: {  	p0 =	sne.s32 s1, s6  }
0xa8: {  	s6 =	sshll.u32 @p0 s6, $0xE  }
0xa9: {  	s6 =	sadd.s32 @p0 $0x11B8D, s6;
	s7 =	sshll.u32 @p0 s5, $0x11  }
0xaa: {  	s6 =	sor.u32 @p0 s7, s6  }
0xab: {  	[sflag:s6] =	ssyncadd.remote.s32 @p0 $0x1;
	_ =	sdelay $0x1  }
0xac: {  	s6 =	simm.s32 @p0 $0x1B8D  }
0xad: {  	_ =	swait.eq @p0 [sflag:s6], $0x1  }
0xae: {  	[sflag:s6] =	ssyncadd.s32 @p0 $0xFFFFFFFF  }
0xaf: {  	s7 =	sshll.u32 @!p0 s1, $0xE  }
0xb0: {  	s7 =	sor.u32 @!p0 $0x4000, s7;
	s6 =	simm.s32 @!p0 $0x1B8D  }
0xb1: {  	s5 =	sshll.u32 @!p0 s5, $0x11;
	s7 =	sadd.s32 @!p0 $0x11B8D, s7;
	_ =	swait.eq @!p0 [sflag:s6], $0x1  }
0xb2: {  	s5 =	sor.u32 @!p0 s5, s7;
	[sflag:s6] =	ssyncadd.s32 @!p0 $0xFFFFFFFF  }
0xb3: {  	s25 =	simm.s32 $0x1B8E;
	s24 =	sld [smem:$0x3FFE];
	[sflag:s5] =	ssyncadd.remote.s32 @!p0 $0x1  }
0xb4: {  	s26 =	simm.s32 $execute0_lowered;
	[smem:$0x3FD2] =	sst s25  }
0xb5: {  	s6 =	sshll.u32 s26, $0x1;
	_ =	strace $0x80000049;
	[dreg:$0x1] =	wrdreg $0xFFFFFFFF  }
0xb6: {  	s28 =	simm.s32 $_size_execute0_lowered;
	s4 =	sadd.s32 s4, s6;
	[dreg:$0x0] =	wrdreg $0x0  }
0xb7: {  	s6 =	sshll.u32 s28, $0x1;
	[dreg:$0x2] =	wrdreg s4  }
0xb8: {  	[dreg:$0x3] =	wrdreg s6  }
0xb9: {  	[dreg:$0x4] =	wrdreg $0xC0  }
0xba: {  	_ =	task [dreg:s22], $0x5FFFF  }
0xbb: {  	[dreg:$0x1] =	wrdreg $0xFFFFFFFF  }
0xbc: {  	[dreg:$0x0] =	wrdreg $0x60  }
0xbd: {  	[dreg:$0x2] =	wrdreg s24  }
0xbe: {  	[dreg:$0x3] =	wrdreg s18  }
0xbf: {  	[dreg:$0x4] =	wrdreg $0xA2000  }
0xc0: {  	[dreg:$0x5] =	wrdreg $0x9  }
0xc1: {  	_ =	task.clear_ibuf [dreg:s22], $0x6FFFF;
	_ =	strace $0x90000049  }
0xc2: {  	s29 =	simm.s32 $0x9;
	_ =	strace $0x8000004B  }
0xc3: {  	_ =	swait.ge [sflag:s29], $0x1  }
0xc4: {  	[sflag:s29] =	ssyncadd.s32 $0xFFFFFFFF  }
0xc5: {  	_ =	strace $0x9000004B  }
0xc6: {  	_ =	sfence  }
0xc7: {  	s30 =	sld [smem:$0x0];
	_ =	sdelay $0x2  }
0xc8: {  	s31 =	sshll.u32 s1, $0xD;
	s1 =	sshrl.u32 s1, $0x2  }
0xc9: {  	s4 =	sand.u32 $0x4000, s31;
	s1 =	sadd.s32 s1, s30  }
0xca: {  	s0 =	sor.u32 s4, s0;
	s1 =	sshll.u32 s1, $0x11  }
0xcb: {  	s0 =	sor.u32 s1, s0  }
0xcc: {  	s0 =	sadd.s32 $0x8F2B, s0  }
0xcd: {  	[sflag:s0] =	ssyncadd.remote.s32 $0x1  }
0xce: {  	_ =	sfence.sel $0xFFFF  }
0xcf: {  	[dreg:$0x0] =	wrdreg $0xFFFFFFFF;
	(pc) =	sbr.abs _section_cstart, $3  }
0xd0: {  	[dreg:$0x1] =	wrdreg $0xFFFFFFFF  }
0xd1: {  	_ =	task.clear_ibuf [dreg:s22], $0x2FFFF;
	_ =	strace $0x9FFFFFFF  }
0xd2: {  	(tm) =	ssettm $0x7FFFFFFF  }
0xd3: {  	_ =	shalt  }
tec
execute0_lowered:
.L_overlay_start_1:
0x0: {  	(tag) =	ssettag $0x1  }
0x1: {  	s0 =	rddreg [dreg:$0x0]  }
0x2: {  	s2 =	rddreg [dreg:$0x1]  }
0x3: {  	s1 =	rddreg [dreg:$0x2];
	s3 =	simm.s32 $0x0  }
0x4: {  	s25 =	srdreg.scid;
	s14 =	stileid.u32;
	s17 =	simm.s32 $0x5180  }
0x5: {  	s18 =	simm.s32 $0x1;
	s20 =	simm.s32 $0x80;
	s21 =	simm.s32 $0x50  }
0x6: {  	s22 =	simm.s32 $0x180;
	s23 =	simm.s32 $0x2980;
	s24 =	simm.s32 $0x100  }
0x7: {  	s28 =	simm.s32 $0x0;
	[smem:$0x7FF] =	sst s3;
	s3 =	sand.u32 $0x1, s25  }
0x8: {  	s8 =	smul.u32 $0x1400, s14;
	s4 =	sadd.s32 $0xF000, s0;
	s5 =	sadd.s32 $0x5200, s0  }
0x9: {  	s6 =	sadd.s32 $0x67200, s0;
	s11 =	smul.u32 $0x28000, s14;
	s7 =	sadd.s32 $0x19000, s0  }
0xa: {  	s25 =	simm.s32 $0x7A00;
	_ =	strace $0x8000004A;
	s9 =	smul.u32 $0x14000, s3  }
0xb: {  	s10 =	sshll.u32 s3, $0x4;
	s13 =	ssub.s32 $0x2, s3;
	s3 =	smul.u32 $0x2710, s3  }
0xc: {  	s12 =	sadd.s32 s10, s0;
	s26 =	sshrl.u32 s13, $0x1;
	s11 =	sshrl.u32 s11, $0x2  }
0xd: {  	s29 =	sor.u32 s14, s10;
	s8 =	sadd.s32 s8, s9;
	s9 =	ssub.s32 s13, s26  }
0xe: {  	s15 =	smul.u32 $0x500, s29;
	s0 =	sadd.s32 s8, s0;
	s8 =	sadd.s32 s11, s1  }
0xf: {  	s12 =	sadd.s32 $0x18E00, s12;
	s13 =	smul.u32 $0x4E20, s14;
	s11 =	sadd.s32 $0x2800, s8  }
0x10: {  	s26 =	simm.s32 $0x0;
	s30 =	sadd.s32 $0x5000, s8;
	[dreg:$0x4] =	wrdreg s11  }
0x11: {  	v0 =	vmov s3;
	s16 =	smax.u32 s9, $0x1;
	s31 =	sadd.s32 $0x7800, s8;
	[dreg:$0x5] =	wrdreg s30  }
0x12: {  	vm0 =	vmmov $0x1;
	vm1 =	vmmov $0x3;
	[tilespmem:$0x1FFF0] =	vst v0;
	v0 =	vimm.f32 $0.0e+00;
	s14 =	sadd.s32 $0xE7400, s0;
	s15 =	sadd.s32 s2, s15;
	[dreg:$0x6] =	wrdreg s31  }
.LBB2_1:
0x13: {  	s0 =	simm.s32 $0x0;
	s2 =	simm.s32 $0x200  }
.LBB2_2:
0x14: {  	p0 =	sne.s32 s2, $0x9E00;
	[tilespmem:s0+$0x51F0] =	vst v0  }
0x15: {  	[tilespmem:s0+$0x5180] =	vst v0  }
0x16: {  	[tilespmem:s0+$0x5190] =	vst v0  }
.Ltmp0:
0x17: {  	[tilespmem:s0+$0x51A0] =	vst v0;
	(pc) =	sbr.rel @p0 .LBB2_2-.Ltmp0, $4  }
0x18: {  	[tilespmem:s0+$0x51B0] =	vst v0  }
0x19: {  	[tilespmem:s0+$0x51C0] =	vst v0  }
0x1a: {  	[tilespmem:s0+$0x51D0] =	vst v0  }
0x1b: {  	[tilespmem:s0+$0x51E0] =	vst v0;
	s0 =	sshra.s32 s2, $0x2;
	s2 =	sadd.s32 $0x200, s2  }
0x1c: {  	[tilespmem:s0+$0x51F0] =	vst v0  }
0x1d: {  	[tilespmem:s0+$0x5180] =	vst v0  }
0x1e: {  	[tilespmem:s0+$0x5190] =	vst v0  }
0x1f: {  	[tilespmem:s0+$0x51A0] =	vst v0  }
0x20: {  	[tilespmem:s0+$0x51B0] =	vst v0  }
0x21: {  	[tilespmem:s0+$0x51C0] =	vst v0  }
0x22: {  	[tilespmem:s0+$0x51D0] =	vst v0  }
0x23: {  	[tilespmem:s0+$0x51E0] =	vst v0;
	s0 =	simm.s32 $0x0;
	s2 =	simm.s32 $0x200  }
.LBB2_4:
0x24: {  	p0 =	sne.s32 s2, $0x9E00;
	[tilespmem:s0+$0x7A70] =	vst v0  }
0x25: {  	[tilespmem:s0+$0x7A00] =	vst v0  }
0x26: {  	[tilespmem:s0+$0x7A10] =	vst v0  }
.Ltmp1:
0x27: {  	[tilespmem:s0+$0x7A20] =	vst v0;
	(pc) =	sbr.rel @p0 .LBB2_4-.Ltmp1, $4  }
0x28: {  	[tilespmem:s0+$0x7A30] =	vst v0  }
0x29: {  	[tilespmem:s0+$0x7A40] =	vst v0  }
0x2a: {  	[tilespmem:s0+$0x7A50] =	vst v0  }
0x2b: {  	[tilespmem:s0+$0x7A60] =	vst v0;
	s0 =	sshra.s32 s2, $0x2;
	s2 =	sadd.s32 $0x200, s2  }
0x2c: {  	[tilespmem:s0+$0x7A70] =	vst v0  }
0x2d: {  	[tilespmem:s0+$0x7A00] =	vst v0  }
0x2e: {  	[tilespmem:s0+$0x7A10] =	vst v0  }
0x2f: {  	[tilespmem:s0+$0x7A20] =	vst v0  }
0x30: {  	[tilespmem:s0+$0x7A30] =	vst v0  }
0x31: {  	[tilespmem:s0+$0x7A40] =	vst v0  }
0x32: {  	[tilespmem:s0+$0x7A50] =	vst v0  }
0x33: {  	[tilespmem:s0+$0x7A60] =	vst v0  }
0x34: {  	[spmem:s8] =	stream.linear.scatter [tilespmem:s17], [sflag:$0x1], $0x2800, $0x38;
	[tilespmem:$0x14200] =	vst v63  }
0x35: {  	_ =	swait.ge [sflag:s18], $0x2800  }
0x36: {  	[sflag:s18] =	ssyncset.done $0x0  }
0x37: {  	s11 =	rddreg [dreg:$0x4];
	[sflag:s18] =	ssyncadd.s32 $0xFFFFD800  }
0x38: {  	[spmem:s11] =	stream.linear.scatter [tilespmem:s17], [sflag:$0x1], $0x2800, $0x38;
	[tilespmem:$0x14200] =	vst v63  }
0x39: {  	_ =	swait.ge [sflag:s18], $0x2800  }
0x3a: {  	[sflag:s18] =	ssyncset.done $0x0  }
0x3b: {  	s19 =	rddreg [dreg:$0x5];
	[sflag:s18] =	ssyncadd.s32 $0xFFFFD800  }
0x3c: {  	[spmem:s19] =	stream.linear.scatter [tilespmem:s17], [sflag:$0x1], $0x2800, $0x38;
	[tilespmem:$0x14200] =	vst v63  }
0x3d: {  	_ =	swait.ge [sflag:s18], $0x2800  }
0x3e: {  	[sflag:s18] =	ssyncset.done $0x0  }
0x3f: {  	s30 =	rddreg [dreg:$0x6];
	[sflag:s18] =	ssyncadd.s32 $0xFFFFD800  }
0x40: {  	[spmem:s30] =	stream.linear.scatter [tilespmem:s17], [sflag:$0x1], $0x2800, $0x38;
	[tilespmem:$0x14200] =	vst v63  }
0x41: {  	_ =	swait.ge [sflag:s18], $0x2800  }
0x42: {  	[sflag:s18] =	ssyncset.done $0x0  }
0x43: {  	s31 =	simm.s32 $0x7980;
	[sflag:s18] =	ssyncadd.s32 $0xFFFFD800  }
0x44: {  	[tilespmem:s31], [sflag:$0x1] =	stream.linear.gather [hbm4b:s12+s28], $0x80, $0x38;
	[tilespmem:$0x14200] =	vst v63  }
0x45: {  	_ =	swait.ge [sflag:s18], $0x80  }
0x46: {  	[sflag:s18] =	ssyncset.done $0x0  }
0x47: {  	[sflag:s18] =	ssyncadd.s32 $0xFFFFFF80  }
0x48: {  	[bflag:$0x0] =	sbarrier.arrive $0xFFFF  }
0x49: {  	v56 =	vld [tilespmem:$0x7980]  }
0x4a: {  	v57 =	vld [tilespmem:$0x7990]  }
0x4b: {  	v58 =	vld [tilespmem:$0x79A0]  }
0x4c: {  	v59 =	vld [tilespmem:$0x79B0]  }
0x4d: {  	v60 =	vld [tilespmem:$0x79C0]  }
0x4e: {  	v61 =	vld [tilespmem:$0x79D0];
	[tilespmem:$0x1FF70] =	vst v56  }
0x4f: {  	v62 =	vld [tilespmem:$0x79E0];
	[tilespmem:$0x1FF80] =	vst v57  }
0x50: {  	v63 =	vld [tilespmem:$0x79F0];
	[tilespmem:$0x1FF90] =	vst v58  }
0x51: {  	[tilespmem:$0x1FFA0] =	vst v59  }
0x52: {  	[tilespmem:$0x1FFB0] =	vst v60  }
0x53: {  	[tilespmem:$0x1FFC0] =	vst v61  }
0x54: {  	[tilespmem:$0x1FFD0] =	vst v62  }
0x55: {  	s29 =	simm.s32 $0x0;
	[tilespmem:$0x1FFE0] =	vst v63  }
.LBB2_6:
0x56: {  	s0 =	smul.u32 $0x50, s29;
	_ =	sdelay $0x1  }
0x57: {  	s0 =	sadd.s32 s13, s0  }
0x58: {  	s0 =	sshrl.u32 s0, $0x3  }
0x59: {  	s2 =	sadd.s32 s4, s0  }
0x5a: {  	[tilespmem:s28], [sflag:$0x1] =	stream.linear.gather [hbm4b:s2+s28], $0x50, $0x38;
	[tilespmem:$0x14200] =	vst v63  }
0x5b: {  	_ =	swait.ge [sflag:s18], $0x50  }
0x5c: {  	[sflag:s18] =	ssyncset.done $0x0  }
0x5d: {  	s0 =	sadd.s32 s5, s0;
	[sflag:s18] =	ssyncadd.s32 $0xFFFFFFB0  }
0x5e: {  	[tilespmem:s20], [sflag:$0x1] =	stream.linear.gather [hbm4b:s0+s28], $0x50, $0x38;
	[tilespmem:$0x14200] =	vst v63  }
0x5f: {  	_ =	swait.ge [sflag:s18], $0x50  }
0x60: {  	[sflag:s18] =	ssyncset.done $0x0  }
0x61: {  	v7 =	vld [tilespmem:$0x1FFF0];
	[sflag:s18] =	ssyncadd.s32 $0xFFFFFFB0  }
0x62: {  	v0 =	vld [tilespmem:$0x0]  }
0x63: {  	v1 =	vld [tilespmem:$0x80]  }
0x64: {  	v2 =	vld [tilespmem:$0x10]  }
0x65: {  	v3 =	vld [tilespmem:$0x90]  }
0x66: {  	v4 =	vld [tilespmem:$0x20]  }
0x67: {  	v5 =	vld [tilespmem:$0xA0]  }
0x68: {  	v6 =	vld [tilespmem:$0x30];
	v0 =	vadd.s32 v7, v0;
	vm2 =	vlt.u32 v1, $0x1388  }
0x69: {  	[tilespmem:$0x0] =	vst v0;
	v0 =	vnsel vm2, $0x13F8, v1;
	v1 =	vld [tilespmem:$0xB0]  }
0x6a: {  	vm2 =	vlt.u32 v3, $0x1388;
	[tilespmem:$0x100] =	vst v0;
	v0 =	vadd.s32 v7, v2;
	v2 =	vld [tilespmem:$0x40]  }
0x6b: {  	[tilespmem:$0x10] =	vst v0;
	v0 =	vnsel vm2, $0x13F8, v3;
	v3 =	vld [tilespmem:$0xC0]  }
0x6c: {  	vm2 =	vlt.u32 v5, $0x1388;
	[tilespmem:$0x110] =	vst v0;
	v0 =	vadd.s32 v7, v4  }
0x6d: {  	[tilespmem:$0x20] =	vst v0;
	v0 =	vnsel vm2, $0x13F8, v5  }
0x6e: {  	[tilespmem:$0x120] =	vst v0;
	v0 =	vadd.s32 v7, v6;
	vm2 =	vlt.u32 v1, $0x1388  }
0x6f: {  	[tilespmem:$0x30] =	vst v0;
	v0 =	vnsel vm2, $0x13F8, v1  }
0x70: {  	[tilespmem:$0x130] =	vst v0;
	v0 =	vadd.s32 v7, v2;
	vm2 =	vlt.u32 v3, $0x1388  }
0x71: {  	[tilespmem:$0x40] =	vst v0;
	v0 =	vnsel vm2, $0x13F8, v3  }
0x72: {  	[tilespmem:$0x140] =	vst v0  }
0x73: {  	[tilespmem:s22], [sflag:$0x1] =	stream.indirect.gather [hbm4b:s6+s21], $0x80, s28, s21, $0xb8;
	[tilespmem:$0x14200] =	vst v63  }
0x74: {  	_ =	swait.ge [sflag:s18], $0x2800  }
0x75: {  	[sflag:s18] =	ssyncset.done $0x0  }
0x76: {  	[sflag:s18] =	ssyncadd.s32 $0xFFFFD800  }
0x77: {  	[tilespmem:s23], [sflag:$0x1] =	stream.indirect.gather [hbm4b:s7+s21], $0x80, s20, s21, $0xb8;
	[tilespmem:$0x14200] =	vst v63  }
0x78: {  	_ =	swait.ge [sflag:s18], $0x2800  }
0x79: {  	[sflag:s18] =	ssyncset.done $0x0  }
0x7a: {  	s9 =	simm.s32 $0x280;
	[sflag:s18] =	ssyncadd.s32 $0xFFFFD800  }
0x7b: {  	v10 =	vld [tilespmem:s9+$0xB0];
	_ =	sdelay $0x4  }
0x7c: {  	[tilespmem:$0x1F990] =	vst v10  }
0x7d: {  	v9 =	vld [tilespmem:s9+$0xF0];
	_ =	sdelay $0x3  }
0x7e: {  	s10 =	simm.s32 $0x2A80  }
0x7f: {  	v0 =	vld [tilespmem:s10+$0xB0];
	[tilespmem:$0x1F9D0] =	vst v9  }
0x80: {  	v12 =	vld [tilespmem:s9+$0xA0];
	_ =	sdelay $0x4  }
0x81: {  	v1 =	vld [tilespmem:s10+$0xF0];
	[tilespmem:$0x1F980] =	vst v12  }
0x82: {  	v11 =	vld [tilespmem:s9+$0xE0];
	_ =	sdelay $0x4  }
0x83: {  	v2 =	vld [tilespmem:s10+$0xA0];
	[tilespmem:$0x1F9C0] =	vst v11  }
0x84: {  	v14 =	vld [tilespmem:s9+$0x90];
	_ =	sdelay $0x4  }
0x85: {  	v3 =	vld [tilespmem:s10+$0xE0];
	[tilespmem:$0x1F970] =	vst v14  }
0x86: {  	v13 =	vld [tilespmem:s9+$0xD0];
	_ =	sdelay $0x4  }
0x87: {  	v4 =	vld [tilespmem:s10+$0x90];
	[tilespmem:$0x1F9B0] =	vst v13  }
0x88: {  	v16 =	vld [tilespmem:s9+$0x80];
	_ =	sdelay $0x4  }
0x89: {  	v5 =	vld [tilespmem:s10+$0xD0];
	[tilespmem:$0x1F960] =	vst v16  }
0x8a: {  	v15 =	vld [tilespmem:s9+$0xC0];
	_ =	sdelay $0x4  }
0x8b: {  	v6 =	vld [tilespmem:s10+$0x80];
	[tilespmem:$0x1F9A0] =	vst v15  }
0x8c: {  	v22 =	vld [tilespmem:s9+$0xFFFFFF40];
	_ =	sdelay $0x3  }
0x8d: {  	v7 =	vld [tilespmem:s10+$0xC0]  }
0x8e: {  	v8 =	vld [tilespmem:s10+$0xFFFFFF00];
	[tilespmem:$0x1FA30] =	vst v22  }
0x8f: {  	v21 =	vld [tilespmem:s9+$0xFFFFFF80];
	_ =	sdelay $0x4  }
0x90: {  	v1 =	vadd.f32 v1, v9;
	v9 =	vld [tilespmem:s10+$0xFFFFFF40];
	[tilespmem:$0x1FA70] =	vst v21  }
0x91: {  	v20 =	vld [tilespmem:s9+$0xFFFFFFC0];
	_ =	sdelay $0x4  }
0x92: {  	v0 =	vadd.f32 v0, v10;
	v10 =	vld [tilespmem:s10+$0xFFFFFF80];
	[tilespmem:$0x1FAB0] =	vst v20  }
0x93: {  	v19 =	vld [tilespmem:s9+$0x0];
	_ =	sdelay $0x4  }
0x94: {  	v5 =	vadd.f32 v5, v13;
	v13 =	vld [tilespmem:s10+$0xFFFFFFC0];
	[tilespmem:$0x1FBF0] =	vst v19  }
0x95: {  	v18 =	vld [tilespmem:s9+$0x40];
	_ =	sdelay $0x4  }
0x96: {  	v7 =	vadd.f32 v7, v15;
	v15 =	vld [tilespmem:s10+$0x0];
	[tilespmem:$0x1FC30] =	vst v18  }
0x97: {  	v23 =	vld [tilespmem:s9+$0xFFFFFF00];
	_ =	sdelay $0x1  }
0x98: {  	v2 =	vadd.f32 v2, v12;
	_ =	sdelay $0x1  }
0x99: {  	v4 =	vadd.f32 v4, v14;
	v14 =	vmul.f32 $2.000000030e-01, v2  }
0x9a: {  	vm5 =	vgt.f32 v2, $0.0e+00;
	v17 =	vld [tilespmem:s10+$0x40];
	[tilespmem:$0x1F9F0] =	vst v23  }
0x9b: {  	v2 =	vsel vm5, v2, v14;
	v14 =	vld [tilespmem:s9+$0xFFFFFF10];
	_ =	sdelay $0x1  }
0x9c: {  	v42 =	vld [tilespmem:$0x1FF70];
	v6 =	vadd.f32 v6, v16;
	_ =	sdelay $0x1  }
0x9d: {  	v45 =	vld [tilespmem:$0x1FF80];
	v3 =	vadd.f32 v3, v11;
	v11 =	vmul.f32 $2.000000030e-01, v6  }
0x9e: {  	v24 =	vld [tilespmem:$0x1FFB0];
	vm4 =	vgt.f32 v6, $0.0e+00;
	[tilespmem:$0x1FA00] =	vst v14  }
0x9f: {  	v6 =	vsel vm4, v6, v11;
	v11 =	vmul.f32 $2.000000030e-01, v4;
	v47 =	vld [tilespmem:s9+$0xFFFFFF50]  }
0xa0: {  	vm4 =	vgt.f32 v4, $0.0e+00;
	v6 =	vmul.f32 v6, v42  }
0xa1: {  	v4 =	vsel vm4, v4, v11;
	v11 =	vmul.f32 $2.000000030e-01, v7  }
0xa2: {  	v56 =	vld [tilespmem:$0x1FF90];
	v6 =	vadd.f32 $0.0e+00, v6;
	v4 =	vmul.f32 v4, v45;
	vm4 =	vgt.f32 v7, $0.0e+00  }
0xa3: {  	v58 =	vld [tilespmem:$0x1FFA0];
	v7 =	vsel vm4, v7, v11  }
0xa4: {  	v4 =	vadd.f32 v4, v6;
	v6 =	vmul.f32 v7, v24;
	v7 =	vld [tilespmem:s10+$0xFFFFFF10];
	[tilespmem:$0x1FA40] =	vst v47  }
0xa5: {  	v27 =	vld [tilespmem:$0x1FFC0]  }
0xa6: {  	v12 =	vmul.f32 $2.000000030e-01, v0;
	v25 =	vld [tilespmem:s9+$0xFFFFFF90]  }
0xa7: {  	vm3 =	vgt.f32 v0, $0.0e+00;
	v2 =	vmul.f32 v2, v56;
	v43 =	vmul.f32 $2.000000030e-01, v5  }
0xa8: {  	v0 =	vsel vm3, v0, v12;
	vm6 =	vgt.f32 v5, $0.0e+00  }
0xa9: {  	v0 =	vmul.f32 v0, v58;
	v5 =	vsel vm6, v5, v43;
	v2 =	vadd.f32 v2, v4  }
0xaa: {  	v4 =	vadd.f32 $0.0e+00, v6;
	v53 =	vld [tilespmem:$0x1FFD0];
	v5 =	vmul.f32 v5, v27  }
0xab: {  	v0 =	vadd.f32 v0, v2;
	v6 =	vld [tilespmem:s10+$0xFFFFFF50];
	[tilespmem:$0x1FA80] =	vst v25  }
0xac: {  	v11 =	vmul.f32 $2.000000030e-01, v3;
	v2 =	vadd.f32 v5, v4;
	v5 =	vadd.f32 v8, v23;
	v23 =	vld [tilespmem:s9+$0xFFFFFFD0]  }
0xad: {  	vm2 =	vgt.f32 v3, $0.0e+00  }
0xae: {  	v3 =	vsel vm2, v3, v11  }
0xaf: {  	v3 =	vmul.f32 v3, v53;
	_ =	sdelay $0x1  }
0xb0: {  	v4 =	vld [tilespmem:s10+$0xFFFFFF90];
	v2 =	vadd.f32 v3, v2;
	[tilespmem:$0x1FAC0] =	vst v23  }
0xb1: {  	v3 =	vadd.f32 v10, v21;
	v10 =	vadd.f32 v13, v20;
	v20 =	vld [tilespmem:s9+$0x10];
	_ =	sdelay $0x3  }
0xb2: {  	v57 =	vld [tilespmem:$0x1FFE0]  }
0xb3: {  	(xrf2) =	vadd.scan.msk.f32 $0xffff, v0;
	v0 =	vld [tilespmem:s10+$0xFFFFFFD0];
	[tilespmem:$0x1FC00] =	vst v20  }
0xb4: {  	v11 =	vmul.f32 $2.000000030e-01, v1;
	v48 =	vld [tilespmem:s9+$0x50]  }
0xb5: {  	vm2 =	vgt.f32 v1, $0.0e+00  }
0xb6: {  	v1 =	vsel vm2, v1, v11  }
0xb7: {  	v1 =	vmul.f32 v1, v57;
	_ =	sdelay $0x1  }
0xb8: {  	v1 =	vadd.f32 v1, v2;
	v2 =	vld [tilespmem:s10+$0x10];
	[tilespmem:$0x1FC40] =	vst v48  }
0xb9: {  	v8 =	vadd.f32 v9, v22;
	v22 =	vld [tilespmem:s9+$0xFFFFFF20];
	_ =	sdelay $0x4  }
0xba: {  	(xrf2) =	vadd.scan.msk.f32 $0xffff, v1;
	v1 =	vld [tilespmem:s10+$0x50];
	[tilespmem:$0x1FA10] =	vst v22  }
0xbb: {  	v28 =	vld [tilespmem:s9+$0xFFFFFF60];
	_ =	sdelay $0x4  }
0xbc: {  	v50 =	vld [tilespmem:s10+$0xFFFFFF20];
	[tilespmem:$0x1FA50] =	vst v28  }
0xbd: {  	v30 =	vld [tilespmem:s9+$0xFFFFFFA0];
	_ =	sdelay $0x2  }
0xbe: {  	v9 =	vmul.f32 $2.000000030e-01, v5  }
0xbf: {  	vm2 =	vgt.f32 v5, $0.0e+00  }
0xc0: {  	v5 =	vsel vm2, v5, v9;
	v9 =	vld [tilespmem:s10+$0xFFFFFF60];
	[tilespmem:$0x1FA90] =	vst v30  }
0xc1: {  	v29 =	vld [tilespmem:s9+$0xFFFFFFE0];
	_ =	sdelay $0x4  }
0xc2: {  	v51 =	vld [tilespmem:s10+$0xFFFFFFA0];
	[tilespmem:$0x1FB00] =	vst v29  }
0xc3: {  	v11 =	vadd.f32 v15, v19;
	v15 =	vmul.f32 $2.000000030e-01, v10;
	v0 =	vadd.f32 v0, v23;
	v23 =	vld [tilespmem:s9+$0x20];
	_ =	sdelay $0x2  }
0xc4: {  	vm5 =	vgt.f32 v10, $0.0e+00  }
0xc5: {  	v10 =	vsel vm5, v10, v15;
	v15, _, _ =	vpop (xrf2)  }
0xc6: {  	v13 =	vadd.f32 v17, v18;
	v18 =	vadd.f32 v50, v22;
	v22, _, _ =	vpop (xrf2);
	v21 =	vld [tilespmem:s10+$0xFFFFFFE0];
	[tilespmem:$0x1FC10] =	vst v23  }
0xc7: {  	v59 =	vmul.f32 $1.442695020e+00, v22;
	v22 =	vld [tilespmem:s9+$0x60];
	_ =	sdelay $0x4  }
0xc8: {  	v55 =	vld [tilespmem:s10+$0x20];
	[tilespmem:$0x1FC50] =	vst v22  }
0xc9: {  	v61 =	vld [tilespmem:s9+$0xFFFFFF30];
	_ =	sdelay $0x4  }
0xca: {  	v60 =	vld [tilespmem:s10+$0x60];
	[tilespmem:$0x1FA20] =	vst v61  }
0xcb: {  	v62 =	vld [tilespmem:s9+$0xFFFFFF70];
	_ =	sdelay $0x4  }
0xcc: {  	v37 =	vld [tilespmem:s10+$0xFFFFFF30];
	[tilespmem:$0x1FA60] =	vst v62  }
0xcd: {  	v49 =	vmul.f32 $2.000000030e-01, v11;
	v12 =	vmul.f32 $2.000000030e-01, v8;
	v44 =	vadd.f32 v21, v29;
	v21 =	vld [tilespmem:s9+$0xFFFFFFB0]  }
0xce: {  	v7 =	vadd.f32 v7, v14;
	vm3 =	vgt.f32 v8, $0.0e+00;
	v17 =	vmul.f32 $2.000000030e-01, v13  }
0xcf: {  	vm2 =	vgt.f32 v11, $0.0e+00;
	vm6 =	vgt.f32 v13, $0.0e+00;
	v8 =	vsel vm3, v8, v12  }
0xd0: {  	v12 =	vsel vm6, v13, v17;
	v13 =	vmul.f32 $2.000000030e-01, v7;
	v2 =	vadd.f32 v2, v20  }
0xd1: {  	v11 =	vsel vm2, v11, v49;
	vm2 =	vgt.f32 v7, $0.0e+00  }
0xd2: {  	v7 =	vsel vm2, v7, v13;
	v20 =	vmul.f32 $2.000000030e-01, v2;
	v13 =	vld [tilespmem:s10+$0xFFFFFF70];
	[tilespmem:$0x1FAA0] =	vst v21  }
0xd3: {  	vm6 =	vgt.f32 v2, $0.0e+00;
	v16 =	vadd.f32 v60, v22;
	v22 =	vld [tilespmem:s9+$0xFFFFFFF0]  }
0xd4: {  	v2 =	vsel vm6, v2, v20;
	v20 =	vld [tilespmem:s10+$0xFFFFFFB0];
	_ =	sdelay $0x2  }
0xd5: {  	v6 =	vadd.f32 v6, v47;
	v14 =	vmul.f32 $2.000000030e-01, v3;
	vm4 =	vgt.f32 v3, $0.0e+00  }
0xd6: {  	v4 =	vadd.f32 v4, v25;
	v5 =	vmul.f32 v5, v42;
	v8 =	vmul.f32 v8, v24;
	[tilespmem:$0x1FB10] =	vst v22  }
0xd7: {  	v3 =	vsel vm4, v3, v14;
	v14 =	vmul.f32 $2.000000030e-01, v6;
	v50 =	vadd.f32 v20, v21;
	v21 =	vld [tilespmem:s9+$0x30]  }
0xd8: {  	vm3 =	vgt.f32 v6, $0.0e+00;
	v11 =	vmul.f32 v11, v42;
	v52 =	vmul.f32 $2.000000030e-01, v4;
	v31 =	vld [tilespmem:s10+$0xFFFFFFF0]  }
0xd9: {  	vm4 =	vgt.f32 v4, $0.0e+00;
	v3 =	vmul.f32 v3, v42;
	v15 =	vmul.f32 $1.442695020e+00, v15  }
0xda: {  	v10 =	vmul.f32 v10, v24;
	v12 =	vmul.f32 v12, v24;
	v5 =	vadd.f32 $0.0e+00, v5  }
0xdb: {  	v8 =	vadd.f32 $0.0e+00, v8;
	v6 =	vsel vm3, v6, v14;
	v15 =	vbroadcast v15, $0xF  }
0xdc: {  	v11 =	vadd.f32 $0.0e+00, v11;
	v4 =	vsel vm4, v4, v52;
	v3 =	vadd.f32 $0.0e+00, v3;
	[tilespmem:$0x1FC20] =	vst v21  }
0xdd: {  	(erf) = vpow2.f32 v15;
	v15 =	vadd.f32 v51, v30;
	v51 =	vadd.f32 v31, v22;
	v22 =	vld [tilespmem:s9+$0x70]  }
0xde: {  	v10 =	vadd.f32 $0.0e+00, v10;
	v7 =	vmul.f32 v7, v45;
	v6 =	vmul.f32 v6, v27  }
0xdf: {  	v4 =	vmul.f32 v4, v45;
	v54 =	vmul.f32 $2.000000030e-01, v0;
	v1 =	vadd.f32 v1, v48  }
0xe0: {  	v5 =	vadd.f32 v7, v5;
	v6 =	vadd.f32 v6, v8;
	vm5 =	vgt.f32 v0, $0.0e+00  }
0xe1: {  	v0 =	vsel vm5, v0, v54;
	v26 =	vmul.f32 $2.000000030e-01, v1;
	v9 =	vadd.f32 v9, v28  }
0xe2: {  	s11 =	simm.s32 $0x480;
	vm2 =	vgt.f32 v1, $0.0e+00;
	v63 =	vmul.f32 $2.000000030e-01, v18;
	v47 =	vadd.f32 v37, v61;
	v32 =	vld [tilespmem:s10+$0x30];
	[tilespmem:$0x1FC60] =	vst v22  }
0xe3: {  	v1 =	vsel vm2, v1, v26;
	vm2 =	vgt.f32 v18, $0.0e+00;
	v25 =	vmul.f32 $2.000000030e-01, v9;
	v19 =	vld [tilespmem:s11+$0xB0]  }
0xe4: {  	v17 =	vsel vm2, v18, v63;
	vm3 =	vgt.f32 v9, $0.0e+00;
	v33 =	vmul.f32 $2.000000030e-01, v47  }
0xe5: {  	v7 =	vmul.f32 v17, v56;
	v9 =	vsel vm3, v9, v25;
	vm2 =	vgt.f32 v47, $0.0e+00  }
0xe6: {  	v0 =	vmul.f32 v0, v27;
	v8 =	vmul.f32 v9, v53;
	v9 =	vsel vm2, v47, v33  }
0xe7: {  	v12 =	vadd.f32 $0.0e+00, v12;
	v5 =	vadd.f32 v7, v5;
	v7 =	vmul.f32 v9, v58  }
0xe8: {  	s19 =	simm.s32 $0x2C80;
	v3 =	vadd.f32 v4, v3;
	v0 =	vadd.f32 v0, v10;
	v2 =	vmul.f32 v2, v45;
	v34 =	vld [tilespmem:s10+$0x70];
	[tilespmem:$0x1F9E0] =	vst v19  }
0xe9: {  	v1 =	vmul.f32 v1, v27;
	v28 =	vbroadcast v59, $0xF;
	v5 =	vadd.f32 v7, v5;
	v7 =	vld [tilespmem:s19+$0xB0]  }
0xea: {  	v4 =	vadd.f32 v2, v11;
	v14 =	vadd.f32 v55, v23;
	v43 =	vld [tilespmem:s11+$0xF0]  }
0xeb: {  	v11 =	vadd.f32 v1, v12;
	(erf) = vpow2.f32 v28;
	v13 =	vadd.f32 v13, v62;
	(xrf2) =	vadd.scan.msk.f32 $0xffff, v5;
	v5 =	vld [tilespmem:s19+$0xF0]  }
0xec: {  	v6 =	vadd.f32 v8, v6;
	v26 =	vmul.f32 $2.000000030e-01, v15;
	v48 =	vmul.f32 $2.000000030e-01, v14;
	v41 =	vld [tilespmem:s11+$0xA0]  }
0xed: {  	vm4 =	vgt.f32 v14, $0.0e+00;
	v20 =	vmul.f32 $2.000000030e-01, v13;
	v9 =	vadd.f32 v32, v21;
	v28 =	vld [tilespmem:s19+$0xA0]  }
0xee: {  	v46 =	vmul.f32 $2.000000030e-01, v44;
	v14 =	vsel vm4, v14, v48;
	vm3 =	vgt.f32 v13, $0.0e+00;
	v40 =	vld [tilespmem:s11+$0xE0]  }
0xef: {  	v12 =	vmul.f32 v14, v56;
	v13 =	vsel vm3, v13, v20;
	v55 =	vmul.f32 $2.000000030e-01, v9;
	v10 =	vld [tilespmem:s19+$0xE0]  }
0xf0: {  	vm2 =	vgt.f32 v15, $0.0e+00;
	v8 =	vmul.f32 v13, v57;
	vm4 =	vgt.f32 v9, $0.0e+00;
	v39 =	vld [tilespmem:s11+$0x90]  }
0xf1: {  	v4 =	vadd.f32 v12, v4;
	v13 =	vsel vm2, v15, v26;
	v9 =	vsel vm4, v9, v55;
	v60 =	vld [tilespmem:s19+$0x90]  }
0xf2: {  	v1 =	vmul.f32 v13, v56;
	v6 =	vadd.f32 v8, v6;
	v9 =	vmul.f32 v9, v58;
	v37 =	vld [tilespmem:s11+$0xD0]  }
0xf3: {  	vm3 =	vgt.f32 v44, $0.0e+00;
	v35 =	vmul.f32 $2.000000030e-01, v50;
	v62 =	vld [tilespmem:s19+$0xD0]  }
0xf4: {  	(xrf2) =	vadd.scan.msk.f32 $0xffff, v6;
	v6 =	vsel vm3, v44, v46;
	v54 =	vmul.f32 $2.000000030e-01, v51;
	v26 =	vadd.f32 v9, v4;
	v4 =	vld [tilespmem:s11+$0xFFFFFF40]  }
0xf5: {  	vm2 =	vgt.f32 v50, $0.0e+00;
	v6 =	vmul.f32 v6, v53;
	vm3 =	vgt.f32 v51, $0.0e+00;
	v36 =	vld [tilespmem:s11+$0x80]  }
0xf6: {  	v18 =	vsel vm2, v50, v35;
	v3 =	vadd.f32 v1, v3;
	v1, _, _ =	vpop (xrf2);
	v61 =	vsel vm3, v51, v54;
	v17 =	vld [tilespmem:s19+$0x80]  }
0xf7: {  	v12 =	vmul.f32 $1.442695020e+00, v1;
	v0 =	vadd.f32 v6, v0;
	v63 =	vmul.f32 v61, v57;
	v35 =	vld [tilespmem:s11+$0xC0]  }
0xf8: {  	v6 =	vmul.f32 v18, v58;
	v38 =	vld [tilespmem:s19+$0xC0]  }
0xf9: {  	v25 =	vadd.f32 v63, v0;
	v0 =	vbroadcast v12, $0xF;
	v12 =	vld [tilespmem:s19+$0xFFFFFF00];
	[tilespmem:$0x1FD60] =	vst v4  }
0xfa: {  	v23 =	vadd.f32 v6, v3;
	v6 =	vld [tilespmem:s11+$0xFFFFFF80]  }
0xfb: {  	v49 =	vmul.f32 $2.000000030e-01, v16  }
0xfc: {  	vm5 =	vgt.f32 v16, $0.0e+00;
	v8 =	vadd.f32 v34, v22  }
0xfd: {  	v52 =	vsel vm5, v16, v49  }
0xfe: {  	v14 =	vmul.f32 v52, v53;
	v59 =	vmul.f32 $2.000000030e-01, v8  }
0xff: {  	(erf) = vpow2.f32 v0;
	vm5 =	vgt.f32 v8, $0.0e+00;
	v0 =	vadd.f32 v7, v19;
	v7 =	vld [tilespmem:s19+$0xFFFFFF40];
	[tilespmem:$0x1FDA0] =	vst v6  }
0x100: {  	v31, _, _ =	vpop (xrf2);
	v8 =	vsel vm5, v8, v59;
	v3 =	vld [tilespmem:s11+$0xFFFFFFC0]  }
0x101: {  	v11 =	vadd.f32 v14, v11;
	v47 =	vmul.f32 $1.442695020e+00, v31;
	v8 =	vmul.f32 v8, v57;
	_ =	sdelay $0x1  }
0x102: {  	v30 =	vadd.f32 v8, v11;
	v8 =	vbroadcast v47, $0xF;
	_ =	sdelay $0x1  }
0x103: {  	(erf) = vpow2.f32 v8;
	v8 =	vadd.f32 v28, v41;
	v28 =	vld [tilespmem:s19+$0xFFFFFF80];
	[tilespmem:$0x1FDE0] =	vst v3  }
0x104: {  	v2 =	vld [tilespmem:s11+$0x0];
	_ =	sdelay $0x4  }
0x105: {  	v50 =	vld [tilespmem:s19+$0xFFFFFFC0];
	[tilespmem:$0x1FE20] =	vst v2  }
0x106: {  	v1 =	vld [tilespmem:s11+$0x40];
	_ =	sdelay $0x4  }
0x107: {  	v11 =	vadd.f32 v60, v39;
	v60 =	vld [tilespmem:s19+$0x0];
	[tilespmem:$0x1FE60] =	vst v1  }
0x108: {  	v14 =	vld [tilespmem:s11+$0xFFFFFF00];
	_ =	sdelay $0x4  }
0x109: {  	v63 =	vld [tilespmem:s19+$0x40];
	[tilespmem:$0x1FD20] =	vst v14  }
0x10a: {  	v32 =	vld [tilespmem:s11+$0xFFFFFF10];
	_ =	sdelay $0x3  }
0x10b: {  	v9 =	vadd.f32 v17, v36  }
0x10c: {  	[tilespmem:$0x1FD30] =	vst v32  }
0x10d: {  	v52 =	vmul.f32 $2.000000030e-01, v9;
	v13 =	vld [tilespmem:s11+$0xFFFFFF50]  }
0x10e: {  	v10 =	vadd.f32 v10, v40;
	v54 =	vadd.f32 v38, v35;
	vm2 =	vgt.f32 v9, $0.0e+00  }
0x10f: {  	v46 =	vadd.f32 v62, v37;
	v55 =	vmul.f32 $2.000000030e-01, v11;
	v9 =	vsel vm2, v9, v52  }
0x110: {  	v61 =	vmul.f32 $2.000000030e-01, v54;
	vm4 =	vgt.f32 v11, $0.0e+00;
	v9 =	vmul.f32 v9, v42  }
0x111: {  	vm2 =	vgt.f32 v8, $0.0e+00;
	v59 =	vmul.f32 $2.000000030e-01, v8;
	v11 =	vsel vm4, v11, v55  }
0x112: {  	vm4 =	vgt.f32 v54, $0.0e+00;
	v11 =	vmul.f32 v11, v45;
	v9 =	vadd.f32 $0.0e+00, v9;
	v52 =	vld [tilespmem:s19+$0xFFFFFF10];
	[tilespmem:$0x1FD70] =	vst v13  }
0x113: {  	v62 =	vmul.f32 $2.000000030e-01, v46;
	v18 =	vsel vm4, v54, v61;
	v8 =	vsel vm2, v8, v59;
	v15 =	vld [tilespmem:s11+$0xFFFFFF90]  }
0x114: {  	vm2 =	vgt.f32 v46, $0.0e+00;
	v9 =	vadd.f32 v11, v9;
	v11 =	vmul.f32 v18, v24  }
0x115: {  	v33 =	vmul.f32 $2.000000030e-01, v10;
	v29 =	vsel vm2, v46, v62  }
0x116: {  	v8 =	vmul.f32 v8, v56;
	v18 =	vmul.f32 v29, v27;
	v11 =	vadd.f32 $0.0e+00, v11  }
0x117: {  	vm2 =	vgt.f32 v10, $0.0e+00  }
0x118: {  	v8 =	vadd.f32 v8, v9;
	v9 =	vsel vm2, v10, v33;
	v10 =	vadd.f32 v18, v11;
	v11 =	vld [tilespmem:s19+$0xFFFFFF50];
	[tilespmem:$0x1FDB0] =	vst v15  }
0x119: {  	v7 =	vadd.f32 v7, v4;
	v4 =	vld [tilespmem:s11+$0xFFFFFFD0];
	_ =	sdelay $0x4  }
0x11a: {  	v5 =	vadd.f32 v5, v43;
	v31 =	vmul.f32 $2.000000030e-01, v0;
	v38 =	vld [tilespmem:s19+$0xFFFFFF90];
	[tilespmem:$0x1FDF0] =	vst v4  }
0x11b: {  	vm3 =	vgt.f32 v0, $0.0e+00;
	v50 =	vadd.f32 v50, v3;
	v3 =	vld [tilespmem:s11+$0x10]  }
0x11c: {  	v34 =	vmul.f32 $2.000000030e-01, v5;
	v0 =	vsel vm3, v0, v31  }
0x11d: {  	v0 =	vmul.f32 v0, v58;
	vm2 =	vgt.f32 v5, $0.0e+00;
	v9 =	vmul.f32 v9, v53  }
0x11e: {  	v5 =	vsel vm2, v5, v34  }
0x11f: {  	v21 =	vadd.f32 v0, v8;
	v5 =	vmul.f32 v5, v57;
	v0 =	vadd.f32 v9, v10  }
0x120: {  	v10 =	vld [tilespmem:s19+$0xFFFFFFD0];
	[tilespmem:$0x1FE30] =	vst v3  }
0x121: {  	v20 =	vadd.f32 v5, v0;
	v0 =	vld [tilespmem:s11+$0x50]  }
0x122: {  	v12 =	vadd.f32 v12, v14;
	_ =	sdelay $0x1  }
0x123: {  	v9 =	vmul.f32 $2.000000030e-01, v12  }
0x124: {  	vm2 =	vgt.f32 v12, $0.0e+00  }
0x125: {  	v5 =	vsel vm2, v12, v9;
	v9 =	vld [tilespmem:s19+$0x10];
	[tilespmem:$0x1FE70] =	vst v0  }
0x126: {  	v44 =	vadd.f32 v63, v1;
	v1 =	vld [tilespmem:s11+$0xFFFFFF20];
	_ =	sdelay $0x4  }
0x127: {  	v55 =	vld [tilespmem:s19+$0x50];
	[tilespmem:$0x1FD40] =	vst v1  }
0x128: {  	v33 =	vld [tilespmem:s11+$0xFFFFFF60]  }
0x129: {  	v8 =	vadd.f32 v28, v6  }
0x12a: {  	v12 =	vadd.f32 v60, v2  }
0x12b: {  	v19 =	vmul.f32 $2.000000030e-01, v8  }
0x12c: {  	vm2 =	vgt.f32 v8, $0.0e+00;
	v31 =	vadd.f32 v52, v32;
	v32 =	vmul.f32 $2.000000030e-01, v12  }
0x12d: {  	v8 =	vsel vm2, v8, v19;
	vm2 =	vgt.f32 v12, $0.0e+00;
	v59 =	vld [tilespmem:s19+$0xFFFFFF20];
	[tilespmem:$0x1FD80] =	vst v33  }
0x12e: {  	v14 =	vsel vm2, v12, v32;
	v12 =	vld [tilespmem:s11+$0xFFFFFFA0];
	_ =	sdelay $0x4  }
0x12f: {  	v61 =	vld [tilespmem:s19+$0xFFFFFF60];
	[tilespmem:$0x1FDC0] =	vst v12  }
0x130: {  	v11 =	vadd.f32 v11, v13;
	v13 =	vld [tilespmem:s11+$0xFFFFFFE0];
	_ =	sdelay $0x4  }
0x131: {  	v62 =	vld [tilespmem:s19+$0xFFFFFFA0];
	[tilespmem:$0x1FE00] =	vst v13  }
0x132: {  	v17 =	vmul.f32 $2.000000030e-01, v7;
	v10 =	vadd.f32 v10, v4;
	v4 =	vld [tilespmem:s11+$0x20]  }
0x133: {  	vm3 =	vgt.f32 v7, $0.0e+00;
	v29 =	vmul.f32 $2.000000030e-01, v50  }
0x134: {  	v7 =	vsel vm3, v7, v17;
	vm3 =	vgt.f32 v50, $0.0e+00  }
0x135: {  	v28 =	vsel vm3, v50, v29;
	v54 =	vmul.f32 $2.000000030e-01, v44  }
0x136: {  	vm3 =	vgt.f32 v44, $0.0e+00;
	v55 =	vadd.f32 v55, v0;
	v0 =	vmul.f32 $2.000000030e-01, v10  }
0x137: {  	v44 =	vsel vm3, v44, v54;
	vm3 =	vgt.f32 v10, $0.0e+00;
	v2 =	vld [tilespmem:s19+$0xFFFFFFE0];
	[tilespmem:$0x1FE40] =	vst v4  }
0x138: {  	v9 =	vadd.f32 v9, v3;
	v3 =	vsel vm3, v10, v0;
	v0 =	vld [tilespmem:s11+$0x60];
	_ =	sdelay $0x2  }
0x139: {  	v59 =	vadd.f32 v59, v1;
	v1 =	vmul.f32 $2.000000030e-01, v9  }
0x13a: {  	v60 =	vmul.f32 $2.000000030e-01, v31;
	v46 =	vadd.f32 v38, v15;
	vm4 =	vgt.f32 v9, $0.0e+00  }
0x13b: {  	vm2 =	vgt.f32 v31, $0.0e+00;
	v34 =	vmul.f32 $2.000000030e-01, v11;
	v6 =	vsel vm4, v9, v1;
	v9 =	vld [tilespmem:s19+$0x20];
	[tilespmem:$0x1FE80] =	vst v0  }
0x13c: {  	v60 =	vsel vm2, v31, v60;
	vm2 =	vgt.f32 v11, $0.0e+00;
	v63 =	vmul.f32 $2.000000030e-01, v46;
	v31 =	vld [tilespmem:s11+$0xFFFFFF30]  }
0x13d: {  	v11 =	vsel vm2, v11, v34;
	vm2 =	vgt.f32 v46, $0.0e+00;
	v10 =	vadd.f32 v61, v33  }
0x13e: {  	v63 =	vsel vm2, v46, v63;
	v38 =	vmul.f32 $2.000000030e-01, v55;
	v2 =	vadd.f32 v2, v13  }
0x13f: {  	vm2 =	vgt.f32 v55, $0.0e+00;
	v48 =	vmul.f32 $2.000000030e-01, v10;
	v62 =	vadd.f32 v62, v12  }
0x140: {  	v12 =	vsel vm2, v55, v38;
	vm2 =	vgt.f32 v10, $0.0e+00;
	v51 =	vmul.f32 $2.000000030e-01, v2  }
0x141: {  	v17 =	vsel vm2, v10, v48;
	vm2 =	vgt.f32 v2, $0.0e+00;
	v50 =	vld [tilespmem:s19+$0x60];
	[tilespmem:$0x1FD50] =	vst v31  }
0x142: {  	v15 =	vsel vm2, v2, v51;
	v2 =	vld [tilespmem:s11+$0xFFFFFF70];
	_ =	sdelay $0x4  }
0x143: {  	v9 =	vadd.f32 v9, v4;
	v4 =	vld [tilespmem:s19+$0xFFFFFF30];
	[tilespmem:$0x1FD90] =	vst v2  }
0x144: {  	v32 =	vld [tilespmem:s11+$0xFFFFFFB0];
	_ =	sdelay $0x2  }
0x145: {  	v47 =	vmul.f32 $2.000000030e-01, v59  }
0x146: {  	vm3 =	vgt.f32 v59, $0.0e+00;
	v49 =	vmul.f32 $2.000000030e-01, v62  }
0x147: {  	v16 =	vsel vm3, v59, v47;
	vm3 =	vgt.f32 v62, $0.0e+00;
	v54 =	vld [tilespmem:s19+$0xFFFFFF70];
	[tilespmem:$0x1FDD0] =	vst v32  }
0x148: {  	v18 =	vsel vm3, v62, v49;
	v62 =	vld [tilespmem:s11+$0xFFFFFFF0];
	_ =	sdelay $0x4  }
0x149: {  	v7 =	vmul.f32 v7, v24;
	v1 =	vld [tilespmem:s19+$0xFFFFFFB0];
	[tilespmem:$0x1FE10] =	vst v62  }
0x14a: {  	v22 =	vld [tilespmem:s11+$0x30]  }
0x14b: {  	v7 =	vadd.f32 $0.0e+00, v7;
	v28 =	vmul.f32 v28, v24;
	v11 =	vmul.f32 v11, v27  }
0x14c: {  	v5 =	vmul.f32 v5, v42;
	v8 =	vmul.f32 v8, v42  }
0x14d: {  	v28 =	vadd.f32 $0.0e+00, v28;
	v7 =	vadd.f32 v11, v7;
	v11 =	vmul.f32 v14, v42  }
0x14e: {  	v5 =	vadd.f32 $0.0e+00, v5;
	v8 =	vadd.f32 $0.0e+00, v8;
	v60 =	vmul.f32 v60, v45  }
0x14f: {  	v14 =	vmul.f32 v44, v24;
	v11 =	vadd.f32 $0.0e+00, v11;
	v3 =	vmul.f32 v3, v27;
	v48 =	vld [tilespmem:s19+$0xFFFFFFF0];
	[tilespmem:$0x1FE50] =	vst v22  }
0x150: {  	v6 =	vmul.f32 v6, v45;
	v16 =	vmul.f32 v16, v56;
	v0 =	vadd.f32 v50, v0;
	v50 =	vld [tilespmem:s11+$0x70]  }
0x151: {  	v55 =	vmul.f32 v63, v45;
	v63 =	vadd.f32 v3, v28;
	v52 =	vmul.f32 $2.000000030e-01, v9  }
0x152: {  	v10 =	vadd.f32 v60, v5;
	v12 =	vmul.f32 v12, v27;
	vm3 =	vgt.f32 v9, $0.0e+00  }
0x153: {  	v13 =	vsel vm3, v9, v52;
	v9 =	vadd.f32 v55, v8;
	v8 =	vadd.f32 v6, v11  }
0x154: {  	v17 =	vmul.f32 v17, v53;
	v11 =	vadd.f32 $0.0e+00, v14;
	v49 =	vadd.f32 v54, v2;
	v2 =	vld [tilespmem:s19+$0x30]  }
0x155: {  	v16 =	vadd.f32 v16, v10;
	v13 =	vmul.f32 v13, v56;
	v38 =	vmul.f32 $2.000000030e-01, v0;
	[tilespmem:$0x1FE90] =	vst v50  }
0x156: {  	s0 =	simm.s32 $0x680;
	v3 =	vadd.f32 v12, v11;
	vm2 =	vgt.f32 v0, $0.0e+00;
	v4 =	vadd.f32 v4, v31;
	v11 =	vld [tilespmem:s19+$0x70]  }
0x157: {  	v17 =	vadd.f32 v17, v7;
	v7 =	vmul.f32 v15, v53;
	v5 =	vsel vm2, v0, v38;
	s11 =	simm.s32 $0x2E80;
	v38 =	vld [tilespmem:s0+$0x90]  }
0x158: {  	v13 =	vadd.f32 v13, v8;
	v14 =	vmul.f32 $2.000000030e-01, v4;
	v0 =	vmul.f32 $2.000000030e-01, v49;
	v52 =	vld [tilespmem:s11+$0x90]  }
0x159: {  	vm2 =	vgt.f32 v4, $0.0e+00;
	vm3 =	vgt.f32 v49, $0.0e+00;
	v2 =	vadd.f32 v2, v22;
	v22 =	vld [tilespmem:s0+$0x80]  }
0x15a: {  	v5 =	vmul.f32 v5, v53;
	v4 =	vsel vm2, v4, v14;
	v6 =	vsel vm3, v49, v0;
	v15 =	vld [tilespmem:s11+$0x80]  }
0x15b: {  	v4 =	vmul.f32 v4, v58;
	v6 =	vmul.f32 v6, v57;
	v1 =	vadd.f32 v1, v32;
	v33 =	vld [tilespmem:s0+$0xC0]  }
0x15c: {  	v3 =	vadd.f32 v5, v3;
	v44 =	vadd.f32 v48, v62;
	v59 =	vld [tilespmem:s11+$0xC0]  }
0x15d: {  	v4 =	vadd.f32 v4, v16;
	v6 =	vadd.f32 v6, v17;
	v12 =	vmul.f32 $2.000000030e-01, v1;
	v28 =	vld [tilespmem:s0+$0xF0]  }
0x15e: {  	vm2 =	vgt.f32 v1, $0.0e+00;
	v14 =	vmul.f32 $2.000000030e-01, v44;
	v47 =	vld [tilespmem:s11+$0xF0];
	v51 =	vmul.f32 $2.000000030e-01, v2  }
0x15f: {  	v1 =	vsel vm2, v1, v12;
	vm3 =	vgt.f32 v44, $0.0e+00;
	vm2 =	vgt.f32 v2, $0.0e+00  }
0x160: {  	v1 =	vmul.f32 v1, v58;
	v14 =	vsel vm3, v44, v14;
	v2 =	vsel vm2, v2, v51  }
0x161: {  	v32 =	vld [tilespmem:s0+$0xA0];
	v2 =	vmul.f32 v2, v58;
	v54 =	vadd.f32 v11, v50;
	v15 =	vadd.f32 v15, v22  }
0x162: {  	v5 =	vld [tilespmem:s11+$0xA0];
	v11 =	vmul.f32 v18, v56;
	v55 =	vadd.f32 v52, v38;
	v19 =	vadd.f32 v59, v33  }
0x163: {  	v14 =	vmul.f32 v14, v57;
	v34 =	vld [tilespmem:s0+$0xB0];
	v50 =	vadd.f32 v47, v28;
	v2 =	vadd.f32 v2, v13  }
0x164: {  	v60 =	vld [tilespmem:s11+$0xB0];
	v18 =	vadd.f32 v11, v9;
	v0 =	vmul.f32 $2.000000030e-01, v54;
	v9 =	vadd.f32 v7, v63  }
0x165: {  	v31 =	vld [tilespmem:s0+$0xD0];
	vm2 =	vgt.f32 v54, $0.0e+00;
	v61 =	vmul.f32 $2.000000030e-01, v15;
	v62 =	vmul.f32 $2.000000030e-01, v55  }
0x166: {  	v13 =	vld [tilespmem:s11+$0xD0];
	vm3 =	vgt.f32 v55, $0.0e+00;
	v0 =	vsel vm2, v54, v0;
	vm2 =	vgt.f32 v15, $0.0e+00  }
0x167: {  	(xrf2) =	vadd.scan.msk.f32 $0xffff, v23;
	v29 =	vld [tilespmem:s0+$0xE0];
	v63 =	vadd.f32 v5, v32;
	v46 =	vmul.f32 $2.000000030e-01, v19;
	v15 =	vsel vm2, v15, v61  }
0x168: {  	v1 =	vadd.f32 v1, v18;
	v14 =	vadd.f32 v14, v9;
	v5 =	vmul.f32 v15, v42;
	v15 =	vld [tilespmem:s11+$0xE0]  }
0x169: {  	v16 =	vsel vm3, v55, v62;
	v23 =	vmul.f32 $2.000000030e-01, v63;
	vm3 =	vgt.f32 v19, $0.0e+00  }
0x16a: {  	(xrf2) =	vadd.scan.msk.f32 $0xffff, v25;
	v0 =	vmul.f32 v0, v57;
	v16 =	vmul.f32 v16, v45;
	vm2 =	vgt.f32 v63, $0.0e+00  }
0x16b: {  	(xrf2) =	vadd.scan.msk.f32 $0xffff, v26;
	v19 =	vsel vm3, v19, v46;
	v13 =	vadd.f32 v13, v31;
	v18 =	vsel vm2, v63, v23  }
0x16c: {  	(xrf2) =	vadd.scan.msk.f32 $0xffff, v30;
	v49 =	vmul.f32 v19, v24;
	v0 =	vadd.f32 v0, v3;
	v3 =	vadd.f32 v60, v34  }
0x16d: {  	(xrf2) =	vadd.scan.msk.f32 $0xffff, v21;
	v18 =	vmul.f32 v18, v56;
	v44 =	vadd.f32 $0.0e+00, v5;
	v15 =	vadd.f32 v15, v29  }
0x16e: {  	(xrf2) =	vadd.scan.msk.f32 $0xffff, v20;
	v20 =	vmul.f32 $2.000000030e-01, v13;
	vm3 =	vgt.f32 v13, $0.0e+00;
	v48 =	vmul.f32 $2.000000030e-01, v3  }
0x16f: {  	vm2 =	vgt.f32 v3, $0.0e+00;
	v16 =	vadd.f32 v16, v44;
	v51 =	vmul.f32 $2.000000030e-01, v15  }
0x170: {  	(xrf2) =	vadd.scan.msk.f32 $0xffff, v4;
	v13 =	vsel vm3, v13, v20;
	v3 =	vsel vm2, v3, v48;
	vm2 =	vgt.f32 v15, $0.0e+00  }
0x171: {  	(xrf2) =	vadd.scan.msk.f32 $0xffff, v6;
	v52, _, _ =	vpop (xrf2);
	v4 =	vadd.f32 $0.0e+00, v49;
	v13 =	vmul.f32 v13, v27;
	v6 =	vsel vm2, v15, v51  }
0x172: {  	v54 =	vmul.f32 $2.000000030e-01, v50;
	v16 =	vadd.f32 v18, v16;
	v15 =	vmul.f32 $1.442695020e+00, v52  }
0x173: {  	(xrf2) =	vadd.scan.msk.f32 $0xffff, v1;
	v1 =	vadd.f32 v13, v4;
	vm2 =	vgt.f32 v50, $0.0e+00;
	v4 =	vmul.f32 v6, v53  }
0x174: {  	v3 =	vmul.f32 v3, v58;
	v13 =	vsel vm2, v50, v54;
	v6, _, _ =	vpop (xrf2);
	(xrf2) =	vadd.scan.msk.f32 $0xffff, v14;
	v14 =	vbroadcast v15, $0xF  }
0x175: {  	v1 =	vadd.f32 v4, v1;
	v4 =	vmul.f32 $1.442695020e+00, v6;
	v6 =	vmul.f32 v13, v57  }
0x176: {  	v15, _, _ =	vpop (xrf2)  }
0x177: {  	(xrf2) =	vadd.scan.msk.f32 $0xffff, v2;
	v2 =	vadd.f32 v3, v16;
	v13, _, _ =	vpop (xrf2);
	v3 =	vmul.f32 $1.442695020e+00, v15  }
0x178: {  	(erf) = vpow2.f32 v14;
	(xrf2) =	vadd.scan.msk.f32 $0xffff, v0;
	v0 =	vadd.f32 v6, v1;
	v1 =	vbroadcast v4, $0xF;
	v14, _, _ =	vpop (xrf2)  }
0x179: {  	(xrf2) =	vadd.scan.msk.f32 $0xffff, v2;
	v2 =	vbroadcast v3, $0xF;
	v4 =	vmul.f32 $1.442695020e+00, v14;
	v6, _, _ =	vpop (xrf2)  }
0x17a: {  	v3 =	vmul.f32 $1.442695020e+00, v6  }
0x17b: {  	(erf) = vpow2.f32 v1;
	(xrf2) =	vadd.scan.msk.f32 $0xffff, v0;
	v0 =	vbroadcast v4, $0xF  }
0x17c: {  	(erf) = vpow2.f32 v2;
	v1 =	vbroadcast v3, $0xF  }
0x17d: {  	v2, _, _ =	vpop (xrf2);
	(erf) = vpow2.f32 v0  }
0x17e: {  	(erf) = vpow2.f32 v1;
	v1 =	vmul.f32 $1.442695020e+00, v2;
	v2, _, _ =	vpop (xrf2)  }
0x17f: {  	v5 =	vld [tilespmem:$0x1F980];
	v0 =	vmul.f32 $1.442695020e+00, v13;
	v2 =	vmul.f32 $1.442695020e+00, v2;
	_ =	sdelay $0x1  }
0x180: {  	v0 =	vbroadcast v0, $0xF;
	_ =	sdelay $0x1  }
0x181: {  	(erf) = vpow2.f32 v0;
	v0 =	vbroadcast v2, $0xF;
	v2 =	vpop (erf)  }
0x182: {  	v3, _, _ =	vpop (xrf2);
	v55 =	vmul.f32 v2, v5;
	v5 =	vld [tilespmem:$0x1F990]  }
0x183: {  	v3 =	vmul.f32 $1.442695020e+00, v3  }
0x184: {  	v1 =	vbroadcast v1, $0xF;
	_ =	sdelay $0x1  }
0x185: {  	v4, _, _ =	vpop (xrf2);
	(erf) = vpow2.f32 v1  }
0x186: {  	v1 =	vbroadcast v3, $0xF;
	v3, _, _ =	vpop (xrf2);
	v59 =	vmul.f32 v2, v5;
	v5 =	vld [tilespmem:$0x1F9A0]  }
0x187: {  	(erf) = vpow2.f32 v0;
	v0 =	vmul.f32 $1.442695020e+00, v4;
	v4, _, _ =	vpop (xrf2)  }
0x188: {  	(erf) = vpow2.f32 v1;
	v1 =	vmul.f32 $1.442695020e+00, v3;
	v3, _, _ =	vpop (xrf2)  }
0x189: {  	[tilespmem:$0x1FD10] =	vst v4;
	v3 =	vmul.f32 $1.442695020e+00, v3;
	v4, _, _ =	vpop (xrf2)  }
0x18a: {  	v6 =	vpop (erf);
	v0 =	vbroadcast v0, $0xF;
	v4 =	vmul.f32 $1.442695020e+00, v4  }
0x18b: {  	v1 =	vbroadcast v1, $0xF;
	v18 =	vmul.f32 v6, v5;
	v5 =	vld [tilespmem:$0x1F9B0]  }
0x18c: {  	(erf) = vpow2.f32 v0;
	v0 =	vbroadcast v3, $0xF  }
0x18d: {  	v3 =	vpop (erf);
	(erf) = vpow2.f32 v1  }
0x18e: {  	v1 =	vbroadcast v4, $0xF;
	v4 =	vpop (erf);
	(erf) = vpow2.f32 v0;
	v0 =	vld [tilespmem:$0x1F960];
	_ =	sdelay $0x1  }
0x18f: {  	v60 =	vmul.f32 v6, v5;
	v5 =	vld [tilespmem:$0x1F9C0];
	_ =	sdelay $0x1  }
0x190: {  	v7 =	vld [tilespmem:$0x1F9E0]  }
0x191: {  	v63 =	vld [tilespmem:$0x1F9F0];
	v0 =	vmul.f32 v2, v0  }
0x192: {  	s3 =	simm.s32 $0x5280;
	v15 =	vpop (erf);
	(erf) = vpow2.f32 v1;
	v1 =	vld [tilespmem:$0x1F970]  }
0x193: {  	v26 =	vmul.f32 v6, v5;
	v5 =	vld [tilespmem:$0x1F9D0];
	[tilespmem:s3+$0x80] =	vst v0  }
0x194: {  	v0 =	vld [tilespmem:$0x1FA00];
	_ =	sdelay $0x4  }
0x195: {  	v48 =	vmul.f32 v3, v0;
	v0 =	vld [tilespmem:$0x1FA10];
	_ =	sdelay $0x1  }
0x196: {  	v1 =	vmul.f32 v2, v1;
	_ =	sdelay $0x1  }
0x197: {  	[tilespmem:s3+$0x90] =	vst v1  }
0x198: {  	v49 =	vmul.f32 v3, v0;
	v0 =	vld [tilespmem:$0x1FA20];
	_ =	sdelay $0x4  }
0x199: {  	v50 =	vmul.f32 v3, v0;
	v0 =	vld [tilespmem:$0x1FA30];
	_ =	sdelay $0x3  }
0x19a: {  	[tilespmem:s3+$0xA0] =	vst v55  }
0x19b: {  	v51 =	vmul.f32 v4, v0;
	v0 =	vld [tilespmem:$0x1FA40];
	_ =	sdelay $0x4  }
0x19c: {  	v52 =	vmul.f32 v4, v0;
	v0 =	vld [tilespmem:$0x1FA50];
	[tilespmem:s3+$0xB0] =	vst v59  }
0x19d: {  	v1 =	vld [tilespmem:$0x1FA60];
	_ =	sdelay $0x4  }
0x19e: {  	v54 =	vmul.f32 v4, v1;
	v1 =	vld [tilespmem:$0x1FA70];
	_ =	sdelay $0x3  }
0x19f: {  	[tilespmem:s3+$0xC0] =	vst v18  }
0x1a0: {  	v59 =	vmul.f32 v15, v1;
	v1 =	vld [tilespmem:$0x1FA80];
	_ =	sdelay $0x4  }
0x1a1: {  	v55 =	vmul.f32 v15, v1;
	v1 =	vld [tilespmem:$0x1FA90];
	[tilespmem:s3+$0xD0] =	vst v60  }
0x1a2: {  	v20 =	vsel vm0, v2, v6;
	v2 =	vld [tilespmem:$0x1FAA0];
	_ =	sdelay $0x2  }
0x1a3: {  	v21 =	vld [tilespmem:s0+$0xFFFFFF40]  }
0x1a4: {  	v46 =	vld [tilespmem:s0+$0xFFFFFFC0];
	v25 =	vpop (erf)  }
0x1a5: {  	v14 =	vpop (erf);
	v60 =	vmul.f32 v15, v2;
	v2 =	vld [tilespmem:$0x1FAB0]  }
0x1a6: {  	v19 =	vld [tilespmem:s0+$0x0];
	v30 =	vpop (erf)  }
0x1a7: {  	v9 =	vmul.f32 v30, v39;
	v39 =	vld [tilespmem:s11+$0xFFFFFF40]  }
0x1a8: {  	v10 =	vmul.f32 v30, v7;
	v7 =	vld [tilespmem:s0+$0xFFFFFF80]  }
0x1a9: {  	v8 =	vmul.f32 v30, v36;
	v36 =	vmul.f32 v30, v41;
	v41 =	vld [tilespmem:s0+$0xFFFFFF00];
	[tilespmem:s3+$0xE0] =	vst v26  }
0x1aa: {  	v47 =	vmul.f32 v3, v63;
	v44 =	vpop (erf);
	v63 =	vmul.f32 v25, v2;
	v2 =	vld [tilespmem:$0x1FAC0]  }
0x1ab: {  	v12 =	vmul.f32 v44, v40;
	v40 =	vld [tilespmem:s11+$0xFFFFFF80]  }
0x1ac: {  	v62 =	vmul.f32 v6, v5;
	v5 =	vld [tilespmem:s11+$0xFFFFFF00]  }
0x1ad: {  	v6 =	vld [tilespmem:s0+$0x40]  }
0x1ae: {  	v23 =	vmul.f32 v4, v0;
	v0 =	vld [tilespmem:s11+$0xFFFFFFC0]  }
0x1af: {  	v61 =	vmul.f32 v15, v1;
	v1 =	vld [tilespmem:s11+$0x0];
	[tilespmem:$0x1FAD0] =	vst v41;
	v2 =	vmul.f32 v25, v2  }
0x1b0: {  	[tilespmem:$0x1FAE0] =	vst v21  }
0x1b1: {  	[tilespmem:$0x1FCF0] =	vst v2  }
0x1b2: {  	v3 =	vsel vm0, v3, v4;
	v2 =	vld [tilespmem:s11+$0x40];
	[tilespmem:s3+$0xF0] =	vst v62  }
0x1b3: {  	[tilespmem:$0x1FAF0] =	vst v3;
	v3 =	vld [tilespmem:$0x1FB00];
	_ =	sdelay $0x4  }
0x1b4: {  	v62 =	vmul.f32 v25, v3;
	v3 =	vld [tilespmem:$0x1FB10];
	_ =	sdelay $0x4  }
0x1b5: {  	v3 =	vmul.f32 v25, v3;
	_ =	sdelay $0x1  }
0x1b6: {  	s9 =	simm.s32 $0x5480;
	[tilespmem:$0x1FD00] =	vst v3  }
0x1b7: {  	v35 =	vmul.f32 v44, v35;
	[tilespmem:s9+$0x80] =	vst v8  }
0x1b8: {  	v11 =	vmul.f32 v44, v37;
	v13 =	vmul.f32 v44, v43;
	v37 =	vsel vm0, v30, v44;
	v44 =	vld [tilespmem:s0+$0xFFFFFF10];
	[tilespmem:$0x1FB20] =	vst v7  }
0x1b9: {  	[tilespmem:s9+$0x90] =	vst v9  }
0x1ba: {  	v30 =	vadd.f32 v39, v21;
	v3 =	vadd.f32 v40, v7;
	v7 =	vld [tilespmem:s11+$0xFFFFFF10];
	[tilespmem:$0x1FB30] =	vst v46  }
0x1bb: {  	v43 =	vpop (erf);
	v26 =	vadd.f32 v5, v41;
	v5 =	vsel vm0, v15, v25;
	[tilespmem:s9+$0xA0] =	vst v36  }
0x1bc: {  	v18 =	vpop (erf);
	v8 =	vmul.f32 $2.000000030e-01, v30;
	v9 =	vld [tilespmem:s0+$0xFFFFFF50];
	[tilespmem:$0x1FB40] =	vst v5  }
0x1bd: {  	vm3 =	vgt.f32 v30, $0.0e+00;
	v17 =	vpop (erf);
	[tilespmem:s9+$0xB0] =	vst v10  }
0x1be: {  	v16 =	vpop (erf);
	v0 =	vadd.f32 v0, v46;
	v46 =	vsel vm3, v30, v8;
	v8 =	vld [tilespmem:s11+$0xFFFFFF50];
	[tilespmem:$0x1FB50] =	vst v19  }
0x1bf: {  	v39 =	vpop (erf);
	v4 =	vmul.f32 $2.000000030e-01, v26;
	[tilespmem:s9+$0xC0] =	vst v35  }
0x1c0: {  	vm2 =	vgt.f32 v26, $0.0e+00;
	v1 =	vadd.f32 v1, v19;
	v40 =	vpop (erf);
	v10 =	vmul.f32 $2.000000030e-01, v0;
	v5 =	vld [tilespmem:s0+$0xFFFFFF90];
	[tilespmem:$0x1FB60] =	vst v6  }
0x1c1: {  	vm3 =	vgt.f32 v0, $0.0e+00;
	v36 =	vsel vm2, v26, v4;
	v4 =	vmul.f32 $2.000000030e-01, v3;
	v35 =	vpop (erf);
	[tilespmem:s9+$0xD0] =	vst v11  }
0x1c2: {  	vm2 =	vgt.f32 v3, $0.0e+00;
	v21 =	vsel vm3, v0, v10;
	v0 =	vmul.f32 v35, v22;
	v25 =	vld [tilespmem:s11+$0xFFFFFF90];
	[tilespmem:s9+$0xE0] =	vst v12  }
0x1c3: {  	s30 =	simm.s32 $0x5680;
	v2 =	vadd.f32 v2, v6;
	v41 =	vsel vm2, v3, v4;
	v3 =	vld [tilespmem:s0+$0xFFFFFFD0];
	[tilespmem:s9+$0xF0] =	vst v13;
	v13 =	vmul.f32 v35, v38  }
0x1c4: {  	v10 =	vmul.f32 $2.000000030e-01, v1;
	v11 =	vld [tilespmem:s11+$0xFFFFFFD0];
	[tilespmem:s30+$0x80] =	vst v0  }
0x1c5: {  	v26 =	vmul.f32 $2.000000030e-01, v2;
	vm2 =	vgt.f32 v1, $0.0e+00;
	v6 =	vld [tilespmem:s0+$0x10];
	[tilespmem:s30+$0x90] =	vst v13  }
0x1c6: {  	s19 =	simm.s32 $0x3;
	vm3 =	vgt.f32 v2, $0.0e+00;
	v22 =	vsel vm2, v1, v10;
	v1 =	vld [tilespmem:s11+$0x10];
	v0 =	vmul.f32 v35, v32;
	[tilespmem:$0x1FB70] =	vst v44  }
0x1c7: {  	v19 =	vmov s19;
	v26 =	vsel vm3, v2, v26;
	[tilespmem:$0x1FB80] =	vst v9  }
0x1c8: {  	v2 =	vadd.f32 v7, v44;
	v7 =	vadd.f32 v8, v9;
	v8 =	vmul.f32 v35, v34;
	v13 =	vpop (erf);
	[tilespmem:s30+$0xA0] =	vst v0  }
0x1c9: {  	v4 =	vld [tilespmem:s0+$0x50];
	[tilespmem:$0x1FB90] =	vst v5;
	v38 =	vmul.f32 v13, v33  }
0x1ca: {  	s10 =	simm.s32 $0x7;
	[tilespmem:s30+$0xB0] =	vst v8  }
0x1cb: {  	v32 =	vmov s10;
	v44 =	vld [tilespmem:s11+$0x50];
	v8 =	vmul.f32 v13, v31;
	[tilespmem:s30+$0xC0] =	vst v38  }
0x1cc: {  	vm2 =	vgt.f32 v2, $0.0e+00;
	v0 =	vadd.f32 v25, v5;
	v29 =	vmul.f32 v13, v29;
	v25 =	vld.idx.msk [tilespmem:v19+s24+$0x0], $0xffff;
	[tilespmem:$0x1FBA0] =	vst v3  }
0x1cd: {  	s31 =	simm.s32 $0xB;
	vm3 =	vgt.f32 v7, $0.0e+00;
	v11 =	vadd.f32 v11, v3;
	v19 =	vmul.f32 $2.000000030e-01, v2;
	[tilespmem:s30+$0xD0] =	vst v8  }
0x1ce: {  	v1 =	vadd.f32 v1, v6;
	v31 =	vmov s31;
	v38 =	vmul.f32 $2.000000030e-01, v7;
	[tilespmem:s30+$0xE0] =	vst v29  }
0x1cf: {  	v9 =	vsel vm2, v2, v19;
	v19 =	vmul.f32 $2.000000030e-01, v11;
	v8 =	vmul.f32 v13, v28;
	v3 =	vld [tilespmem:s0+$0xFFFFFF20];
	[tilespmem:$0x1FBB0] =	vst v6  }
0x1d0: {  	v34 =	vsel vm3, v7, v38;
	v7 =	vld [tilespmem:s11+$0xFFFFFF20];
	v29 =	vadd.f32 v44, v4;
	v44 =	vmul.f32 $2.000000030e-01, v0  }
0x1d1: {  	vm2 =	vgt.f32 v0, $0.0e+00;
	vm3 =	vgt.f32 v11, $0.0e+00;
	v38 =	vmul.f32 $2.000000030e-01, v1;
	[tilespmem:s30+$0xF0] =	vst v8;
	v8 =	vld.idx.msk [tilespmem:v32+s24+$0x0], $0xffff  }
0x1d2: {  	v11 =	vsel vm3, v11, v19;
	v6 =	vsel vm2, v0, v44;
	vm2 =	vgt.f32 v1, $0.0e+00  }
0x1d3: {  	v44 =	vmul.f32 $2.000000030e-01, v29;
	vm3 =	vgt.f32 v29, $0.0e+00;
	v0 =	vlaneseq.u32  }
0x1d4: {  	[tilespmem:$0x1FBC0] =	vst v4;
	v38 =	vsel vm2, v1, v38;
	vm2 =	vlt.s32 v25, $0x1388;
	v25 =	vshll.u32 v25, $0x1  }
0x1d5: {  	v32 =	vld.idx.msk [tilespmem:v31+s24+$0x0], $0xffff;
	v10 =	vsel vm3, v29, v44;
	v25 =	vadd.s32 v0, v25  }
0x1d6: {  	v2 =	vld [tilespmem:s0+$0xFFFFFF60];
	v0 =	vlaneseq.u32;
	v7 =	vadd.f32 v7, v3;
	vm3 =	vlt.s32 v8, $0x1388  }
0x1d7: {  	v1 =	vld [tilespmem:s11+$0xFFFFFF60];
	[tilespmem:$0x1FBD0] =	vst v3;
	v8 =	vshll.u32 v8, $0x1;
	v3 =	vsel vm2, v25, v0;
	v0 =	vlaneseq.u32  }
0x1d8: {  	v31 =	vld [tilespmem:s0+$0xFFFFFFA0];
	v8 =	vadd.s32 v0, v8;
	v0 =	vlaneseq.u32  }
0x1d9: {  	vm4 =	vmand vm2, vm1;
	v8 =	vsel vm3, v8, v0;
	v0 =	vld [tilespmem:$0x1FBF0]  }
0x1da: {  	v33 =	vld [tilespmem:s11+$0xFFFFFFA0]  }
0x1db: {  	v30 =	vld [tilespmem:s0+$0xFFFFFFE0]  }
0x1dc: {  	v5 =	vld [tilespmem:s11+$0xFFFFFFE0]  }
0x1dd: {  	v29 =	vld [tilespmem:s0+$0x20]  }
0x1de: {  	[tilespmem:$0x1FBE0] =	vst v2;
	v12 =	vmul.f32 v14, v0;
	v0 =	vld [tilespmem:$0x1FC00]  }
0x1df: {  	[tilespmem:v3+s25+$0x0] =	vst.idx.add.f32.msk vm4, v20  }
0x1e0: {  	v3 =	vld [tilespmem:$0x1FC10]  }
0x1e1: {  	v19 =	vmul.f32 $2.000000030e-01, v7;
	v15 =	vld [tilespmem:$0x1FC20]  }
0x1e2: {  	vm2 =	vgt.f32 v7, $0.0e+00;
	v44 =	vshll.u32 v32, $0x1;
	v20 =	vld [tilespmem:$0x1FC40]  }
0x1e3: {  	v1 =	vadd.f32 v1, v2;
	v2 =	vlaneseq.u32;
	v7 =	vsel vm2, v7, v19  }
0x1e4: {  	v28 =	vld [tilespmem:s0+$0x60];
	vm2 =	vmand vm3, vm1;
	v19 =	vmul.f32 v14, v0;
	v0 =	vlaneseq.u32  }
0x1e5: {  	vm3 =	vlt.s32 v32, $0x1388;
	v32 =	vld [tilespmem:s11+$0x20];
	v0 =	vadd.s32 v0, v44;
	v3 =	vmul.f32 v14, v3  }
0x1e6: {  	v15 =	vmul.f32 v14, v15;
	v14 =	vsel vm0, v14, v43;
	v4 =	vsel vm3, v0, v2;
	v2 =	vld [tilespmem:s11+$0x60];
	[tilespmem:$0x1FC70] =	vst v31  }
0x1e7: {  	v25 =	vmul.f32 v43, v20;
	v20 =	vld [tilespmem:$0x1FC50];
	v0 =	vmul.f32 $2.000000030e-01, v1;
	[tilespmem:$0x1FC80] =	vst v14  }
0x1e8: {  	vm4 =	vgt.f32 v1, $0.0e+00;
	v44 =	vld [tilespmem:$0x1FC60];
	vm3 =	vmand vm3, vm1;
	[tilespmem:$0x1FC90] =	vst v30  }
0x1e9: {  	[tilespmem:$0x1FCA0] =	vst v29;
	v0 =	vsel vm4, v1, v0;
	v1 =	vld [tilespmem:$0x1FC30]  }
0x1ea: {  	[tilespmem:v8+s25+$0x0] =	vst.idx.add.f32.msk vm2, v37  }
0x1eb: {  	v33 =	vadd.f32 v33, v31;
	v14 =	vadd.f32 v32, v29;
	v32 =	vmul.f32 v36, v42;
	[tilespmem:$0x1FCB0] =	vst v28  }
0x1ec: {  	v9 =	vmul.f32 v9, v45;
	v5 =	vadd.f32 v5, v30;
	v8 =	vsel vm0, v35, v13;
	v31 =	vld [tilespmem:s0+$0xFFFFFF30]  }
0x1ed: {  	v13 =	vmul.f32 $2.000000030e-01, v33;
	vm2 =	vgt.f32 v33, $0.0e+00;
	v32 =	vadd.f32 $0.0e+00, v32;
	v36 =	vld [tilespmem:s0+$0xFFFFFF70]  }
0x1ee: {  	v2 =	vadd.f32 v2, v28;
	[tilespmem:v4+s25+$0x0] =	vst.idx.add.f32.msk vm3, v8;
	v4 =	vmul.f32 $2.000000030e-01, v5;
	v8 =	vmul.f32 $2.000000030e-01, v14  }
0x1ef: {  	v13 =	vsel vm2, v33, v13;
	vm2 =	vgt.f32 v5, $0.0e+00;
	v37 =	vld [tilespmem:s11+$0xFFFFFF70];
	vm3 =	vgt.f32 v14, $0.0e+00  }
0x1f0: {  	v29 =	vld [tilespmem:s0+$0xFFFFFFB0];
	v4 =	vsel vm2, v5, v4;
	v5 =	vsel vm3, v14, v8;
	v14 =	vmul.f32 $2.000000030e-01, v2  }
0x1f1: {  	v35 =	vld [tilespmem:s11+$0xFFFFFFB0];
	[tilespmem:s3+$0xFFFFFF00] =	vst v47;
	vm2 =	vgt.f32 v2, $0.0e+00  }
0x1f2: {  	v9 =	vadd.f32 v9, v32;
	[tilespmem:s3+$0xFFFFFF10] =	vst v48;
	v32 =	vld [tilespmem:s11+$0xFFFFFFF0];
	v2 =	vsel vm2, v2, v14;
	v14 =	vmul.f32 v41, v42  }
0x1f3: {  	[tilespmem:s3+$0xFFFFFF20] =	vst v49;
	v28 =	vld [tilespmem:s0+$0xFFFFFFF0]  }
0x1f4: {  	v46 =	vmul.f32 v46, v24;
	v6 =	vmul.f32 v6, v45;
	v8 =	vld [tilespmem:s11+$0xFFFFFF30];
	[tilespmem:$0x1FCC0] =	vst v31;
	v14 =	vadd.f32 $0.0e+00, v14  }
0x1f5: {  	v34 =	vmul.f32 v34, v27;
	[tilespmem:s3+$0xFFFFFF30] =	vst v50  }
0x1f6: {  	v33 =	vadd.f32 $0.0e+00, v46;
	v6 =	vadd.f32 v6, v14;
	v14 =	vmul.f32 v22, v42;
	v22 =	vld [tilespmem:s0+$0x30];
	[tilespmem:$0x1FCD0] =	vst v36  }
0x1f7: {  	v20 =	vmul.f32 v43, v20;
	[tilespmem:s3+$0xFFFFFF40] =	vst v51  }
0x1f8: {  	v44 =	vmul.f32 v43, v44;
	v1 =	vmul.f32 v43, v1;
	v43 =	vadd.f32 v34, v33;
	v33 =	vld [tilespmem:s11+$0x30];
	[tilespmem:s3+$0xFFFFFF50] =	vst v52  }
0x1f9: {  	v50 =	vld [tilespmem:s0+$0x70];
	[tilespmem:$0x1FCE0] =	vst v29  }
0x1fa: {  	[tilespmem:s3+$0xFFFFFF60] =	vst v23  }
0x1fb: {  	[tilespmem:s3+$0xFFFFFF70] =	vst v54  }
0x1fc: {  	[tilespmem:s3+$0xFFFFFF80] =	vst v59  }
0x1fd: {  	[tilespmem:s3+$0xFFFFFF90] =	vst v55  }
0x1fe: {  	[tilespmem:s3+$0xFFFFFFA0] =	vst v61  }
0x1ff: {  	[tilespmem:s3+$0xFFFFFFB0] =	vst v60  }
0x200: {  	[tilespmem:s3+$0xFFFFFFC0] =	vst v63  }
0x201: {  	v51 =	vmov v22;
	v52 =	vadd.f32 v33, v22;
	v22 =	vld [tilespmem:$0x1FCF0];
	_ =	sdelay $0x1  }
0x202: {  	v21 =	vmul.f32 v21, v24;
	_ =	sdelay $0x1  }
0x203: {  	v21 =	vadd.f32 $0.0e+00, v21;
	v11 =	vmul.f32 v11, v27;
	[tilespmem:s3+$0xFFFFFFE0] =	vst v62  }
0x204: {  	[tilespmem:s3+$0xFFFFFFD0] =	vst v22  }
0x205: {  	v11 =	vadd.f32 v11, v21;
	v21 =	vmul.f32 v26, v24;
	v22 =	vld [tilespmem:$0x1FD00]  }
0x206: {  	[tilespmem:s3+$0x0] =	vst v12  }
0x207: {  	v24 =	vmov s28;
	v21 =	vadd.f32 $0.0e+00, v21;
	v10 =	vmul.f32 v10, v27;
	[tilespmem:s3+$0x10] =	vst v19  }
0x208: {  	v26 =	vand.u32 $0xFFFFFFFC, v24;
	v38 =	vmul.f32 v38, v45;
	[tilespmem:s3+$0x20] =	vst v3  }
0x209: {  	v10 =	vadd.f32 v10, v21;
	v7 =	vmul.f32 v7, v56;
	v4 =	vmul.f32 v4, v53;
	[tilespmem:s3+$0x30] =	vst v15  }
0x20a: {  	v0 =	vmul.f32 v0, v53;
	v35 =	vadd.f32 v35, v29;
	v41 =	vadd.f32 v37, v36;
	[tilespmem:s3+$0xFFFFFFF0] =	vst v22  }
0x20b: {  	v13 =	vmul.f32 v13, v56;
	v8 =	vadd.f32 v8, v31;
	v3 =	vadd.f32 v4, v11;
	v11 =	vld [tilespmem:$0x1FD10]  }
0x20c: {  	v7 =	vadd.f32 v7, v9;
	v49 =	vmul.f32 $2.000000030e-01, v35;
	v2 =	vmul.f32 v2, v53  }
0x20d: {  	v0 =	vadd.f32 v0, v43;
	v21 =	vmul.f32 $2.000000030e-01, v41;
	v34 =	vmul.f32 $2.000000030e-01, v8  }
0x20e: {  	v42 =	vadd.f32 v32, v28;
	vm2 =	vgt.f32 v8, $0.0e+00;
	v14 =	vadd.f32 $0.0e+00, v14  }
0x20f: {  	v6 =	vadd.f32 v13, v6;
	v13 =	vbroadcast v26, $0x0;
	v8 =	vsel vm2, v8, v34  }
0x210: {  	s19 =	simm.s32 $0x2;
	vm2 =	vgt.f32 v41, $0.0e+00;
	v8 =	vmul.f32 v8, v58;
	v11 =	vmul.f32 $1.442695020e+00, v11  }
0x211: {  	v54 =	vmovc v28;
	v59 =	vmul.f32 $2.000000030e-01, v42;
	v28 =	vmov s19;
	v21 =	vsel vm2, v41, v21;
	[tilespmem:s3+$0x40] =	vst v1  }
0x212: {  	vm2 =	vgt.f32 v35, $0.0e+00;
	v7 =	vadd.f32 v8, v7;
	[tilespmem:s3+$0x50] =	vst v25;
	v8 =	vbroadcast v11, $0xF  }
0x213: {  	v48 =	vld [tilespmem:s11+$0x70];
	v14 =	vadd.f32 v38, v14;
	v29 =	vand.u32 $0xFFFFFFFE, v28;
	v38 =	vsel vm2, v35, v49;
	[tilespmem:s3+$0x60] =	vst v20  }
0x214: {  	s11 =	simm.s32 $0x1;
	s19 =	simm.s32 $0x880;
	vm2 =	vgt.f32 v42, $0.0e+00;
	v4 =	vbroadcast v29, $0x0;
	(erf) = vpow2.f32 v8;
	v8 =	vld [tilespmem:$0x1FD20]  }
0x215: {  	v5 =	vmul.f32 v5, v56;
	v27 =	vmov s11;
	v56 =	vld [tilespmem:s19+$0xA0];
	v42 =	vsel vm2, v42, v59  }
0x216: {  	v47 =	vld [tilespmem:s19+$0xE0];
	v61 =	vmul.f32 $2.000000030e-01, v52;
	v1 =	vadd.f32 v2, v10;
	v2 =	vmul.f32 v21, v57  }
0x217: {  	vm2 =	vgt.f32 v52, $0.0e+00;
	(xrf2) =	vadd.scan.msk.f32 $0xffff, v7;
	v7 =	vld.idx.msk [tilespmem:v13+s24+$0x0], $0xffff;
	v12 =	vand.u32 $0xFFFFFFFD, v27;
	v10 =	vmul.f32 v38, v58  }
0x218: {  	v9 =	vsel vm2, v52, v61;
	v52 =	vld [tilespmem:s19+$0xB0];
	v12 =	vbroadcast v12, $0x0;
	v0 =	vadd.f32 v2, v0;
	[tilespmem:s3+$0x70] =	vst v44  }
0x219: {  	v2 =	vadd.f32 v10, v6;
	v6 =	vmul.f32 v9, v58;
	s3 =	simm.s32 $0x4;
	v9 =	vld [tilespmem:$0x1FD30];
	v8 =	vmul.f32 v18, v8  }
0x21a: {  	(xrf2) =	vadd.scan.msk.f32 $0xffff, v0;
	v0 =	vmov s3;
	v4 =	vld.idx.msk [tilespmem:v4+s24+$0x0], $0xffff;
	s3 =	simm.s32 $0x3080  }
0x21b: {  	v46 =	vadd.f32 v48, v50;
	v31 =	vld [tilespmem:s3+$0xB0];
	[tilespmem:s9+$0xFFFFFF00] =	vst v8  }
0x21c: {  	v11 =	vmul.f32 v42, v57;
	v10 =	vld [tilespmem:$0x1FD40]  }
0x21d: {  	v63 =	vmul.f32 $2.000000030e-01, v46;
	v37 =	vld [tilespmem:s3+$0xA0]  }
0x21e: {  	v5 =	vadd.f32 v5, v14;
	vm2 =	vgt.f32 v46, $0.0e+00;
	v3 =	vadd.f32 v11, v3;
	v11 =	vld [tilespmem:$0x1FD50]  }
0x21f: {  	v41 =	vsel vm2, v46, v63;
	v9 =	vmul.f32 v18, v9;
	v8 =	vld.idx.msk [tilespmem:v12+s24+$0x0], $0xffff  }
0x220: {  	v5 =	vadd.f32 v6, v5;
	v6 =	vmul.f32 v41, v57;
	v12 =	vld [tilespmem:$0x1FD60]  }
0x221: {  	v13 =	vld [tilespmem:$0x1FD70];
	[tilespmem:s9+$0xFFFFFF10] =	vst v9;
	v10 =	vmul.f32 v18, v10  }
0x222: {  	v1 =	vadd.f32 v6, v1;
	v6 =	vld [tilespmem:$0x1FD80]  }
0x223: {  	v9 =	vld [tilespmem:$0x1FD90];
	v11 =	vmul.f32 v18, v11;
	[tilespmem:s9+$0xFFFFFF20] =	vst v10  }
0x224: {  	v10 =	vld [tilespmem:$0x1FDA0]  }
0x225: {  	v12 =	vmul.f32 v17, v12;
	v15 =	vld [tilespmem:$0x1FDB0];
	[tilespmem:s9+$0xFFFFFF30] =	vst v11  }
0x226: {  	v11 =	vld [tilespmem:$0x1FDC0]  }
0x227: {  	(xrf2) =	vadd.scan.msk.f32 $0xffff, v2;
	v13 =	vmul.f32 v17, v13;
	v2 =	vld [tilespmem:$0x1FDD0];
	[tilespmem:s9+$0xFFFFFF40] =	vst v12  }
0x228: {  	v12 =	vld [tilespmem:$0x1FDE0]  }
0x229: {  	v6 =	vmul.f32 v17, v6;
	v20 =	vld [tilespmem:$0x1FDF0];
	[tilespmem:s9+$0xFFFFFF50] =	vst v13  }
0x22a: {  	v13 =	vld [tilespmem:$0x1FE00]  }
0x22b: {  	v23 =	vld [tilespmem:$0x1FE10];
	[tilespmem:s9+$0xFFFFFF60] =	vst v6  }
0x22c: {  	v9 =	vmul.f32 v17, v9;
	v6 =	vld [tilespmem:$0x1FE20]  }
0x22d: {  	(xrf2) =	vadd.scan.msk.f32 $0xffff, v3;
	v3 =	vld [tilespmem:$0x1FE30]  }
0x22e: {  	[tilespmem:s9+$0xFFFFFF70] =	vst v9;
	v9 =	vld [tilespmem:s3+$0xF0];
	v10 =	vmul.f32 v16, v10  }
0x22f: {  	v14 =	vshll.u32 v7, $0x1;
	vm2 =	vlt.s32 v7, $0x1388;
	v7 =	vld [tilespmem:$0x1FE40]  }
0x230: {  	v35 =	vld [tilespmem:$0x1FE50];
	[tilespmem:s9+$0xFFFFFF80] =	vst v10  }
0x231: {  	v34, _, _ =	vpop (xrf2);
	(xrf2) =	vadd.scan.msk.f32 $0xffff, v5;
	v5 =	vld [tilespmem:$0x1FE80]  }
0x232: {  	v15 =	vmul.f32 v16, v15;
	v32 =	vmul.f32 v39, v23;
	v23 =	vld [tilespmem:s19+$0xF0]  }
0x233: {  	v22 =	vlaneseq.u32;
	v11 =	vmul.f32 v16, v11;
	v10 =	vld [tilespmem:$0x1FE60]  }
0x234: {  	v14 =	vadd.s32 v22, v14;
	v30 =	vshll.u32 v8, $0x1;
	vm3 =	vlt.s32 v8, $0x1388;
	v8 =	vld [tilespmem:$0x1FE70];
	[tilespmem:s9+$0xFFFFFF90] =	vst v15  }
0x235: {  	v14 =	vsel vm2, v14, v22;
	v42 =	vmul.f32 $1.442695020e+00, v34;
	v33 =	vpop (erf);
	v2 =	vmul.f32 v16, v2;
	v15 =	vld [tilespmem:$0x1FE90];
	[tilespmem:s9+$0xFFFFFFA0] =	vst v11  }
0x236: {  	v60, _, _ =	vpop (xrf2);
	(xrf2) =	vadd.scan.msk.f32 $0xffff, v1;
	v11 =	vld [tilespmem:s3+$0xE0];
	[tilespmem:$0x1FEA0] =	vst v14;
	v46 =	vmul.f32 v33, v5;
	v5 =	vadd.s32 v22, v30  }
0x237: {  	v21 =	vshll.u32 v4, $0x1;
	v12 =	vmul.f32 v39, v12;
	[tilespmem:s9+$0xFFFFFFB0] =	vst v2;
	v1 =	vsel vm3, v5, v22  }
0x238: {  	vm4 =	vlt.s32 v4, $0x1388;
	v4 =	vadd.s32 v22, v21;
	v21 =	vmul.f32 $1.442695020e+00, v60;
	v59 =	vld [tilespmem:s19+$0x90];
	[tilespmem:$0x1FEB0] =	vst v1  }
0x239: {  	v55 =	vbroadcast v42, $0xF;
	v4 =	vsel vm4, v4, v22;
	v20 =	vmul.f32 v39, v20;
	v5, _, _ =	vpop (xrf2);
	[tilespmem:s9+$0xFFFFFFC0] =	vst v12  }
0x23a: {  	v1 =	vbroadcast v21, $0xF;
	v2 =	vld [tilespmem:s3+$0x90];
	[tilespmem:$0x1FEC0] =	vst v4;
	v4 =	vmul.f32 $1.442695020e+00, v5;
	v5 =	vsel vm0, v18, v17  }
0x23b: {  	(erf) = vpow2.f32 v55;
	v57 =	vld [tilespmem:s19+$0xD0];
	[tilespmem:$0x1FED0] =	vst v5  }
0x23c: {  	v13 =	vmul.f32 v39, v13;
	(erf) = vpow2.f32 v1;
	v1 =	vsel vm0, v16, v39;
	[tilespmem:s9+$0xFFFFFFD0] =	vst v20  }
0x23d: {  	v14 =	vld [tilespmem:s3+$0xD0];
	[tilespmem:$0x1FEE0] =	vst v1  }
0x23e: {  	v1 =	vsel vm0, v40, v33;
	[tilespmem:s9+$0xFFFFFFE0] =	vst v13  }
0x23f: {  	[tilespmem:$0x1FEF0] =	vst v1;
	v1 =	vbroadcast v4, $0xF  }
0x240: {  	v6 =	vmul.f32 v40, v6;
	v5 =	vand.u32 $0xFFFFFFFC, v0  }
0x241: {  	s10 =	simm.s32 $0x5;
	v60 =	vld [tilespmem:s19+$0x80];
	[tilespmem:s9+$0xFFFFFFF0] =	vst v32;
	(erf) = vpow2.f32 v1;
	v1 =	vbroadcast v5, $0x0  }
0x242: {  	v13 =	vmov s10;
	v12 =	vld [tilespmem:s3+$0x80];
	[tilespmem:s9+$0x0] =	vst v6  }
0x243: {  	v3 =	vmul.f32 v40, v3;
	v0 =	vld [tilespmem:s19+$0xC0];
	[tilespmem:$0x1FF00] =	vst v1;
	v1 =	vand.u32 $0xFFFFFFFD, v13  }
0x244: {  	s11 =	simm.s32 $0x6;
	v1 =	vbroadcast v1, $0x0  }
0x245: {  	v62 =	vmov s11;
	[tilespmem:s9+$0x10] =	vst v3  }
0x246: {  	v7 =	vmul.f32 v40, v7;
	v13 =	vld [tilespmem:s3+$0xC0];
	[tilespmem:$0x1FF10] =	vst v1;
	v1 =	vand.u32 $0xFFFFFFFE, v62  }
0x247: {  	v4, _, _ =	vpop (xrf2);
	v1 =	vbroadcast v1, $0x0  }
0x248: {  	v36 =	vmul.f32 v40, v35;
	v4 =	vmul.f32 $1.442695020e+00, v4;
	v5, _, _ =	vpop (xrf2);
	[tilespmem:s9+$0x20] =	vst v7  }
0x249: {  	v10 =	vmul.f32 v33, v10;
	v3 =	vld [tilespmem:s3+$0xFFFFFF00];
	v7 =	vmul.f32 $1.442695020e+00, v5;
	[tilespmem:$0x1FF20] =	vst v1  }
0x24a: {  	v4 =	vbroadcast v4, $0xF;
	v5 =	vadd.f32 v9, v23;
	v9 =	vadd.f32 v11, v47;
	v11, _, _ =	vpop (xrf2);
	[tilespmem:s9+$0x30] =	vst v36  }
0x24b: {  	v63 =	vbroadcast v7, $0xF;
	v7 =	vadd.f32 v2, v59;
	v2 =	vmul.f32 $1.442695020e+00, v11;
	v58 =	vld [tilespmem:s19+$0xFFFFFF40];
	[tilespmem:$0x1FF30] =	vst v23  }
0x24c: {  	v8 =	vmul.f32 v33, v8;
	[tilespmem:s9+$0x40] =	vst v10  }
0x24d: {  	(erf) = vpow2.f32 v4;
	v4 =	vld [tilespmem:s3+$0xFFFFFF40];
	[tilespmem:$0x1FF40] =	vst v47  }
0x24e: {  	s31 =	simm.s32 $0x8;
	vm2 =	vmand vm2, vm1;
	v6 =	vadd.f32 v31, v52;
	[tilespmem:s9+$0x50] =	vst v8  }
0x24f: {  	v55 =	vmov s31;
	vm4 =	vmand vm4, vm1;
	v15 =	vmul.f32 v33, v15;
	v23 =	vld [tilespmem:s19+$0xFFFFFF80];
	[tilespmem:$0x1FF50] =	vst v2;
	v2 =	vpop (erf)  }
0x250: {  	vm3 =	vmand vm3, vm1;
	vm5 =	vgt.f32 v6, $0.0e+00;
	v1 =	vadd.f32 v12, v60;
	[tilespmem:$0x1FF60] =	vst v2  }
0x251: {  	v12 =	vadd.f32 v13, v0;
	v11 =	vadd.f32 v14, v57;
	v13 =	vmul.f32 $2.000000030e-01, v6;
	[tilespmem:s9+$0x60] =	vst v46;
	v8 =	vld [tilespmem:s3+$0xFFFFFF80]  }
0x252: {  	s2 =	simm.s32 $0x5680;
	s0 =	simm.s32 $0xC;
	v14 =	vmul.f32 $2.000000030e-01, v1;
	v10 =	vadd.f32 v37, v56;
	(erf) = vpow2.f32 v63;
	v49 =	vpop (erf);
	[tilespmem:s9+$0x70] =	vst v15;
	v53 =	vld [tilespmem:s19+$0xFFFFFFC0];
	s9 =	simm.s32 $0x10  }
.LBB2_7:
0x253: {  	v38 =	vld [tilespmem:$0x1FF70];
	_ =	sdelay $0x2  }
0x254: {  	v15 =	vld [tilespmem:s3+$0xFFFFFFC0];
	vm7 =	vgt.f32 v1, $0.0e+00  }
0x255: {  	v24 =	vld [tilespmem:s19+$0x0];
	v1 =	vsel vm7, v1, v14  }
0x256: {  	v18 =	vmul.f32 v1, v38;
	v1 =	vld [tilespmem:$0x1FF80]  }
0x257: {  	vm8 =	vgt.f32 v10, $0.0e+00;
	v2 =	vld [tilespmem:$0x1FF90]  }
0x258: {  	v16 =	vmul.f32 $2.000000030e-01, v10;
	v40 =	vld [tilespmem:$0x1FFB0];
	vm6 =	vgt.f32 v9, $0.0e+00;
	v14 =	vmul.f32 $2.000000030e-01, v7  }
0x259: {  	vm7 =	vgt.f32 v7, $0.0e+00;
	vm9 =	vgt.f32 v11, $0.0e+00;
	v13 =	vsel vm5, v6, v13;
	v6 =	vld [tilespmem:$0x1FFA0]  }
0x25a: {  	[tilespmem:$0x1F920] =	vst v55;
	v55 =	vld [tilespmem:$0x1FFC0];
	v19 =	vmul.f32 $2.000000030e-01, v11;
	v7 =	vsel vm7, v7, v14;
	v14 =	vmul.f32 $2.000000030e-01, v12  }
0x25b: {  	v17 =	vld [tilespmem:s3+$0x0];
	vm7 =	vgt.f32 v12, $0.0e+00;
	v18 =	vadd.f32 $0.0e+00, v18;
	v21 =	vmul.f32 v7, v1  }
0x25c: {  	v48 =	vld [tilespmem:$0x1FFD0];
	v39 =	vmul.f32 $2.000000030e-01, v9;
	v10 =	vsel vm8, v10, v16;
	v12 =	vsel vm7, v12, v14  }
0x25d: {  	v10 =	vmul.f32 v10, v2;
	v12 =	vmul.f32 v12, v40;
	v7 =	vld [tilespmem:s19+$0xFFFFFF00];
	v14 =	vadd.f32 v21, v18  }
0x25e: {  	v37 =	vsel vm9, v11, v19;
	v42 =	vadd.f32 v4, v58;
	v4 =	vld [tilespmem:$0x1FFE0];
	v13 =	vmul.f32 v13, v6  }
0x25f: {  	v25 =	vld [tilespmem:s19+$0x40];
	v12 =	vadd.f32 $0.0e+00, v12;
	v10 =	vadd.f32 v10, v14;
	v14 =	vmul.f32 v37, v55  }
0x260: {  	v20 =	vld [tilespmem:s3+$0x40];
	vm5 =	vgt.f32 v5, $0.0e+00;
	v19 =	vsel vm6, v9, v39;
	v21 =	vmul.f32 $2.000000030e-01, v5  }
0x261: {  	v26 =	vld [tilespmem:s19+$0xFFFFFF10];
	v10 =	vadd.f32 v13, v10;
	v12 =	vadd.f32 v14, v12;
	v13 =	vmul.f32 v19, v48  }
0x262: {  	v36 =	vld [tilespmem:s3+$0xFFFFFF10];
	v14 =	vadd.f32 v3, v7;
	v3 =	vsel vm5, v5, v21  }
0x263: {  	v41 =	vld [tilespmem:s3+$0xFFFFFF50];
	v3 =	vmul.f32 v3, v4;
	v12 =	vadd.f32 v13, v12  }
0x264: {  	v22 =	vld [tilespmem:s3+$0xFFFFFF90];
	(xrf2) =	vadd.scan.msk.f32 $0xffff, v10  }
0x265: {  	v31 =	vld [tilespmem:s19+$0x10];
	v12 =	vadd.f32 v3, v12  }
0x266: {  	v5 =	vld [tilespmem:s19+$0xFFFFFFD0]  }
0x267: {  	v13 =	vadd.f32 v15, v53;
	v15 =	vld [tilespmem:s3+$0xFFFFFFD0];
	(xrf2) =	vadd.scan.msk.f32 $0xffff, v12  }
0x268: {  	v3 =	vld [tilespmem:s19+$0x50]  }
0x269: {  	v17 =	vadd.f32 v17, v24;
	v12 =	vld [tilespmem:s3+$0x50]  }
0x26a: {  	v27 =	vld [tilespmem:s3+$0x10];
	v10 =	vmul.f32 $2.000000030e-01, v14  }
0x26b: {  	v8 =	vadd.f32 v8, v23;
	v28 =	vmul.f32 $2.000000030e-01, v17;
	v21 =	vld [tilespmem:s19+$0xFFFFFF20];
	vm5 =	vgt.f32 v14, $0.0e+00  }
0x26c: {  	[tilespmem:$0x1F940] =	vst v23;
	v23 =	vmul.f32 $2.000000030e-01, v42;
	v10 =	vsel vm5, v14, v10;
	v14 =	vld [tilespmem:s3+$0xFFFFFF20];
	vm5 =	vgt.f32 v17, $0.0e+00  }
0x26d: {  	v47 =	vld [tilespmem:s3+$0xFFFFFFA0];
	v43 =	vadd.f32 v20, v25;
	vm6 =	vgt.f32 v42, $0.0e+00;
	v17 =	vsel vm5, v17, v28  }
0x26e: {  	v11 =	vld [tilespmem:s19+$0xFFFFFF50];
	v30 =	vadd.f32 v15, v5;
	v15 =	vsel vm6, v42, v23;
	v28 =	vadd.f32 v12, v3;
	v12, _, _ =	vpop (xrf2)  }
0x26f: {  	v9 =	vld [tilespmem:s19+$0xFFFFFF90];
	v16 =	vadd.f32 v36, v26;
	v32 =	vmul.f32 $1.442695020e+00, v12  }
0x270: {  	v61 =	vpop (erf);
	v20 =	vld [tilespmem:s19+$0xFFFFFF60];
	v44 =	vmul.f32 $2.000000030e-01, v8;
	vm7 =	vgt.f32 v8, $0.0e+00;
	v29 =	vmul.f32 $2.000000030e-01, v43  }
0x271: {  	v36 =	vld [tilespmem:s3+$0xFFFFFFE0];
	v39 =	vmul.f32 v15, v40;
	v33 =	vadd.f32 v14, v21;
	v14 =	vbroadcast v32, $0xF;
	v15, _, _ =	vpop (xrf2)  }
0x272: {  	[tilespmem:$0x1F8B0] =	vst v26;
	v62 =	vpop (erf);
	v26 =	vmul.f32 $2.000000030e-01, v16;
	v46 =	vsel vm7, v8, v44;
	v8 =	vld [tilespmem:s19+$0xFFFFFFA0];
	v15 =	vmul.f32 $1.442695020e+00, v15  }
0x273: {  	v63 =	vpop (erf);
	v19 =	vmul.f32 v46, v38;
	v46 =	vld [tilespmem:s3+$0xFFFFFFB0];
	(erf) = vpow2.f32 v14  }
0x274: {  	[tilespmem:$0x1F950] =	vst v53;
	v53 =	vld [tilespmem:s3+$0xFFFFFF60];
	v45 =	vmul.f32 $2.000000030e-01, v13;
	v15 =	vbroadcast v15, $0xF  }
0x275: {  	[tilespmem:$0x1F8D0] =	vst v51;
	v22 =	vadd.f32 v22, v9;
	vm13 =	vgt.f32 v13, $0.0e+00;
	v51 =	vmul.f32 v10, v38;
	v10 =	vld [tilespmem:s19+$0x20]  }
0x276: {  	vm5 =	vgt.f32 v16, $0.0e+00;
	v13 =	vsel vm13, v13, v45;
	v45 =	vld [tilespmem:s3+$0xFFFFFF30];
	(erf) = vpow2.f32 v15  }
0x277: {  	[tilespmem:$0x1F930] =	vst v58;
	vm14 =	vgt.f32 v43, $0.0e+00;
	v58 =	vmul.f32 $2.000000030e-01, v22;
	v26 =	vsel vm5, v16, v26;
	v16 =	vld [tilespmem:s19+$0xFFFFFFB0]  }
0x278: {  	[tilespmem:$0x1F8C0] =	vst v24;
	vm7 =	vgt.f32 v22, $0.0e+00;
	v18 =	vadd.f32 v41, v11;
	v44 =	vmul.f32 v17, v38;
	v17 =	vld [tilespmem:s19+$0xFFFFFFF0]  }
0x279: {  	[tilespmem:$0x1F8E0] =	vst v25;
	v24 =	vsel vm14, v43, v29;
	v22 =	vsel vm7, v22, v58;
	v25 =	vadd.f32 v53, v20;
	v53 =	vld [tilespmem:s3+$0x60]  }
0x27a: {  	v23 =	vadd.f32 v27, v31;
	v27 =	vmul.f32 $2.000000030e-01, v18;
	v43 =	vmul.f32 v13, v40;
	v13 =	vld [tilespmem:s19+$0xFFFFFF30]  }
0x27b: {  	v22 =	vmul.f32 v22, v1;
	vm6 =	vgt.f32 v18, $0.0e+00;
	v26 =	vmul.f32 v26, v1;
	v14 =	vld [tilespmem:s19+$0x60]  }
0x27c: {  	v34 =	vmul.f32 $2.000000030e-01, v30;
	v35 =	vmul.f32 $2.000000030e-01, v23;
	v27 =	vsel vm6, v18, v27;
	v18 =	vld [tilespmem:s3+$0xFFFFFF70];
	v41 =	vpop (erf)  }
0x27d: {  	[tilespmem:$0x1F8F0] =	vst v31;
	v31 =	vadd.f32 v47, v8;
	v12 =	vld [tilespmem:s19+$0xFFFFFFE0];
	v37 =	vmul.f32 $2.000000030e-01, v28;
	v58 =	vmul.f32 v41, v60  }
0x27e: {  	s30 =	sadd.s32 $0x200, s30;
	[tilespmem:$0x1F910] =	vst v8;
	v32 =	vadd.f32 $0.0e+00, v51;
	v51 =	vadd.f32 $0.0e+00, v19;
	v19 =	vld [tilespmem:s19+$0x70];
	v56 =	vmul.f32 v41, v56  }
0x27f: {  	vm5 =	vgt.f32 v28, $0.0e+00;
	v8 =	vmul.f32 v41, v59;
	v52 =	vmul.f32 v41, v52;
	[tilespmem:s30+$0x80] =	vst v58;
	v58 =	vld [tilespmem:s3+$0x70];
	v59 =	vpop (erf)  }
0x280: {  	v28 =	vsel vm5, v28, v37;
	v37 =	vadd.f32 v53, v14;
	v53 =	vld [tilespmem:s3+$0xFFFFFFF0];
	[tilespmem:s30+$0xA0] =	vst v56;
	v0 =	vmul.f32 v59, v0  }
0x281: {  	vm15 =	vgt.f32 v30, $0.0e+00;
	vm12 =	vgt.f32 v23, $0.0e+00;
	[tilespmem:s30+$0xB0] =	vst v52;
	v56 =	vld [tilespmem:$0x1FF00];
	v52 =	vmul.f32 v59, v57  }
0x282: {  	v27 =	vmul.f32 v27, v55;
	v30 =	vsel vm15, v30, v34;
	v36 =	vadd.f32 v36, v12;
	[tilespmem:s30+$0xC0] =	vst v0;
	v0 =	vld [tilespmem:$0x1FF40]  }
0x283: {  	v23 =	vsel vm12, v23, v35;
	v35 =	vmul.f32 $2.000000030e-01, v25;
	v30 =	vmul.f32 v30, v55;
	[tilespmem:s30+$0xD0] =	vst v52;
	v52 =	vld [tilespmem:$0x1FF30]  }
0x284: {  	v28 =	vmul.f32 v28, v55;
	v47 =	vmul.f32 $2.000000030e-01, v36;
	v55 =	vadd.f32 v58, v19;
	v58 =	vld [tilespmem:$0x1FEA0]  }
0x285: {  	s10 =	sadd.s32 $0x3, s0;
	vm6 =	vgt.f32 v25, $0.0e+00;
	v23 =	vmul.f32 v23, v1;
	v1 =	vld [tilespmem:$0x1FAF0];
	vm13 =	vgt.f32 v36, $0.0e+00  }
0x286: {  	v25 =	vsel vm6, v25, v35;
	v35 =	vsel vm13, v36, v47;
	v47 =	vld [tilespmem:$0x1FED0];
	v57 =	vmov s10  }
0x287: {  	[tilespmem:s30+$0x90] =	vst v8;
	v8 =	vmov v50;
	v50 =	vadd.f32 v53, v17;
	v53 =	vld [tilespmem:$0x1FF10];
	v0 =	vmul.f32 v59, v0  }
0x288: {  	v15 =	vld [tilespmem:s19+$0xFFFFFF70];
	v52 =	vmul.f32 v59, v52  }
0x289: {  	v34 =	vmul.f32 $2.000000030e-01, v33;
	v56 =	vld.idx.msk [tilespmem:v56+s24+$0x0], $0xffff;
	[tilespmem:s30+$0xE0] =	vst v0  }
0x28a: {  	vm5 =	vgt.f32 v33, $0.0e+00;
	[tilespmem:s30+$0xF0] =	vst v52;
	v52 =	vld [tilespmem:$0x1FEB0]  }
0x28b: {  	v33 =	vsel vm5, v33, v34;
	v34 =	vld.idx.msk [tilespmem:v57+s24+$0x0], $0xffff  }
0x28c: {  	[tilespmem:v58+s25+$0x0] =	vst.idx.add.f32.msk vm2, v1;
	v1 =	vmov v47  }
0x28d: {  	[tilespmem:$0x1FAF0] =	vst v1;
	v1 =	vld [tilespmem:$0x1FB40]  }
0x28e: {  	v57 =	vld [tilespmem:$0x1FEE0]  }
0x28f: {  	v53 =	vld.idx.msk [tilespmem:v53+s24+$0x0], $0xffff  }
0x290: {  	v0 =	vld [tilespmem:$0x1FF20]  }
0x291: {  	v58 =	vld [tilespmem:$0x1FEC0]  }
0x292: {  	[tilespmem:v52+s25+$0x0] =	vst.idx.add.f32.msk vm3, v1  }
0x293: {  	v1 =	vmov v57;
	v52 =	vld [tilespmem:$0x1FEF0]  }
0x294: {  	[tilespmem:$0x1FB40] =	vst v1;
	v1 =	vld [tilespmem:$0x1FC80]  }
0x295: {  	v42 =	vld [tilespmem:s3+$0x20]  }
0x296: {  	[tilespmem:$0x1F900] =	vst v3;
	v3 =	vmov v54;
	v54 =	vld [tilespmem:s3+$0x30]  }
0x297: {  	v60 =	vadd.f32 v18, v15;
	v18 =	vld [tilespmem:s19+$0x30]  }
0x298: {  	v0 =	vld.idx.msk [tilespmem:v0+s24+$0x0], $0xffff  }
0x299: {  	[tilespmem:v58+s25+$0x0] =	vst.idx.add.f32.msk vm4, v1;
	v1 =	vmov v52  }
0x29a: {  	[tilespmem:$0x1FC80] =	vst v1;
	v1 =	vld [tilespmem:$0x1FF50];
	_ =	sdelay $0x1  }
0x29b: {  	v24 =	vmul.f32 v24, v40;
	v40 =	vmul.f32 $2.000000030e-01, v37  }
0x29c: {  	v44 =	vadd.f32 $0.0e+00, v44;
	vm5 =	vgt.f32 v37, $0.0e+00  }
0x29d: {  	v25 =	vmul.f32 v25, v48;
	v37 =	vsel vm5, v37, v40;
	v58 =	vmul.f32 v35, v48;
	v35 =	vld [tilespmem:$0x1FF60]  }
0x29e: {  	v23 =	vadd.f32 v23, v44;
	v44 =	vmul.f32 v37, v48;
	v48 =	vbroadcast v1, $0xF;
	v1 =	vld [tilespmem:$0x1FAD0]  }
0x29f: {  	v39 =	vadd.f32 $0.0e+00, v39;
	v54 =	vadd.f32 v54, v18  }
0x2a0: {  	vm7 =	vgt.f32 v31, $0.0e+00;
	v29 =	vadd.f32 v42, v10;
	v42 =	vmul.f32 $2.000000030e-01, v31  }
0x2a1: {  	v27 =	vadd.f32 v27, v39;
	v40 =	vmul.f32 $2.000000030e-01, v50;
	v39 =	vmul.f32 $2.000000030e-01, v54  }
0x2a2: {  	v31 =	vsel vm7, v31, v42;
	vm6 =	vgt.f32 v50, $0.0e+00;
	vm7 =	vgt.f32 v54, $0.0e+00  }
0x2a3: {  	v40 =	vsel vm6, v50, v40;
	v50 =	vsel vm7, v54, v39;
	v39 =	vmul.f32 v35, v1;
	v1 =	vld [tilespmem:$0x1FB70];
	_ =	sdelay $0x2  }
0x2a4: {  	v42 =	vmul.f32 $2.000000030e-01, v55  }
0x2a5: {  	v22 =	vadd.f32 v22, v51;
	vm15 =	vgt.f32 v55, $0.0e+00  }
0x2a6: {  	v51 =	vsel vm15, v55, v42;
	v55 =	vmul.f32 v40, v4;
	v40 =	vmul.f32 v35, v1;
	v1 =	vld [tilespmem:$0x1FBD0];
	_ =	sdelay $0x4  }
0x2a7: {  	v47 =	vsel vm0, v41, v59;
	v41 =	vmul.f32 v35, v1;
	v1 =	vmov v7  }
0x2a8: {  	[tilespmem:$0x1FAD0] =	vst v1;
	v1 =	vld [tilespmem:$0x1FCC0]  }
0x2a9: {  	v38 =	vmul.f32 $2.000000030e-01, v29  }
0x2aa: {  	vm14 =	vgt.f32 v29, $0.0e+00  }
0x2ab: {  	v31 =	vmul.f32 v31, v2;
	v29 =	vsel vm14, v29, v38  }
0x2ac: {  	v33 =	vmul.f32 v33, v2;
	v29 =	vmul.f32 v29, v2;
	v2 =	vld [tilespmem:$0x1F8B0]  }
0x2ad: {  	v7 =	vmul.f32 v35, v1;
	v1 =	vld [tilespmem:$0x1FAE0];
	_ =	sdelay $0x2  }
0x2ae: {  	v24 =	vadd.f32 $0.0e+00, v24;
	v43 =	vadd.f32 $0.0e+00, v43  }
0x2af: {  	v46 =	vadd.f32 v46, v16;
	v45 =	vadd.f32 v45, v13  }
0x2b0: {  	v30 =	vadd.f32 v30, v43;
	v43 =	vlaneseq.u32;
	v42 =	vmul.f32 v49, v1;
	v1 =	vmovc v2  }
0x2b1: {  	v26 =	vadd.f32 v26, v32;
	v32 =	vmul.f32 $2.000000030e-01, v46;
	v24 =	vadd.f32 v28, v24;
	[tilespmem:$0x1FB70] =	vst v1;
	v1 =	vld [tilespmem:$0x1FB80]  }
0x2b2: {  	vm5 =	vgt.f32 v46, $0.0e+00;
	vm2 =	vlt.s32 v34, $0x1388;
	v34 =	vshll.u32 v34, $0x1  }
0x2b3: {  	v36 =	vmul.f32 $2.000000030e-01, v45;
	v32 =	vsel vm5, v46, v32;
	v57 =	vadd.s32 v43, v34  }
0x2b4: {  	vm3 =	vmand vm2, vm1;
	v28 =	vsel vm2, v57, v43;
	vm2 =	vgt.f32 v45, $0.0e+00  }
0x2b5: {  	v54 =	vmul.f32 v32, v6;
	v57 =	vmul.f32 v50, v6;
	v36 =	vsel vm2, v45, v36  }
0x2b6: {  	v36 =	vmul.f32 v36, v6;
	v6 =	vmul.f32 v49, v1;
	v1 =	vld [tilespmem:$0x1FBE0];
	_ =	sdelay $0x1  }
0x2b7: {  	v38 =	vmul.f32 $2.000000030e-01, v60  }
0x2b8: {  	vm4 =	vgt.f32 v60, $0.0e+00  }
0x2b9: {  	v45 =	vsel vm4, v60, v38  }
0x2ba: {  	v52 =	vmul.f32 v45, v4;
	v45 =	vmul.f32 v49, v1;
	v1 =	vmov v11  }
0x2bb: {  	[tilespmem:$0x1FB80] =	vst v1;
	v1 =	vld [tilespmem:$0x1FCD0];
	_ =	sdelay $0x4  }
0x2bc: {  	v11 =	vmul.f32 v49, v1;
	v1 =	vld [tilespmem:$0x1FB20];
	_ =	sdelay $0x4  }
0x2bd: {  	v46 =	vmul.f32 v61, v1;
	v1 =	vmov v21  }
0x2be: {  	[tilespmem:$0x1FBD0] =	vst v1;
	v1 =	vld [tilespmem:$0x1FB90];
	_ =	sdelay $0x4  }
0x2bf: {  	[tilespmem:s2+$0xFFFFFF30] =	vst v7;
	v7 =	vmul.f32 v61, v1;
	v1 =	vld [tilespmem:$0x1FC70];
	_ =	sdelay $0x4  }
0x2c0: {  	v21 =	vmul.f32 v61, v1;
	v1 =	vmov v9  }
0x2c1: {  	[tilespmem:$0x1FB90] =	vst v1;
	v1 =	vld [tilespmem:$0x1FCE0];
	_ =	sdelay $0x3  }
0x2c2: {  	v26 =	vadd.f32 v33, v26  }
0x2c3: {  	v25 =	vadd.f32 v25, v27;
	v9 =	vmul.f32 v61, v1;
	v1 =	vld [tilespmem:$0x1FB30]  }
0x2c4: {  	v22 =	vadd.f32 v31, v22;
	v26 =	vadd.f32 v36, v26  }
0x2c5: {  	v25 =	vadd.f32 v52, v25  }
0x2c6: {  	v22 =	vadd.f32 v54, v22;
	(xrf2) =	vadd.scan.msk.f32 $0xffff, v26  }
0x2c7: {  	(xrf2) =	vadd.scan.msk.f32 $0xffff, v25  }
0x2c8: {  	(xrf2) =	vadd.scan.msk.f32 $0xffff, v22;
	v22 =	vmul.f32 v62, v1;
	v1 =	vmov v20  }
0x2c9: {  	[tilespmem:$0x1FBE0] =	vst v1;
	v1 =	vld [tilespmem:$0x1FBA0];
	_ =	sdelay $0x4  }
0x2ca: {  	[tilespmem:s2+$0xFFFFFF50] =	vst v6;
	v6 =	vmul.f32 v62, v1;
	v1 =	vld [tilespmem:$0x1FC90];
	_ =	sdelay $0x4  }
0x2cb: {  	v20 =	vmul.f32 v62, v1;
	v1 =	vmov v5  }
0x2cc: {  	[tilespmem:$0x1FBA0] =	vst v1;
	v1 =	vld [tilespmem:$0x1FB50];
	_ =	sdelay $0x4  }
0x2cd: {  	v50 =	vmul.f32 v63, v1;
	v1 =	vld [tilespmem:$0x1FBB0];
	_ =	sdelay $0x3  }
0x2ce: {  	v2 =	vld [tilespmem:$0x1F8C0]  }
0x2cf: {  	(erf) = vpow2.f32 v48;
	[tilespmem:s2+$0xFFFFFF70] =	vst v11;
	v11 =	vmul.f32 v63, v1;
	v1 =	vld [tilespmem:$0x1FCA0]  }
0x2d0: {  	v23 =	vadd.f32 v29, v23;
	[tilespmem:v28+s25+$0x0] =	vst.idx.add.f32.msk vm3, v47;
	v47 =	vshll.u32 v53, $0x1  }
0x2d1: {  	vm3 =	vlt.s32 v53, $0x1388;
	v60 =	vshll.u32 v0, $0x1;
	v29 =	vadd.s32 v43, v47  }
0x2d2: {  	s19 =	sadd.s32 $0x200, s19;
	vm4 =	vlt.s32 v0, $0x1388;
	v0 =	vadd.s32 v43, v60;
	v60 =	vsel vm3, v29, v43  }
0x2d3: {  	v47 =	vld [tilespmem:s19+$0xE0];
	[tilespmem:$0x1FEB0] =	vst v60  }
0x2d4: {  	v30 =	vadd.f32 v58, v30;
	[tilespmem:s2+$0xFFFFFF20] =	vst v41;
	v41 =	vmul.f32 v63, v1;
	v1 =	vmov v2  }
0x2d5: {  	v0 =	vsel vm4, v0, v43;
	[tilespmem:$0x1FB50] =	vst v1;
	v1 =	vld [tilespmem:$0x1F8D0]  }
0x2d6: {  	v59 =	vadd.f32 v55, v30;
	[tilespmem:$0x1FEC0] =	vst v0  }
0x2d7: {  	v24 =	vadd.f32 v44, v24;
	v23 =	vadd.f32 v57, v23;
	[tilespmem:s2+$0xFFFFFF10] =	vst v40;
	v40 =	vld [tilespmem:s19+$0xF0]  }
0x2d8: {  	v58 =	vmul.f32 v51, v4;
	[tilespmem:$0x1FF40] =	vst v47;
	v48 =	vmul.f32 v62, v3;
	(xrf2) =	vadd.scan.msk.f32 $0xffff, v59;
	v51 =	vpop (erf)  }
0x2d9: {  	v44 =	vshll.u32 v56, $0x1;
	[tilespmem:s2+$0xFFFFFF40] =	vst v42;
	v42, _, _ =	vpop (xrf2);
	(xrf2) =	vadd.scan.msk.f32 $0xffff, v23;
	v23 =	vmul.f32 v51, v8;
	v8 =	vld [tilespmem:$0x1F910]  }
0x2da: {  	v30 =	vadd.s32 v43, v44;
	[tilespmem:s2+$0xFFFFFFF0] =	vst v48;
	v44 =	vmul.f32 v63, v1;
	v1 =	vld [tilespmem:$0x1FB60]  }
0x2db: {  	[tilespmem:s2+$0xFFFFFF00] =	vst v39  }
0x2dc: {  	v4 =	vld [tilespmem:$0x1FCB0];
	[tilespmem:$0x1FF30] =	vst v40  }
0x2dd: {  	[tilespmem:s2+$0x70] =	vst v23  }
0x2de: {  	v3 =	vld [tilespmem:$0x1F8E0];
	[tilespmem:s2+$0xFFFFFF60] =	vst v45  }
0x2df: {  	v8 =	vmov v8;
	[tilespmem:s2+$0xFFFFFF80] =	vst v46;
	v45 =	vmul.f32 v51, v1;
	v1 =	vld [tilespmem:$0x1FBC0]  }
0x2e0: {  	[tilespmem:$0x1FC70] =	vst v8  }
0x2e1: {  	[tilespmem:s2+$0xFFFFFFA0] =	vst v21;
	v21 =	vmul.f32 v51, v4  }
0x2e2: {  	[tilespmem:s2+$0xFFFFFF90] =	vst v7  }
0x2e3: {  	[tilespmem:s2+$0x60] =	vst v21  }
0x2e4: {  	[tilespmem:s2+$0xFFFFFFB0] =	vst v9;
	v7 =	vmul.f32 v51, v1;
	v1 =	vmov v3;
	v3 =	vld [tilespmem:$0x1F8F0]  }
0x2e5: {  	[tilespmem:s2+$0xFFFFFFC0] =	vst v22  }
0x2e6: {  	[tilespmem:s2+$0xFFFFFFD0] =	vst v6  }
0x2e7: {  	[tilespmem:s2+$0xFFFFFFE0] =	vst v20;
	v20 =	vsel vm0, v35, v49  }
0x2e8: {  	vm2 =	vlt.s32 v56, $0x1388;
	[tilespmem:$0x1FED0] =	vst v20  }
0x2e9: {  	[tilespmem:s2+$0x0] =	vst v50;
	v4 =	vmov v3;
	v3 =	vsel vm2, v30, v43  }
0x2ea: {  	v6 =	vmov v10;
	[tilespmem:$0x1FEA0] =	vst v3;
	v3 =	vld [tilespmem:$0x1F900]  }
0x2eb: {  	v56 =	vld [tilespmem:s19+$0xA0];
	[tilespmem:$0x1FCA0] =	vst v6;
	v6 =	vsel vm0, v61, v62  }
0x2ec: {  	v57 =	vld [tilespmem:s19+$0xD0];
	[tilespmem:$0x1FEE0] =	vst v6  }
0x2ed: {  	v60 =	vld [tilespmem:s19+$0x80];
	v54, _, _ =	vpop (xrf2);
	[tilespmem:s2+$0x10] =	vst v11  }
0x2ee: {  	v24 =	vadd.f32 v58, v24;
	v52 =	vld [tilespmem:s19+$0xB0];
	v6 =	vmov v15;
	[tilespmem:$0x1FBB0] =	vst v4;
	v4, _, _ =	vpop (xrf2)  }
0x2ef: {  	s3 =	sadd.s32 $0x200, s3;
	v59 =	vld [tilespmem:s19+$0x90];
	[tilespmem:$0x1FCD0] =	vst v6;
	v22 =	vmovc v3;
	v3 =	vmov v12;
	v12 =	vmul.f32 $1.442695020e+00, v4;
	v4 =	vmov v14  }
0x2f0: {  	(xrf2) =	vadd.scan.msk.f32 $0xffff, v24;
	v8 =	vld [tilespmem:s3+$0x90];
	[tilespmem:$0x1FCB0] =	vst v4;
	v4 =	vsel vm0, v63, v51  }
0x2f1: {  	v46 =	vmul.f32 $1.442695020e+00, v42;
	[tilespmem:$0x1FEF0] =	vst v4;
	v4 =	vld [tilespmem:$0x1F920]  }
0x2f2: {  	v55 =	vmul.f32 $1.442695020e+00, v54;
	v9 =	vld [tilespmem:s3+$0xE0];
	[tilespmem:s2+$0x50] =	vst v7  }
0x2f3: {  	v38 =	vbroadcast v46, $0xF;
	v5 =	vld [tilespmem:s3+$0xB0];
	[tilespmem:$0x1FBC0] =	vst v22  }
0x2f4: {  	s10 =	sadd.s32 $0x1, s31;
	v7 =	vld [tilespmem:$0x1F930];
	[tilespmem:$0x1FC90] =	vst v3;
	v22 =	vbroadcast v55, $0xF;
	v3 =	vmov v13  }
0x2f5: {  	s11 =	sadd.s32 $0x2, s31;
	(erf) = vpow2.f32 v38;
	v10 =	vmov s10;
	v11 =	vld [tilespmem:s3+$0x80];
	[tilespmem:$0x1FCC0] =	vst v3;
	v3 =	vbroadcast v12, $0xF  }
0x2f6: {  	v2 =	vld [tilespmem:s3+$0xF0];
	[tilespmem:s2+$0x20] =	vst v41;
	(erf) = vpow2.f32 v22;
	v12 =	vmov s11;
	v4 =	vand.u32 $0xFFFFFFFC, v4  }
0x2f7: {  	[tilespmem:$0x1FB60] =	vst v1;
	v1 =	vld [tilespmem:s3+$0xA0];
	v0, _, _ =	vpop (xrf2);
	v12 =	vand.u32 $0xFFFFFFFE, v12;
	(erf) = vpow2.f32 v3;
	v3 =	vbroadcast v4, $0x0  }
0x2f8: {  	[tilespmem:s2+$0x30] =	vst v44;
	v15 =	vmul.f32 $1.442695020e+00, v0;
	v14 =	vld [tilespmem:s3+$0xD0]  }
0x2f9: {  	v0 =	vmov v16;
	v6, _, _ =	vpop (xrf2);
	[tilespmem:$0x1FF00] =	vst v3;
	v3 =	vand.u32 $0xFFFFFFFD, v10;
	v10 =	vmov v7;
	v7 =	vld [tilespmem:$0x1F940]  }
0x2fa: {  	[tilespmem:$0x1FCE0] =	vst v0;
	v0 =	vld [tilespmem:s19+$0xC0];
	v63 =	vbroadcast v12, $0x0;
	v12, _, _ =	vpop (xrf2)  }
0x2fb: {  	[tilespmem:s2+$0x40] =	vst v45;
	v13 =	vld [tilespmem:s3+$0xC0];
	v12 =	vmul.f32 $1.442695020e+00, v12  }
0x2fc: {  	v3 =	vbroadcast v3, $0x0;
	[tilespmem:$0x1FAE0] =	vst v10;
	v10 =	vadd.f32 v1, v56;
	v1 =	vadd.f32 v11, v60;
	v11 =	vld [tilespmem:$0x1F950]  }
0x2fd: {  	p0 =	slt.u32 s9, $0x4C;
	vm3 =	vmand vm3, vm1;
	vm4 =	vmand vm4, vm1;
	v58 =	vld [tilespmem:s19+$0xFFFFFF40];
	v9 =	vadd.f32 v9, v47;
	[tilespmem:$0x1FF50] =	vst v12  }
.Ltmp2:
0x2fe: {  	s31 =	smov.u32 s0;
	v54 =	vmovc v17;
	v23 =	vld [tilespmem:s19+$0xFFFFFF80];
	vm2 =	vmand vm2, vm1;
	v4 =	vbroadcast v15, $0xF;
	v15 =	vmul.f32 $1.442695020e+00, v6;
	[tilespmem:$0x1FF10] =	vst v3;
	v6 =	vmovc v7;
	(pc) =	sbr.rel @p0 .LBB2_7-.Ltmp2, $4  }
0x2ff: {  	v53 =	vld [tilespmem:s19+$0xFFFFFFC0];
	v55 =	vmov s31;
	[tilespmem:$0x1FB20] =	vst v6;
	v6 =	vadd.f32 v5, v52;
	v5 =	vadd.f32 v2, v40;
	v2 =	vpop (erf)  }
0x300: {  	v50 =	vmovc v19;
	v12 =	vadd.f32 v13, v0;
	v3 =	vld [tilespmem:s3+$0xFFFFFF00];
	v7 =	vadd.f32 v8, v59;
	[tilespmem:$0x1FF60] =	vst v2;
	v2 =	vbroadcast v15, $0xF  }
0x301: {  	v51 =	vmovc v18;
	[tilespmem:$0x1FF20] =	vst v63;
	(erf) = vpow2.f32 v4;
	v4 =	vld [tilespmem:s3+$0xFFFFFF40];
	v8 =	vmovc v11;
	v11 =	vadd.f32 v14, v57;
	v14 =	vmul.f32 $2.000000030e-01, v1  }
0x302: {  	s0 =	smov.u32 s9;
	s9 =	sadd.s32 $0x4, s9;
	s2 =	smov.u32 s30;
	[tilespmem:$0x1FB30] =	vst v8;
	v8 =	vld [tilespmem:s3+$0xFFFFFF80];
	v49 =	vpop (erf);
	vm5 =	vgt.f32 v6, $0.0e+00;
	v13 =	vmul.f32 $2.000000030e-01, v6;
	(erf) = vpow2.f32 v2  }
0x303: {  	v37 =	vld [tilespmem:$0x1FF70]  }
0x304: {  	v38 =	vld [tilespmem:$0x1FF80]  }
0x305: {  	v44 =	vld [tilespmem:$0x1FF90]  }
0x306: {  	v39 =	vld [tilespmem:$0x1FFB0]  }
0x307: {  	v63 =	vld [tilespmem:s3+$0xFFFFFFC0]  }
0x308: {  	vm6 =	vgt.f32 v1, $0.0e+00;
	v2 =	vmul.f32 $2.000000030e-01, v7;
	vm13 =	vgt.f32 v7, $0.0e+00;
	v40 =	vld [tilespmem:$0x1FFC0]  }
0x309: {  	v47 =	vmul.f32 $2.000000030e-01, v10;
	vm14 =	vgt.f32 v10, $0.0e+00;
	vm7 =	vgt.f32 v9, $0.0e+00;
	v15 =	vld [tilespmem:s3+$0x0]  }
0x30a: {  	v61 =	vmul.f32 $2.000000030e-01, v12;
	vm15 =	vgt.f32 v12, $0.0e+00;
	v62 =	vmul.f32 $2.000000030e-01, v11;
	v45 =	vld [tilespmem:$0x1FFA0]  }
0x30b: {  	vm8 =	vgt.f32 v11, $0.0e+00;
	v21 =	vmul.f32 $2.000000030e-01, v9;
	v25 =	vmul.f32 $2.000000030e-01, v5;
	v46 =	vld [tilespmem:$0x1FFD0]  }
0x30c: {  	vm12 =	vgt.f32 v5, $0.0e+00;
	v26 =	vld [tilespmem:s3+$0x40];
	v1 =	vsel vm6, v1, v14;
	v6 =	vsel vm5, v6, v13  }
0x30d: {  	v28 =	vld [tilespmem:s3+$0xFFFFFF10];
	v2 =	vsel vm13, v7, v2;
	v48 =	vsel vm14, v10, v47;
	v10 =	vsel vm15, v12, v61  }
0x30e: {  	v18 =	vld [tilespmem:s3+$0xFFFFFFD0];
	v11 =	vsel vm8, v11, v62;
	v9 =	vsel vm7, v9, v21;
	v1 =	vmul.f32 v1, v37  }
0x30f: {  	v13 =	vld [tilespmem:s19+$0xFFFFFF00];
	v5 =	vsel vm12, v5, v25;
	v16 =	vadd.f32 v4, v58;
	v2 =	vmul.f32 v2, v38  }
0x310: {  	v47 =	vld [tilespmem:$0x1FFE0];
	v7 =	vmul.f32 v48, v44;
	v10 =	vmul.f32 v10, v39;
	v1 =	vadd.f32 $0.0e+00, v1  }
0x311: {  	v34 =	vld [tilespmem:s3+$0x50];
	v8 =	vadd.f32 v8, v23;
	v24 =	vmul.f32 v11, v40;
	v6 =	vmul.f32 v6, v45  }
0x312: {  	v61 =	vld [tilespmem:s19+$0x50];
	v9 =	vmul.f32 v9, v46;
	v31 =	vmul.f32 $2.000000030e-01, v16;
	v1 =	vadd.f32 v2, v1  }
0x313: {  	v4 =	vld [tilespmem:s19+$0xFFFFFFD0];
	v14 =	vadd.f32 v63, v53;
	vm14 =	vgt.f32 v16, $0.0e+00;
	v22 =	vadd.f32 $0.0e+00, v10  }
0x314: {  	v29 =	vld [tilespmem:s3+$0xFFFFFF50];
	v3 =	vadd.f32 v3, v13;
	v20 =	vmul.f32 $2.000000030e-01, v8;
	v7 =	vadd.f32 v7, v1  }
0x315: {  	v21 =	vld [tilespmem:s3+$0x10];
	vm15 =	vgt.f32 v8, $0.0e+00;
	v5 =	vmul.f32 v5, v47;
	v10 =	vadd.f32 v24, v22  }
0x316: {  	v25 =	vld [tilespmem:s3+$0xFFFFFF20];
	v33 =	vmul.f32 $2.000000030e-01, v14;
	vm8 =	vgt.f32 v14, $0.0e+00;
	v6 =	vadd.f32 v6, v7  }
0x317: {  	v11 =	vld [tilespmem:s19+$0xFFFFFF10];
	v48 =	vmovc v23;
	v23 =	vadd.f32 v34, v61;
	v17 =	vmul.f32 $2.000000030e-01, v3;
	v27 =	vadd.f32 v9, v10  }
0x318: {  	vm13 =	vgt.f32 v3, $0.0e+00;
	v8 =	vsel vm15, v8, v20;
	v18 =	vadd.f32 v18, v4;
	v2 =	vld [tilespmem:s19+$0x0];
	(xrf2) =	vadd.scan.msk.f32 $0xffff, v6  }
0x319: {  	v22 =	vsel vm14, v16, v31;
	v19 =	vsel vm13, v3, v17;
	v3 =	vld [tilespmem:s19+$0x10];
	v5 =	vadd.f32 v5, v27  }
0x31a: {  	v20 =	vsel vm8, v14, v33;
	v33 =	vmul.f32 $2.000000030e-01, v23;
	v8 =	vmul.f32 v8, v37;
	v17 =	vld [tilespmem:s19+$0xFFFFFF20]  }
0x31b: {  	v31 =	vmul.f32 $2.000000030e-01, v18;
	vm14 =	vgt.f32 v18, $0.0e+00;
	v22 =	vmul.f32 v22, v39;
	v1 =	vld [tilespmem:s19+$0x40];
	(xrf2) =	vadd.scan.msk.f32 $0xffff, v5  }
0x31c: {  	v30 =	vld [tilespmem:s3+$0xFFFFFF90];
	v20 =	vmul.f32 v20, v39;
	v19 =	vmul.f32 v19, v37;
	v8 =	vadd.f32 $0.0e+00, v8  }
0x31d: {  	v18 =	vsel vm14, v18, v31;
	v22 =	vadd.f32 $0.0e+00, v22;
	v7 =	vld [tilespmem:s19+$0xFFFFFF50];
	v15 =	vadd.f32 v15, v2  }
0x31e: {  	v19 =	vadd.f32 $0.0e+00, v19;
	v18 =	vmul.f32 v18, v40;
	v6 =	vadd.f32 v28, v11;
	v5 =	vld [tilespmem:s19+$0xFFFFFF90]  }
0x31f: {  	v62 =	vld [tilespmem:s3+$0xFFFFFFE0];
	v21 =	vadd.f32 v21, v3;
	v25 =	vadd.f32 v25, v17;
	v24 =	vmul.f32 $2.000000030e-01, v15  }
0x320: {  	v34 =	vld [tilespmem:s3+$0x60];
	v12 =	vadd.f32 v26, v1;
	vm9 =	vgt.f32 v15, $0.0e+00;
	v28 =	vmul.f32 $2.000000030e-01, v6  }
0x321: {  	v14 =	vld [tilespmem:s19+$0xFFFFFFE0];
	vm11 =	vgt.f32 v6, $0.0e+00;
	vm15 =	vgt.f32 v21, $0.0e+00;
	v24 =	vsel vm9, v15, v24  }
0x322: {  	v26 =	vmul.f32 $2.000000030e-01, v12;
	v9 =	vadd.f32 v29, v7;
	vm10 =	vgt.f32 v12, $0.0e+00;
	v15 =	vld [tilespmem:s19+$0xFFFFFFA0];
	v32, _, _ =	vpop (xrf2)  }
0x323: {  	vm9 =	vgt.f32 v23, $0.0e+00;
	v10 =	vadd.f32 v30, v5;
	v30 =	vld [tilespmem:s3+$0xFFFFFFA0];
	v16 =	vmul.f32 $1.442695020e+00, v32  }
0x324: {  	v27 =	vld [tilespmem:s3+$0xFFFFFF60];
	v28 =	vsel vm11, v6, v28;
	v23 =	vsel vm9, v23, v33;
	v26 =	vsel vm10, v12, v26  }
0x325: {  	v29 =	vmul.f32 $2.000000030e-01, v9;
	vm12 =	vgt.f32 v9, $0.0e+00;
	v36, _, _ =	vpop (xrf2);
	v35 =	vbroadcast v16, $0xF;
	v16 =	vld [tilespmem:s19+$0xFFFFFF60]  }
0x326: {  	v6 =	vld [tilespmem:s19+$0x60];
	vm10 =	vgt.f32 v25, $0.0e+00;
	v41 =	vmul.f32 $1.442695020e+00, v36;
	v36 =	vmul.f32 $2.000000030e-01, v21  }
0x327: {  	v28 =	vmul.f32 v28, v38;
	v9 =	vsel vm12, v9, v29;
	v29 =	vadd.f32 v62, v14  }
0x328: {  	v63 =	vmul.f32 $2.000000030e-01, v10;
	v31 =	vsel vm15, v21, v36;
	v21 =	vadd.f32 v30, v15  }
0x329: {  	v12 =	vld [tilespmem:s19+$0x20];
	vm13 =	vgt.f32 v10, $0.0e+00;
	v9 =	vmul.f32 v9, v40;
	v42 =	vbroadcast v41, $0xF  }
0x32a: {  	v32 =	vld [tilespmem:s3+$0x20];
	(erf) = vpow2.f32 v35;
	v62 =	vmul.f32 $2.000000030e-01, v21;
	v27 =	vadd.f32 v27, v16  }
0x32b: {  	(erf) = vpow2.f32 v42;
	v42 =	vadd.f32 v34, v6;
	vm12 =	vgt.f32 v21, $0.0e+00;
	v34 =	vld [tilespmem:s3+$0xFFFFFF30]  }
0x32c: {  	v10 =	vsel vm13, v10, v63;
	v33 =	vsel vm12, v21, v62;
	v62 =	vld [tilespmem:s19+$0xFFFFFF30];
	v41 =	vmul.f32 $2.000000030e-01, v27  }
0x32d: {  	v63 =	vmul.f32 $2.000000030e-01, v29;
	vm13 =	vgt.f32 v29, $0.0e+00;
	vm11 =	vgt.f32 v27, $0.0e+00  }
0x32e: {  	v10 =	vmul.f32 v10, v38;
	v27 =	vsel vm11, v27, v41;
	v41 =	vmul.f32 $2.000000030e-01, v42  }
0x32f: {  	v29 =	vsel vm13, v29, v63;
	v63 =	vmul.f32 v24, v37;
	vm15 =	vgt.f32 v42, $0.0e+00  }
0x330: {  	v35 =	vmul.f32 $2.000000030e-01, v25;
	v32 =	vadd.f32 v32, v12;
	v30 =	vsel vm15, v42, v41  }
0x331: {  	v42 =	vadd.f32 $0.0e+00, v20;
	v41 =	vmul.f32 v26, v39;
	v26 =	vadd.f32 v34, v62  }
0x332: {  	v25 =	vsel vm10, v25, v35;
	v35 =	vld [tilespmem:s3+$0xFFFFFF70];
	v36 =	vmul.f32 $2.000000030e-01, v32;
	vm14 =	vgt.f32 v32, $0.0e+00  }
0x333: {  	v21 =	vld [tilespmem:s19+$0xFFFFFF70];
	v37 =	vadd.f32 v18, v42;
	v42 =	vadd.f32 $0.0e+00, v63;
	v63 =	vmul.f32 $2.000000030e-01, v26  }
0x334: {  	v32 =	vsel vm14, v32, v36;
	v36 =	vadd.f32 v10, v8;
	v8 =	vpop (erf)  }
0x335: {  	v23 =	vmul.f32 v23, v40;
	v28 =	vadd.f32 v28, v19;
	v22 =	vadd.f32 v9, v22;
	v9 =	vpop (erf)  }
0x336: {  	v19 =	vld [tilespmem:s19+$0xFFFFFFF0];
	v31 =	vmul.f32 v31, v38;
	v10 =	vpop (erf);
	v38 =	vadd.f32 $0.0e+00, v41;
	vm8 =	vgt.f32 v26, $0.0e+00  }
0x337: {  	v40 =	vld [tilespmem:s3+$0x30];
	v26 =	vsel vm8, v26, v63;
	v63 =	vpop (erf)  }
0x338: {  	v34 =	vadd.f32 v35, v21;
	v35 =	vld [tilespmem:s3+$0xFFFFFFF0];
	v23 =	vadd.f32 v23, v38;
	v38 =	vmul.f32 v63, v60  }
0x339: {  	s9 =	sadd.s32 $0x200, s30;
	v18 =	vld [tilespmem:s19+$0x30];
	v39 =	vmul.f32 v63, v59  }
0x33a: {  	v59 =	vmul.f32 v63, v56;
	[tilespmem:s9+$0x80] =	vst v38  }
0x33b: {  	v60 =	vmul.f32 v63, v52;
	v52 =	vpop (erf);
	[tilespmem:s9+$0x90] =	vst v39  }
0x33c: {  	v0 =	vmul.f32 v52, v0;
	[tilespmem:s9+$0xA0] =	vst v59  }
0x33d: {  	[tilespmem:s9+$0xB0] =	vst v60  }
0x33e: {  	v35 =	vadd.f32 v35, v19;
	v38 =	vadd.f32 v40, v18;
	[tilespmem:s9+$0xC0] =	vst v0  }
0x33f: {  	v25 =	vmul.f32 v25, v44;
	v0 =	vld [tilespmem:$0x1FF40]  }
0x340: {  	v31 =	vadd.f32 v31, v42;
	v42 =	vmul.f32 $2.000000030e-01, v35;
	v59 =	vmul.f32 $2.000000030e-01, v38  }
0x341: {  	vm11 =	vgt.f32 v35, $0.0e+00;
	vm12 =	vgt.f32 v38, $0.0e+00  }
0x342: {  	v25 =	vadd.f32 v25, v28;
	v28 =	vsel vm11, v35, v42;
	v35 =	vsel vm12, v38, v59;
	v38 =	vld [tilespmem:$0x1FF30]  }
0x343: {  	v57 =	vmul.f32 v52, v57  }
0x344: {  	v60 =	vmul.f32 v52, v0  }
0x345: {  	[tilespmem:s9+$0xD0] =	vst v57  }
0x346: {  	v24 =	vld [tilespmem:s3+$0xFFFFFFB0];
	v33 =	vmul.f32 v33, v44;
	[tilespmem:s9+$0xE0] =	vst v60  }
0x347: {  	v40 =	vmul.f32 v52, v38;
	v57 =	vld [tilespmem:$0x1FAD0]  }
0x348: {  	v33 =	vadd.f32 v33, v36;
	v36 =	vld [tilespmem:$0x1FF60]  }
0x349: {  	v20 =	vld [tilespmem:s19+$0xFFFFFFB0];
	[tilespmem:s9+$0xF0] =	vst v40  }
0x34a: {  	v41 =	vmul.f32 $2.000000030e-01, v34;
	v60 =	vld [tilespmem:$0x1FB70]  }
0x34b: {  	vm9 =	vgt.f32 v34, $0.0e+00  }
0x34c: {  	v34 =	vsel vm9, v34, v41;
	v26 =	vmul.f32 v26, v45  }
0x34d: {  	v42 =	vmul.f32 v34, v47;
	v34 =	vmul.f32 v36, v57  }
0x34e: {  	v41 =	vmul.f32 v29, v46  }
0x34f: {  	v24 =	vadd.f32 v24, v20;
	v25 =	vadd.f32 v26, v25;
	v26 =	vmul.f32 v36, v60;
	[tilespmem:s2+$0xFFFFFF00] =	vst v34  }
0x350: {  	v34 =	vld [tilespmem:$0x1FF50]  }
0x351: {  	v56 =	vmul.f32 $2.000000030e-01, v24;
	v59 =	vadd.f32 v41, v37;
	v37 =	vld [tilespmem:$0x1FBD0];
	[tilespmem:s2+$0xFFFFFF10] =	vst v26  }
0x352: {  	vm10 =	vgt.f32 v24, $0.0e+00;
	v26 =	vld [tilespmem:$0x1FCC0]  }
0x353: {  	v24 =	vsel vm10, v24, v56  }
0x354: {  	v24 =	vmul.f32 v24, v45;
	_ =	sdelay $0x1  }
0x355: {  	v24 =	vadd.f32 v24, v33;
	v33 =	vmul.f32 v36, v37  }
0x356: {  	v26 =	vmul.f32 v36, v26  }
0x357: {  	[tilespmem:s2+$0xFFFFFF20] =	vst v33  }
0x358: {  	v40 =	vld [tilespmem:$0x1FAE0];
	[tilespmem:s2+$0xFFFFFF30] =	vst v26  }
0x359: {  	v26 =	vld [tilespmem:$0x1FB80];
	_ =	sdelay $0x1  }
0x35a: {  	v56 =	vld [tilespmem:s3+$0x70]  }
0x35b: {  	v27 =	vmul.f32 v27, v46;
	v0 =	vld [tilespmem:s19+$0x70]  }
0x35c: {  	v38 =	vmul.f32 v28, v47;
	v28 =	vmul.f32 v49, v40  }
0x35d: {  	v22 =	vadd.f32 v27, v22;
	v26 =	vmul.f32 v49, v26  }
0x35e: {  	[tilespmem:s2+$0xFFFFFF40] =	vst v28  }
0x35f: {  	v22 =	vadd.f32 v42, v22;
	v42 =	vld [tilespmem:$0x1FBE0];
	[tilespmem:s2+$0xFFFFFF50] =	vst v26  }
0x360: {  	v39 =	vadd.f32 v56, v0;
	v56 =	vld [tilespmem:$0x1FCD0];
	_ =	sdelay $0x1  }
0x361: {  	(xrf2) =	vadd.scan.msk.f32 $0xffff, v25  }
0x362: {  	(xrf2) =	vadd.scan.msk.f32 $0xffff, v22  }
0x363: {  	(xrf2) =	vadd.scan.msk.f32 $0xffff, v24;
	v24 =	vmul.f32 v49, v42  }
0x364: {  	v29 =	vmul.f32 v49, v56  }
0x365: {  	[tilespmem:s2+$0xFFFFFF60] =	vst v24  }
0x366: {  	v22 =	vadd.f32 v38, v59;
	v59 =	vld [tilespmem:$0x1FB20];
	[tilespmem:s2+$0xFFFFFF70] =	vst v29  }
0x367: {  	v29 =	vld [tilespmem:$0x1FB90];
	_ =	sdelay $0x3  }
0x368: {  	v28 =	vmul.f32 v8, v59  }
0x369: {  	(xrf2) =	vadd.scan.msk.f32 $0xffff, v22;
	v22 =	vmul.f32 v8, v29  }
0x36a: {  	[tilespmem:s2+$0xFFFFFF80] =	vst v28  }
0x36b: {  	v28 =	vld [tilespmem:$0x1FC70];
	[tilespmem:s2+$0xFFFFFF90] =	vst v22  }
0x36c: {  	v22 =	vld [tilespmem:$0x1FCE0];
	_ =	sdelay $0x3  }
0x36d: {  	v28 =	vmul.f32 v8, v28  }
0x36e: {  	v22 =	vmul.f32 v8, v22  }
0x36f: {  	[tilespmem:s2+$0xFFFFFFA0] =	vst v28  }
0x370: {  	v27 =	vbroadcast v34, $0xF;
	v34 =	vld [tilespmem:$0x1FB30];
	[tilespmem:s2+$0xFFFFFFB0] =	vst v22  }
0x371: {  	v41 =	vmul.f32 v32, v44;
	v22 =	vld [tilespmem:$0x1FBA0];
	_ =	sdelay $0x1  }
0x372: {  	v25 =	vadd.f32 v41, v31;
	v57 =	vmul.f32 v35, v45;
	_ =	sdelay $0x1  }
0x373: {  	v24 =	vadd.f32 v57, v25;
	v25 =	vmul.f32 v9, v34  }
0x374: {  	v22 =	vmul.f32 v9, v22  }
0x375: {  	v44 =	vmul.f32 $2.000000030e-01, v39;
	[tilespmem:s2+$0xFFFFFFC0] =	vst v25  }
0x376: {  	v46 =	vmul.f32 v30, v46;
	vm13 =	vgt.f32 v39, $0.0e+00;
	v37 =	vld [tilespmem:$0x1FC90];
	[tilespmem:s2+$0xFFFFFFD0] =	vst v22  }
0x377: {  	(erf) = vpow2.f32 v27;
	v27 =	vsel vm13, v39, v44;
	v40 =	vld [tilespmem:$0x1FB50]  }
0x378: {  	v23 =	vadd.f32 v46, v23;
	v27 =	vmul.f32 v27, v47;
	_ =	sdelay $0x1  }
0x379: {  	v39 =	vmul.f32 v9, v54;
	v23 =	vadd.f32 v27, v23  }
0x37a: {  	v60, _, _ =	vpop (xrf2);
	(xrf2) =	vadd.scan.msk.f32 $0xffff, v24;
	v24 =	vmul.f32 v9, v37  }
0x37b: {  	v35, _, _ =	vpop (xrf2);
	(xrf2) =	vadd.scan.msk.f32 $0xffff, v23;
	[tilespmem:s2+$0xFFFFFFF0] =	vst v39;
	v23 =	vmul.f32 v10, v40  }
0x37c: {  	[tilespmem:s2+$0xFFFFFFE0] =	vst v24  }
0x37d: {  	v22 =	vld [tilespmem:$0x1FBB0];
	[tilespmem:s2+$0x0] =	vst v23  }
0x37e: {  	v23 =	vld [tilespmem:$0x1FCA0];
	_ =	sdelay $0x3  }
0x37f: {  	v42 =	vmul.f32 v10, v22  }
0x380: {  	v23 =	vmul.f32 v10, v23  }
0x381: {  	[tilespmem:s2+$0x10] =	vst v42  }
0x382: {  	[tilespmem:s2+$0x20] =	vst v23  }
0x383: {  	v32 =	vmul.f32 $1.442695020e+00, v60;
	v23 =	vld [tilespmem:$0x1FB60];
	_ =	sdelay $0x1  }
0x384: {  	v33 =	vbroadcast v32, $0xF  }
0x385: {  	v38 =	vmul.f32 $1.442695020e+00, v35  }
0x386: {  	v44 =	vmul.f32 v10, v51;
	(erf) = vpow2.f32 v33;
	v22 =	vpop (erf)  }
0x387: {  	v25 =	vbroadcast v38, $0xF;
	v23 =	vmul.f32 v22, v23  }
0x388: {  	[tilespmem:s2+$0x30] =	vst v44  }
0x389: {  	v41, _, _ =	vpop (xrf2);
	(erf) = vpow2.f32 v25;
	v25 =	vld [tilespmem:$0x1FBC0];
	[tilespmem:s2+$0x40] =	vst v23  }
0x38a: {  	v24 =	vmul.f32 $1.442695020e+00, v41;
	v23 =	vld [tilespmem:$0x1FCB0];
	_ =	sdelay $0x1  }
0x38b: {  	v45, _, _ =	vpop (xrf2);
	v24 =	vbroadcast v24, $0xF  }
0x38c: {  	v26 =	vmul.f32 $1.442695020e+00, v45  }
0x38d: {  	(erf) = vpow2.f32 v24;
	v25 =	vmul.f32 v22, v25  }
0x38e: {  	v50 =	vmul.f32 v22, v50;
	v47 =	vmul.f32 v22, v23;
	v23 =	vpop (erf)  }
0x38f: {  	[tilespmem:s2+$0x50] =	vst v25;
	v11 =	vmul.f32 v23, v11  }
0x390: {  	v26 =	vbroadcast v26, $0xF;
	v51, _, _ =	vpop (xrf2);
	[tilespmem:s2+$0x70] =	vst v50;
	v13 =	vmul.f32 v23, v13  }
0x391: {  	v25 =	vmul.f32 $1.442695020e+00, v51;
	[tilespmem:s2+$0x60] =	vst v47  }
0x392: {  	(erf) = vpow2.f32 v26;
	v17 =	vmul.f32 v23, v17;
	[tilespmem:s9+$0xFFFFFF00] =	vst v13  }
0x393: {  	v59 =	vmul.f32 v23, v62;
	[tilespmem:s9+$0xFFFFFF10] =	vst v11;
	v11 =	vpop (erf)  }
0x394: {  	v54, _, _ =	vpop (xrf2);
	v25 =	vbroadcast v25, $0xF;
	[tilespmem:s9+$0xFFFFFF20] =	vst v17;
	v60 =	vmul.f32 v11, v58  }
0x395: {  	v57 =	vmul.f32 $1.442695020e+00, v54;
	v17 =	vld [tilespmem:$0x1FF00];
	[tilespmem:s9+$0xFFFFFF30] =	vst v59;
	v7 =	vmul.f32 v11, v7  }
0x396: {  	(erf) = vpow2.f32 v25;
	v62 =	vld [tilespmem:$0x1FF10];
	v16 =	vmul.f32 v11, v16;
	[tilespmem:s9+$0xFFFFFF40] =	vst v60  }
0x397: {  	v30 =	vpop (erf);
	v21 =	vmul.f32 v11, v21;
	[tilespmem:s9+$0xFFFFFF50] =	vst v7  }
0x398: {  	v24 =	vbroadcast v57, $0xF;
	v31 =	vmul.f32 v30, v48;
	[tilespmem:s9+$0xFFFFFF60] =	vst v16  }
0x399: {  	v5 =	vmul.f32 v30, v5;
	[tilespmem:s9+$0xFFFFFF70] =	vst v21  }
0x39a: {  	(erf) = vpow2.f32 v24;
	v15 =	vmul.f32 v30, v15;
	[tilespmem:s9+$0xFFFFFF80] =	vst v31  }
0x39b: {  	v20 =	vmul.f32 v30, v20;
	v35 =	vpop (erf);
	[tilespmem:s9+$0xFFFFFF90] =	vst v5  }
0x39c: {  	[tilespmem:s9+$0xFFFFFFA0] =	vst v15;
	v38 =	vmul.f32 v35, v53  }
0x39d: {  	s10 =	sadd.s32 $0x3, s0;
	[tilespmem:s9+$0xFFFFFFB0] =	vst v20;
	v4 =	vmul.f32 v35, v4  }
0x39e: {  	v46 =	vmov s10;
	v14 =	vmul.f32 v35, v14;
	[tilespmem:s9+$0xFFFFFFC0] =	vst v38  }
0x39f: {  	v19 =	vmul.f32 v35, v19;
	v40 =	vld [tilespmem:$0x1FF20];
	[tilespmem:s9+$0xFFFFFFD0] =	vst v4;
	v41 =	vpop (erf)  }
0x3a0: {  	[tilespmem:s9+$0xFFFFFFE0] =	vst v14;
	v2 =	vmul.f32 v41, v2  }
0x3a1: {  	[tilespmem:s9+$0xFFFFFFF0] =	vst v19;
	v3 =	vmul.f32 v41, v3  }
0x3a2: {  	v12 =	vmul.f32 v41, v12;
	[tilespmem:s9+$0x0] =	vst v2  }
0x3a3: {  	v56 =	vld.idx.msk [tilespmem:v46+s24+$0x0], $0xffff;
	v46 =	vpop (erf);
	v18 =	vmul.f32 v41, v18;
	[tilespmem:s9+$0x10] =	vst v3  }
0x3a4: {  	v1 =	vmul.f32 v46, v1;
	[tilespmem:s9+$0x20] =	vst v12  }
0x3a5: {  	v48 =	vmul.f32 v46, v61;
	[tilespmem:s9+$0x30] =	vst v18  }
0x3a6: {  	v6 =	vmul.f32 v46, v6;
	[tilespmem:s9+$0x40] =	vst v1  }
0x3a7: {  	v0 =	vmul.f32 v46, v0;
	[tilespmem:s9+$0x50] =	vst v48  }
0x3a8: {  	s30 =	sadd.s32 $0x1, s0;
	[tilespmem:s9+$0x60] =	vst v6  }
0x3a9: {  	v44 =	vmov s30;
	[tilespmem:s9+$0x70] =	vst v0  }
0x3aa: {  	v19 =	vand.u32 $0xFFFFFFFD, v44;
	v54 =	vld [tilespmem:$0x1FEA0]  }
0x3ab: {  	v19 =	vbroadcast v19, $0x0;
	_ =	sdelay $0x1  }
0x3ac: {  	v18 =	vld [tilespmem:$0x1FAF0];
	_ =	sdelay $0x3  }
0x3ad: {  	v53 =	vld.idx.msk [tilespmem:v19+s24+$0x0], $0xffff  }
0x3ae: {  	[tilespmem:v54+s25+$0x0] =	vst.idx.add.f32.msk vm2, v18  }
0x3af: {  	v19 =	vld [tilespmem:$0x1FEB0];
	_ =	sdelay $0x2  }
0x3b0: {  	v34 =	vand.u32 $0xFFFFFFFC, v55;
	v18 =	vld [tilespmem:$0x1FB40]  }
0x3b1: {  	v39 =	vbroadcast v34, $0x0  }
0x3b2: {  	s11 =	sadd.s32 $0x1, s31  }
0x3b3: {  	s19 =	sadd.s32 $0x2, s31;
	v33 =	vsel vm0, v36, v49;
	v36 =	vmov s11  }
0x3b4: {  	v37 =	vmov s19;
	v5 =	vand.u32 $0xFFFFFFFD, v36  }
0x3b5: {  	v15 =	vand.u32 $0xFFFFFFFE, v37;
	v5 =	vbroadcast v5, $0x0;
	[tilespmem:v19+s25+$0x0] =	vst.idx.add.f32.msk vm3, v18  }
0x3b6: {  	vm14 =	vlt.s32 v56, $0x1388;
	v13 =	vshll.u32 v56, $0x1;
	v15 =	vbroadcast v15, $0x0;
	v19 =	vld [tilespmem:$0x1FEC0]  }
0x3b7: {  	vm5 =	vmand vm14, vm1;
	v13 =	vadd.s32 v43, v13;
	v20 =	vld.idx.msk [tilespmem:v39+s24+$0x0], $0xffff  }
0x3b8: {  	v42 =	vmov s0;
	v13 =	vsel vm14, v13, v43;
	v17 =	vld.idx.msk [tilespmem:v17+s24+$0x0], $0xffff  }
0x3b9: {  	v14 =	vand.u32 $0xFFFFFFFC, v42;
	v18 =	vld [tilespmem:$0x1FC80]  }
0x3ba: {  	v25 =	vld.idx.msk [tilespmem:v62+s24+$0x0], $0xffff;
	v14 =	vbroadcast v14, $0x0  }
0x3bb: {  	s31 =	sadd.s32 $0x2, s0;
	v5 =	vld.idx.msk [tilespmem:v5+s24+$0x0], $0xffff  }
0x3bc: {  	v63 =	vsel vm0, v63, v52;
	v45 =	vmov s31;
	v15 =	vld.idx.msk [tilespmem:v15+s24+$0x0], $0xffff  }
0x3bd: {  	vm9 =	vlt.s32 v20, $0x1388;
	vm15 =	vlt.s32 v17, $0x1388;
	v32 =	vshll.u32 v17, $0x1;
	[tilespmem:v13+s25+$0x0] =	vst.idx.add.f32.msk vm5, v63  }
0x3be: {  	v52 =	vshll.u32 v20, $0x1;
	v16 =	vadd.s32 v43, v32;
	vm6 =	vmand vm15, vm1;
	[tilespmem:v19+s25+$0x0] =	vst.idx.add.f32.msk vm4, v18  }
0x3bf: {  	v2 =	vand.u32 $0xFFFFFFFE, v45;
	vm12 =	vlt.s32 v25, $0x1388;
	v16 =	vsel vm15, v16, v43;
	v56 =	vld [tilespmem:$0x1FED0]  }
0x3c0: {  	v25 =	vshll.u32 v25, $0x1;
	v2 =	vbroadcast v2, $0x0;
	v0 =	vadd.s32 v43, v52;
	v51 =	vld.idx.msk [tilespmem:v14+s24+$0x0], $0xffff  }
0x3c1: {  	v49 =	vadd.s32 v43, v25;
	v0 =	vsel vm9, v0, v43;
	v21 =	vld.idx.msk [tilespmem:v40+s24+$0x0], $0xffff  }
0x3c2: {  	v1 =	vsel vm12, v49, v43;
	vm10 =	vlt.s32 v5, $0x1388;
	v5 =	vshll.u32 v5, $0x1  }
0x3c3: {  	vm11 =	vlt.s32 v15, $0x1388;
	v15 =	vshll.u32 v15, $0x1;
	v5 =	vadd.s32 v43, v5  }
0x3c4: {  	vm7 =	vmand vm12, vm1;
	v15 =	vadd.s32 v43, v15;
	v5 =	vsel vm10, v5, v43;
	[tilespmem:v16+s25+$0x0] =	vst.idx.add.f32.msk vm6, v56  }
0x3c5: {  	v15 =	vsel vm11, v15, v43;
	vm14 =	vlt.s32 v51, $0x1388;
	vm15 =	vlt.s32 v53, $0x1388;
	v14 =	vld [tilespmem:$0x1FEE0]  }
0x3c6: {  	v2 =	vld.idx.msk [tilespmem:v2+s24+$0x0], $0xffff;
	v55 =	vshll.u32 v53, $0x1;
	v47 =	vshll.u32 v21, $0x1;
	vm2 =	vmand vm9, vm1  }
0x3c7: {  	vm13 =	vlt.s32 v21, $0x1388;
	v12 =	vadd.s32 v43, v47;
	vm3 =	vmand vm10, vm1  }
0x3c8: {  	v50 =	vsel vm13, v12, v43;
	v12 =	vshll.u32 v51, $0x1;
	vm4 =	vmand vm11, vm1  }
0x3c9: {  	vm8 =	vmand vm13, vm1;
	vm13 =	vmand vm14, vm1;
	v12 =	vadd.s32 v43, v12  }
0x3ca: {  	v57 =	vadd.s32 v43, v55;
	v12 =	vsel vm14, v12, v43;
	vm14 =	vmand vm15, vm1;
	[tilespmem:v1+s25+$0x0] =	vst.idx.add.f32.msk vm7, v14  }
0x3cb: {  	vm12 =	vlt.s32 v2, $0x1388;
	v2 =	vshll.u32 v2, $0x1;
	v1 =	vsel vm15, v57, v43;
	v58 =	vld [tilespmem:$0x1FEF0]  }
0x3cc: {  	v59 =	vsel vm0, v8, v9;
	v2 =	vadd.s32 v43, v2;
	vm15 =	vmand vm12, vm1;
	[tilespmem:v0+s25+$0x0] =	vst.idx.add.f32.msk vm2, v33  }
0x3cd: {  	v60 =	vsel vm0, v10, v22;
	v2 =	vsel vm12, v2, v43;
	[tilespmem:v5+s25+$0x0] =	vst.idx.add.f32.msk vm3, v59  }
0x3ce: {  	v61 =	vsel vm0, v23, v11;
	[tilespmem:v15+s25+$0x0] =	vst.idx.add.f32.msk vm4, v60  }
0x3cf: {  	v62 =	vsel vm0, v30, v35;
	[tilespmem:v12+s25+$0x0] =	vst.idx.add.f32.msk vm13, v61  }
0x3d0: {  	s29 =	sadd.s32 $0x1, s29;
	[tilespmem:v1+s25+$0x0] =	vst.idx.add.f32.msk vm14, v62  }
0x3d1: {  	p0 =	sne.s32 s29, $0xFA;
	v63 =	vsel vm0, v41, v46;
	[tilespmem:v50+s25+$0x0] =	vst.idx.add.f32.msk vm8, v58  }
.Ltmp3:
0x3d2: {  	[tilespmem:v2+s25+$0x0] =	vst.idx.add.f32.msk vm15, v63;
	(pc) =	sbr.rel @p0 .LBB2_6-.Ltmp3, $4  }
0x3d3: {  	[spmem:s1] =	stream.indirect.scatter.add.f32 [tilespmem:s17], [sflag:$0x1], $0x80, s24, s21, $0xb8;
	[tilespmem:$0x14200] =	vst v63  }
0x3d4: {  	_ =	swait.ge [sflag:s18], $0x2800  }
0x3d5: {  	[sflag:s18] =	ssyncset.done $0x0  }
0x3d6: {  	[sflag:s18] =	ssyncadd.s32 $0xFFFFD800  }
0x3d7: {  	s0 =	stileid.u32  }
0x3d8: {  	s0 =	sshll.u32 s0, $0x6  }
0x3d9: {  	[bflag:$0x0] =	sbarrier.arrive $0xFFFF;
	s2 =	sshrl.u32 s8, $0x3;
	s0 =	sor.u32 $0x1C01, s0  }
0x3da: {  	[hbm:s14], [sflag:s0] =	dma.local [spmem:s2], $0x1400  }
0x3db: {  	s26 =	sadd.s32 $0x1, s26;
	_ =	swait.ge [sflag:s18], $0x1400  }
0x3dc: {  	p0 =	sne.s32 s26, s16;
	[sflag:s18] =	ssyncset.done $0x0  }
.Ltmp4:
0x3dd: {  	s31 =	simm.s32 $0x0;
	[sflag:s18] =	ssyncadd.s32 $0xFFFFEC00;
	(pc) =	sbr.rel @p0 .LBB2_1-.Ltmp4, $4  }
0x3de: {  	[hbm4b:s15+s31] =	stream.linear.scatter [tilespmem:s25], [sflag:$0x1], $0x2800, $0x38;
	[tilespmem:$0x14200] =	vst v63  }
0x3df: {  	_ =	swait.ge [sflag:s18], $0x2800  }
0x3e0: {  	[sflag:s18] =	ssyncset.done $0x0  }
0x3e1: {  	v0 =	vimm.f32 $0.0e+00;
	[sflag:s18] =	ssyncadd.s32 $0xFFFFD800  }
0x3e2: {  	_ =	sfence.sel $0x180000  }
0x3e3: {  	[bflag:$0x0] =	sbarrier.arrive $0xFFFF  }
0x3e4: {  	_ =	strace $0x9000004A  }
0x3e5: {  	s0 =	stileid.u32;
	[bflag:$0x2] =	sbarrier.arrive $0xFFFF  }
0x3e6: {  	p0 =	sne.s32 s0, $0x0;
	s0 =	rddreg [dreg:$0x3]  }
0x3e7: {  	s0 =	sadd.s32 @!p0 $0x100000, s0  }
0x3e8: {  	[sflag:s0] =	ssyncadd.tile.s32 @!p0 $0x1;
	_ =	shalt  }
.Lfunc_end2:
_tile_overlayer_lowered:
.L_overlay_start_2:
0x3e9: {  	(tag) =	ssettag $0x2  }
0x3ea: {  	s0 =	rddreg [dreg:$0x0];
	s2 =	stileid.u32  }
0x3eb: {  	s1 =	rddreg [dreg:$0x1];
	p0 =	sne.s32 s2, $0x0  }
0x3ec: {  	s3 =	rddreg [dreg:$0x2];
	[bflag:$0x3] =	sbarrier.arrive $0xFFFF;
	s2 =	simm.s32 @!p0 $0x1C01  }
0x3ed: {  	[timem:s3], [sflag:s2] =	dma.local @!p0 [hbm:s0], s1  }
0x3ee: {  	s0 =	simm.s32 @!p0 $0x1  }
0x3ef: {  	_ =	swait.ge @!p0 [sflag:s0], s1  }
0x3f0: {  	s1 =	ssub.s32 @!p0 $0x0, s1;
	[sflag:s0] =	ssyncset.done @!p0 $0x0  }
0x3f1: {  	[sflag:s0] =	ssyncadd.s32 @!p0 s1  }
0x3f2: {  	[bflag:$0x3] =	sbarrier.arrive $0xFFFF  }
0x3f3: {  	_ =	shalt  }

// kernel: kernel.13.cloned.1.call-start
scs
__scs_entry_jumppad:
0x0: {  	(pc) =	sbr.rel $0x88, $3  }
0x1: {  	(tag) =	ssettag $0x0;
	lr =	simm.s32 $0x1  }
0x2: {  	[smem:$0x3F97] =	sst lr;
	_ =	strace $0xD0000000  }
0x3: {  	_ = 	snop  }
0x4: {  	_ = 	snop  }
0x5: {  	_ = 	snop  }
0x6: {  	_ = 	snop  }
0x7: {  	_ = 	snop  }
__scs_overlays_trampoline_lowered:
0x8: {  	[smem:$0x3FA6] =	sst s0  }
0x9: {  	[smem:$0x3FA7] =	sst s1  }
0xa: {  	[smem:$0x3FA8] =	sst s2  }
0xb: {  	[smem:$0x3FA9] =	sst s3  }
0xc: {  	[smem:$0x3FAA] =	sst s4  }
0xd: {  	[smem:$0x3FAB] =	sst s5  }
0xe: {  	[smem:$0x3FAC] =	sst s6  }
0xf: {  	[smem:$0x3FAD] =	sst s7  }
0x10: {  	[smem:$0x3FAE] =	sst s8  }
0x11: {  	[smem:$0x3FAF] =	sst s9;
	s0 =	simm.s32 @!p0 $0x0  }
0x12: {  	s1 =	sld [smem:$0x3F95];
	s0 =	simm.s32 @p0 $0x1  }
0x13: {  	[smem:$0x3FB0] =	sst s0;
	s0 =	simm.s32 @!p1 $0x0  }
0x14: {  	s2 =	sld [smem:$0x3F94];
	s0 =	simm.s32 @p1 $0x1  }
0x15: {  	[smem:$0x3FB1] =	sst s0;
	s0 =	simm.s32 @!p2 $0x0  }
0x16: {  	s3 =	sld [smem:$0x3FDB];
	s0 =	simm.s32 @p2 $0x1  }
0x17: {  	s4 =	simm.s32 $0x1BF5;
	[smem:$0x3FB3] =	sst s0  }
0x18: {  	s0 =	sld [smem:$0x3F96];
	_ =	swait.ge [sflag:s4], $0x0  }
0x19: {  	s7 =	sld [smem:$0x3F97]  }
0x1a: {  	s8 =	sadd.s32 $0xFFFFE003, lr  }
0x1b: {  	s9 =	sadd.s32 $0xFFFFFEF7, lr;
	s5 =	simm.s32 $0xFFFFFFFF;
	p2 =	slt.u32 s8, $0xFFFFF086  }
0x1c: {  	p1 =	slt.u32 s9, $0xF7A;
	s5 =	simm.s32 @!p2 $0x0  }
0x1d: {  	s5 =	simm.s32 @p1 $0x1;
	p0 =	seq.s32 s7, s2  }
0x1e: {  	s7 =	smul.u32 @!p0 $0xF7A, s2;
	p2 =	seq.s32 @!p0 s5, $0x0  }
0x1f: {  	s9 =	smul.u32 $0xF7A, s1;
	s8 =	simm.s32 @!p0 $0x1BF5;
	p2 =	por !p2, p0  }
0x20: {  	[sflag:s8] =	ssyncset.s32 @!p0 $0xFFFFF086;
	s6 =	sadd.s32 @!p0 s3, s7;
	s7 =	simm.s32 @!p0 $0x108  }
0x21: {  	s3 =	sadd.s32 s3, s9;
	s6 =	sadd.s32 @!p0 $0x88, s6;
	s7 =	simm.s32 @p2 $0x1082  }
0x22: {  	[simem:s7], [sflag:s8] =	dma.local @!p0 [hbm:s6], $0xF7A  }
0x23: {  	s9 =	sor.u32 $0xD0000000, s2;
	s6 =	simm.s32 $0x108;
	_ =	swait.ge @!p0 [sflag:s8], $0x0  }
0x24: {  	s3 =	sadd.s32 $0x88, s3;
	s6 =	simm.s32 @!p1 $0x1082;
	[sflag:s4] =	ssyncset.s32 $0xFFFFF086  }
0x25: {  	[simem:s6], [sflag:s4] =	dma.local [hbm:s3], $0xF7A  }
0x26: {  	[smem:$0x3F97] =	sst s1;
	(tag) =	ssettag s2;
	_ =	strace s9  }
0x27: {  	s1 =	sld [smem:$0x3FA7]  }
0x28: {  	s2 =	sld [smem:$0x3FA8]  }
0x29: {  	s4 =	sld [smem:$0x3FAA]  }
0x2a: {  	p0 =	seq.s32 s5, $0x0;
	s5 =	sld [smem:$0x3FAB]  }
0x2b: {  	s6 =	sld [smem:$0x3FAC]  }
0x2c: {  	s7 =	sld [smem:$0x3FAD]  }
0x2d: {  	s3 =	simm.s32 $0x108;
	s8 =	sld [smem:$0x3FAE]  }
0x2e: {  	s3 =	simm.s32 @!p0 $0x1082;
	s9 =	sld [smem:$0x3FAF]  }
0x2f: {  	lr =	sadd.s32 s0, s3;
	s0 =	sld [smem:$0x3FA6]  }
0x30: {  	s3 =	sld [smem:$0x3FA9]  }
0x31: {  	[smem:$0x3FB2] =	sst s10  }
0x32: {  	s10 =	sld [smem:$0x3FB0];
	_ =	sdelay $0x3  }
0x33: {  	p0 =	seq.s32 s10, $0x1;
	s10 =	sld [smem:$0x3FB2];
	_ =	sdelay $0x3  }
0x34: {  	[smem:$0x3FB2] =	sst s10  }
0x35: {  	s10 =	sld [smem:$0x3FB1];
	_ =	sdelay $0x3  }
0x36: {  	p1 =	seq.s32 s10, $0x1;
	s10 =	sld [smem:$0x3FB2];
	_ =	sdelay $0x3  }
0x37: {  	[smem:$0x3FB2] =	sst s10  }
0x38: {  	s10 =	sld [smem:$0x3FB3]  }
0x39: {  	_ = 	snop;
	(pc) =	sbr.ind lr, $3  }
0x3a: {  	_ = 	snop  }
0x3b: {  	_ = 	snop  }
0x3c: {  	p2 =	seq.s32 s10, $0x1;
	s10 =	sld [smem:$0x3FB2]  }
0x3d: {  	_ =	shalt  }
0x3e: {  	_ =	shalt  }
0x3f: {  	_ =	shalt  }
0x40: {  	_ =	shalt  }
0x41: {  	_ =	shalt  }
0x42: {  	_ =	shalt  }
0x43: {  	_ =	shalt  }
0x44: {  	_ =	shalt  }
0x45: {  	_ =	shalt  }
0x46: {  	_ =	shalt  }
0x47: {  	_ =	shalt  }
0x48: {  	_ =	shalt  }
0x49: {  	_ =	shalt  }
0x4a: {  	_ =	shalt  }
0x4b: {  	_ =	shalt  }
0x4c: {  	_ =	shalt  }
0x4d: {  	_ =	shalt  }
0x4e: {  	_ =	shalt  }
0x4f: {  	_ =	shalt  }
0x50: {  	_ =	shalt  }
0x51: {  	_ =	shalt  }
0x52: {  	_ =	shalt  }
0x53: {  	_ =	shalt  }
0x54: {  	_ =	shalt  }
0x55: {  	_ =	shalt  }
0x56: {  	_ =	shalt  }
0x57: {  	_ =	shalt  }
0x58: {  	_ =	shalt  }
0x59: {  	_ =	shalt  }
0x5a: {  	_ =	shalt  }
0x5b: {  	_ =	shalt  }
0x5c: {  	_ =	shalt  }
0x5d: {  	_ =	shalt  }
0x5e: {  	_ =	shalt  }
0x5f: {  	_ =	shalt  }
0x60: {  	_ =	shalt  }
0x61: {  	_ =	shalt  }
0x62: {  	_ =	shalt  }
0x63: {  	_ =	shalt  }
0x64: {  	_ =	shalt  }
0x65: {  	_ =	shalt  }
0x66: {  	_ =	shalt  }
0x67: {  	_ =	shalt  }
0x68: {  	_ =	shalt  }
0x69: {  	_ =	shalt  }
0x6a: {  	_ =	shalt  }
0x6b: {  	_ =	shalt  }
0x6c: {  	_ =	shalt  }
0x6d: {  	_ =	shalt  }
0x6e: {  	_ =	shalt  }
0x6f: {  	_ =	shalt  }
0x70: {  	_ =	shalt  }
0x71: {  	_ =	shalt  }
0x72: {  	_ =	shalt  }
0x73: {  	_ =	shalt  }
0x74: {  	_ =	shalt  }
0x75: {  	_ =	shalt  }
0x76: {  	_ =	shalt  }
0x77: {  	_ =	shalt  }
0x78: {  	_ =	shalt  }
0x79: {  	_ =	shalt  }
0x7a: {  	_ =	shalt  }
0x7b: {  	_ =	shalt  }
0x7c: {  	_ =	shalt  }
0x7d: {  	_ =	shalt  }
0x7e: {  	_ =	shalt  }
0x7f: {  	_ =	shalt  }
0x80: {  	_ =	shalt  }
0x81: {  	_ =	shalt  }
0x82: {  	_ =	shalt  }
0x83: {  	_ =	shalt  }
0x84: {  	_ =	shalt  }
0x85: {  	_ =	shalt  }
0x86: {  	_ =	shalt  }
0x87: {  	_ =	shalt  }
.Lfunc_end0:
.L_simem_size_0:
called_computation.1_lowered:
.L_overlay_start_0:
0x88: {  	s2 =	sld [smem:$0x3FD9]  }
0x89: {  	s3 =	sld [smem:$0x3FFE];
	_ =	sdelay $0x1  }
0x8a: {  	s1 =	srdreg.scid  }
0x8b: {  	s0 =	sand.u32 $0x1, s1  }
0x8c: {  	s16 =	sshll.u32 s0, $0xA;
	s2 =	sadd.s32 s3, s2  }
0x8d: {  	s2 =	sadd.s32 s2, s16  }
0x8e: {  	[smem:$0x3FBE] =	sst s2  }
0x8f: {  	_ = 	snop  }
0x90: {  	(tm) =	ssettm $0x1  }
0x91: {  	s17 =	sld [smem:$0x3FFB];
	_ =	sdelay $0x3  }
0x92: {  	_ =	strace s17  }
0x93: {  	s2 =	sld [smem:$0x3FFC];
	_ =	sdelay $0x3  }
0x94: {  	_ =	strace s2  }
0x95: {  	s2 =	sld [smem:$0x3FFD];
	_ =	sdelay $0x3  }
0x96: {  	_ =	strace s2  }
0x97: {  	_ =	strace $0x8FFFFFFF  }
0x98: {  	s18 =	sld [smem:$0x3FDB];
	_ =	sdelay $0x1  }
0x99: {  	s19 =	simm.s32 $_scs_section_size  }
0x9a: {  	s4 =	simm.s32 $_size__tile_overlayer_lowered;
	s5 =	simm.s32 $_tile_overlayer_lowered  }
0x9b: {  	s22 =	simm.s32 $0x1BFF;
	s21 =	sshll.u32 s5, $0x1;
	s2 =	sadd.s32 s19, s18  }
0x9c: {  	s6 =	simm.s32 $0x0;
	s20 =	sshll.u32 s4, $0x1;
	s4 =	sadd.s32 s21, s2  }
0x9d: {  	[timem:s6], [sflag:s22] =	dma.local [hbm:s4], s20  }
0x9e: {  	_ =	swait.ge [sflag:s22], s20  }
0x9f: {  	s3 =	ssub.s32 $0x0, s20;
	[sflag:s22] =	ssyncset.done $0x0  }
0xa0: {  	[sflag:s22] =	ssyncadd.s32 s3;
	_ =	sdelay $0x1  }
0xa1: {  	s23 =	simm.s32 $0x1B8B  }
0xa2: {  	_ =	swait.ge [sflag:s23], $0x1  }
0xa3: {  	[sflag:s23] =	ssyncset.done $0x0  }
0xa4: {  	s25 =	simm.s32 $0x1B8E;
	s24 =	sld [smem:$0x3FFE];
	[sflag:s23] =	ssyncadd.s32 $0xFFFFFFFF  }
0xa5: {  	s26 =	simm.s32 $execute0_lowered;
	[smem:$0x3FD2] =	sst s25  }
0xa6: {  	s4 =	sshll.u32 s26, $0x1;
	_ =	strace $0x80000046;
	[dreg:$0x1] =	wrdreg $0xFFFFFFFF  }
0xa7: {  	s28 =	simm.s32 $_size_execute0_lowered;
	s2 =	sadd.s32 s2, s4;
	[dreg:$0x0] =	wrdreg $0x0  }
0xa8: {  	s4 =	sshll.u32 s28, $0x1;
	[dreg:$0x2] =	wrdreg s2  }
0xa9: {  	[dreg:$0x3] =	wrdreg s4  }
0xaa: {  	[dreg:$0x4] =	wrdreg $0xC0  }
0xab: {  	_ =	task [dreg:s6], $0x5FFFF  }
0xac: {  	[dreg:$0x1] =	wrdreg $0xFFFFFFFF  }
0xad: {  	[dreg:$0x0] =	wrdreg $0x60  }
0xae: {  	[dreg:$0x2] =	wrdreg s24  }
0xaf: {  	[dreg:$0x3] =	wrdreg $0xA2000  }
0xb0: {  	[dreg:$0x4] =	wrdreg $0xA  }
0xb1: {  	_ =	task.clear_ibuf [dreg:s6], $0x5FFFF;
	_ =	strace $0x90000046  }
0xb2: {  	s29 =	simm.s32 $0xA;
	_ =	strace $0x80000048  }
0xb3: {  	_ =	swait.ge [sflag:s29], $0x1  }
0xb4: {  	[sflag:s29] =	ssyncadd.s32 $0xFFFFFFFF  }
0xb5: {  	_ =	strace $0x90000048  }
0xb6: {  	_ =	sfence  }
0xb7: {  	s30 =	sld [smem:$0x0];
	_ =	sdelay $0x2  }
0xb8: {  	s31 =	sshll.u32 s1, $0xD;
	s1 =	sshrl.u32 s1, $0x2  }
0xb9: {  	s3 =	sand.u32 $0x4000, s31;
	s1 =	sadd.s32 s1, s30  }
0xba: {  	s0 =	sor.u32 s3, s0;
	s1 =	sshll.u32 s1, $0x11  }
0xbb: {  	s0 =	sor.u32 s1, s0  }
0xbc: {  	s0 =	sadd.s32 $0x8F2B, s0  }
0xbd: {  	[sflag:s0] =	ssyncadd.remote.s32 $0x1  }
0xbe: {  	_ =	sfence.sel $0xFFFF  }
0xbf: {  	[dreg:$0x0] =	wrdreg $0xFFFFFFFF;
	(pc) =	sbr.abs _section_cstart, $3  }
0xc0: {  	[dreg:$0x1] =	wrdreg $0xFFFFFFFF  }
0xc1: {  	_ =	task.clear_ibuf [dreg:s6], $0x2FFFF;
	_ =	strace $0x9FFFFFFF  }
0xc2: {  	(tm) =	ssettm $0x7FFFFFFF  }
0xc3: {  	_ =	shalt  }
tec
execute0_lowered:
.L_overlay_start_1:
0x0: {  	(tag) =	ssettag $0x1  }
0x1: {  	s0 =	rddreg [dreg:$0x0]  }
0x2: {  	s1 =	rddreg [dreg:$0x1];
	s2 =	simm.s32 $0x0;
	s22 =	srdreg.scid  }
0x3: {  	s13 =	stileid.u32;
	s17 =	simm.s32 $0x5180;
	s18 =	simm.s32 $0x1  }
0x4: {  	s20 =	simm.s32 $0x80;
	s21 =	simm.s32 $0x50;
	s28 =	simm.s32 $0x0  }
0x5: {  	[smem:$0x7FF] =	sst s2;
	s4 =	sadd.s32 $0xF000, s0;
	s2 =	sand.u32 $0x1, s22  }
0x6: {  	s3 =	smul.u32 $0x1400, s13;
	s5 =	sadd.s32 $0x5200, s0;
	s6 =	sadd.s32 $0x67200, s0  }
0x7: {  	s7 =	sadd.s32 $0x19000, s0;
	s10 =	smul.u32 $0x28000, s13;
	s22 =	simm.s32 $0x180  }
0x8: {  	_ =	strace $0x80000047;
	s8 =	smul.u32 $0x14000, s2;
	s9 =	sshll.u32 s2, $0x4  }
0x9: {  	s11 =	ssub.s32 $0x2, s2;
	s2 =	smul.u32 $0x2710, s2;
	s12 =	sadd.s32 s9, s0  }
0xa: {  	s23 =	sor.u32 s13, s9;
	s24 =	sshrl.u32 s10, $0x2;
	s13 =	smul.u32 $0x4E20, s13  }
0xb: {  	s25 =	sshrl.u32 s11, $0x1;
	s3 =	sadd.s32 s3, s8;
	s9 =	smul.u32 $0x500, s23  }
0xc: {  	s8 =	sadd.s32 s24, s1;
	s26 =	ssub.s32 s11, s25;
	s12 =	sadd.s32 $0x18E00, s12  }
0xd: {  	s23 =	simm.s32 $0x2980;
	s24 =	simm.s32 $0x100;
	s25 =	simm.s32 $0x7A00  }
0xe: {  	s3 =	sadd.s32 s3, s0;
	s29 =	sadd.s32 $0x2800, s8;
	s30 =	sadd.s32 $0x5000, s8  }
0xf: {  	s31 =	sadd.s32 $0x7800, s8;
	s16 =	smax.u32 s26, $0x1;
	[dreg:$0x3] =	wrdreg s29  }
0x10: {  	v0 =	vmov s2;
	s26 =	simm.s32 $0x0;
	s0 =	sadd.s32 s9, s0;
	[dreg:$0x4] =	wrdreg s30  }
0x11: {  	vm0 =	vmmov $0x1;
	vm1 =	vmmov $0x3;
	[tilespmem:$0x1FFF0] =	vst v0;
	v0 =	vimm.f32 $0.0e+00;
	[dreg:$0x5] =	wrdreg s31;
	s14 =	sadd.s32 $0xB5400, s3;
	s15 =	sadd.s32 $0xDD400, s0  }
.LBB2_1:
0x12: {  	s0 =	simm.s32 $0x0;
	s2 =	simm.s32 $0x200  }
.LBB2_2:
0x13: {  	p0 =	sne.s32 s2, $0x9E00;
	[tilespmem:s0+$0x51F0] =	vst v0  }
0x14: {  	[tilespmem:s0+$0x5180] =	vst v0  }
0x15: {  	[tilespmem:s0+$0x5190] =	vst v0  }
.Ltmp0:
0x16: {  	[tilespmem:s0+$0x51A0] =	vst v0;
	(pc) =	sbr.rel @p0 .LBB2_2-.Ltmp0, $4  }
0x17: {  	[tilespmem:s0+$0x51B0] =	vst v0  }
0x18: {  	[tilespmem:s0+$0x51C0] =	vst v0  }
0x19: {  	[tilespmem:s0+$0x51D0] =	vst v0  }
0x1a: {  	[tilespmem:s0+$0x51E0] =	vst v0;
	s0 =	sshra.s32 s2, $0x2;
	s2 =	sadd.s32 $0x200, s2  }
0x1b: {  	[tilespmem:s0+$0x51F0] =	vst v0  }
0x1c: {  	[tilespmem:s0+$0x5180] =	vst v0  }
0x1d: {  	[tilespmem:s0+$0x5190] =	vst v0  }
0x1e: {  	[tilespmem:s0+$0x51A0] =	vst v0  }
0x1f: {  	[tilespmem:s0+$0x51B0] =	vst v0  }
0x20: {  	[tilespmem:s0+$0x51C0] =	vst v0  }
0x21: {  	[tilespmem:s0+$0x51D0] =	vst v0  }
0x22: {  	[tilespmem:s0+$0x51E0] =	vst v0;
	s0 =	simm.s32 $0x0;
	s2 =	simm.s32 $0x200  }
.LBB2_4:
0x23: {  	p0 =	sne.s32 s2, $0x9E00;
	[tilespmem:s0+$0x7A70] =	vst v0  }
0x24: {  	[tilespmem:s0+$0x7A00] =	vst v0  }
0x25: {  	[tilespmem:s0+$0x7A10] =	vst v0  }
.Ltmp1:
0x26: {  	[tilespmem:s0+$0x7A20] =	vst v0;
	(pc) =	sbr.rel @p0 .LBB2_4-.Ltmp1, $4  }
0x27: {  	[tilespmem:s0+$0x7A30] =	vst v0  }
0x28: {  	[tilespmem:s0+$0x7A40] =	vst v0  }
0x29: {  	[tilespmem:s0+$0x7A50] =	vst v0  }
0x2a: {  	[tilespmem:s0+$0x7A60] =	vst v0;
	s0 =	sshra.s32 s2, $0x2;
	s2 =	sadd.s32 $0x200, s2  }
0x2b: {  	[tilespmem:s0+$0x7A70] =	vst v0  }
0x2c: {  	[tilespmem:s0+$0x7A00] =	vst v0  }
0x2d: {  	[tilespmem:s0+$0x7A10] =	vst v0  }
0x2e: {  	[tilespmem:s0+$0x7A20] =	vst v0  }
0x2f: {  	[tilespmem:s0+$0x7A30] =	vst v0  }
0x30: {  	[tilespmem:s0+$0x7A40] =	vst v0  }
0x31: {  	[tilespmem:s0+$0x7A50] =	vst v0  }
0x32: {  	[tilespmem:s0+$0x7A60] =	vst v0  }
0x33: {  	[spmem:s8] =	stream.linear.scatter [tilespmem:s17], [sflag:$0x1], $0x2800, $0x38;
	[tilespmem:$0x14200] =	vst v63  }
0x34: {  	_ =	swait.ge [sflag:s18], $0x2800  }
0x35: {  	[sflag:s18] =	ssyncset.done $0x0  }
0x36: {  	s11 =	rddreg [dreg:$0x3];
	[sflag:s18] =	ssyncadd.s32 $0xFFFFD800  }
0x37: {  	[spmem:s11] =	stream.linear.scatter [tilespmem:s17], [sflag:$0x1], $0x2800, $0x38;
	[tilespmem:$0x14200] =	vst v63  }
0x38: {  	_ =	swait.ge [sflag:s18], $0x2800  }
0x39: {  	[sflag:s18] =	ssyncset.done $0x0  }
0x3a: {  	s19 =	rddreg [dreg:$0x4];
	[sflag:s18] =	ssyncadd.s32 $0xFFFFD800  }
0x3b: {  	[spmem:s19] =	stream.linear.scatter [tilespmem:s17], [sflag:$0x1], $0x2800, $0x38;
	[tilespmem:$0x14200] =	vst v63  }
0x3c: {  	_ =	swait.ge [sflag:s18], $0x2800  }
0x3d: {  	[sflag:s18] =	ssyncset.done $0x0  }
0x3e: {  	s30 =	rddreg [dreg:$0x5];
	[sflag:s18] =	ssyncadd.s32 $0xFFFFD800  }
0x3f: {  	[spmem:s30] =	stream.linear.scatter [tilespmem:s17], [sflag:$0x1], $0x2800, $0x38;
	[tilespmem:$0x14200] =	vst v63  }
0x40: {  	_ =	swait.ge [sflag:s18], $0x2800  }
0x41: {  	[sflag:s18] =	ssyncset.done $0x0  }
0x42: {  	s31 =	simm.s32 $0x7980;
	[sflag:s18] =	ssyncadd.s32 $0xFFFFD800  }
0x43: {  	[tilespmem:s31], [sflag:$0x1] =	stream.linear.gather [hbm4b:s12+s28], $0x80, $0x38;
	[tilespmem:$0x14200] =	vst v63  }
0x44: {  	_ =	swait.ge [sflag:s18], $0x80  }
0x45: {  	[sflag:s18] =	ssyncset.done $0x0  }
0x46: {  	[sflag:s18] =	ssyncadd.s32 $0xFFFFFF80  }
0x47: {  	[bflag:$0x0] =	sbarrier.arrive $0xFFFF  }
0x48: {  	v56 =	vld [tilespmem:$0x7980]  }
0x49: {  	v57 =	vld [tilespmem:$0x7990]  }
0x4a: {  	v58 =	vld [tilespmem:$0x79A0]  }
0x4b: {  	v59 =	vld [tilespmem:$0x79B0]  }
0x4c: {  	v60 =	vld [tilespmem:$0x79C0]  }
0x4d: {  	v61 =	vld [tilespmem:$0x79D0];
	[tilespmem:$0x1FF70] =	vst v56  }
0x4e: {  	v62 =	vld [tilespmem:$0x79E0];
	[tilespmem:$0x1FF80] =	vst v57  }
0x4f: {  	v63 =	vld [tilespmem:$0x79F0];
	[tilespmem:$0x1FF90] =	vst v58  }
0x50: {  	[tilespmem:$0x1FFA0] =	vst v59  }
0x51: {  	[tilespmem:$0x1FFB0] =	vst v60  }
0x52: {  	[tilespmem:$0x1FFC0] =	vst v61  }
0x53: {  	[tilespmem:$0x1FFD0] =	vst v62  }
0x54: {  	s29 =	simm.s32 $0x0;
	[tilespmem:$0x1FFE0] =	vst v63  }
.LBB2_6:
0x55: {  	s0 =	smul.u32 $0x50, s29;
	_ =	sdelay $0x1  }
0x56: {  	s0 =	sadd.s32 s13, s0  }
0x57: {  	s0 =	sshrl.u32 s0, $0x3  }
0x58: {  	s2 =	sadd.s32 s4, s0  }
0x59: {  	[tilespmem:s28], [sflag:$0x1] =	stream.linear.gather [hbm4b:s2+s28], $0x50, $0x38;
	[tilespmem:$0x14200] =	vst v63  }
0x5a: {  	_ =	swait.ge [sflag:s18], $0x50  }
0x5b: {  	[sflag:s18] =	ssyncset.done $0x0  }
0x5c: {  	s0 =	sadd.s32 s5, s0;
	[sflag:s18] =	ssyncadd.s32 $0xFFFFFFB0  }
0x5d: {  	[tilespmem:s20], [sflag:$0x1] =	stream.linear.gather [hbm4b:s0+s28], $0x50, $0x38;
	[tilespmem:$0x14200] =	vst v63  }
0x5e: {  	_ =	swait.ge [sflag:s18], $0x50  }
0x5f: {  	[sflag:s18] =	ssyncset.done $0x0  }
0x60: {  	v7 =	vld [tilespmem:$0x1FFF0];
	[sflag:s18] =	ssyncadd.s32 $0xFFFFFFB0  }
0x61: {  	v0 =	vld [tilespmem:$0x80]  }
0x62: {  	v1 =	vld [tilespmem:$0x0]  }
0x63: {  	v2 =	vld [tilespmem:$0x90]  }
0x64: {  	v3 =	vld [tilespmem:$0x10]  }
0x65: {  	v4 =	vld [tilespmem:$0xA0]  }
0x66: {  	v5 =	vld [tilespmem:$0x20];
	v0 =	vadd.s32 $0xFFFFEC78, v0  }
0x67: {  	v6 =	vld [tilespmem:$0xB0];
	v1 =	vadd.s32 v7, v1;
	vm2 =	vlt.u32 v0, $0x1388  }
0x68: {  	[tilespmem:$0x0] =	vst v1;
	v1 =	vadd.s32 $0xFFFFEC78, v2;
	v2 =	vld [tilespmem:$0x30];
	v0 =	vnsel vm2, $0x13F8, v0  }
0x69: {  	vm2 =	vlt.u32 v1, $0x1388;
	[tilespmem:$0x100] =	vst v0;
	v0 =	vadd.s32 v7, v3;
	v3 =	vld [tilespmem:$0xC0]  }
0x6a: {  	[tilespmem:$0x10] =	vst v0;
	v0 =	vnsel vm2, $0x13F8, v1;
	v1 =	vadd.s32 $0xFFFFEC78, v4;
	v4 =	vld [tilespmem:$0x40]  }
0x6b: {  	[tilespmem:$0x110] =	vst v0;
	v0 =	vadd.s32 v7, v5;
	vm2 =	vlt.u32 v1, $0x1388  }
0x6c: {  	[tilespmem:$0x20] =	vst v0;
	v0 =	vnsel vm2, $0x13F8, v1;
	v1 =	vadd.s32 $0xFFFFEC78, v6  }
0x6d: {  	[tilespmem:$0x120] =	vst v0;
	v0 =	vadd.s32 v7, v2;
	vm2 =	vlt.u32 v1, $0x1388  }
0x6e: {  	[tilespmem:$0x30] =	vst v0;
	v0 =	vnsel vm2, $0x13F8, v1;
	v1 =	vadd.s32 $0xFFFFEC78, v3  }
0x6f: {  	[tilespmem:$0x130] =	vst v0;
	v0 =	vadd.s32 v7, v4;
	vm2 =	vlt.u32 v1, $0x1388  }
0x70: {  	[tilespmem:$0x40] =	vst v0;
	v0 =	vnsel vm2, $0x13F8, v1  }
0x71: {  	[tilespmem:$0x140] =	vst v0  }
0x72: {  	[tilespmem:s22], [sflag:$0x1] =	stream.indirect.gather [hbm4b:s6+s21], $0x80, s28, s21, $0xb8;
	[tilespmem:$0x14200] =	vst v63  }
0x73: {  	_ =	swait.ge [sflag:s18], $0x2800  }
0x74: {  	[sflag:s18] =	ssyncset.done $0x0  }
0x75: {  	[sflag:s18] =	ssyncadd.s32 $0xFFFFD800  }
0x76: {  	[tilespmem:s23], [sflag:$0x1] =	stream.indirect.gather [hbm4b:s7+s21], $0x80, s20, s21, $0xb8;
	[tilespmem:$0x14200] =	vst v63  }
0x77: {  	_ =	swait.ge [sflag:s18], $0x2800  }
0x78: {  	[sflag:s18] =	ssyncset.done $0x0  }
0x79: {  	s9 =	simm.s32 $0x280;
	[sflag:s18] =	ssyncadd.s32 $0xFFFFD800  }
0x7a: {  	v10 =	vld [tilespmem:s9+$0xB0];
	_ =	sdelay $0x4  }
0x7b: {  	[tilespmem:$0x1F990] =	vst v10  }
0x7c: {  	v9 =	vld [tilespmem:s9+$0xF0];
	_ =	sdelay $0x3  }
0x7d: {  	s10 =	simm.s32 $0x2A80  }
0x7e: {  	v0 =	vld [tilespmem:s10+$0xB0];
	[tilespmem:$0x1F9D0] =	vst v9  }
0x7f: {  	v12 =	vld [tilespmem:s9+$0xA0];
	_ =	sdelay $0x4  }
0x80: {  	v1 =	vld [tilespmem:s10+$0xF0];
	[tilespmem:$0x1F980] =	vst v12  }
0x81: {  	v11 =	vld [tilespmem:s9+$0xE0];
	_ =	sdelay $0x4  }
0x82: {  	v2 =	vld [tilespmem:s10+$0xA0];
	[tilespmem:$0x1F9C0] =	vst v11  }
0x83: {  	v14 =	vld [tilespmem:s9+$0x90];
	_ =	sdelay $0x4  }
0x84: {  	v3 =	vld [tilespmem:s10+$0xE0];
	[tilespmem:$0x1F970] =	vst v14  }
0x85: {  	v13 =	vld [tilespmem:s9+$0xD0];
	_ =	sdelay $0x4  }
0x86: {  	v4 =	vld [tilespmem:s10+$0x90];
	[tilespmem:$0x1F9B0] =	vst v13  }
0x87: {  	v16 =	vld [tilespmem:s9+$0x80];
	_ =	sdelay $0x4  }
0x88: {  	v5 =	vld [tilespmem:s10+$0xD0];
	[tilespmem:$0x1F960] =	vst v16  }
0x89: {  	v15 =	vld [tilespmem:s9+$0xC0];
	_ =	sdelay $0x4  }
0x8a: {  	v6 =	vld [tilespmem:s10+$0x80];
	[tilespmem:$0x1F9A0] =	vst v15  }
0x8b: {  	v22 =	vld [tilespmem:s9+$0xFFFFFF40];
	_ =	sdelay $0x3  }
0x8c: {  	v7 =	vld [tilespmem:s10+$0xC0]  }
0x8d: {  	v8 =	vld [tilespmem:s10+$0xFFFFFF00];
	[tilespmem:$0x1FA30] =	vst v22  }
0x8e: {  	v21 =	vld [tilespmem:s9+$0xFFFFFF80];
	_ =	sdelay $0x4  }
0x8f: {  	v1 =	vadd.f32 v1, v9;
	v9 =	vld [tilespmem:s10+$0xFFFFFF40];
	[tilespmem:$0x1FA70] =	vst v21  }
0x90: {  	v20 =	vld [tilespmem:s9+$0xFFFFFFC0];
	_ =	sdelay $0x4  }
0x91: {  	v0 =	vadd.f32 v0, v10;
	v10 =	vld [tilespmem:s10+$0xFFFFFF80];
	[tilespmem:$0x1FAB0] =	vst v20  }
0x92: {  	v19 =	vld [tilespmem:s9+$0x0];
	_ =	sdelay $0x4  }
0x93: {  	v5 =	vadd.f32 v5, v13;
	v13 =	vld [tilespmem:s10+$0xFFFFFFC0];
	[tilespmem:$0x1FBF0] =	vst v19  }
0x94: {  	v18 =	vld [tilespmem:s9+$0x40];
	_ =	sdelay $0x4  }
0x95: {  	v7 =	vadd.f32 v7, v15;
	v15 =	vld [tilespmem:s10+$0x0];
	[tilespmem:$0x1FC30] =	vst v18  }
0x96: {  	v23 =	vld [tilespmem:s9+$0xFFFFFF00];
	_ =	sdelay $0x1  }
0x97: {  	v2 =	vadd.f32 v2, v12;
	_ =	sdelay $0x1  }
0x98: {  	v4 =	vadd.f32 v4, v14;
	v14 =	vmul.f32 $2.000000030e-01, v2  }
0x99: {  	vm5 =	vgt.f32 v2, $0.0e+00;
	v17 =	vld [tilespmem:s10+$0x40];
	[tilespmem:$0x1F9F0] =	vst v23  }
0x9a: {  	v2 =	vsel vm5, v2, v14;
	v14 =	vld [tilespmem:s9+$0xFFFFFF10];
	_ =	sdelay $0x1  }
0x9b: {  	v42 =	vld [tilespmem:$0x1FF70];
	v6 =	vadd.f32 v6, v16;
	_ =	sdelay $0x1  }
0x9c: {  	v45 =	vld [tilespmem:$0x1FF80];
	v3 =	vadd.f32 v3, v11;
	v11 =	vmul.f32 $2.000000030e-01, v6  }
0x9d: {  	v24 =	vld [tilespmem:$0x1FFB0];
	vm4 =	vgt.f32 v6, $0.0e+00;
	[tilespmem:$0x1FA00] =	vst v14  }
0x9e: {  	v6 =	vsel vm4, v6, v11;
	v11 =	vmul.f32 $2.000000030e-01, v4;
	v47 =	vld [tilespmem:s9+$0xFFFFFF50]  }
0x9f: {  	vm4 =	vgt.f32 v4, $0.0e+00;
	v6 =	vmul.f32 v6, v42  }
0xa0: {  	v4 =	vsel vm4, v4, v11;
	v11 =	vmul.f32 $2.000000030e-01, v7  }
0xa1: {  	v56 =	vld [tilespmem:$0x1FF90];
	v6 =	vadd.f32 $0.0e+00, v6;
	v4 =	vmul.f32 v4, v45;
	vm4 =	vgt.f32 v7, $0.0e+00  }
0xa2: {  	v58 =	vld [tilespmem:$0x1FFA0];
	v7 =	vsel vm4, v7, v11  }
0xa3: {  	v4 =	vadd.f32 v4, v6;
	v6 =	vmul.f32 v7, v24;
	v7 =	vld [tilespmem:s10+$0xFFFFFF10];
	[tilespmem:$0x1FA40] =	vst v47  }
0xa4: {  	v27 =	vld [tilespmem:$0x1FFC0]  }
0xa5: {  	v12 =	vmul.f32 $2.000000030e-01, v0;
	v25 =	vld [tilespmem:s9+$0xFFFFFF90]  }
0xa6: {  	vm3 =	vgt.f32 v0, $0.0e+00;
	v2 =	vmul.f32 v2, v56;
	v43 =	vmul.f32 $2.000000030e-01, v5  }
0xa7: {  	v0 =	vsel vm3, v0, v12;
	vm6 =	vgt.f32 v5, $0.0e+00  }
0xa8: {  	v0 =	vmul.f32 v0, v58;
	v5 =	vsel vm6, v5, v43;
	v2 =	vadd.f32 v2, v4  }
0xa9: {  	v4 =	vadd.f32 $0.0e+00, v6;
	v53 =	vld [tilespmem:$0x1FFD0];
	v5 =	vmul.f32 v5, v27  }
0xaa: {  	v0 =	vadd.f32 v0, v2;
	v6 =	vld [tilespmem:s10+$0xFFFFFF50];
	[tilespmem:$0x1FA80] =	vst v25  }
0xab: {  	v11 =	vmul.f32 $2.000000030e-01, v3;
	v2 =	vadd.f32 v5, v4;
	v5 =	vadd.f32 v8, v23;
	v23 =	vld [tilespmem:s9+$0xFFFFFFD0]  }
0xac: {  	vm2 =	vgt.f32 v3, $0.0e+00  }
0xad: {  	v3 =	vsel vm2, v3, v11  }
0xae: {  	v3 =	vmul.f32 v3, v53;
	_ =	sdelay $0x1  }
0xaf: {  	v4 =	vld [tilespmem:s10+$0xFFFFFF90];
	v2 =	vadd.f32 v3, v2;
	[tilespmem:$0x1FAC0] =	vst v23  }
0xb0: {  	v3 =	vadd.f32 v10, v21;
	v10 =	vadd.f32 v13, v20;
	v20 =	vld [tilespmem:s9+$0x10];
	_ =	sdelay $0x3  }
0xb1: {  	v57 =	vld [tilespmem:$0x1FFE0]  }
0xb2: {  	(xrf2) =	vadd.scan.msk.f32 $0xffff, v0;
	v0 =	vld [tilespmem:s10+$0xFFFFFFD0];
	[tilespmem:$0x1FC00] =	vst v20  }
0xb3: {  	v11 =	vmul.f32 $2.000000030e-01, v1;
	v48 =	vld [tilespmem:s9+$0x50]  }
0xb4: {  	vm2 =	vgt.f32 v1, $0.0e+00  }
0xb5: {  	v1 =	vsel vm2, v1, v11  }
0xb6: {  	v1 =	vmul.f32 v1, v57;
	_ =	sdelay $0x1  }
0xb7: {  	v1 =	vadd.f32 v1, v2;
	v2 =	vld [tilespmem:s10+$0x10];
	[tilespmem:$0x1FC40] =	vst v48  }
0xb8: {  	v8 =	vadd.f32 v9, v22;
	v22 =	vld [tilespmem:s9+$0xFFFFFF20];
	_ =	sdelay $0x4  }
0xb9: {  	(xrf2) =	vadd.scan.msk.f32 $0xffff, v1;
	v1 =	vld [tilespmem:s10+$0x50];
	[tilespmem:$0x1FA10] =	vst v22  }
0xba: {  	v28 =	vld [tilespmem:s9+$0xFFFFFF60];
	_ =	sdelay $0x4  }
0xbb: {  	v50 =	vld [tilespmem:s10+$0xFFFFFF20];
	[tilespmem:$0x1FA50] =	vst v28  }
0xbc: {  	v30 =	vld [tilespmem:s9+$0xFFFFFFA0];
	_ =	sdelay $0x2  }
0xbd: {  	v9 =	vmul.f32 $2.000000030e-01, v5  }
0xbe: {  	vm2 =	vgt.f32 v5, $0.0e+00  }
0xbf: {  	v5 =	vsel vm2, v5, v9;
	v9 =	vld [tilespmem:s10+$0xFFFFFF60];
	[tilespmem:$0x1FA90] =	vst v30  }
0xc0: {  	v29 =	vld [tilespmem:s9+$0xFFFFFFE0];
	_ =	sdelay $0x4  }
0xc1: {  	v51 =	vld [tilespmem:s10+$0xFFFFFFA0];
	[tilespmem:$0x1FB00] =	vst v29  }
0xc2: {  	v11 =	vadd.f32 v15, v19;
	v15 =	vmul.f32 $2.000000030e-01, v10;
	v0 =	vadd.f32 v0, v23;
	v23 =	vld [tilespmem:s9+$0x20];
	_ =	sdelay $0x2  }
0xc3: {  	vm5 =	vgt.f32 v10, $0.0e+00  }
0xc4: {  	v10 =	vsel vm5, v10, v15;
	v15, _, _ =	vpop (xrf2)  }
0xc5: {  	v13 =	vadd.f32 v17, v18;
	v18 =	vadd.f32 v50, v22;
	v22, _, _ =	vpop (xrf2);
	v21 =	vld [tilespmem:s10+$0xFFFFFFE0];
	[tilespmem:$0x1FC10] =	vst v23  }
0xc6: {  	v59 =	vmul.f32 $1.442695020e+00, v22;
	v22 =	vld [tilespmem:s9+$0x60];
	_ =	sdelay $0x4  }
0xc7: {  	v55 =	vld [tilespmem:s10+$0x20];
	[tilespmem:$0x1FC50] =	vst v22  }
0xc8: {  	v61 =	vld [tilespmem:s9+$0xFFFFFF30];
	_ =	sdelay $0x4  }
0xc9: {  	v60 =	vld [tilespmem:s10+$0x60];
	[tilespmem:$0x1FA20] =	vst v61  }
0xca: {  	v62 =	vld [tilespmem:s9+$0xFFFFFF70];
	_ =	sdelay $0x4  }
0xcb: {  	v37 =	vld [tilespmem:s10+$0xFFFFFF30];
	[tilespmem:$0x1FA60] =	vst v62  }
0xcc: {  	v49 =	vmul.f32 $2.000000030e-01, v11;
	v12 =	vmul.f32 $2.000000030e-01, v8;
	v44 =	vadd.f32 v21, v29;
	v21 =	vld [tilespmem:s9+$0xFFFFFFB0]  }
0xcd: {  	v7 =	vadd.f32 v7, v14;
	vm3 =	vgt.f32 v8, $0.0e+00;
	v17 =	vmul.f32 $2.000000030e-01, v13  }
0xce: {  	vm2 =	vgt.f32 v11, $0.0e+00;
	vm6 =	vgt.f32 v13, $0.0e+00;
	v8 =	vsel vm3, v8, v12  }
0xcf: {  	v12 =	vsel vm6, v13, v17;
	v13 =	vmul.f32 $2.000000030e-01, v7;
	v2 =	vadd.f32 v2, v20  }
0xd0: {  	v11 =	vsel vm2, v11, v49;
	vm2 =	vgt.f32 v7, $0.0e+00  }
0xd1: {  	v7 =	vsel vm2, v7, v13;
	v20 =	vmul.f32 $2.000000030e-01, v2;
	v13 =	vld [tilespmem:s10+$0xFFFFFF70];
	[tilespmem:$0x1FAA0] =	vst v21  }
0xd2: {  	vm6 =	vgt.f32 v2, $0.0e+00;
	v16 =	vadd.f32 v60, v22;
	v22 =	vld [tilespmem:s9+$0xFFFFFFF0]  }
0xd3: {  	v2 =	vsel vm6, v2, v20;
	v20 =	vld [tilespmem:s10+$0xFFFFFFB0];
	_ =	sdelay $0x2  }
0xd4: {  	v6 =	vadd.f32 v6, v47;
	v14 =	vmul.f32 $2.000000030e-01, v3;
	vm4 =	vgt.f32 v3, $0.0e+00  }
0xd5: {  	v4 =	vadd.f32 v4, v25;
	v5 =	vmul.f32 v5, v42;
	v8 =	vmul.f32 v8, v24;
	[tilespmem:$0x1FB10] =	vst v22  }
0xd6: {  	v3 =	vsel vm4, v3, v14;
	v14 =	vmul.f32 $2.000000030e-01, v6;
	v50 =	vadd.f32 v20, v21;
	v21 =	vld [tilespmem:s9+$0x30]  }
0xd7: {  	vm3 =	vgt.f32 v6, $0.0e+00;
	v11 =	vmul.f32 v11, v42;
	v52 =	vmul.f32 $2.000000030e-01, v4;
	v31 =	vld [tilespmem:s10+$0xFFFFFFF0]  }
0xd8: {  	vm4 =	vgt.f32 v4, $0.0e+00;
	v3 =	vmul.f32 v3, v42;
	v15 =	vmul.f32 $1.442695020e+00, v15  }
0xd9: {  	v10 =	vmul.f32 v10, v24;
	v12 =	vmul.f32 v12, v24;
	v5 =	vadd.f32 $0.0e+00, v5  }
0xda: {  	v8 =	vadd.f32 $0.0e+00, v8;
	v6 =	vsel vm3, v6, v14;
	v15 =	vbroadcast v15, $0xF  }
0xdb: {  	v11 =	vadd.f32 $0.0e+00, v11;
	v4 =	vsel vm4, v4, v52;
	v3 =	vadd.f32 $0.0e+00, v3;
	[tilespmem:$0x1FC20] =	vst v21  }
0xdc: {  	(erf) = vpow2.f32 v15;
	v15 =	vadd.f32 v51, v30;
	v51 =	vadd.f32 v31, v22;
	v22 =	vld [tilespmem:s9+$0x70]  }
0xdd: {  	v10 =	vadd.f32 $0.0e+00, v10;
	v7 =	vmul.f32 v7, v45;
	v6 =	vmul.f32 v6, v27  }
0xde: {  	v4 =	vmul.f32 v4, v45;
	v54 =	vmul.f32 $2.000000030e-01, v0;
	v1 =	vadd.f32 v1, v48  }
0xdf: {  	v5 =	vadd.f32 v7, v5;
	v6 =	vadd.f32 v6, v8;
	vm5 =	vgt.f32 v0, $0.0e+00  }
0xe0: {  	v0 =	vsel vm5, v0, v54;
	v26 =	vmul.f32 $2.000000030e-01, v1;
	v9 =	vadd.f32 v9, v28  }
0xe1: {  	s11 =	simm.s32 $0x480;
	vm2 =	vgt.f32 v1, $0.0e+00;
	v63 =	vmul.f32 $2.000000030e-01, v18;
	v47 =	vadd.f32 v37, v61;
	v32 =	vld [tilespmem:s10+$0x30];
	[tilespmem:$0x1FC60] =	vst v22  }
0xe2: {  	v1 =	vsel vm2, v1, v26;
	vm2 =	vgt.f32 v18, $0.0e+00;
	v25 =	vmul.f32 $2.000000030e-01, v9;
	v19 =	vld [tilespmem:s11+$0xB0]  }
0xe3: {  	v17 =	vsel vm2, v18, v63;
	vm3 =	vgt.f32 v9, $0.0e+00;
	v33 =	vmul.f32 $2.000000030e-01, v47  }
0xe4: {  	v7 =	vmul.f32 v17, v56;
	v9 =	vsel vm3, v9, v25;
	vm2 =	vgt.f32 v47, $0.0e+00  }
0xe5: {  	v0 =	vmul.f32 v0, v27;
	v8 =	vmul.f32 v9, v53;
	v9 =	vsel vm2, v47, v33  }
0xe6: {  	v12 =	vadd.f32 $0.0e+00, v12;
	v5 =	vadd.f32 v7, v5;
	v7 =	vmul.f32 v9, v58  }
0xe7: {  	s19 =	simm.s32 $0x2C80;
	v3 =	vadd.f32 v4, v3;
	v0 =	vadd.f32 v0, v10;
	v2 =	vmul.f32 v2, v45;
	v34 =	vld [tilespmem:s10+$0x70];
	[tilespmem:$0x1F9E0] =	vst v19  }
0xe8: {  	v1 =	vmul.f32 v1, v27;
	v28 =	vbroadcast v59, $0xF;
	v5 =	vadd.f32 v7, v5;
	v7 =	vld [tilespmem:s19+$0xB0]  }
0xe9: {  	v4 =	vadd.f32 v2, v11;
	v14 =	vadd.f32 v55, v23;
	v43 =	vld [tilespmem:s11+$0xF0]  }
0xea: {  	v11 =	vadd.f32 v1, v12;
	(erf) = vpow2.f32 v28;
	v13 =	vadd.f32 v13, v62;
	(xrf2) =	vadd.scan.msk.f32 $0xffff, v5;
	v5 =	vld [tilespmem:s19+$0xF0]  }
0xeb: {  	v6 =	vadd.f32 v8, v6;
	v26 =	vmul.f32 $2.000000030e-01, v15;
	v48 =	vmul.f32 $2.000000030e-01, v14;
	v41 =	vld [tilespmem:s11+$0xA0]  }
0xec: {  	vm4 =	vgt.f32 v14, $0.0e+00;
	v20 =	vmul.f32 $2.000000030e-01, v13;
	v9 =	vadd.f32 v32, v21;
	v28 =	vld [tilespmem:s19+$0xA0]  }
0xed: {  	v46 =	vmul.f32 $2.000000030e-01, v44;
	v14 =	vsel vm4, v14, v48;
	vm3 =	vgt.f32 v13, $0.0e+00;
	v40 =	vld [tilespmem:s11+$0xE0]  }
0xee: {  	v12 =	vmul.f32 v14, v56;
	v13 =	vsel vm3, v13, v20;
	v55 =	vmul.f32 $2.000000030e-01, v9;
	v10 =	vld [tilespmem:s19+$0xE0]  }
0xef: {  	vm2 =	vgt.f32 v15, $0.0e+00;
	v8 =	vmul.f32 v13, v57;
	vm4 =	vgt.f32 v9, $0.0e+00;
	v39 =	vld [tilespmem:s11+$0x90]  }
0xf0: {  	v4 =	vadd.f32 v12, v4;
	v13 =	vsel vm2, v15, v26;
	v9 =	vsel vm4, v9, v55;
	v60 =	vld [tilespmem:s19+$0x90]  }
0xf1: {  	v1 =	vmul.f32 v13, v56;
	v6 =	vadd.f32 v8, v6;
	v9 =	vmul.f32 v9, v58;
	v37 =	vld [tilespmem:s11+$0xD0]  }
0xf2: {  	vm3 =	vgt.f32 v44, $0.0e+00;
	v35 =	vmul.f32 $2.000000030e-01, v50;
	v62 =	vld [tilespmem:s19+$0xD0]  }
0xf3: {  	(xrf2) =	vadd.scan.msk.f32 $0xffff, v6;
	v6 =	vsel vm3, v44, v46;
	v54 =	vmul.f32 $2.000000030e-01, v51;
	v26 =	vadd.f32 v9, v4;
	v4 =	vld [tilespmem:s11+$0xFFFFFF40]  }
0xf4: {  	vm2 =	vgt.f32 v50, $0.0e+00;
	v6 =	vmul.f32 v6, v53;
	vm3 =	vgt.f32 v51, $0.0e+00;
	v36 =	vld [tilespmem:s11+$0x80]  }
0xf5: {  	v18 =	vsel vm2, v50, v35;
	v3 =	vadd.f32 v1, v3;
	v1, _, _ =	vpop (xrf2);
	v61 =	vsel vm3, v51, v54;
	v17 =	vld [tilespmem:s19+$0x80]  }
0xf6: {  	v12 =	vmul.f32 $1.442695020e+00, v1;
	v0 =	vadd.f32 v6, v0;
	v63 =	vmul.f32 v61, v57;
	v35 =	vld [tilespmem:s11+$0xC0]  }
0xf7: {  	v6 =	vmul.f32 v18, v58;
	v38 =	vld [tilespmem:s19+$0xC0]  }
0xf8: {  	v25 =	vadd.f32 v63, v0;
	v0 =	vbroadcast v12, $0xF;
	v12 =	vld [tilespmem:s19+$0xFFFFFF00];
	[tilespmem:$0x1FD60] =	vst v4  }
0xf9: {  	v23 =	vadd.f32 v6, v3;
	v6 =	vld [tilespmem:s11+$0xFFFFFF80]  }
0xfa: {  	v49 =	vmul.f32 $2.000000030e-01, v16  }
0xfb: {  	vm5 =	vgt.f32 v16, $0.0e+00;
	v8 =	vadd.f32 v34, v22  }
0xfc: {  	v52 =	vsel vm5, v16, v49  }
0xfd: {  	v14 =	vmul.f32 v52, v53;
	v59 =	vmul.f32 $2.000000030e-01, v8  }
0xfe: {  	(erf) = vpow2.f32 v0;
	vm5 =	vgt.f32 v8, $0.0e+00;
	v0 =	vadd.f32 v7, v19;
	v7 =	vld [tilespmem:s19+$0xFFFFFF40];
	[tilespmem:$0x1FDA0] =	vst v6  }
0xff: {  	v31, _, _ =	vpop (xrf2);
	v8 =	vsel vm5, v8, v59;
	v3 =	vld [tilespmem:s11+$0xFFFFFFC0]  }
0x100: {  	v11 =	vadd.f32 v14, v11;
	v47 =	vmul.f32 $1.442695020e+00, v31;
	v8 =	vmul.f32 v8, v57;
	_ =	sdelay $0x1  }
0x101: {  	v30 =	vadd.f32 v8, v11;
	v8 =	vbroadcast v47, $0xF;
	_ =	sdelay $0x1  }
0x102: {  	(erf) = vpow2.f32 v8;
	v8 =	vadd.f32 v28, v41;
	v28 =	vld [tilespmem:s19+$0xFFFFFF80];
	[tilespmem:$0x1FDE0] =	vst v3  }
0x103: {  	v2 =	vld [tilespmem:s11+$0x0];
	_ =	sdelay $0x4  }
0x104: {  	v50 =	vld [tilespmem:s19+$0xFFFFFFC0];
	[tilespmem:$0x1FE20] =	vst v2  }
0x105: {  	v1 =	vld [tilespmem:s11+$0x40];
	_ =	sdelay $0x4  }
0x106: {  	v11 =	vadd.f32 v60, v39;
	v60 =	vld [tilespmem:s19+$0x0];
	[tilespmem:$0x1FE60] =	vst v1  }
0x107: {  	v14 =	vld [tilespmem:s11+$0xFFFFFF00];
	_ =	sdelay $0x4  }
0x108: {  	v63 =	vld [tilespmem:s19+$0x40];
	[tilespmem:$0x1FD20] =	vst v14  }
0x109: {  	v32 =	vld [tilespmem:s11+$0xFFFFFF10];
	_ =	sdelay $0x3  }
0x10a: {  	v9 =	vadd.f32 v17, v36  }
0x10b: {  	[tilespmem:$0x1FD30] =	vst v32  }
0x10c: {  	v52 =	vmul.f32 $2.000000030e-01, v9;
	v13 =	vld [tilespmem:s11+$0xFFFFFF50]  }
0x10d: {  	v10 =	vadd.f32 v10, v40;
	v54 =	vadd.f32 v38, v35;
	vm2 =	vgt.f32 v9, $0.0e+00  }
0x10e: {  	v46 =	vadd.f32 v62, v37;
	v55 =	vmul.f32 $2.000000030e-01, v11;
	v9 =	vsel vm2, v9, v52  }
0x10f: {  	v61 =	vmul.f32 $2.000000030e-01, v54;
	vm4 =	vgt.f32 v11, $0.0e+00;
	v9 =	vmul.f32 v9, v42  }
0x110: {  	vm2 =	vgt.f32 v8, $0.0e+00;
	v59 =	vmul.f32 $2.000000030e-01, v8;
	v11 =	vsel vm4, v11, v55  }
0x111: {  	vm4 =	vgt.f32 v54, $0.0e+00;
	v11 =	vmul.f32 v11, v45;
	v9 =	vadd.f32 $0.0e+00, v9;
	v52 =	vld [tilespmem:s19+$0xFFFFFF10];
	[tilespmem:$0x1FD70] =	vst v13  }
0x112: {  	v62 =	vmul.f32 $2.000000030e-01, v46;
	v18 =	vsel vm4, v54, v61;
	v8 =	vsel vm2, v8, v59;
	v15 =	vld [tilespmem:s11+$0xFFFFFF90]  }
0x113: {  	vm2 =	vgt.f32 v46, $0.0e+00;
	v9 =	vadd.f32 v11, v9;
	v11 =	vmul.f32 v18, v24  }
0x114: {  	v33 =	vmul.f32 $2.000000030e-01, v10;
	v29 =	vsel vm2, v46, v62  }
0x115: {  	v8 =	vmul.f32 v8, v56;
	v18 =	vmul.f32 v29, v27;
	v11 =	vadd.f32 $0.0e+00, v11  }
0x116: {  	vm2 =	vgt.f32 v10, $0.0e+00  }
0x117: {  	v8 =	vadd.f32 v8, v9;
	v9 =	vsel vm2, v10, v33;
	v10 =	vadd.f32 v18, v11;
	v11 =	vld [tilespmem:s19+$0xFFFFFF50];
	[tilespmem:$0x1FDB0] =	vst v15  }
0x118: {  	v7 =	vadd.f32 v7, v4;
	v4 =	vld [tilespmem:s11+$0xFFFFFFD0];
	_ =	sdelay $0x4  }
0x119: {  	v5 =	vadd.f32 v5, v43;
	v31 =	vmul.f32 $2.000000030e-01, v0;
	v38 =	vld [tilespmem:s19+$0xFFFFFF90];
	[tilespmem:$0x1FDF0] =	vst v4  }
0x11a: {  	vm3 =	vgt.f32 v0, $0.0e+00;
	v50 =	vadd.f32 v50, v3;
	v3 =	vld [tilespmem:s11+$0x10]  }
0x11b: {  	v34 =	vmul.f32 $2.000000030e-01, v5;
	v0 =	vsel vm3, v0, v31  }
0x11c: {  	v0 =	vmul.f32 v0, v58;
	vm2 =	vgt.f32 v5, $0.0e+00;
	v9 =	vmul.f32 v9, v53  }
0x11d: {  	v5 =	vsel vm2, v5, v34  }
0x11e: {  	v21 =	vadd.f32 v0, v8;
	v5 =	vmul.f32 v5, v57;
	v0 =	vadd.f32 v9, v10  }
0x11f: {  	v10 =	vld [tilespmem:s19+$0xFFFFFFD0];
	[tilespmem:$0x1FE30] =	vst v3  }
0x120: {  	v20 =	vadd.f32 v5, v0;
	v0 =	vld [tilespmem:s11+$0x50]  }
0x121: {  	v12 =	vadd.f32 v12, v14;
	_ =	sdelay $0x1  }
0x122: {  	v9 =	vmul.f32 $2.000000030e-01, v12  }
0x123: {  	vm2 =	vgt.f32 v12, $0.0e+00  }
0x124: {  	v5 =	vsel vm2, v12, v9;
	v9 =	vld [tilespmem:s19+$0x10];
	[tilespmem:$0x1FE70] =	vst v0  }
0x125: {  	v44 =	vadd.f32 v63, v1;
	v1 =	vld [tilespmem:s11+$0xFFFFFF20];
	_ =	sdelay $0x4  }
0x126: {  	v55 =	vld [tilespmem:s19+$0x50];
	[tilespmem:$0x1FD40] =	vst v1  }
0x127: {  	v33 =	vld [tilespmem:s11+$0xFFFFFF60]  }
0x128: {  	v8 =	vadd.f32 v28, v6  }
0x129: {  	v12 =	vadd.f32 v60, v2  }
0x12a: {  	v19 =	vmul.f32 $2.000000030e-01, v8  }
0x12b: {  	vm2 =	vgt.f32 v8, $0.0e+00;
	v31 =	vadd.f32 v52, v32;
	v32 =	vmul.f32 $2.000000030e-01, v12  }
0x12c: {  	v8 =	vsel vm2, v8, v19;
	vm2 =	vgt.f32 v12, $0.0e+00;
	v59 =	vld [tilespmem:s19+$0xFFFFFF20];
	[tilespmem:$0x1FD80] =	vst v33  }
0x12d: {  	v14 =	vsel vm2, v12, v32;
	v12 =	vld [tilespmem:s11+$0xFFFFFFA0];
	_ =	sdelay $0x4  }
0x12e: {  	v61 =	vld [tilespmem:s19+$0xFFFFFF60];
	[tilespmem:$0x1FDC0] =	vst v12  }
0x12f: {  	v11 =	vadd.f32 v11, v13;
	v13 =	vld [tilespmem:s11+$0xFFFFFFE0];
	_ =	sdelay $0x4  }
0x130: {  	v62 =	vld [tilespmem:s19+$0xFFFFFFA0];
	[tilespmem:$0x1FE00] =	vst v13  }
0x131: {  	v17 =	vmul.f32 $2.000000030e-01, v7;
	v10 =	vadd.f32 v10, v4;
	v4 =	vld [tilespmem:s11+$0x20]  }
0x132: {  	vm3 =	vgt.f32 v7, $0.0e+00;
	v29 =	vmul.f32 $2.000000030e-01, v50  }
0x133: {  	v7 =	vsel vm3, v7, v17;
	vm3 =	vgt.f32 v50, $0.0e+00  }
0x134: {  	v28 =	vsel vm3, v50, v29;
	v54 =	vmul.f32 $2.000000030e-01, v44  }
0x135: {  	vm3 =	vgt.f32 v44, $0.0e+00;
	v55 =	vadd.f32 v55, v0;
	v0 =	vmul.f32 $2.000000030e-01, v10  }
0x136: {  	v44 =	vsel vm3, v44, v54;
	vm3 =	vgt.f32 v10, $0.0e+00;
	v2 =	vld [tilespmem:s19+$0xFFFFFFE0];
	[tilespmem:$0x1FE40] =	vst v4  }
0x137: {  	v9 =	vadd.f32 v9, v3;
	v3 =	vsel vm3, v10, v0;
	v0 =	vld [tilespmem:s11+$0x60];
	_ =	sdelay $0x2  }
0x138: {  	v59 =	vadd.f32 v59, v1;
	v1 =	vmul.f32 $2.000000030e-01, v9  }
0x139: {  	v60 =	vmul.f32 $2.000000030e-01, v31;
	v46 =	vadd.f32 v38, v15;
	vm4 =	vgt.f32 v9, $0.0e+00  }
0x13a: {  	vm2 =	vgt.f32 v31, $0.0e+00;
	v34 =	vmul.f32 $2.000000030e-01, v11;
	v6 =	vsel vm4, v9, v1;
	v9 =	vld [tilespmem:s19+$0x20];
	[tilespmem:$0x1FE80] =	vst v0  }
0x13b: {  	v60 =	vsel vm2, v31, v60;
	vm2 =	vgt.f32 v11, $0.0e+00;
	v63 =	vmul.f32 $2.000000030e-01, v46;
	v31 =	vld [tilespmem:s11+$0xFFFFFF30]  }
0x13c: {  	v11 =	vsel vm2, v11, v34;
	vm2 =	vgt.f32 v46, $0.0e+00;
	v10 =	vadd.f32 v61, v33  }
0x13d: {  	v63 =	vsel vm2, v46, v63;
	v38 =	vmul.f32 $2.000000030e-01, v55;
	v2 =	vadd.f32 v2, v13  }
0x13e: {  	vm2 =	vgt.f32 v55, $0.0e+00;
	v48 =	vmul.f32 $2.000000030e-01, v10;
	v62 =	vadd.f32 v62, v12  }
0x13f: {  	v12 =	vsel vm2, v55, v38;
	vm2 =	vgt.f32 v10, $0.0e+00;
	v51 =	vmul.f32 $2.000000030e-01, v2  }
0x140: {  	v17 =	vsel vm2, v10, v48;
	vm2 =	vgt.f32 v2, $0.0e+00;
	v50 =	vld [tilespmem:s19+$0x60];
	[tilespmem:$0x1FD50] =	vst v31  }
0x141: {  	v15 =	vsel vm2, v2, v51;
	v2 =	vld [tilespmem:s11+$0xFFFFFF70];
	_ =	sdelay $0x4  }
0x142: {  	v9 =	vadd.f32 v9, v4;
	v4 =	vld [tilespmem:s19+$0xFFFFFF30];
	[tilespmem:$0x1FD90] =	vst v2  }
0x143: {  	v32 =	vld [tilespmem:s11+$0xFFFFFFB0];
	_ =	sdelay $0x2  }
0x144: {  	v47 =	vmul.f32 $2.000000030e-01, v59  }
0x145: {  	vm3 =	vgt.f32 v59, $0.0e+00;
	v49 =	vmul.f32 $2.000000030e-01, v62  }
0x146: {  	v16 =	vsel vm3, v59, v47;
	vm3 =	vgt.f32 v62, $0.0e+00;
	v54 =	vld [tilespmem:s19+$0xFFFFFF70];
	[tilespmem:$0x1FDD0] =	vst v32  }
0x147: {  	v18 =	vsel vm3, v62, v49;
	v62 =	vld [tilespmem:s11+$0xFFFFFFF0];
	_ =	sdelay $0x4  }
0x148: {  	v7 =	vmul.f32 v7, v24;
	v1 =	vld [tilespmem:s19+$0xFFFFFFB0];
	[tilespmem:$0x1FE10] =	vst v62  }
0x149: {  	v22 =	vld [tilespmem:s11+$0x30]  }
0x14a: {  	v7 =	vadd.f32 $0.0e+00, v7;
	v28 =	vmul.f32 v28, v24;
	v11 =	vmul.f32 v11, v27  }
0x14b: {  	v5 =	vmul.f32 v5, v42;
	v8 =	vmul.f32 v8, v42  }
0x14c: {  	v28 =	vadd.f32 $0.0e+00, v28;
	v7 =	vadd.f32 v11, v7;
	v11 =	vmul.f32 v14, v42  }
0x14d: {  	v5 =	vadd.f32 $0.0e+00, v5;
	v8 =	vadd.f32 $0.0e+00, v8;
	v60 =	vmul.f32 v60, v45  }
0x14e: {  	v14 =	vmul.f32 v44, v24;
	v11 =	vadd.f32 $0.0e+00, v11;
	v3 =	vmul.f32 v3, v27;
	v48 =	vld [tilespmem:s19+$0xFFFFFFF0];
	[tilespmem:$0x1FE50] =	vst v22  }
0x14f: {  	v6 =	vmul.f32 v6, v45;
	v16 =	vmul.f32 v16, v56;
	v0 =	vadd.f32 v50, v0;
	v50 =	vld [tilespmem:s11+$0x70]  }
0x150: {  	v55 =	vmul.f32 v63, v45;
	v63 =	vadd.f32 v3, v28;
	v52 =	vmul.f32 $2.000000030e-01, v9  }
0x151: {  	v10 =	vadd.f32 v60, v5;
	v12 =	vmul.f32 v12, v27;
	vm3 =	vgt.f32 v9, $0.0e+00  }
0x152: {  	v13 =	vsel vm3, v9, v52;
	v9 =	vadd.f32 v55, v8;
	v8 =	vadd.f32 v6, v11  }
0x153: {  	v17 =	vmul.f32 v17, v53;
	v11 =	vadd.f32 $0.0e+00, v14;
	v49 =	vadd.f32 v54, v2;
	v2 =	vld [tilespmem:s19+$0x30]  }
0x154: {  	v16 =	vadd.f32 v16, v10;
	v13 =	vmul.f32 v13, v56;
	v38 =	vmul.f32 $2.000000030e-01, v0;
	[tilespmem:$0x1FE90] =	vst v50  }
0x155: {  	s0 =	simm.s32 $0x680;
	v3 =	vadd.f32 v12, v11;
	vm2 =	vgt.f32 v0, $0.0e+00;
	v4 =	vadd.f32 v4, v31;
	v11 =	vld [tilespmem:s19+$0x70]  }
0x156: {  	v17 =	vadd.f32 v17, v7;
	v7 =	vmul.f32 v15, v53;
	v5 =	vsel vm2, v0, v38;
	s11 =	simm.s32 $0x2E80;
	v38 =	vld [tilespmem:s0+$0x90]  }
0x157: {  	v13 =	vadd.f32 v13, v8;
	v14 =	vmul.f32 $2.000000030e-01, v4;
	v0 =	vmul.f32 $2.000000030e-01, v49;
	v52 =	vld [tilespmem:s11+$0x90]  }
0x158: {  	vm2 =	vgt.f32 v4, $0.0e+00;
	vm3 =	vgt.f32 v49, $0.0e+00;
	v2 =	vadd.f32 v2, v22;
	v22 =	vld [tilespmem:s0+$0x80]  }
0x159: {  	v5 =	vmul.f32 v5, v53;
	v4 =	vsel vm2, v4, v14;
	v6 =	vsel vm3, v49, v0;
	v15 =	vld [tilespmem:s11+$0x80]  }
0x15a: {  	v4 =	vmul.f32 v4, v58;
	v6 =	vmul.f32 v6, v57;
	v1 =	vadd.f32 v1, v32;
	v33 =	vld [tilespmem:s0+$0xC0]  }
0x15b: {  	v3 =	vadd.f32 v5, v3;
	v44 =	vadd.f32 v48, v62;
	v59 =	vld [tilespmem:s11+$0xC0]  }
0x15c: {  	v4 =	vadd.f32 v4, v16;
	v6 =	vadd.f32 v6, v17;
	v12 =	vmul.f32 $2.000000030e-01, v1;
	v28 =	vld [tilespmem:s0+$0xF0]  }
0x15d: {  	vm2 =	vgt.f32 v1, $0.0e+00;
	v14 =	vmul.f32 $2.000000030e-01, v44;
	v47 =	vld [tilespmem:s11+$0xF0];
	v51 =	vmul.f32 $2.000000030e-01, v2  }
0x15e: {  	v1 =	vsel vm2, v1, v12;
	vm3 =	vgt.f32 v44, $0.0e+00;
	vm2 =	vgt.f32 v2, $0.0e+00  }
0x15f: {  	v1 =	vmul.f32 v1, v58;
	v14 =	vsel vm3, v44, v14;
	v2 =	vsel vm2, v2, v51  }
0x160: {  	v32 =	vld [tilespmem:s0+$0xA0];
	v2 =	vmul.f32 v2, v58;
	v54 =	vadd.f32 v11, v50;
	v15 =	vadd.f32 v15, v22  }
0x161: {  	v5 =	vld [tilespmem:s11+$0xA0];
	v11 =	vmul.f32 v18, v56;
	v55 =	vadd.f32 v52, v38;
	v19 =	vadd.f32 v59, v33  }
0x162: {  	v14 =	vmul.f32 v14, v57;
	v34 =	vld [tilespmem:s0+$0xB0];
	v50 =	vadd.f32 v47, v28;
	v2 =	vadd.f32 v2, v13  }
0x163: {  	v60 =	vld [tilespmem:s11+$0xB0];
	v18 =	vadd.f32 v11, v9;
	v0 =	vmul.f32 $2.000000030e-01, v54;
	v9 =	vadd.f32 v7, v63  }
0x164: {  	v31 =	vld [tilespmem:s0+$0xD0];
	vm2 =	vgt.f32 v54, $0.0e+00;
	v61 =	vmul.f32 $2.000000030e-01, v15;
	v62 =	vmul.f32 $2.000000030e-01, v55  }
0x165: {  	v13 =	vld [tilespmem:s11+$0xD0];
	vm3 =	vgt.f32 v55, $0.0e+00;
	v0 =	vsel vm2, v54, v0;
	vm2 =	vgt.f32 v15, $0.0e+00  }
0x166: {  	(xrf2) =	vadd.scan.msk.f32 $0xffff, v23;
	v29 =	vld [tilespmem:s0+$0xE0];
	v63 =	vadd.f32 v5, v32;
	v46 =	vmul.f32 $2.000000030e-01, v19;
	v15 =	vsel vm2, v15, v61  }
0x167: {  	v1 =	vadd.f32 v1, v18;
	v14 =	vadd.f32 v14, v9;
	v5 =	vmul.f32 v15, v42;
	v15 =	vld [tilespmem:s11+$0xE0]  }
0x168: {  	v16 =	vsel vm3, v55, v62;
	v23 =	vmul.f32 $2.000000030e-01, v63;
	vm3 =	vgt.f32 v19, $0.0e+00  }
0x169: {  	(xrf2) =	vadd.scan.msk.f32 $0xffff, v25;
	v0 =	vmul.f32 v0, v57;
	v16 =	vmul.f32 v16, v45;
	vm2 =	vgt.f32 v63, $0.0e+00  }
0x16a: {  	(xrf2) =	vadd.scan.msk.f32 $0xffff, v26;
	v19 =	vsel vm3, v19, v46;
	v13 =	vadd.f32 v13, v31;
	v18 =	vsel vm2, v63, v23  }
0x16b: {  	(xrf2) =	vadd.scan.msk.f32 $0xffff, v30;
	v49 =	vmul.f32 v19, v24;
	v0 =	vadd.f32 v0, v3;
	v3 =	vadd.f32 v60, v34  }
0x16c: {  	(xrf2) =	vadd.scan.msk.f32 $0xffff, v21;
	v18 =	vmul.f32 v18, v56;
	v44 =	vadd.f32 $0.0e+00, v5;
	v15 =	vadd.f32 v15, v29  }
0x16d: {  	(xrf2) =	vadd.scan.msk.f32 $0xffff, v20;
	v20 =	vmul.f32 $2.000000030e-01, v13;
	vm3 =	vgt.f32 v13, $0.0e+00;
	v48 =	vmul.f32 $2.000000030e-01, v3  }
0x16e: {  	vm2 =	vgt.f32 v3, $0.0e+00;
	v16 =	vadd.f32 v16, v44;
	v51 =	vmul.f32 $2.000000030e-01, v15  }
0x16f: {  	(xrf2) =	vadd.scan.msk.f32 $0xffff, v4;
	v13 =	vsel vm3, v13, v20;
	v3 =	vsel vm2, v3, v48;
	vm2 =	vgt.f32 v15, $0.0e+00  }
0x170: {  	(xrf2) =	vadd.scan.msk.f32 $0xffff, v6;
	v52, _, _ =	vpop (xrf2);
	v4 =	vadd.f32 $0.0e+00, v49;
	v13 =	vmul.f32 v13, v27;
	v6 =	vsel vm2, v15, v51  }
0x171: {  	v54 =	vmul.f32 $2.000000030e-01, v50;
	v16 =	vadd.f32 v18, v16;
	v15 =	vmul.f32 $1.442695020e+00, v52  }
0x172: {  	(xrf2) =	vadd.scan.msk.f32 $0xffff, v1;
	v1 =	vadd.f32 v13, v4;
	vm2 =	vgt.f32 v50, $0.0e+00;
	v4 =	vmul.f32 v6, v53  }
0x173: {  	v3 =	vmul.f32 v3, v58;
	v13 =	vsel vm2, v50, v54;
	v6, _, _ =	vpop (xrf2);
	(xrf2) =	vadd.scan.msk.f32 $0xffff, v14;
	v14 =	vbroadcast v15, $0xF  }
0x174: {  	v1 =	vadd.f32 v4, v1;
	v4 =	vmul.f32 $1.442695020e+00, v6;
	v6 =	vmul.f32 v13, v57  }
0x175: {  	v15, _, _ =	vpop (xrf2)  }
0x176: {  	(xrf2) =	vadd.scan.msk.f32 $0xffff, v2;
	v2 =	vadd.f32 v3, v16;
	v13, _, _ =	vpop (xrf2);
	v3 =	vmul.f32 $1.442695020e+00, v15  }
0x177: {  	(erf) = vpow2.f32 v14;
	(xrf2) =	vadd.scan.msk.f32 $0xffff, v0;
	v0 =	vadd.f32 v6, v1;
	v1 =	vbroadcast v4, $0xF;
	v14, _, _ =	vpop (xrf2)  }
0x178: {  	(xrf2) =	vadd.scan.msk.f32 $0xffff, v2;
	v2 =	vbroadcast v3, $0xF;
	v4 =	vmul.f32 $1.442695020e+00, v14;
	v6, _, _ =	vpop (xrf2)  }
0x179: {  	v3 =	vmul.f32 $1.442695020e+00, v6  }
0x17a: {  	(erf) = vpow2.f32 v1;
	(xrf2) =	vadd.scan.msk.f32 $0xffff, v0;
	v0 =	vbroadcast v4, $0xF  }
0x17b: {  	(erf) = vpow2.f32 v2;
	v1 =	vbroadcast v3, $0xF  }
0x17c: {  	v2, _, _ =	vpop (xrf2);
	(erf) = vpow2.f32 v0  }
0x17d: {  	(erf) = vpow2.f32 v1;
	v1 =	vmul.f32 $1.442695020e+00, v2;
	v2, _, _ =	vpop (xrf2)  }
0x17e: {  	v5 =	vld [tilespmem:$0x1F980];
	v0 =	vmul.f32 $1.442695020e+00, v13;
	v2 =	vmul.f32 $1.442695020e+00, v2;
	_ =	sdelay $0x1  }
0x17f: {  	v0 =	vbroadcast v0, $0xF;
	_ =	sdelay $0x1  }
0x180: {  	(erf) = vpow2.f32 v0;
	v0 =	vbroadcast v2, $0xF;
	v2 =	vpop (erf)  }
0x181: {  	v3, _, _ =	vpop (xrf2);
	v55 =	vmul.f32 v2, v5;
	v5 =	vld [tilespmem:$0x1F990]  }
0x182: {  	v3 =	vmul.f32 $1.442695020e+00, v3  }
0x183: {  	v1 =	vbroadcast v1, $0xF;
	_ =	sdelay $0x1  }
0x184: {  	v4, _, _ =	vpop (xrf2);
	(erf) = vpow2.f32 v1  }
0x185: {  	v1 =	vbroadcast v3, $0xF;
	v3, _, _ =	vpop (xrf2);
	v59 =	vmul.f32 v2, v5;
	v5 =	vld [tilespmem:$0x1F9A0]  }
0x186: {  	(erf) = vpow2.f32 v0;
	v0 =	vmul.f32 $1.442695020e+00, v4;
	v4, _, _ =	vpop (xrf2)  }
0x187: {  	(erf) = vpow2.f32 v1;
	v1 =	vmul.f32 $1.442695020e+00, v3;
	v3, _, _ =	vpop (xrf2)  }
0x188: {  	[tilespmem:$0x1FD10] =	vst v4;
	v3 =	vmul.f32 $1.442695020e+00, v3;
	v4, _, _ =	vpop (xrf2)  }
0x189: {  	v6 =	vpop (erf);
	v0 =	vbroadcast v0, $0xF;
	v4 =	vmul.f32 $1.442695020e+00, v4  }
0x18a: {  	v1 =	vbroadcast v1, $0xF;
	v18 =	vmul.f32 v6, v5;
	v5 =	vld [tilespmem:$0x1F9B0]  }
0x18b: {  	(erf) = vpow2.f32 v0;
	v0 =	vbroadcast v3, $0xF  }
0x18c: {  	v3 =	vpop (erf);
	(erf) = vpow2.f32 v1  }
0x18d: {  	v1 =	vbroadcast v4, $0xF;
	v4 =	vpop (erf);
	(erf) = vpow2.f32 v0;
	v0 =	vld [tilespmem:$0x1F960];
	_ =	sdelay $0x1  }
0x18e: {  	v60 =	vmul.f32 v6, v5;
	v5 =	vld [tilespmem:$0x1F9C0];
	_ =	sdelay $0x1  }
0x18f: {  	v7 =	vld [tilespmem:$0x1F9E0]  }
0x190: {  	v63 =	vld [tilespmem:$0x1F9F0];
	v0 =	vmul.f32 v2, v0  }
0x191: {  	s3 =	simm.s32 $0x5280;
	v15 =	vpop (erf);
	(erf) = vpow2.f32 v1;
	v1 =	vld [tilespmem:$0x1F970]  }
0x192: {  	v26 =	vmul.f32 v6, v5;
	v5 =	vld [tilespmem:$0x1F9D0];
	[tilespmem:s3+$0x80] =	vst v0  }
0x193: {  	v0 =	vld [tilespmem:$0x1FA00];
	_ =	sdelay $0x4  }
0x194: {  	v48 =	vmul.f32 v3, v0;
	v0 =	vld [tilespmem:$0x1FA10];
	_ =	sdelay $0x1  }
0x195: {  	v1 =	vmul.f32 v2, v1;
	_ =	sdelay $0x1  }
0x196: {  	[tilespmem:s3+$0x90] =	vst v1  }
0x197: {  	v49 =	vmul.f32 v3, v0;
	v0 =	vld [tilespmem:$0x1FA20];
	_ =	sdelay $0x4  }
0x198: {  	v50 =	vmul.f32 v3, v0;
	v0 =	vld [tilespmem:$0x1FA30];
	_ =	sdelay $0x3  }
0x199: {  	[tilespmem:s3+$0xA0] =	vst v55  }
0x19a: {  	v51 =	vmul.f32 v4, v0;
	v0 =	vld [tilespmem:$0x1FA40];
	_ =	sdelay $0x4  }
0x19b: {  	v52 =	vmul.f32 v4, v0;
	v0 =	vld [tilespmem:$0x1FA50];
	[tilespmem:s3+$0xB0] =	vst v59  }
0x19c: {  	v1 =	vld [tilespmem:$0x1FA60];
	_ =	sdelay $0x4  }
0x19d: {  	v54 =	vmul.f32 v4, v1;
	v1 =	vld [tilespmem:$0x1FA70];
	_ =	sdelay $0x3  }
0x19e: {  	[tilespmem:s3+$0xC0] =	vst v18  }
0x19f: {  	v59 =	vmul.f32 v15, v1;
	v1 =	vld [tilespmem:$0x1FA80];
	_ =	sdelay $0x4  }
0x1a0: {  	v55 =	vmul.f32 v15, v1;
	v1 =	vld [tilespmem:$0x1FA90];
	[tilespmem:s3+$0xD0] =	vst v60  }
0x1a1: {  	v20 =	vsel vm0, v2, v6;
	v2 =	vld [tilespmem:$0x1FAA0];
	_ =	sdelay $0x2  }
0x1a2: {  	v21 =	vld [tilespmem:s0+$0xFFFFFF40]  }
0x1a3: {  	v46 =	vld [tilespmem:s0+$0xFFFFFFC0];
	v25 =	vpop (erf)  }
0x1a4: {  	v14 =	vpop (erf);
	v60 =	vmul.f32 v15, v2;
	v2 =	vld [tilespmem:$0x1FAB0]  }
0x1a5: {  	v19 =	vld [tilespmem:s0+$0x0];
	v30 =	vpop (erf)  }
0x1a6: {  	v9 =	vmul.f32 v30, v39;
	v39 =	vld [tilespmem:s11+$0xFFFFFF40]  }
0x1a7: {  	v10 =	vmul.f32 v30, v7;
	v7 =	vld [tilespmem:s0+$0xFFFFFF80]  }
0x1a8: {  	v8 =	vmul.f32 v30, v36;
	v36 =	vmul.f32 v30, v41;
	v41 =	vld [tilespmem:s0+$0xFFFFFF00];
	[tilespmem:s3+$0xE0] =	vst v26  }
0x1a9: {  	v47 =	vmul.f32 v3, v63;
	v44 =	vpop (erf);
	v63 =	vmul.f32 v25, v2;
	v2 =	vld [tilespmem:$0x1FAC0]  }
0x1aa: {  	v12 =	vmul.f32 v44, v40;
	v40 =	vld [tilespmem:s11+$0xFFFFFF80]  }
0x1ab: {  	v62 =	vmul.f32 v6, v5;
	v5 =	vld [tilespmem:s11+$0xFFFFFF00]  }
0x1ac: {  	v6 =	vld [tilespmem:s0+$0x40]  }
0x1ad: {  	v23 =	vmul.f32 v4, v0;
	v0 =	vld [tilespmem:s11+$0xFFFFFFC0]  }
0x1ae: {  	v61 =	vmul.f32 v15, v1;
	v1 =	vld [tilespmem:s11+$0x0];
	[tilespmem:$0x1FAD0] =	vst v41;
	v2 =	vmul.f32 v25, v2  }
0x1af: {  	[tilespmem:$0x1FAE0] =	vst v21  }
0x1b0: {  	[tilespmem:$0x1FCF0] =	vst v2  }
0x1b1: {  	v3 =	vsel vm0, v3, v4;
	v2 =	vld [tilespmem:s11+$0x40];
	[tilespmem:s3+$0xF0] =	vst v62  }
0x1b2: {  	[tilespmem:$0x1FAF0] =	vst v3;
	v3 =	vld [tilespmem:$0x1FB00];
	_ =	sdelay $0x4  }
0x1b3: {  	v62 =	vmul.f32 v25, v3;
	v3 =	vld [tilespmem:$0x1FB10];
	_ =	sdelay $0x4  }
0x1b4: {  	v3 =	vmul.f32 v25, v3;
	_ =	sdelay $0x1  }
0x1b5: {  	s9 =	simm.s32 $0x5480;
	[tilespmem:$0x1FD00] =	vst v3  }
0x1b6: {  	v35 =	vmul.f32 v44, v35;
	[tilespmem:s9+$0x80] =	vst v8  }
0x1b7: {  	v11 =	vmul.f32 v44, v37;
	v13 =	vmul.f32 v44, v43;
	v37 =	vsel vm0, v30, v44;
	v44 =	vld [tilespmem:s0+$0xFFFFFF10];
	[tilespmem:$0x1FB20] =	vst v7  }
0x1b8: {  	[tilespmem:s9+$0x90] =	vst v9  }
0x1b9: {  	v30 =	vadd.f32 v39, v21;
	v3 =	vadd.f32 v40, v7;
	v7 =	vld [tilespmem:s11+$0xFFFFFF10];
	[tilespmem:$0x1FB30] =	vst v46  }
0x1ba: {  	v43 =	vpop (erf);
	v26 =	vadd.f32 v5, v41;
	v5 =	vsel vm0, v15, v25;
	[tilespmem:s9+$0xA0] =	vst v36  }
0x1bb: {  	v18 =	vpop (erf);
	v8 =	vmul.f32 $2.000000030e-01, v30;
	v9 =	vld [tilespmem:s0+$0xFFFFFF50];
	[tilespmem:$0x1FB40] =	vst v5  }
0x1bc: {  	vm3 =	vgt.f32 v30, $0.0e+00;
	v17 =	vpop (erf);
	[tilespmem:s9+$0xB0] =	vst v10  }
0x1bd: {  	v16 =	vpop (erf);
	v0 =	vadd.f32 v0, v46;
	v46 =	vsel vm3, v30, v8;
	v8 =	vld [tilespmem:s11+$0xFFFFFF50];
	[tilespmem:$0x1FB50] =	vst v19  }
0x1be: {  	v39 =	vpop (erf);
	v4 =	vmul.f32 $2.000000030e-01, v26;
	[tilespmem:s9+$0xC0] =	vst v35  }
0x1bf: {  	vm2 =	vgt.f32 v26, $0.0e+00;
	v1 =	vadd.f32 v1, v19;
	v40 =	vpop (erf);
	v10 =	vmul.f32 $2.000000030e-01, v0;
	v5 =	vld [tilespmem:s0+$0xFFFFFF90];
	[tilespmem:$0x1FB60] =	vst v6  }
0x1c0: {  	vm3 =	vgt.f32 v0, $0.0e+00;
	v36 =	vsel vm2, v26, v4;
	v4 =	vmul.f32 $2.000000030e-01, v3;
	v35 =	vpop (erf);
	[tilespmem:s9+$0xD0] =	vst v11  }
0x1c1: {  	vm2 =	vgt.f32 v3, $0.0e+00;
	v21 =	vsel vm3, v0, v10;
	v0 =	vmul.f32 v35, v22;
	v25 =	vld [tilespmem:s11+$0xFFFFFF90];
	[tilespmem:s9+$0xE0] =	vst v12  }
0x1c2: {  	s30 =	simm.s32 $0x5680;
	v2 =	vadd.f32 v2, v6;
	v41 =	vsel vm2, v3, v4;
	v3 =	vld [tilespmem:s0+$0xFFFFFFD0];
	[tilespmem:s9+$0xF0] =	vst v13;
	v13 =	vmul.f32 v35, v38  }
0x1c3: {  	v10 =	vmul.f32 $2.000000030e-01, v1;
	v11 =	vld [tilespmem:s11+$0xFFFFFFD0];
	[tilespmem:s30+$0x80] =	vst v0  }
0x1c4: {  	v26 =	vmul.f32 $2.000000030e-01, v2;
	vm2 =	vgt.f32 v1, $0.0e+00;
	v6 =	vld [tilespmem:s0+$0x10];
	[tilespmem:s30+$0x90] =	vst v13  }
0x1c5: {  	s19 =	simm.s32 $0x3;
	vm3 =	vgt.f32 v2, $0.0e+00;
	v22 =	vsel vm2, v1, v10;
	v1 =	vld [tilespmem:s11+$0x10];
	v0 =	vmul.f32 v35, v32;
	[tilespmem:$0x1FB70] =	vst v44  }
0x1c6: {  	v19 =	vmov s19;
	v26 =	vsel vm3, v2, v26;
	[tilespmem:$0x1FB80] =	vst v9  }
0x1c7: {  	v2 =	vadd.f32 v7, v44;
	v7 =	vadd.f32 v8, v9;
	v8 =	vmul.f32 v35, v34;
	v13 =	vpop (erf);
	[tilespmem:s30+$0xA0] =	vst v0  }
0x1c8: {  	v4 =	vld [tilespmem:s0+$0x50];
	[tilespmem:$0x1FB90] =	vst v5;
	v38 =	vmul.f32 v13, v33  }
0x1c9: {  	s10 =	simm.s32 $0x7;
	[tilespmem:s30+$0xB0] =	vst v8  }
0x1ca: {  	v32 =	vmov s10;
	v44 =	vld [tilespmem:s11+$0x50];
	v8 =	vmul.f32 v13, v31;
	[tilespmem:s30+$0xC0] =	vst v38  }
0x1cb: {  	vm2 =	vgt.f32 v2, $0.0e+00;
	v0 =	vadd.f32 v25, v5;
	v29 =	vmul.f32 v13, v29;
	v25 =	vld.idx.msk [tilespmem:v19+s24+$0x0], $0xffff;
	[tilespmem:$0x1FBA0] =	vst v3  }
0x1cc: {  	s31 =	simm.s32 $0xB;
	vm3 =	vgt.f32 v7, $0.0e+00;
	v11 =	vadd.f32 v11, v3;
	v19 =	vmul.f32 $2.000000030e-01, v2;
	[tilespmem:s30+$0xD0] =	vst v8  }
0x1cd: {  	v1 =	vadd.f32 v1, v6;
	v31 =	vmov s31;
	v38 =	vmul.f32 $2.000000030e-01, v7;
	[tilespmem:s30+$0xE0] =	vst v29  }
0x1ce: {  	v9 =	vsel vm2, v2, v19;
	v19 =	vmul.f32 $2.000000030e-01, v11;
	v8 =	vmul.f32 v13, v28;
	v3 =	vld [tilespmem:s0+$0xFFFFFF20];
	[tilespmem:$0x1FBB0] =	vst v6  }
0x1cf: {  	v34 =	vsel vm3, v7, v38;
	v7 =	vld [tilespmem:s11+$0xFFFFFF20];
	v29 =	vadd.f32 v44, v4;
	v44 =	vmul.f32 $2.000000030e-01, v0  }
0x1d0: {  	vm2 =	vgt.f32 v0, $0.0e+00;
	vm3 =	vgt.f32 v11, $0.0e+00;
	v38 =	vmul.f32 $2.000000030e-01, v1;
	[tilespmem:s30+$0xF0] =	vst v8;
	v8 =	vld.idx.msk [tilespmem:v32+s24+$0x0], $0xffff  }
0x1d1: {  	v11 =	vsel vm3, v11, v19;
	v6 =	vsel vm2, v0, v44;
	vm2 =	vgt.f32 v1, $0.0e+00  }
0x1d2: {  	v44 =	vmul.f32 $2.000000030e-01, v29;
	vm3 =	vgt.f32 v29, $0.0e+00;
	v0 =	vlaneseq.u32  }
0x1d3: {  	[tilespmem:$0x1FBC0] =	vst v4;
	v38 =	vsel vm2, v1, v38;
	vm2 =	vlt.s32 v25, $0x1388;
	v25 =	vshll.u32 v25, $0x1  }
0x1d4: {  	v32 =	vld.idx.msk [tilespmem:v31+s24+$0x0], $0xffff;
	v10 =	vsel vm3, v29, v44;
	v25 =	vadd.s32 v0, v25  }
0x1d5: {  	v2 =	vld [tilespmem:s0+$0xFFFFFF60];
	v0 =	vlaneseq.u32;
	v7 =	vadd.f32 v7, v3;
	vm3 =	vlt.s32 v8, $0x1388  }
0x1d6: {  	v1 =	vld [tilespmem:s11+$0xFFFFFF60];
	[tilespmem:$0x1FBD0] =	vst v3;
	v8 =	vshll.u32 v8, $0x1;
	v3 =	vsel vm2, v25, v0;
	v0 =	vlaneseq.u32  }
0x1d7: {  	v31 =	vld [tilespmem:s0+$0xFFFFFFA0];
	v8 =	vadd.s32 v0, v8;
	v0 =	vlaneseq.u32  }
0x1d8: {  	vm4 =	vmand vm2, vm1;
	v8 =	vsel vm3, v8, v0;
	v0 =	vld [tilespmem:$0x1FBF0]  }
0x1d9: {  	v33 =	vld [tilespmem:s11+$0xFFFFFFA0]  }
0x1da: {  	v30 =	vld [tilespmem:s0+$0xFFFFFFE0]  }
0x1db: {  	v5 =	vld [tilespmem:s11+$0xFFFFFFE0]  }
0x1dc: {  	v29 =	vld [tilespmem:s0+$0x20]  }
0x1dd: {  	[tilespmem:$0x1FBE0] =	vst v2;
	v12 =	vmul.f32 v14, v0;
	v0 =	vld [tilespmem:$0x1FC00]  }
0x1de: {  	[tilespmem:v3+s25+$0x0] =	vst.idx.add.f32.msk vm4, v20  }
0x1df: {  	v3 =	vld [tilespmem:$0x1FC10]  }
0x1e0: {  	v19 =	vmul.f32 $2.000000030e-01, v7;
	v15 =	vld [tilespmem:$0x1FC20]  }
0x1e1: {  	vm2 =	vgt.f32 v7, $0.0e+00;
	v44 =	vshll.u32 v32, $0x1;
	v20 =	vld [tilespmem:$0x1FC40]  }
0x1e2: {  	v1 =	vadd.f32 v1, v2;
	v2 =	vlaneseq.u32;
	v7 =	vsel vm2, v7, v19  }
0x1e3: {  	v28 =	vld [tilespmem:s0+$0x60];
	vm2 =	vmand vm3, vm1;
	v19 =	vmul.f32 v14, v0;
	v0 =	vlaneseq.u32  }
0x1e4: {  	vm3 =	vlt.s32 v32, $0x1388;
	v32 =	vld [tilespmem:s11+$0x20];
	v0 =	vadd.s32 v0, v44;
	v3 =	vmul.f32 v14, v3  }
0x1e5: {  	v15 =	vmul.f32 v14, v15;
	v14 =	vsel vm0, v14, v43;
	v4 =	vsel vm3, v0, v2;
	v2 =	vld [tilespmem:s11+$0x60];
	[tilespmem:$0x1FC70] =	vst v31  }
0x1e6: {  	v25 =	vmul.f32 v43, v20;
	v20 =	vld [tilespmem:$0x1FC50];
	v0 =	vmul.f32 $2.000000030e-01, v1;
	[tilespmem:$0x1FC80] =	vst v14  }
0x1e7: {  	vm4 =	vgt.f32 v1, $0.0e+00;
	v44 =	vld [tilespmem:$0x1FC60];
	vm3 =	vmand vm3, vm1;
	[tilespmem:$0x1FC90] =	vst v30  }
0x1e8: {  	[tilespmem:$0x1FCA0] =	vst v29;
	v0 =	vsel vm4, v1, v0;
	v1 =	vld [tilespmem:$0x1FC30]  }
0x1e9: {  	[tilespmem:v8+s25+$0x0] =	vst.idx.add.f32.msk vm2, v37  }
0x1ea: {  	v33 =	vadd.f32 v33, v31;
	v14 =	vadd.f32 v32, v29;
	v32 =	vmul.f32 v36, v42;
	[tilespmem:$0x1FCB0] =	vst v28  }
0x1eb: {  	v9 =	vmul.f32 v9, v45;
	v5 =	vadd.f32 v5, v30;
	v8 =	vsel vm0, v35, v13;
	v31 =	vld [tilespmem:s0+$0xFFFFFF30]  }
0x1ec: {  	v13 =	vmul.f32 $2.000000030e-01, v33;
	vm2 =	vgt.f32 v33, $0.0e+00;
	v32 =	vadd.f32 $0.0e+00, v32;
	v36 =	vld [tilespmem:s0+$0xFFFFFF70]  }
0x1ed: {  	v2 =	vadd.f32 v2, v28;
	[tilespmem:v4+s25+$0x0] =	vst.idx.add.f32.msk vm3, v8;
	v4 =	vmul.f32 $2.000000030e-01, v5;
	v8 =	vmul.f32 $2.000000030e-01, v14  }
0x1ee: {  	v13 =	vsel vm2, v33, v13;
	vm2 =	vgt.f32 v5, $0.0e+00;
	v37 =	vld [tilespmem:s11+$0xFFFFFF70];
	vm3 =	vgt.f32 v14, $0.0e+00  }
0x1ef: {  	v29 =	vld [tilespmem:s0+$0xFFFFFFB0];
	v4 =	vsel vm2, v5, v4;
	v5 =	vsel vm3, v14, v8;
	v14 =	vmul.f32 $2.000000030e-01, v2  }
0x1f0: {  	v35 =	vld [tilespmem:s11+$0xFFFFFFB0];
	[tilespmem:s3+$0xFFFFFF00] =	vst v47;
	vm2 =	vgt.f32 v2, $0.0e+00  }
0x1f1: {  	v9 =	vadd.f32 v9, v32;
	[tilespmem:s3+$0xFFFFFF10] =	vst v48;
	v32 =	vld [tilespmem:s11+$0xFFFFFFF0];
	v2 =	vsel vm2, v2, v14;
	v14 =	vmul.f32 v41, v42  }
0x1f2: {  	[tilespmem:s3+$0xFFFFFF20] =	vst v49;
	v28 =	vld [tilespmem:s0+$0xFFFFFFF0]  }
0x1f3: {  	v46 =	vmul.f32 v46, v24;
	v6 =	vmul.f32 v6, v45;
	v8 =	vld [tilespmem:s11+$0xFFFFFF30];
	[tilespmem:$0x1FCC0] =	vst v31;
	v14 =	vadd.f32 $0.0e+00, v14  }
0x1f4: {  	v34 =	vmul.f32 v34, v27;
	[tilespmem:s3+$0xFFFFFF30] =	vst v50  }
0x1f5: {  	v33 =	vadd.f32 $0.0e+00, v46;
	v6 =	vadd.f32 v6, v14;
	v14 =	vmul.f32 v22, v42;
	v22 =	vld [tilespmem:s0+$0x30];
	[tilespmem:$0x1FCD0] =	vst v36  }
0x1f6: {  	v20 =	vmul.f32 v43, v20;
	[tilespmem:s3+$0xFFFFFF40] =	vst v51  }
0x1f7: {  	v44 =	vmul.f32 v43, v44;
	v1 =	vmul.f32 v43, v1;
	v43 =	vadd.f32 v34, v33;
	v33 =	vld [tilespmem:s11+$0x30];
	[tilespmem:s3+$0xFFFFFF50] =	vst v52  }
0x1f8: {  	v50 =	vld [tilespmem:s0+$0x70];
	[tilespmem:$0x1FCE0] =	vst v29  }
0x1f9: {  	[tilespmem:s3+$0xFFFFFF60] =	vst v23  }
0x1fa: {  	[tilespmem:s3+$0xFFFFFF70] =	vst v54  }
0x1fb: {  	[tilespmem:s3+$0xFFFFFF80] =	vst v59  }
0x1fc: {  	[tilespmem:s3+$0xFFFFFF90] =	vst v55  }
0x1fd: {  	[tilespmem:s3+$0xFFFFFFA0] =	vst v61  }
0x1fe: {  	[tilespmem:s3+$0xFFFFFFB0] =	vst v60  }
0x1ff: {  	[tilespmem:s3+$0xFFFFFFC0] =	vst v63  }
0x200: {  	v51 =	vmov v22;
	v52 =	vadd.f32 v33, v22;
	v22 =	vld [tilespmem:$0x1FCF0];
	_ =	sdelay $0x1  }
0x201: {  	v21 =	vmul.f32 v21, v24;
	_ =	sdelay $0x1  }
0x202: {  	v21 =	vadd.f32 $0.0e+00, v21;
	v11 =	vmul.f32 v11, v27;
	[tilespmem:s3+$0xFFFFFFE0] =	vst v62  }
0x203: {  	[tilespmem:s3+$0xFFFFFFD0] =	vst v22  }
0x204: {  	v11 =	vadd.f32 v11, v21;
	v21 =	vmul.f32 v26, v24;
	v22 =	vld [tilespmem:$0x1FD00]  }
0x205: {  	[tilespmem:s3+$0x0] =	vst v12  }
0x206: {  	v24 =	vmov s28;
	v21 =	vadd.f32 $0.0e+00, v21;
	v10 =	vmul.f32 v10, v27;
	[tilespmem:s3+$0x10] =	vst v19  }
0x207: {  	v26 =	vand.u32 $0xFFFFFFFC, v24;
	v38 =	vmul.f32 v38, v45;
	[tilespmem:s3+$0x20] =	vst v3  }
0x208: {  	v10 =	vadd.f32 v10, v21;
	v7 =	vmul.f32 v7, v56;
	v4 =	vmul.f32 v4, v53;
	[tilespmem:s3+$0x30] =	vst v15  }
0x209: {  	v0 =	vmul.f32 v0, v53;
	v35 =	vadd.f32 v35, v29;
	v41 =	vadd.f32 v37, v36;
	[tilespmem:s3+$0xFFFFFFF0] =	vst v22  }
0x20a: {  	v13 =	vmul.f32 v13, v56;
	v8 =	vadd.f32 v8, v31;
	v3 =	vadd.f32 v4, v11;
	v11 =	vld [tilespmem:$0x1FD10]  }
0x20b: {  	v7 =	vadd.f32 v7, v9;
	v49 =	vmul.f32 $2.000000030e-01, v35;
	v2 =	vmul.f32 v2, v53  }
0x20c: {  	v0 =	vadd.f32 v0, v43;
	v21 =	vmul.f32 $2.000000030e-01, v41;
	v34 =	vmul.f32 $2.000000030e-01, v8  }
0x20d: {  	v42 =	vadd.f32 v32, v28;
	vm2 =	vgt.f32 v8, $0.0e+00;
	v14 =	vadd.f32 $0.0e+00, v14  }
0x20e: {  	v6 =	vadd.f32 v13, v6;
	v13 =	vbroadcast v26, $0x0;
	v8 =	vsel vm2, v8, v34  }
0x20f: {  	s19 =	simm.s32 $0x2;
	vm2 =	vgt.f32 v41, $0.0e+00;
	v8 =	vmul.f32 v8, v58;
	v11 =	vmul.f32 $1.442695020e+00, v11  }
0x210: {  	v54 =	vmovc v28;
	v59 =	vmul.f32 $2.000000030e-01, v42;
	v28 =	vmov s19;
	v21 =	vsel vm2, v41, v21;
	[tilespmem:s3+$0x40] =	vst v1  }
0x211: {  	vm2 =	vgt.f32 v35, $0.0e+00;
	v7 =	vadd.f32 v8, v7;
	[tilespmem:s3+$0x50] =	vst v25;
	v8 =	vbroadcast v11, $0xF  }
0x212: {  	v48 =	vld [tilespmem:s11+$0x70];
	v14 =	vadd.f32 v38, v14;
	v29 =	vand.u32 $0xFFFFFFFE, v28;
	v38 =	vsel vm2, v35, v49;
	[tilespmem:s3+$0x60] =	vst v20  }
0x213: {  	s11 =	simm.s32 $0x1;
	s19 =	simm.s32 $0x880;
	vm2 =	vgt.f32 v42, $0.0e+00;
	v4 =	vbroadcast v29, $0x0;
	(erf) = vpow2.f32 v8;
	v8 =	vld [tilespmem:$0x1FD20]  }
0x214: {  	v5 =	vmul.f32 v5, v56;
	v27 =	vmov s11;
	v56 =	vld [tilespmem:s19+$0xA0];
	v42 =	vsel vm2, v42, v59  }
0x215: {  	v47 =	vld [tilespmem:s19+$0xE0];
	v61 =	vmul.f32 $2.000000030e-01, v52;
	v1 =	vadd.f32 v2, v10;
	v2 =	vmul.f32 v21, v57  }
0x216: {  	vm2 =	vgt.f32 v52, $0.0e+00;
	(xrf2) =	vadd.scan.msk.f32 $0xffff, v7;
	v7 =	vld.idx.msk [tilespmem:v13+s24+$0x0], $0xffff;
	v12 =	vand.u32 $0xFFFFFFFD, v27;
	v10 =	vmul.f32 v38, v58  }
0x217: {  	v9 =	vsel vm2, v52, v61;
	v52 =	vld [tilespmem:s19+$0xB0];
	v12 =	vbroadcast v12, $0x0;
	v0 =	vadd.f32 v2, v0;
	[tilespmem:s3+$0x70] =	vst v44  }
0x218: {  	v2 =	vadd.f32 v10, v6;
	v6 =	vmul.f32 v9, v58;
	s3 =	simm.s32 $0x4;
	v9 =	vld [tilespmem:$0x1FD30];
	v8 =	vmul.f32 v18, v8  }
0x219: {  	(xrf2) =	vadd.scan.msk.f32 $0xffff, v0;
	v0 =	vmov s3;
	v4 =	vld.idx.msk [tilespmem:v4+s24+$0x0], $0xffff;
	s3 =	simm.s32 $0x3080  }
0x21a: {  	v46 =	vadd.f32 v48, v50;
	v31 =	vld [tilespmem:s3+$0xB0];
	[tilespmem:s9+$0xFFFFFF00] =	vst v8  }
0x21b: {  	v11 =	vmul.f32 v42, v57;
	v10 =	vld [tilespmem:$0x1FD40]  }
0x21c: {  	v63 =	vmul.f32 $2.000000030e-01, v46;
	v37 =	vld [tilespmem:s3+$0xA0]  }
0x21d: {  	v5 =	vadd.f32 v5, v14;
	vm2 =	vgt.f32 v46, $0.0e+00;
	v3 =	vadd.f32 v11, v3;
	v11 =	vld [tilespmem:$0x1FD50]  }
0x21e: {  	v41 =	vsel vm2, v46, v63;
	v9 =	vmul.f32 v18, v9;
	v8 =	vld.idx.msk [tilespmem:v12+s24+$0x0], $0xffff  }
0x21f: {  	v5 =	vadd.f32 v6, v5;
	v6 =	vmul.f32 v41, v57;
	v12 =	vld [tilespmem:$0x1FD60]  }
0x220: {  	v13 =	vld [tilespmem:$0x1FD70];
	[tilespmem:s9+$0xFFFFFF10] =	vst v9;
	v10 =	vmul.f32 v18, v10  }
0x221: {  	v1 =	vadd.f32 v6, v1;
	v6 =	vld [tilespmem:$0x1FD80]  }
0x222: {  	v9 =	vld [tilespmem:$0x1FD90];
	v11 =	vmul.f32 v18, v11;
	[tilespmem:s9+$0xFFFFFF20] =	vst v10  }
0x223: {  	v10 =	vld [tilespmem:$0x1FDA0]  }
0x224: {  	v12 =	vmul.f32 v17, v12;
	v15 =	vld [tilespmem:$0x1FDB0];
	[tilespmem:s9+$0xFFFFFF30] =	vst v11  }
0x225: {  	v11 =	vld [tilespmem:$0x1FDC0]  }
0x226: {  	(xrf2) =	vadd.scan.msk.f32 $0xffff, v2;
	v13 =	vmul.f32 v17, v13;
	v2 =	vld [tilespmem:$0x1FDD0];
	[tilespmem:s9+$0xFFFFFF40] =	vst v12  }
0x227: {  	v12 =	vld [tilespmem:$0x1FDE0]  }
0x228: {  	v6 =	vmul.f32 v17, v6;
	v20 =	vld [tilespmem:$0x1FDF0];
	[tilespmem:s9+$0xFFFFFF50] =	vst v13  }
0x229: {  	v13 =	vld [tilespmem:$0x1FE00]  }
0x22a: {  	v23 =	vld [tilespmem:$0x1FE10];
	[tilespmem:s9+$0xFFFFFF60] =	vst v6  }
0x22b: {  	v9 =	vmul.f32 v17, v9;
	v6 =	vld [tilespmem:$0x1FE20]  }
0x22c: {  	(xrf2) =	vadd.scan.msk.f32 $0xffff, v3;
	v3 =	vld [tilespmem:$0x1FE30]  }
0x22d: {  	[tilespmem:s9+$0xFFFFFF70] =	vst v9;
	v9 =	vld [tilespmem:s3+$0xF0];
	v10 =	vmul.f32 v16, v10  }
0x22e: {  	v14 =	vshll.u32 v7, $0x1;
	vm2 =	vlt.s32 v7, $0x1388;
	v7 =	vld [tilespmem:$0x1FE40]  }
0x22f: {  	v35 =	vld [tilespmem:$0x1FE50];
	[tilespmem:s9+$0xFFFFFF80] =	vst v10  }
0x230: {  	v34, _, _ =	vpop (xrf2);
	(xrf2) =	vadd.scan.msk.f32 $0xffff, v5;
	v5 =	vld [tilespmem:$0x1FE80]  }
0x231: {  	v15 =	vmul.f32 v16, v15;
	v32 =	vmul.f32 v39, v23;
	v23 =	vld [tilespmem:s19+$0xF0]  }
0x232: {  	v22 =	vlaneseq.u32;
	v11 =	vmul.f32 v16, v11;
	v10 =	vld [tilespmem:$0x1FE60]  }
0x233: {  	v14 =	vadd.s32 v22, v14;
	v30 =	vshll.u32 v8, $0x1;
	vm3 =	vlt.s32 v8, $0x1388;
	v8 =	vld [tilespmem:$0x1FE70];
	[tilespmem:s9+$0xFFFFFF90] =	vst v15  }
0x234: {  	v14 =	vsel vm2, v14, v22;
	v42 =	vmul.f32 $1.442695020e+00, v34;
	v33 =	vpop (erf);
	v2 =	vmul.f32 v16, v2;
	v15 =	vld [tilespmem:$0x1FE90];
	[tilespmem:s9+$0xFFFFFFA0] =	vst v11  }
0x235: {  	v60, _, _ =	vpop (xrf2);
	(xrf2) =	vadd.scan.msk.f32 $0xffff, v1;
	v11 =	vld [tilespmem:s3+$0xE0];
	[tilespmem:$0x1FEA0] =	vst v14;
	v46 =	vmul.f32 v33, v5;
	v5 =	vadd.s32 v22, v30  }
0x236: {  	v21 =	vshll.u32 v4, $0x1;
	v12 =	vmul.f32 v39, v12;
	[tilespmem:s9+$0xFFFFFFB0] =	vst v2;
	v1 =	vsel vm3, v5, v22  }
0x237: {  	vm4 =	vlt.s32 v4, $0x1388;
	v4 =	vadd.s32 v22, v21;
	v21 =	vmul.f32 $1.442695020e+00, v60;
	v59 =	vld [tilespmem:s19+$0x90];
	[tilespmem:$0x1FEB0] =	vst v1  }
0x238: {  	v55 =	vbroadcast v42, $0xF;
	v4 =	vsel vm4, v4, v22;
	v20 =	vmul.f32 v39, v20;
	v5, _, _ =	vpop (xrf2);
	[tilespmem:s9+$0xFFFFFFC0] =	vst v12  }
0x239: {  	v1 =	vbroadcast v21, $0xF;
	v2 =	vld [tilespmem:s3+$0x90];
	[tilespmem:$0x1FEC0] =	vst v4;
	v4 =	vmul.f32 $1.442695020e+00, v5;
	v5 =	vsel vm0, v18, v17  }
0x23a: {  	(erf) = vpow2.f32 v55;
	v57 =	vld [tilespmem:s19+$0xD0];
	[tilespmem:$0x1FED0] =	vst v5  }
0x23b: {  	v13 =	vmul.f32 v39, v13;
	(erf) = vpow2.f32 v1;
	v1 =	vsel vm0, v16, v39;
	[tilespmem:s9+$0xFFFFFFD0] =	vst v20  }
0x23c: {  	v14 =	vld [tilespmem:s3+$0xD0];
	[tilespmem:$0x1FEE0] =	vst v1  }
0x23d: {  	v1 =	vsel vm0, v40, v33;
	[tilespmem:s9+$0xFFFFFFE0] =	vst v13  }
0x23e: {  	[tilespmem:$0x1FEF0] =	vst v1;
	v1 =	vbroadcast v4, $0xF  }
0x23f: {  	v6 =	vmul.f32 v40, v6;
	v5 =	vand.u32 $0xFFFFFFFC, v0  }
0x240: {  	s10 =	simm.s32 $0x5;
	v60 =	vld [tilespmem:s19+$0x80];
	[tilespmem:s9+$0xFFFFFFF0] =	vst v32;
	(erf) = vpow2.f32 v1;
	v1 =	vbroadcast v5, $0x0  }
0x241: {  	v13 =	vmov s10;
	v12 =	vld [tilespmem:s3+$0x80];
	[tilespmem:s9+$0x0] =	vst v6  }
0x242: {  	v3 =	vmul.f32 v40, v3;
	v0 =	vld [tilespmem:s19+$0xC0];
	[tilespmem:$0x1FF00] =	vst v1;
	v1 =	vand.u32 $0xFFFFFFFD, v13  }
0x243: {  	s11 =	simm.s32 $0x6;
	v1 =	vbroadcast v1, $0x0  }
0x244: {  	v62 =	vmov s11;
	[tilespmem:s9+$0x10] =	vst v3  }
0x245: {  	v7 =	vmul.f32 v40, v7;
	v13 =	vld [tilespmem:s3+$0xC0];
	[tilespmem:$0x1FF10] =	vst v1;
	v1 =	vand.u32 $0xFFFFFFFE, v62  }
0x246: {  	v4, _, _ =	vpop (xrf2);
	v1 =	vbroadcast v1, $0x0  }
0x247: {  	v36 =	vmul.f32 v40, v35;
	v4 =	vmul.f32 $1.442695020e+00, v4;
	v5, _, _ =	vpop (xrf2);
	[tilespmem:s9+$0x20] =	vst v7  }
0x248: {  	v10 =	vmul.f32 v33, v10;
	v3 =	vld [tilespmem:s3+$0xFFFFFF00];
	v7 =	vmul.f32 $1.442695020e+00, v5;
	[tilespmem:$0x1FF20] =	vst v1  }
0x249: {  	v4 =	vbroadcast v4, $0xF;
	v5 =	vadd.f32 v9, v23;
	v9 =	vadd.f32 v11, v47;
	v11, _, _ =	vpop (xrf2);
	[tilespmem:s9+$0x30] =	vst v36  }
0x24a: {  	v63 =	vbroadcast v7, $0xF;
	v7 =	vadd.f32 v2, v59;
	v2 =	vmul.f32 $1.442695020e+00, v11;
	v58 =	vld [tilespmem:s19+$0xFFFFFF40];
	[tilespmem:$0x1FF30] =	vst v23  }
0x24b: {  	v8 =	vmul.f32 v33, v8;
	[tilespmem:s9+$0x40] =	vst v10  }
0x24c: {  	(erf) = vpow2.f32 v4;
	v4 =	vld [tilespmem:s3+$0xFFFFFF40];
	[tilespmem:$0x1FF40] =	vst v47  }
0x24d: {  	s31 =	simm.s32 $0x8;
	vm2 =	vmand vm2, vm1;
	v6 =	vadd.f32 v31, v52;
	[tilespmem:s9+$0x50] =	vst v8  }
0x24e: {  	v55 =	vmov s31;
	vm4 =	vmand vm4, vm1;
	v15 =	vmul.f32 v33, v15;
	v23 =	vld [tilespmem:s19+$0xFFFFFF80];
	[tilespmem:$0x1FF50] =	vst v2;
	v2 =	vpop (erf)  }
0x24f: {  	vm3 =	vmand vm3, vm1;
	vm5 =	vgt.f32 v6, $0.0e+00;
	v1 =	vadd.f32 v12, v60;
	[tilespmem:$0x1FF60] =	vst v2  }
0x250: {  	v12 =	vadd.f32 v13, v0;
	v11 =	vadd.f32 v14, v57;
	v13 =	vmul.f32 $2.000000030e-01, v6;
	[tilespmem:s9+$0x60] =	vst v46;
	v8 =	vld [tilespmem:s3+$0xFFFFFF80]  }
0x251: {  	s2 =	simm.s32 $0x5680;
	s0 =	simm.s32 $0xC;
	v14 =	vmul.f32 $2.000000030e-01, v1;
	v10 =	vadd.f32 v37, v56;
	(erf) = vpow2.f32 v63;
	v49 =	vpop (erf);
	[tilespmem:s9+$0x70] =	vst v15;
	v53 =	vld [tilespmem:s19+$0xFFFFFFC0];
	s9 =	simm.s32 $0x10  }
.LBB2_7:
0x252: {  	v38 =	vld [tilespmem:$0x1FF70];
	_ =	sdelay $0x2  }
0x253: {  	v15 =	vld [tilespmem:s3+$0xFFFFFFC0];
	vm7 =	vgt.f32 v1, $0.0e+00  }
0x254: {  	v24 =	vld [tilespmem:s19+$0x0];
	v1 =	vsel vm7, v1, v14  }
0x255: {  	v18 =	vmul.f32 v1, v38;
	v1 =	vld [tilespmem:$0x1FF80]  }
0x256: {  	vm8 =	vgt.f32 v10, $0.0e+00;
	v2 =	vld [tilespmem:$0x1FF90]  }
0x257: {  	v16 =	vmul.f32 $2.000000030e-01, v10;
	v40 =	vld [tilespmem:$0x1FFB0];
	vm6 =	vgt.f32 v9, $0.0e+00;
	v14 =	vmul.f32 $2.000000030e-01, v7  }
0x258: {  	vm7 =	vgt.f32 v7, $0.0e+00;
	vm9 =	vgt.f32 v11, $0.0e+00;
	v13 =	vsel vm5, v6, v13;
	v6 =	vld [tilespmem:$0x1FFA0]  }
0x259: {  	[tilespmem:$0x1F920] =	vst v55;
	v55 =	vld [tilespmem:$0x1FFC0];
	v19 =	vmul.f32 $2.000000030e-01, v11;
	v7 =	vsel vm7, v7, v14;
	v14 =	vmul.f32 $2.000000030e-01, v12  }
0x25a: {  	v17 =	vld [tilespmem:s3+$0x0];
	vm7 =	vgt.f32 v12, $0.0e+00;
	v18 =	vadd.f32 $0.0e+00, v18;
	v21 =	vmul.f32 v7, v1  }
0x25b: {  	v48 =	vld [tilespmem:$0x1FFD0];
	v39 =	vmul.f32 $2.000000030e-01, v9;
	v10 =	vsel vm8, v10, v16;
	v12 =	vsel vm7, v12, v14  }
0x25c: {  	v10 =	vmul.f32 v10, v2;
	v12 =	vmul.f32 v12, v40;
	v7 =	vld [tilespmem:s19+$0xFFFFFF00];
	v14 =	vadd.f32 v21, v18  }
0x25d: {  	v37 =	vsel vm9, v11, v19;
	v42 =	vadd.f32 v4, v58;
	v4 =	vld [tilespmem:$0x1FFE0];
	v13 =	vmul.f32 v13, v6  }
0x25e: {  	v25 =	vld [tilespmem:s19+$0x40];
	v12 =	vadd.f32 $0.0e+00, v12;
	v10 =	vadd.f32 v10, v14;
	v14 =	vmul.f32 v37, v55  }
0x25f: {  	v20 =	vld [tilespmem:s3+$0x40];
	vm5 =	vgt.f32 v5, $0.0e+00;
	v19 =	vsel vm6, v9, v39;
	v21 =	vmul.f32 $2.000000030e-01, v5  }
0x260: {  	v26 =	vld [tilespmem:s19+$0xFFFFFF10];
	v10 =	vadd.f32 v13, v10;
	v12 =	vadd.f32 v14, v12;
	v13 =	vmul.f32 v19, v48  }
0x261: {  	v36 =	vld [tilespmem:s3+$0xFFFFFF10];
	v14 =	vadd.f32 v3, v7;
	v3 =	vsel vm5, v5, v21  }
0x262: {  	v41 =	vld [tilespmem:s3+$0xFFFFFF50];
	v3 =	vmul.f32 v3, v4;
	v12 =	vadd.f32 v13, v12  }
0x263: {  	v22 =	vld [tilespmem:s3+$0xFFFFFF90];
	(xrf2) =	vadd.scan.msk.f32 $0xffff, v10  }
0x264: {  	v31 =	vld [tilespmem:s19+$0x10];
	v12 =	vadd.f32 v3, v12  }
0x265: {  	v5 =	vld [tilespmem:s19+$0xFFFFFFD0]  }
0x266: {  	v13 =	vadd.f32 v15, v53;
	v15 =	vld [tilespmem:s3+$0xFFFFFFD0];
	(xrf2) =	vadd.scan.msk.f32 $0xffff, v12  }
0x267: {  	v3 =	vld [tilespmem:s19+$0x50]  }
0x268: {  	v17 =	vadd.f32 v17, v24;
	v12 =	vld [tilespmem:s3+$0x50]  }
0x269: {  	v27 =	vld [tilespmem:s3+$0x10];
	v10 =	vmul.f32 $2.000000030e-01, v14  }
0x26a: {  	v8 =	vadd.f32 v8, v23;
	v28 =	vmul.f32 $2.000000030e-01, v17;
	v21 =	vld [tilespmem:s19+$0xFFFFFF20];
	vm5 =	vgt.f32 v14, $0.0e+00  }
0x26b: {  	[tilespmem:$0x1F940] =	vst v23;
	v23 =	vmul.f32 $2.000000030e-01, v42;
	v10 =	vsel vm5, v14, v10;
	v14 =	vld [tilespmem:s3+$0xFFFFFF20];
	vm5 =	vgt.f32 v17, $0.0e+00  }
0x26c: {  	v47 =	vld [tilespmem:s3+$0xFFFFFFA0];
	v43 =	vadd.f32 v20, v25;
	vm6 =	vgt.f32 v42, $0.0e+00;
	v17 =	vsel vm5, v17, v28  }
0x26d: {  	v11 =	vld [tilespmem:s19+$0xFFFFFF50];
	v30 =	vadd.f32 v15, v5;
	v15 =	vsel vm6, v42, v23;
	v28 =	vadd.f32 v12, v3;
	v12, _, _ =	vpop (xrf2)  }
0x26e: {  	v9 =	vld [tilespmem:s19+$0xFFFFFF90];
	v16 =	vadd.f32 v36, v26;
	v32 =	vmul.f32 $1.442695020e+00, v12  }
0x26f: {  	v61 =	vpop (erf);
	v20 =	vld [tilespmem:s19+$0xFFFFFF60];
	v44 =	vmul.f32 $2.000000030e-01, v8;
	vm7 =	vgt.f32 v8, $0.0e+00;
	v29 =	vmul.f32 $2.000000030e-01, v43  }
0x270: {  	v36 =	vld [tilespmem:s3+$0xFFFFFFE0];
	v39 =	vmul.f32 v15, v40;
	v33 =	vadd.f32 v14, v21;
	v14 =	vbroadcast v32, $0xF;
	v15, _, _ =	vpop (xrf2)  }
0x271: {  	[tilespmem:$0x1F8B0] =	vst v26;
	v62 =	vpop (erf);
	v26 =	vmul.f32 $2.000000030e-01, v16;
	v46 =	vsel vm7, v8, v44;
	v8 =	vld [tilespmem:s19+$0xFFFFFFA0];
	v15 =	vmul.f32 $1.442695020e+00, v15  }
0x272: {  	v63 =	vpop (erf);
	v19 =	vmul.f32 v46, v38;
	v46 =	vld [tilespmem:s3+$0xFFFFFFB0];
	(erf) = vpow2.f32 v14  }
0x273: {  	[tilespmem:$0x1F950] =	vst v53;
	v53 =	vld [tilespmem:s3+$0xFFFFFF60];
	v45 =	vmul.f32 $2.000000030e-01, v13;
	v15 =	vbroadcast v15, $0xF  }
0x274: {  	[tilespmem:$0x1F8D0] =	vst v51;
	v22 =	vadd.f32 v22, v9;
	vm13 =	vgt.f32 v13, $0.0e+00;
	v51 =	vmul.f32 v10, v38;
	v10 =	vld [tilespmem:s19+$0x20]  }
0x275: {  	vm5 =	vgt.f32 v16, $0.0e+00;
	v13 =	vsel vm13, v13, v45;
	v45 =	vld [tilespmem:s3+$0xFFFFFF30];
	(erf) = vpow2.f32 v15  }
0x276: {  	[tilespmem:$0x1F930] =	vst v58;
	vm14 =	vgt.f32 v43, $0.0e+00;
	v58 =	vmul.f32 $2.000000030e-01, v22;
	v26 =	vsel vm5, v16, v26;
	v16 =	vld [tilespmem:s19+$0xFFFFFFB0]  }
0x277: {  	[tilespmem:$0x1F8C0] =	vst v24;
	vm7 =	vgt.f32 v22, $0.0e+00;
	v18 =	vadd.f32 v41, v11;
	v44 =	vmul.f32 v17, v38;
	v17 =	vld [tilespmem:s19+$0xFFFFFFF0]  }
0x278: {  	[tilespmem:$0x1F8E0] =	vst v25;
	v24 =	vsel vm14, v43, v29;
	v22 =	vsel vm7, v22, v58;
	v25 =	vadd.f32 v53, v20;
	v53 =	vld [tilespmem:s3+$0x60]  }
0x279: {  	v23 =	vadd.f32 v27, v31;
	v27 =	vmul.f32 $2.000000030e-01, v18;
	v43 =	vmul.f32 v13, v40;
	v13 =	vld [tilespmem:s19+$0xFFFFFF30]  }
0x27a: {  	v22 =	vmul.f32 v22, v1;
	vm6 =	vgt.f32 v18, $0.0e+00;
	v26 =	vmul.f32 v26, v1;
	v14 =	vld [tilespmem:s19+$0x60]  }
0x27b: {  	v34 =	vmul.f32 $2.000000030e-01, v30;
	v35 =	vmul.f32 $2.000000030e-01, v23;
	v27 =	vsel vm6, v18, v27;
	v18 =	vld [tilespmem:s3+$0xFFFFFF70];
	v41 =	vpop (erf)  }
0x27c: {  	[tilespmem:$0x1F8F0] =	vst v31;
	v31 =	vadd.f32 v47, v8;
	v12 =	vld [tilespmem:s19+$0xFFFFFFE0];
	v37 =	vmul.f32 $2.000000030e-01, v28;
	v58 =	vmul.f32 v41, v60  }
0x27d: {  	s30 =	sadd.s32 $0x200, s30;
	[tilespmem:$0x1F910] =	vst v8;
	v32 =	vadd.f32 $0.0e+00, v51;
	v51 =	vadd.f32 $0.0e+00, v19;
	v19 =	vld [tilespmem:s19+$0x70];
	v56 =	vmul.f32 v41, v56  }
0x27e: {  	vm5 =	vgt.f32 v28, $0.0e+00;
	v8 =	vmul.f32 v41, v59;
	v52 =	vmul.f32 v41, v52;
	[tilespmem:s30+$0x80] =	vst v58;
	v58 =	vld [tilespmem:s3+$0x70];
	v59 =	vpop (erf)  }
0x27f: {  	v28 =	vsel vm5, v28, v37;
	v37 =	vadd.f32 v53, v14;
	v53 =	vld [tilespmem:s3+$0xFFFFFFF0];
	[tilespmem:s30+$0xA0] =	vst v56;
	v0 =	vmul.f32 v59, v0  }
0x280: {  	vm15 =	vgt.f32 v30, $0.0e+00;
	vm12 =	vgt.f32 v23, $0.0e+00;
	[tilespmem:s30+$0xB0] =	vst v52;
	v56 =	vld [tilespmem:$0x1FF00];
	v52 =	vmul.f32 v59, v57  }
0x281: {  	v27 =	vmul.f32 v27, v55;
	v30 =	vsel vm15, v30, v34;
	v36 =	vadd.f32 v36, v12;
	[tilespmem:s30+$0xC0] =	vst v0;
	v0 =	vld [tilespmem:$0x1FF40]  }
0x282: {  	v23 =	vsel vm12, v23, v35;
	v35 =	vmul.f32 $2.000000030e-01, v25;
	v30 =	vmul.f32 v30, v55;
	[tilespmem:s30+$0xD0] =	vst v52;
	v52 =	vld [tilespmem:$0x1FF30]  }
0x283: {  	v28 =	vmul.f32 v28, v55;
	v47 =	vmul.f32 $2.000000030e-01, v36;
	v55 =	vadd.f32 v58, v19;
	v58 =	vld [tilespmem:$0x1FEA0]  }
0x284: {  	s10 =	sadd.s32 $0x3, s0;
	vm6 =	vgt.f32 v25, $0.0e+00;
	v23 =	vmul.f32 v23, v1;
	v1 =	vld [tilespmem:$0x1FAF0];
	vm13 =	vgt.f32 v36, $0.0e+00  }
0x285: {  	v25 =	vsel vm6, v25, v35;
	v35 =	vsel vm13, v36, v47;
	v47 =	vld [tilespmem:$0x1FED0];
	v57 =	vmov s10  }
0x286: {  	[tilespmem:s30+$0x90] =	vst v8;
	v8 =	vmov v50;
	v50 =	vadd.f32 v53, v17;
	v53 =	vld [tilespmem:$0x1FF10];
	v0 =	vmul.f32 v59, v0  }
0x287: {  	v15 =	vld [tilespmem:s19+$0xFFFFFF70];
	v52 =	vmul.f32 v59, v52  }
0x288: {  	v34 =	vmul.f32 $2.000000030e-01, v33;
	v56 =	vld.idx.msk [tilespmem:v56+s24+$0x0], $0xffff;
	[tilespmem:s30+$0xE0] =	vst v0  }
0x289: {  	vm5 =	vgt.f32 v33, $0.0e+00;
	[tilespmem:s30+$0xF0] =	vst v52;
	v52 =	vld [tilespmem:$0x1FEB0]  }
0x28a: {  	v33 =	vsel vm5, v33, v34;
	v34 =	vld.idx.msk [tilespmem:v57+s24+$0x0], $0xffff  }
0x28b: {  	[tilespmem:v58+s25+$0x0] =	vst.idx.add.f32.msk vm2, v1;
	v1 =	vmov v47  }
0x28c: {  	[tilespmem:$0x1FAF0] =	vst v1;
	v1 =	vld [tilespmem:$0x1FB40]  }
0x28d: {  	v57 =	vld [tilespmem:$0x1FEE0]  }
0x28e: {  	v53 =	vld.idx.msk [tilespmem:v53+s24+$0x0], $0xffff  }
0x28f: {  	v0 =	vld [tilespmem:$0x1FF20]  }
0x290: {  	v58 =	vld [tilespmem:$0x1FEC0]  }
0x291: {  	[tilespmem:v52+s25+$0x0] =	vst.idx.add.f32.msk vm3, v1  }
0x292: {  	v1 =	vmov v57;
	v52 =	vld [tilespmem:$0x1FEF0]  }
0x293: {  	[tilespmem:$0x1FB40] =	vst v1;
	v1 =	vld [tilespmem:$0x1FC80]  }
0x294: {  	v42 =	vld [tilespmem:s3+$0x20]  }
0x295: {  	[tilespmem:$0x1F900] =	vst v3;
	v3 =	vmov v54;
	v54 =	vld [tilespmem:s3+$0x30]  }
0x296: {  	v60 =	vadd.f32 v18, v15;
	v18 =	vld [tilespmem:s19+$0x30]  }
0x297: {  	v0 =	vld.idx.msk [tilespmem:v0+s24+$0x0], $0xffff  }
0x298: {  	[tilespmem:v58+s25+$0x0] =	vst.idx.add.f32.msk vm4, v1;
	v1 =	vmov v52  }
0x299: {  	[tilespmem:$0x1FC80] =	vst v1;
	v1 =	vld [tilespmem:$0x1FF50];
	_ =	sdelay $0x1  }
0x29a: {  	v24 =	vmul.f32 v24, v40;
	v40 =	vmul.f32 $2.000000030e-01, v37  }
0x29b: {  	v44 =	vadd.f32 $0.0e+00, v44;
	vm5 =	vgt.f32 v37, $0.0e+00  }
0x29c: {  	v25 =	vmul.f32 v25, v48;
	v37 =	vsel vm5, v37, v40;
	v58 =	vmul.f32 v35, v48;
	v35 =	vld [tilespmem:$0x1FF60]  }
0x29d: {  	v23 =	vadd.f32 v23, v44;
	v44 =	vmul.f32 v37, v48;
	v48 =	vbroadcast v1, $0xF;
	v1 =	vld [tilespmem:$0x1FAD0]  }
0x29e: {  	v39 =	vadd.f32 $0.0e+00, v39;
	v54 =	vadd.f32 v54, v18  }
0x29f: {  	vm7 =	vgt.f32 v31, $0.0e+00;
	v29 =	vadd.f32 v42, v10;
	v42 =	vmul.f32 $2.000000030e-01, v31  }
0x2a0: {  	v27 =	vadd.f32 v27, v39;
	v40 =	vmul.f32 $2.000000030e-01, v50;
	v39 =	vmul.f32 $2.000000030e-01, v54  }
0x2a1: {  	v31 =	vsel vm7, v31, v42;
	vm6 =	vgt.f32 v50, $0.0e+00;
	vm7 =	vgt.f32 v54, $0.0e+00  }
0x2a2: {  	v40 =	vsel vm6, v50, v40;
	v50 =	vsel vm7, v54, v39;
	v39 =	vmul.f32 v35, v1;
	v1 =	vld [tilespmem:$0x1FB70];
	_ =	sdelay $0x2  }
0x2a3: {  	v42 =	vmul.f32 $2.000000030e-01, v55  }
0x2a4: {  	v22 =	vadd.f32 v22, v51;
	vm15 =	vgt.f32 v55, $0.0e+00  }
0x2a5: {  	v51 =	vsel vm15, v55, v42;
	v55 =	vmul.f32 v40, v4;
	v40 =	vmul.f32 v35, v1;
	v1 =	vld [tilespmem:$0x1FBD0];
	_ =	sdelay $0x4  }
0x2a6: {  	v47 =	vsel vm0, v41, v59;
	v41 =	vmul.f32 v35, v1;
	v1 =	vmov v7  }
0x2a7: {  	[tilespmem:$0x1FAD0] =	vst v1;
	v1 =	vld [tilespmem:$0x1FCC0]  }
0x2a8: {  	v38 =	vmul.f32 $2.000000030e-01, v29  }
0x2a9: {  	vm14 =	vgt.f32 v29, $0.0e+00  }
0x2aa: {  	v31 =	vmul.f32 v31, v2;
	v29 =	vsel vm14, v29, v38  }
0x2ab: {  	v33 =	vmul.f32 v33, v2;
	v29 =	vmul.f32 v29, v2;
	v2 =	vld [tilespmem:$0x1F8B0]  }
0x2ac: {  	v7 =	vmul.f32 v35, v1;
	v1 =	vld [tilespmem:$0x1FAE0];
	_ =	sdelay $0x2  }
0x2ad: {  	v24 =	vadd.f32 $0.0e+00, v24;
	v43 =	vadd.f32 $0.0e+00, v43  }
0x2ae: {  	v46 =	vadd.f32 v46, v16;
	v45 =	vadd.f32 v45, v13  }
0x2af: {  	v30 =	vadd.f32 v30, v43;
	v43 =	vlaneseq.u32;
	v42 =	vmul.f32 v49, v1;
	v1 =	vmovc v2  }
0x2b0: {  	v26 =	vadd.f32 v26, v32;
	v32 =	vmul.f32 $2.000000030e-01, v46;
	v24 =	vadd.f32 v28, v24;
	[tilespmem:$0x1FB70] =	vst v1;
	v1 =	vld [tilespmem:$0x1FB80]  }
0x2b1: {  	vm5 =	vgt.f32 v46, $0.0e+00;
	vm2 =	vlt.s32 v34, $0x1388;
	v34 =	vshll.u32 v34, $0x1  }
0x2b2: {  	v36 =	vmul.f32 $2.000000030e-01, v45;
	v32 =	vsel vm5, v46, v32;
	v57 =	vadd.s32 v43, v34  }
0x2b3: {  	vm3 =	vmand vm2, vm1;
	v28 =	vsel vm2, v57, v43;
	vm2 =	vgt.f32 v45, $0.0e+00  }
0x2b4: {  	v54 =	vmul.f32 v32, v6;
	v57 =	vmul.f32 v50, v6;
	v36 =	vsel vm2, v45, v36  }
0x2b5: {  	v36 =	vmul.f32 v36, v6;
	v6 =	vmul.f32 v49, v1;
	v1 =	vld [tilespmem:$0x1FBE0];
	_ =	sdelay $0x1  }
0x2b6: {  	v38 =	vmul.f32 $2.000000030e-01, v60  }
0x2b7: {  	vm4 =	vgt.f32 v60, $0.0e+00  }
0x2b8: {  	v45 =	vsel vm4, v60, v38  }
0x2b9: {  	v52 =	vmul.f32 v45, v4;
	v45 =	vmul.f32 v49, v1;
	v1 =	vmov v11  }
0x2ba: {  	[tilespmem:$0x1FB80] =	vst v1;
	v1 =	vld [tilespmem:$0x1FCD0];
	_ =	sdelay $0x4  }
0x2bb: {  	v11 =	vmul.f32 v49, v1;
	v1 =	vld [tilespmem:$0x1FB20];
	_ =	sdelay $0x4  }
0x2bc: {  	v46 =	vmul.f32 v61, v1;
	v1 =	vmov v21  }
0x2bd: {  	[tilespmem:$0x1FBD0] =	vst v1;
	v1 =	vld [tilespmem:$0x1FB90];
	_ =	sdelay $0x4  }
0x2be: {  	[tilespmem:s2+$0xFFFFFF30] =	vst v7;
	v7 =	vmul.f32 v61, v1;
	v1 =	vld [tilespmem:$0x1FC70];
	_ =	sdelay $0x4  }
0x2bf: {  	v21 =	vmul.f32 v61, v1;
	v1 =	vmov v9  }
0x2c0: {  	[tilespmem:$0x1FB90] =	vst v1;
	v1 =	vld [tilespmem:$0x1FCE0];
	_ =	sdelay $0x3  }
0x2c1: {  	v26 =	vadd.f32 v33, v26  }
0x2c2: {  	v25 =	vadd.f32 v25, v27;
	v9 =	vmul.f32 v61, v1;
	v1 =	vld [tilespmem:$0x1FB30]  }
0x2c3: {  	v22 =	vadd.f32 v31, v22;
	v26 =	vadd.f32 v36, v26  }
0x2c4: {  	v25 =	vadd.f32 v52, v25  }
0x2c5: {  	v22 =	vadd.f32 v54, v22;
	(xrf2) =	vadd.scan.msk.f32 $0xffff, v26  }
0x2c6: {  	(xrf2) =	vadd.scan.msk.f32 $0xffff, v25  }
0x2c7: {  	(xrf2) =	vadd.scan.msk.f32 $0xffff, v22;
	v22 =	vmul.f32 v62, v1;
	v1 =	vmov v20  }
0x2c8: {  	[tilespmem:$0x1FBE0] =	vst v1;
	v1 =	vld [tilespmem:$0x1FBA0];
	_ =	sdelay $0x4  }
0x2c9: {  	[tilespmem:s2+$0xFFFFFF50] =	vst v6;
	v6 =	vmul.f32 v62, v1;
	v1 =	vld [tilespmem:$0x1FC90];
	_ =	sdelay $0x4  }
0x2ca: {  	v20 =	vmul.f32 v62, v1;
	v1 =	vmov v5  }
0x2cb: {  	[tilespmem:$0x1FBA0] =	vst v1;
	v1 =	vld [tilespmem:$0x1FB50];
	_ =	sdelay $0x4  }
0x2cc: {  	v50 =	vmul.f32 v63, v1;
	v1 =	vld [tilespmem:$0x1FBB0];
	_ =	sdelay $0x3  }
0x2cd: {  	v2 =	vld [tilespmem:$0x1F8C0]  }
0x2ce: {  	(erf) = vpow2.f32 v48;
	[tilespmem:s2+$0xFFFFFF70] =	vst v11;
	v11 =	vmul.f32 v63, v1;
	v1 =	vld [tilespmem:$0x1FCA0]  }
0x2cf: {  	v23 =	vadd.f32 v29, v23;
	[tilespmem:v28+s25+$0x0] =	vst.idx.add.f32.msk vm3, v47;
	v47 =	vshll.u32 v53, $0x1  }
0x2d0: {  	vm3 =	vlt.s32 v53, $0x1388;
	v60 =	vshll.u32 v0, $0x1;
	v29 =	vadd.s32 v43, v47  }
0x2d1: {  	s19 =	sadd.s32 $0x200, s19;
	vm4 =	vlt.s32 v0, $0x1388;
	v0 =	vadd.s32 v43, v60;
	v60 =	vsel vm3, v29, v43  }
0x2d2: {  	v47 =	vld [tilespmem:s19+$0xE0];
	[tilespmem:$0x1FEB0] =	vst v60  }
0x2d3: {  	v30 =	vadd.f32 v58, v30;
	[tilespmem:s2+$0xFFFFFF20] =	vst v41;
	v41 =	vmul.f32 v63, v1;
	v1 =	vmov v2  }
0x2d4: {  	v0 =	vsel vm4, v0, v43;
	[tilespmem:$0x1FB50] =	vst v1;
	v1 =	vld [tilespmem:$0x1F8D0]  }
0x2d5: {  	v59 =	vadd.f32 v55, v30;
	[tilespmem:$0x1FEC0] =	vst v0  }
0x2d6: {  	v24 =	vadd.f32 v44, v24;
	v23 =	vadd.f32 v57, v23;
	[tilespmem:s2+$0xFFFFFF10] =	vst v40;
	v40 =	vld [tilespmem:s19+$0xF0]  }
0x2d7: {  	v58 =	vmul.f32 v51, v4;
	[tilespmem:$0x1FF40] =	vst v47;
	v48 =	vmul.f32 v62, v3;
	(xrf2) =	vadd.scan.msk.f32 $0xffff, v59;
	v51 =	vpop (erf)  }
0x2d8: {  	v44 =	vshll.u32 v56, $0x1;
	[tilespmem:s2+$0xFFFFFF40] =	vst v42;
	v42, _, _ =	vpop (xrf2);
	(xrf2) =	vadd.scan.msk.f32 $0xffff, v23;
	v23 =	vmul.f32 v51, v8;
	v8 =	vld [tilespmem:$0x1F910]  }
0x2d9: {  	v30 =	vadd.s32 v43, v44;
	[tilespmem:s2+$0xFFFFFFF0] =	vst v48;
	v44 =	vmul.f32 v63, v1;
	v1 =	vld [tilespmem:$0x1FB60]  }
0x2da: {  	[tilespmem:s2+$0xFFFFFF00] =	vst v39  }
0x2db: {  	v4 =	vld [tilespmem:$0x1FCB0];
	[tilespmem:$0x1FF30] =	vst v40  }
0x2dc: {  	[tilespmem:s2+$0x70] =	vst v23  }
0x2dd: {  	v3 =	vld [tilespmem:$0x1F8E0];
	[tilespmem:s2+$0xFFFFFF60] =	vst v45  }
0x2de: {  	v8 =	vmov v8;
	[tilespmem:s2+$0xFFFFFF80] =	vst v46;
	v45 =	vmul.f32 v51, v1;
	v1 =	vld [tilespmem:$0x1FBC0]  }
0x2df: {  	[tilespmem:$0x1FC70] =	vst v8  }
0x2e0: {  	[tilespmem:s2+$0xFFFFFFA0] =	vst v21;
	v21 =	vmul.f32 v51, v4  }
0x2e1: {  	[tilespmem:s2+$0xFFFFFF90] =	vst v7  }
0x2e2: {  	[tilespmem:s2+$0x60] =	vst v21  }
0x2e3: {  	[tilespmem:s2+$0xFFFFFFB0] =	vst v9;
	v7 =	vmul.f32 v51, v1;
	v1 =	vmov v3;
	v3 =	vld [tilespmem:$0x1F8F0]  }
0x2e4: {  	[tilespmem:s2+$0xFFFFFFC0] =	vst v22  }
0x2e5: {  	[tilespmem:s2+$0xFFFFFFD0] =	vst v6  }
0x2e6: {  	[tilespmem:s2+$0xFFFFFFE0] =	vst v20;
	v20 =	vsel vm0, v35, v49  }
0x2e7: {  	vm2 =	vlt.s32 v56, $0x1388;
	[tilespmem:$0x1FED0] =	vst v20  }
0x2e8: {  	[tilespmem:s2+$0x0] =	vst v50;
	v4 =	vmov v3;
	v3 =	vsel vm2, v30, v43  }
0x2e9: {  	v6 =	vmov v10;
	[tilespmem:$0x1FEA0] =	vst v3;
	v3 =	vld [tilespmem:$0x1F900]  }
0x2ea: {  	v56 =	vld [tilespmem:s19+$0xA0];
	[tilespmem:$0x1FCA0] =	vst v6;
	v6 =	vsel vm0, v61, v62  }
0x2eb: {  	v57 =	vld [tilespmem:s19+$0xD0];
	[tilespmem:$0x1FEE0] =	vst v6  }
0x2ec: {  	v60 =	vld [tilespmem:s19+$0x80];
	v54, _, _ =	vpop (xrf2);
	[tilespmem:s2+$0x10] =	vst v11  }
0x2ed: {  	v24 =	vadd.f32 v58, v24;
	v52 =	vld [tilespmem:s19+$0xB0];
	v6 =	vmov v15;
	[tilespmem:$0x1FBB0] =	vst v4;
	v4, _, _ =	vpop (xrf2)  }
0x2ee: {  	s3 =	sadd.s32 $0x200, s3;
	v59 =	vld [tilespmem:s19+$0x90];
	[tilespmem:$0x1FCD0] =	vst v6;
	v22 =	vmovc v3;
	v3 =	vmov v12;
	v12 =	vmul.f32 $1.442695020e+00, v4;
	v4 =	vmov v14  }
0x2ef: {  	(xrf2) =	vadd.scan.msk.f32 $0xffff, v24;
	v8 =	vld [tilespmem:s3+$0x90];
	[tilespmem:$0x1FCB0] =	vst v4;
	v4 =	vsel vm0, v63, v51  }
0x2f0: {  	v46 =	vmul.f32 $1.442695020e+00, v42;
	[tilespmem:$0x1FEF0] =	vst v4;
	v4 =	vld [tilespmem:$0x1F920]  }
0x2f1: {  	v55 =	vmul.f32 $1.442695020e+00, v54;
	v9 =	vld [tilespmem:s3+$0xE0];
	[tilespmem:s2+$0x50] =	vst v7  }
0x2f2: {  	v38 =	vbroadcast v46, $0xF;
	v5 =	vld [tilespmem:s3+$0xB0];
	[tilespmem:$0x1FBC0] =	vst v22  }
0x2f3: {  	s10 =	sadd.s32 $0x1, s31;
	v7 =	vld [tilespmem:$0x1F930];
	[tilespmem:$0x1FC90] =	vst v3;
	v22 =	vbroadcast v55, $0xF;
	v3 =	vmov v13  }
0x2f4: {  	s11 =	sadd.s32 $0x2, s31;
	(erf) = vpow2.f32 v38;
	v10 =	vmov s10;
	v11 =	vld [tilespmem:s3+$0x80];
	[tilespmem:$0x1FCC0] =	vst v3;
	v3 =	vbroadcast v12, $0xF  }
0x2f5: {  	v2 =	vld [tilespmem:s3+$0xF0];
	[tilespmem:s2+$0x20] =	vst v41;
	(erf) = vpow2.f32 v22;
	v12 =	vmov s11;
	v4 =	vand.u32 $0xFFFFFFFC, v4  }
0x2f6: {  	[tilespmem:$0x1FB60] =	vst v1;
	v1 =	vld [tilespmem:s3+$0xA0];
	v0, _, _ =	vpop (xrf2);
	v12 =	vand.u32 $0xFFFFFFFE, v12;
	(erf) = vpow2.f32 v3;
	v3 =	vbroadcast v4, $0x0  }
0x2f7: {  	[tilespmem:s2+$0x30] =	vst v44;
	v15 =	vmul.f32 $1.442695020e+00, v0;
	v14 =	vld [tilespmem:s3+$0xD0]  }
0x2f8: {  	v0 =	vmov v16;
	v6, _, _ =	vpop (xrf2);
	[tilespmem:$0x1FF00] =	vst v3;
	v3 =	vand.u32 $0xFFFFFFFD, v10;
	v10 =	vmov v7;
	v7 =	vld [tilespmem:$0x1F940]  }
0x2f9: {  	[tilespmem:$0x1FCE0] =	vst v0;
	v0 =	vld [tilespmem:s19+$0xC0];
	v63 =	vbroadcast v12, $0x0;
	v12, _, _ =	vpop (xrf2)  }
0x2fa: {  	[tilespmem:s2+$0x40] =	vst v45;
	v13 =	vld [tilespmem:s3+$0xC0];
	v12 =	vmul.f32 $1.442695020e+00, v12  }
0x2fb: {  	v3 =	vbroadcast v3, $0x0;
	[tilespmem:$0x1FAE0] =	vst v10;
	v10 =	vadd.f32 v1, v56;
	v1 =	vadd.f32 v11, v60;
	v11 =	vld [tilespmem:$0x1F950]  }
0x2fc: {  	p0 =	slt.u32 s9, $0x4C;
	vm3 =	vmand vm3, vm1;
	vm4 =	vmand vm4, vm1;
	v58 =	vld [tilespmem:s19+$0xFFFFFF40];
	v9 =	vadd.f32 v9, v47;
	[tilespmem:$0x1FF50] =	vst v12  }
.Ltmp2:
0x2fd: {  	s31 =	smov.u32 s0;
	v54 =	vmovc v17;
	v23 =	vld [tilespmem:s19+$0xFFFFFF80];
	vm2 =	vmand vm2, vm1;
	v4 =	vbroadcast v15, $0xF;
	v15 =	vmul.f32 $1.442695020e+00, v6;
	[tilespmem:$0x1FF10] =	vst v3;
	v6 =	vmovc v7;
	(pc) =	sbr.rel @p0 .LBB2_7-.Ltmp2, $4  }
0x2fe: {  	v53 =	vld [tilespmem:s19+$0xFFFFFFC0];
	v55 =	vmov s31;
	[tilespmem:$0x1FB20] =	vst v6;
	v6 =	vadd.f32 v5, v52;
	v5 =	vadd.f32 v2, v40;
	v2 =	vpop (erf)  }
0x2ff: {  	v50 =	vmovc v19;
	v12 =	vadd.f32 v13, v0;
	v3 =	vld [tilespmem:s3+$0xFFFFFF00];
	v7 =	vadd.f32 v8, v59;
	[tilespmem:$0x1FF60] =	vst v2;
	v2 =	vbroadcast v15, $0xF  }
0x300: {  	v51 =	vmovc v18;
	[tilespmem:$0x1FF20] =	vst v63;
	(erf) = vpow2.f32 v4;
	v4 =	vld [tilespmem:s3+$0xFFFFFF40];
	v8 =	vmovc v11;
	v11 =	vadd.f32 v14, v57;
	v14 =	vmul.f32 $2.000000030e-01, v1  }
0x301: {  	s0 =	smov.u32 s9;
	s9 =	sadd.s32 $0x4, s9;
	s2 =	smov.u32 s30;
	[tilespmem:$0x1FB30] =	vst v8;
	v8 =	vld [tilespmem:s3+$0xFFFFFF80];
	v49 =	vpop (erf);
	vm5 =	vgt.f32 v6, $0.0e+00;
	v13 =	vmul.f32 $2.000000030e-01, v6;
	(erf) = vpow2.f32 v2  }
0x302: {  	v37 =	vld [tilespmem:$0x1FF70]  }
0x303: {  	v38 =	vld [tilespmem:$0x1FF80]  }
0x304: {  	v44 =	vld [tilespmem:$0x1FF90]  }
0x305: {  	v39 =	vld [tilespmem:$0x1FFB0]  }
0x306: {  	v63 =	vld [tilespmem:s3+$0xFFFFFFC0]  }
0x307: {  	vm6 =	vgt.f32 v1, $0.0e+00;
	v2 =	vmul.f32 $2.000000030e-01, v7;
	vm13 =	vgt.f32 v7, $0.0e+00;
	v40 =	vld [tilespmem:$0x1FFC0]  }
0x308: {  	v47 =	vmul.f32 $2.000000030e-01, v10;
	vm14 =	vgt.f32 v10, $0.0e+00;
	vm7 =	vgt.f32 v9, $0.0e+00;
	v15 =	vld [tilespmem:s3+$0x0]  }
0x309: {  	v61 =	vmul.f32 $2.000000030e-01, v12;
	vm15 =	vgt.f32 v12, $0.0e+00;
	v62 =	vmul.f32 $2.000000030e-01, v11;
	v45 =	vld [tilespmem:$0x1FFA0]  }
0x30a: {  	vm8 =	vgt.f32 v11, $0.0e+00;
	v21 =	vmul.f32 $2.000000030e-01, v9;
	v25 =	vmul.f32 $2.000000030e-01, v5;
	v46 =	vld [tilespmem:$0x1FFD0]  }
0x30b: {  	vm12 =	vgt.f32 v5, $0.0e+00;
	v26 =	vld [tilespmem:s3+$0x40];
	v1 =	vsel vm6, v1, v14;
	v6 =	vsel vm5, v6, v13  }
0x30c: {  	v28 =	vld [tilespmem:s3+$0xFFFFFF10];
	v2 =	vsel vm13, v7, v2;
	v48 =	vsel vm14, v10, v47;
	v10 =	vsel vm15, v12, v61  }
0x30d: {  	v18 =	vld [tilespmem:s3+$0xFFFFFFD0];
	v11 =	vsel vm8, v11, v62;
	v9 =	vsel vm7, v9, v21;
	v1 =	vmul.f32 v1, v37  }
0x30e: {  	v13 =	vld [tilespmem:s19+$0xFFFFFF00];
	v5 =	vsel vm12, v5, v25;
	v16 =	vadd.f32 v4, v58;
	v2 =	vmul.f32 v2, v38  }
0x30f: {  	v47 =	vld [tilespmem:$0x1FFE0];
	v7 =	vmul.f32 v48, v44;
	v10 =	vmul.f32 v10, v39;
	v1 =	vadd.f32 $0.0e+00, v1  }
0x310: {  	v34 =	vld [tilespmem:s3+$0x50];
	v8 =	vadd.f32 v8, v23;
	v24 =	vmul.f32 v11, v40;
	v6 =	vmul.f32 v6, v45  }
0x311: {  	v61 =	vld [tilespmem:s19+$0x50];
	v9 =	vmul.f32 v9, v46;
	v31 =	vmul.f32 $2.000000030e-01, v16;
	v1 =	vadd.f32 v2, v1  }
0x312: {  	v4 =	vld [tilespmem:s19+$0xFFFFFFD0];
	v14 =	vadd.f32 v63, v53;
	vm14 =	vgt.f32 v16, $0.0e+00;
	v22 =	vadd.f32 $0.0e+00, v10  }
0x313: {  	v29 =	vld [tilespmem:s3+$0xFFFFFF50];
	v3 =	vadd.f32 v3, v13;
	v20 =	vmul.f32 $2.000000030e-01, v8;
	v7 =	vadd.f32 v7, v1  }
0x314: {  	v21 =	vld [tilespmem:s3+$0x10];
	vm15 =	vgt.f32 v8, $0.0e+00;
	v5 =	vmul.f32 v5, v47;
	v10 =	vadd.f32 v24, v22  }
0x315: {  	v25 =	vld [tilespmem:s3+$0xFFFFFF20];
	v33 =	vmul.f32 $2.000000030e-01, v14;
	vm8 =	vgt.f32 v14, $0.0e+00;
	v6 =	vadd.f32 v6, v7  }
0x316: {  	v11 =	vld [tilespmem:s19+$0xFFFFFF10];
	v48 =	vmovc v23;
	v23 =	vadd.f32 v34, v61;
	v17 =	vmul.f32 $2.000000030e-01, v3;
	v27 =	vadd.f32 v9, v10  }
0x317: {  	vm13 =	vgt.f32 v3, $0.0e+00;
	v8 =	vsel vm15, v8, v20;
	v18 =	vadd.f32 v18, v4;
	v2 =	vld [tilespmem:s19+$0x0];
	(xrf2) =	vadd.scan.msk.f32 $0xffff, v6  }
0x318: {  	v22 =	vsel vm14, v16, v31;
	v19 =	vsel vm13, v3, v17;
	v3 =	vld [tilespmem:s19+$0x10];
	v5 =	vadd.f32 v5, v27  }
0x319: {  	v20 =	vsel vm8, v14, v33;
	v33 =	vmul.f32 $2.000000030e-01, v23;
	v8 =	vmul.f32 v8, v37;
	v17 =	vld [tilespmem:s19+$0xFFFFFF20]  }
0x31a: {  	v31 =	vmul.f32 $2.000000030e-01, v18;
	vm14 =	vgt.f32 v18, $0.0e+00;
	v22 =	vmul.f32 v22, v39;
	v1 =	vld [tilespmem:s19+$0x40];
	(xrf2) =	vadd.scan.msk.f32 $0xffff, v5  }
0x31b: {  	v30 =	vld [tilespmem:s3+$0xFFFFFF90];
	v20 =	vmul.f32 v20, v39;
	v19 =	vmul.f32 v19, v37;
	v8 =	vadd.f32 $0.0e+00, v8  }
0x31c: {  	v18 =	vsel vm14, v18, v31;
	v22 =	vadd.f32 $0.0e+00, v22;
	v7 =	vld [tilespmem:s19+$0xFFFFFF50];
	v15 =	vadd.f32 v15, v2  }
0x31d: {  	v19 =	vadd.f32 $0.0e+00, v19;
	v18 =	vmul.f32 v18, v40;
	v6 =	vadd.f32 v28, v11;
	v5 =	vld [tilespmem:s19+$0xFFFFFF90]  }
0x31e: {  	v62 =	vld [tilespmem:s3+$0xFFFFFFE0];
	v21 =	vadd.f32 v21, v3;
	v25 =	vadd.f32 v25, v17;
	v24 =	vmul.f32 $2.000000030e-01, v15  }
0x31f: {  	v34 =	vld [tilespmem:s3+$0x60];
	v12 =	vadd.f32 v26, v1;
	vm9 =	vgt.f32 v15, $0.0e+00;
	v28 =	vmul.f32 $2.000000030e-01, v6  }
0x320: {  	v14 =	vld [tilespmem:s19+$0xFFFFFFE0];
	vm11 =	vgt.f32 v6, $0.0e+00;
	vm15 =	vgt.f32 v21, $0.0e+00;
	v24 =	vsel vm9, v15, v24  }
0x321: {  	v26 =	vmul.f32 $2.000000030e-01, v12;
	v9 =	vadd.f32 v29, v7;
	vm10 =	vgt.f32 v12, $0.0e+00;
	v15 =	vld [tilespmem:s19+$0xFFFFFFA0];
	v32, _, _ =	vpop (xrf2)  }
0x322: {  	vm9 =	vgt.f32 v23, $0.0e+00;
	v10 =	vadd.f32 v30, v5;
	v30 =	vld [tilespmem:s3+$0xFFFFFFA0];
	v16 =	vmul.f32 $1.442695020e+00, v32  }
0x323: {  	v27 =	vld [tilespmem:s3+$0xFFFFFF60];
	v28 =	vsel vm11, v6, v28;
	v23 =	vsel vm9, v23, v33;
	v26 =	vsel vm10, v12, v26  }
0x324: {  	v29 =	vmul.f32 $2.000000030e-01, v9;
	vm12 =	vgt.f32 v9, $0.0e+00;
	v36, _, _ =	vpop (xrf2);
	v35 =	vbroadcast v16, $0xF;
	v16 =	vld [tilespmem:s19+$0xFFFFFF60]  }
0x325: {  	v6 =	vld [tilespmem:s19+$0x60];
	vm10 =	vgt.f32 v25, $0.0e+00;
	v41 =	vmul.f32 $1.442695020e+00, v36;
	v36 =	vmul.f32 $2.000000030e-01, v21  }
0x326: {  	v28 =	vmul.f32 v28, v38;
	v9 =	vsel vm12, v9, v29;
	v29 =	vadd.f32 v62, v14  }
0x327: {  	v63 =	vmul.f32 $2.000000030e-01, v10;
	v31 =	vsel vm15, v21, v36;
	v21 =	vadd.f32 v30, v15  }
0x328: {  	v12 =	vld [tilespmem:s19+$0x20];
	vm13 =	vgt.f32 v10, $0.0e+00;
	v9 =	vmul.f32 v9, v40;
	v42 =	vbroadcast v41, $0xF  }
0x329: {  	v32 =	vld [tilespmem:s3+$0x20];
	(erf) = vpow2.f32 v35;
	v62 =	vmul.f32 $2.000000030e-01, v21;
	v27 =	vadd.f32 v27, v16  }
0x32a: {  	(erf) = vpow2.f32 v42;
	v42 =	vadd.f32 v34, v6;
	vm12 =	vgt.f32 v21, $0.0e+00;
	v34 =	vld [tilespmem:s3+$0xFFFFFF30]  }
0x32b: {  	v10 =	vsel vm13, v10, v63;
	v33 =	vsel vm12, v21, v62;
	v62 =	vld [tilespmem:s19+$0xFFFFFF30];
	v41 =	vmul.f32 $2.000000030e-01, v27  }
0x32c: {  	v63 =	vmul.f32 $2.000000030e-01, v29;
	vm13 =	vgt.f32 v29, $0.0e+00;
	vm11 =	vgt.f32 v27, $0.0e+00  }
0x32d: {  	v10 =	vmul.f32 v10, v38;
	v27 =	vsel vm11, v27, v41;
	v41 =	vmul.f32 $2.000000030e-01, v42  }
0x32e: {  	v29 =	vsel vm13, v29, v63;
	v63 =	vmul.f32 v24, v37;
	vm15 =	vgt.f32 v42, $0.0e+00  }
0x32f: {  	v35 =	vmul.f32 $2.000000030e-01, v25;
	v32 =	vadd.f32 v32, v12;
	v30 =	vsel vm15, v42, v41  }
0x330: {  	v42 =	vadd.f32 $0.0e+00, v20;
	v41 =	vmul.f32 v26, v39;
	v26 =	vadd.f32 v34, v62  }
0x331: {  	v25 =	vsel vm10, v25, v35;
	v35 =	vld [tilespmem:s3+$0xFFFFFF70];
	v36 =	vmul.f32 $2.000000030e-01, v32;
	vm14 =	vgt.f32 v32, $0.0e+00  }
0x332: {  	v21 =	vld [tilespmem:s19+$0xFFFFFF70];
	v37 =	vadd.f32 v18, v42;
	v42 =	vadd.f32 $0.0e+00, v63;
	v63 =	vmul.f32 $2.000000030e-01, v26  }
0x333: {  	v32 =	vsel vm14, v32, v36;
	v36 =	vadd.f32 v10, v8;
	v8 =	vpop (erf)  }
0x334: {  	v23 =	vmul.f32 v23, v40;
	v28 =	vadd.f32 v28, v19;
	v22 =	vadd.f32 v9, v22;
	v9 =	vpop (erf)  }
0x335: {  	v19 =	vld [tilespmem:s19+$0xFFFFFFF0];
	v31 =	vmul.f32 v31, v38;
	v10 =	vpop (erf);
	v38 =	vadd.f32 $0.0e+00, v41;
	vm8 =	vgt.f32 v26, $0.0e+00  }
0x336: {  	v40 =	vld [tilespmem:s3+$0x30];
	v26 =	vsel vm8, v26, v63;
	v63 =	vpop (erf)  }
0x337: {  	v34 =	vadd.f32 v35, v21;
	v35 =	vld [tilespmem:s3+$0xFFFFFFF0];
	v23 =	vadd.f32 v23, v38;
	v38 =	vmul.f32 v63, v60  }
0x338: {  	s9 =	sadd.s32 $0x200, s30;
	v18 =	vld [tilespmem:s19+$0x30];
	v39 =	vmul.f32 v63, v59  }
0x339: {  	v59 =	vmul.f32 v63, v56;
	[tilespmem:s9+$0x80] =	vst v38  }
0x33a: {  	v60 =	vmul.f32 v63, v52;
	v52 =	vpop (erf);
	[tilespmem:s9+$0x90] =	vst v39  }
0x33b: {  	v0 =	vmul.f32 v52, v0;
	[tilespmem:s9+$0xA0] =	vst v59  }
0x33c: {  	[tilespmem:s9+$0xB0] =	vst v60  }
0x33d: {  	v35 =	vadd.f32 v35, v19;
	v38 =	vadd.f32 v40, v18;
	[tilespmem:s9+$0xC0] =	vst v0  }
0x33e: {  	v25 =	vmul.f32 v25, v44;
	v0 =	vld [tilespmem:$0x1FF40]  }
0x33f: {  	v31 =	vadd.f32 v31, v42;
	v42 =	vmul.f32 $2.000000030e-01, v35;
	v59 =	vmul.f32 $2.000000030e-01, v38  }
0x340: {  	vm11 =	vgt.f32 v35, $0.0e+00;
	vm12 =	vgt.f32 v38, $0.0e+00  }
0x341: {  	v25 =	vadd.f32 v25, v28;
	v28 =	vsel vm11, v35, v42;
	v35 =	vsel vm12, v38, v59;
	v38 =	vld [tilespmem:$0x1FF30]  }
0x342: {  	v57 =	vmul.f32 v52, v57  }
0x343: {  	v60 =	vmul.f32 v52, v0  }
0x344: {  	[tilespmem:s9+$0xD0] =	vst v57  }
0x345: {  	v24 =	vld [tilespmem:s3+$0xFFFFFFB0];
	v33 =	vmul.f32 v33, v44;
	[tilespmem:s9+$0xE0] =	vst v60  }
0x346: {  	v40 =	vmul.f32 v52, v38;
	v57 =	vld [tilespmem:$0x1FAD0]  }
0x347: {  	v33 =	vadd.f32 v33, v36;
	v36 =	vld [tilespmem:$0x1FF60]  }
0x348: {  	v20 =	vld [tilespmem:s19+$0xFFFFFFB0];
	[tilespmem:s9+$0xF0] =	vst v40  }
0x349: {  	v41 =	vmul.f32 $2.000000030e-01, v34;
	v60 =	vld [tilespmem:$0x1FB70]  }
0x34a: {  	vm9 =	vgt.f32 v34, $0.0e+00  }
0x34b: {  	v34 =	vsel vm9, v34, v41;
	v26 =	vmul.f32 v26, v45  }
0x34c: {  	v42 =	vmul.f32 v34, v47;
	v34 =	vmul.f32 v36, v57  }
0x34d: {  	v41 =	vmul.f32 v29, v46  }
0x34e: {  	v24 =	vadd.f32 v24, v20;
	v25 =	vadd.f32 v26, v25;
	v26 =	vmul.f32 v36, v60;
	[tilespmem:s2+$0xFFFFFF00] =	vst v34  }
0x34f: {  	v34 =	vld [tilespmem:$0x1FF50]  }
0x350: {  	v56 =	vmul.f32 $2.000000030e-01, v24;
	v59 =	vadd.f32 v41, v37;
	v37 =	vld [tilespmem:$0x1FBD0];
	[tilespmem:s2+$0xFFFFFF10] =	vst v26  }
0x351: {  	vm10 =	vgt.f32 v24, $0.0e+00;
	v26 =	vld [tilespmem:$0x1FCC0]  }
0x352: {  	v24 =	vsel vm10, v24, v56  }
0x353: {  	v24 =	vmul.f32 v24, v45;
	_ =	sdelay $0x1  }
0x354: {  	v24 =	vadd.f32 v24, v33;
	v33 =	vmul.f32 v36, v37  }
0x355: {  	v26 =	vmul.f32 v36, v26  }
0x356: {  	[tilespmem:s2+$0xFFFFFF20] =	vst v33  }
0x357: {  	v40 =	vld [tilespmem:$0x1FAE0];
	[tilespmem:s2+$0xFFFFFF30] =	vst v26  }
0x358: {  	v26 =	vld [tilespmem:$0x1FB80];
	_ =	sdelay $0x1  }
0x359: {  	v56 =	vld [tilespmem:s3+$0x70]  }
0x35a: {  	v27 =	vmul.f32 v27, v46;
	v0 =	vld [tilespmem:s19+$0x70]  }
0x35b: {  	v38 =	vmul.f32 v28, v47;
	v28 =	vmul.f32 v49, v40  }
0x35c: {  	v22 =	vadd.f32 v27, v22;
	v26 =	vmul.f32 v49, v26  }
0x35d: {  	[tilespmem:s2+$0xFFFFFF40] =	vst v28  }
0x35e: {  	v22 =	vadd.f32 v42, v22;
	v42 =	vld [tilespmem:$0x1FBE0];
	[tilespmem:s2+$0xFFFFFF50] =	vst v26  }
0x35f: {  	v39 =	vadd.f32 v56, v0;
	v56 =	vld [tilespmem:$0x1FCD0];
	_ =	sdelay $0x1  }
0x360: {  	(xrf2) =	vadd.scan.msk.f32 $0xffff, v25  }
0x361: {  	(xrf2) =	vadd.scan.msk.f32 $0xffff, v22  }
0x362: {  	(xrf2) =	vadd.scan.msk.f32 $0xffff, v24;
	v24 =	vmul.f32 v49, v42  }
0x363: {  	v29 =	vmul.f32 v49, v56  }
0x364: {  	[tilespmem:s2+$0xFFFFFF60] =	vst v24  }
0x365: {  	v22 =	vadd.f32 v38, v59;
	v59 =	vld [tilespmem:$0x1FB20];
	[tilespmem:s2+$0xFFFFFF70] =	vst v29  }
0x366: {  	v29 =	vld [tilespmem:$0x1FB90];
	_ =	sdelay $0x3  }
0x367: {  	v28 =	vmul.f32 v8, v59  }
0x368: {  	(xrf2) =	vadd.scan.msk.f32 $0xffff, v22;
	v22 =	vmul.f32 v8, v29  }
0x369: {  	[tilespmem:s2+$0xFFFFFF80] =	vst v28  }
0x36a: {  	v28 =	vld [tilespmem:$0x1FC70];
	[tilespmem:s2+$0xFFFFFF90] =	vst v22  }
0x36b: {  	v22 =	vld [tilespmem:$0x1FCE0];
	_ =	sdelay $0x3  }
0x36c: {  	v28 =	vmul.f32 v8, v28  }
0x36d: {  	v22 =	vmul.f32 v8, v22  }
0x36e: {  	[tilespmem:s2+$0xFFFFFFA0] =	vst v28  }
0x36f: {  	v27 =	vbroadcast v34, $0xF;
	v34 =	vld [tilespmem:$0x1FB30];
	[tilespmem:s2+$0xFFFFFFB0] =	vst v22  }
0x370: {  	v41 =	vmul.f32 v32, v44;
	v22 =	vld [tilespmem:$0x1FBA0];
	_ =	sdelay $0x1  }
0x371: {  	v25 =	vadd.f32 v41, v31;
	v57 =	vmul.f32 v35, v45;
	_ =	sdelay $0x1  }
0x372: {  	v24 =	vadd.f32 v57, v25;
	v25 =	vmul.f32 v9, v34  }
0x373: {  	v22 =	vmul.f32 v9, v22  }
0x374: {  	v44 =	vmul.f32 $2.000000030e-01, v39;
	[tilespmem:s2+$0xFFFFFFC0] =	vst v25  }
0x375: {  	v46 =	vmul.f32 v30, v46;
	vm13 =	vgt.f32 v39, $0.0e+00;
	v37 =	vld [tilespmem:$0x1FC90];
	[tilespmem:s2+$0xFFFFFFD0] =	vst v22  }
0x376: {  	(erf) = vpow2.f32 v27;
	v27 =	vsel vm13, v39, v44;
	v40 =	vld [tilespmem:$0x1FB50]  }
0x377: {  	v23 =	vadd.f32 v46, v23;
	v27 =	vmul.f32 v27, v47;
	_ =	sdelay $0x1  }
0x378: {  	v39 =	vmul.f32 v9, v54;
	v23 =	vadd.f32 v27, v23  }
0x379: {  	v60, _, _ =	vpop (xrf2);
	(xrf2) =	vadd.scan.msk.f32 $0xffff, v24;
	v24 =	vmul.f32 v9, v37  }
0x37a: {  	v35, _, _ =	vpop (xrf2);
	(xrf2) =	vadd.scan.msk.f32 $0xffff, v23;
	[tilespmem:s2+$0xFFFFFFF0] =	vst v39;
	v23 =	vmul.f32 v10, v40  }
0x37b: {  	[tilespmem:s2+$0xFFFFFFE0] =	vst v24  }
0x37c: {  	v22 =	vld [tilespmem:$0x1FBB0];
	[tilespmem:s2+$0x0] =	vst v23  }
0x37d: {  	v23 =	vld [tilespmem:$0x1FCA0];
	_ =	sdelay $0x3  }
0x37e: {  	v42 =	vmul.f32 v10, v22  }
0x37f: {  	v23 =	vmul.f32 v10, v23  }
0x380: {  	[tilespmem:s2+$0x10] =	vst v42  }
0x381: {  	[tilespmem:s2+$0x20] =	vst v23  }
0x382: {  	v32 =	vmul.f32 $1.442695020e+00, v60;
	v23 =	vld [tilespmem:$0x1FB60];
	_ =	sdelay $0x1  }
0x383: {  	v33 =	vbroadcast v32, $0xF  }
0x384: {  	v38 =	vmul.f32 $1.442695020e+00, v35  }
0x385: {  	v44 =	vmul.f32 v10, v51;
	(erf) = vpow2.f32 v33;
	v22 =	vpop (erf)  }
0x386: {  	v25 =	vbroadcast v38, $0xF;
	v23 =	vmul.f32 v22, v23  }
0x387: {  	[tilespmem:s2+$0x30] =	vst v44  }
0x388: {  	v41, _, _ =	vpop (xrf2);
	(erf) = vpow2.f32 v25;
	v25 =	vld [tilespmem:$0x1FBC0];
	[tilespmem:s2+$0x40] =	vst v23  }
0x389: {  	v24 =	vmul.f32 $1.442695020e+00, v41;
	v23 =	vld [tilespmem:$0x1FCB0];
	_ =	sdelay $0x1  }
0x38a: {  	v45, _, _ =	vpop (xrf2);
	v24 =	vbroadcast v24, $0xF  }
0x38b: {  	v26 =	vmul.f32 $1.442695020e+00, v45  }
0x38c: {  	(erf) = vpow2.f32 v24;
	v25 =	vmul.f32 v22, v25  }
0x38d: {  	v50 =	vmul.f32 v22, v50;
	v47 =	vmul.f32 v22, v23;
	v23 =	vpop (erf)  }
0x38e: {  	[tilespmem:s2+$0x50] =	vst v25;
	v11 =	vmul.f32 v23, v11  }
0x38f: {  	v26 =	vbroadcast v26, $0xF;
	v51, _, _ =	vpop (xrf2);
	[tilespmem:s2+$0x70] =	vst v50;
	v13 =	vmul.f32 v23, v13  }
0x390: {  	v25 =	vmul.f32 $1.442695020e+00, v51;
	[tilespmem:s2+$0x60] =	vst v47  }
0x391: {  	(erf) = vpow2.f32 v26;
	v17 =	vmul.f32 v23, v17;
	[tilespmem:s9+$0xFFFFFF00] =	vst v13  }
0x392: {  	v59 =	vmul.f32 v23, v62;
	[tilespmem:s9+$0xFFFFFF10] =	vst v11;
	v11 =	vpop (erf)  }
0x393: {  	v54, _, _ =	vpop (xrf2);
	v25 =	vbroadcast v25, $0xF;
	[tilespmem:s9+$0xFFFFFF20] =	vst v17;
	v60 =	vmul.f32 v11, v58  }
0x394: {  	v57 =	vmul.f32 $1.442695020e+00, v54;
	v17 =	vld [tilespmem:$0x1FF00];
	[tilespmem:s9+$0xFFFFFF30] =	vst v59;
	v7 =	vmul.f32 v11, v7  }
0x395: {  	(erf) = vpow2.f32 v25;
	v62 =	vld [tilespmem:$0x1FF10];
	v16 =	vmul.f32 v11, v16;
	[tilespmem:s9+$0xFFFFFF40] =	vst v60  }
0x396: {  	v30 =	vpop (erf);
	v21 =	vmul.f32 v11, v21;
	[tilespmem:s9+$0xFFFFFF50] =	vst v7  }
0x397: {  	v24 =	vbroadcast v57, $0xF;
	v31 =	vmul.f32 v30, v48;
	[tilespmem:s9+$0xFFFFFF60] =	vst v16  }
0x398: {  	v5 =	vmul.f32 v30, v5;
	[tilespmem:s9+$0xFFFFFF70] =	vst v21  }
0x399: {  	(erf) = vpow2.f32 v24;
	v15 =	vmul.f32 v30, v15;
	[tilespmem:s9+$0xFFFFFF80] =	vst v31  }
0x39a: {  	v20 =	vmul.f32 v30, v20;
	v35 =	vpop (erf);
	[tilespmem:s9+$0xFFFFFF90] =	vst v5  }
0x39b: {  	[tilespmem:s9+$0xFFFFFFA0] =	vst v15;
	v38 =	vmul.f32 v35, v53  }
0x39c: {  	s10 =	sadd.s32 $0x3, s0;
	[tilespmem:s9+$0xFFFFFFB0] =	vst v20;
	v4 =	vmul.f32 v35, v4  }
0x39d: {  	v46 =	vmov s10;
	v14 =	vmul.f32 v35, v14;
	[tilespmem:s9+$0xFFFFFFC0] =	vst v38  }
0x39e: {  	v19 =	vmul.f32 v35, v19;
	v40 =	vld [tilespmem:$0x1FF20];
	[tilespmem:s9+$0xFFFFFFD0] =	vst v4;
	v41 =	vpop (erf)  }
0x39f: {  	[tilespmem:s9+$0xFFFFFFE0] =	vst v14;
	v2 =	vmul.f32 v41, v2  }
0x3a0: {  	[tilespmem:s9+$0xFFFFFFF0] =	vst v19;
	v3 =	vmul.f32 v41, v3  }
0x3a1: {  	v12 =	vmul.f32 v41, v12;
	[tilespmem:s9+$0x0] =	vst v2  }
0x3a2: {  	v56 =	vld.idx.msk [tilespmem:v46+s24+$0x0], $0xffff;
	v46 =	vpop (erf);
	v18 =	vmul.f32 v41, v18;
	[tilespmem:s9+$0x10] =	vst v3  }
0x3a3: {  	v1 =	vmul.f32 v46, v1;
	[tilespmem:s9+$0x20] =	vst v12  }
0x3a4: {  	v48 =	vmul.f32 v46, v61;
	[tilespmem:s9+$0x30] =	vst v18  }
0x3a5: {  	v6 =	vmul.f32 v46, v6;
	[tilespmem:s9+$0x40] =	vst v1  }
0x3a6: {  	v0 =	vmul.f32 v46, v0;
	[tilespmem:s9+$0x50] =	vst v48  }
0x3a7: {  	s30 =	sadd.s32 $0x1, s0;
	[tilespmem:s9+$0x60] =	vst v6  }
0x3a8: {  	v44 =	vmov s30;
	[tilespmem:s9+$0x70] =	vst v0  }
0x3a9: {  	v19 =	vand.u32 $0xFFFFFFFD, v44;
	v54 =	vld [tilespmem:$0x1FEA0]  }
0x3aa: {  	v19 =	vbroadcast v19, $0x0;
	_ =	sdelay $0x1  }
0x3ab: {  	v18 =	vld [tilespmem:$0x1FAF0];
	_ =	sdelay $0x3  }
0x3ac: {  	v53 =	vld.idx.msk [tilespmem:v19+s24+$0x0], $0xffff  }
0x3ad: {  	[tilespmem:v54+s25+$0x0] =	vst.idx.add.f32.msk vm2, v18  }
0x3ae: {  	v19 =	vld [tilespmem:$0x1FEB0];
	_ =	sdelay $0x2  }
0x3af: {  	v34 =	vand.u32 $0xFFFFFFFC, v55;
	v18 =	vld [tilespmem:$0x1FB40]  }
0x3b0: {  	v39 =	vbroadcast v34, $0x0  }
0x3b1: {  	s11 =	sadd.s32 $0x1, s31  }
0x3b2: {  	s19 =	sadd.s32 $0x2, s31;
	v33 =	vsel vm0, v36, v49;
	v36 =	vmov s11  }
0x3b3: {  	v37 =	vmov s19;
	v5 =	vand.u32 $0xFFFFFFFD, v36  }
0x3b4: {  	v15 =	vand.u32 $0xFFFFFFFE, v37;
	v5 =	vbroadcast v5, $0x0;
	[tilespmem:v19+s25+$0x0] =	vst.idx.add.f32.msk vm3, v18  }
0x3b5: {  	vm14 =	vlt.s32 v56, $0x1388;
	v13 =	vshll.u32 v56, $0x1;
	v15 =	vbroadcast v15, $0x0;
	v19 =	vld [tilespmem:$0x1FEC0]  }
0x3b6: {  	vm5 =	vmand vm14, vm1;
	v13 =	vadd.s32 v43, v13;
	v20 =	vld.idx.msk [tilespmem:v39+s24+$0x0], $0xffff  }
0x3b7: {  	v42 =	vmov s0;
	v13 =	vsel vm14, v13, v43;
	v17 =	vld.idx.msk [tilespmem:v17+s24+$0x0], $0xffff  }
0x3b8: {  	v14 =	vand.u32 $0xFFFFFFFC, v42;
	v18 =	vld [tilespmem:$0x1FC80]  }
0x3b9: {  	v25 =	vld.idx.msk [tilespmem:v62+s24+$0x0], $0xffff;
	v14 =	vbroadcast v14, $0x0  }
0x3ba: {  	s31 =	sadd.s32 $0x2, s0;
	v5 =	vld.idx.msk [tilespmem:v5+s24+$0x0], $0xffff  }
0x3bb: {  	v63 =	vsel vm0, v63, v52;
	v45 =	vmov s31;
	v15 =	vld.idx.msk [tilespmem:v15+s24+$0x0], $0xffff  }
0x3bc: {  	vm9 =	vlt.s32 v20, $0x1388;
	vm15 =	vlt.s32 v17, $0x1388;
	v32 =	vshll.u32 v17, $0x1;
	[tilespmem:v13+s25+$0x0] =	vst.idx.add.f32.msk vm5, v63  }
0x3bd: {  	v52 =	vshll.u32 v20, $0x1;
	v16 =	vadd.s32 v43, v32;
	vm6 =	vmand vm15, vm1;
	[tilespmem:v19+s25+$0x0] =	vst.idx.add.f32.msk vm4, v18  }
0x3be: {  	v2 =	vand.u32 $0xFFFFFFFE, v45;
	vm12 =	vlt.s32 v25, $0x1388;
	v16 =	vsel vm15, v16, v43;
	v56 =	vld [tilespmem:$0x1FED0]  }
0x3bf: {  	v25 =	vshll.u32 v25, $0x1;
	v2 =	vbroadcast v2, $0x0;
	v0 =	vadd.s32 v43, v52;
	v51 =	vld.idx.msk [tilespmem:v14+s24+$0x0], $0xffff  }
0x3c0: {  	v49 =	vadd.s32 v43, v25;
	v0 =	vsel vm9, v0, v43;
	v21 =	vld.idx.msk [tilespmem:v40+s24+$0x0], $0xffff  }
0x3c1: {  	v1 =	vsel vm12, v49, v43;
	vm10 =	vlt.s32 v5, $0x1388;
	v5 =	vshll.u32 v5, $0x1  }
0x3c2: {  	vm11 =	vlt.s32 v15, $0x1388;
	v15 =	vshll.u32 v15, $0x1;
	v5 =	vadd.s32 v43, v5  }
0x3c3: {  	vm7 =	vmand vm12, vm1;
	v15 =	vadd.s32 v43, v15;
	v5 =	vsel vm10, v5, v43;
	[tilespmem:v16+s25+$0x0] =	vst.idx.add.f32.msk vm6, v56  }
0x3c4: {  	v15 =	vsel vm11, v15, v43;
	vm14 =	vlt.s32 v51, $0x1388;
	vm15 =	vlt.s32 v53, $0x1388;
	v14 =	vld [tilespmem:$0x1FEE0]  }
0x3c5: {  	v2 =	vld.idx.msk [tilespmem:v2+s24+$0x0], $0xffff;
	v55 =	vshll.u32 v53, $0x1;
	v47 =	vshll.u32 v21, $0x1;
	vm2 =	vmand vm9, vm1  }
0x3c6: {  	vm13 =	vlt.s32 v21, $0x1388;
	v12 =	vadd.s32 v43, v47;
	vm3 =	vmand vm10, vm1  }
0x3c7: {  	v50 =	vsel vm13, v12, v43;
	v12 =	vshll.u32 v51, $0x1;
	vm4 =	vmand vm11, vm1  }
0x3c8: {  	vm8 =	vmand vm13, vm1;
	vm13 =	vmand vm14, vm1;
	v12 =	vadd.s32 v43, v12  }
0x3c9: {  	v57 =	vadd.s32 v43, v55;
	v12 =	vsel vm14, v12, v43;
	vm14 =	vmand vm15, vm1;
	[tilespmem:v1+s25+$0x0] =	vst.idx.add.f32.msk vm7, v14  }
0x3ca: {  	vm12 =	vlt.s32 v2, $0x1388;
	v2 =	vshll.u32 v2, $0x1;
	v1 =	vsel vm15, v57, v43;
	v58 =	vld [tilespmem:$0x1FEF0]  }
0x3cb: {  	v59 =	vsel vm0, v8, v9;
	v2 =	vadd.s32 v43, v2;
	vm15 =	vmand vm12, vm1;
	[tilespmem:v0+s25+$0x0] =	vst.idx.add.f32.msk vm2, v33  }
0x3cc: {  	v60 =	vsel vm0, v10, v22;
	v2 =	vsel vm12, v2, v43;
	[tilespmem:v5+s25+$0x0] =	vst.idx.add.f32.msk vm3, v59  }
0x3cd: {  	v61 =	vsel vm0, v23, v11;
	[tilespmem:v15+s25+$0x0] =	vst.idx.add.f32.msk vm4, v60  }
0x3ce: {  	v62 =	vsel vm0, v30, v35;
	[tilespmem:v12+s25+$0x0] =	vst.idx.add.f32.msk vm13, v61  }
0x3cf: {  	s29 =	sadd.s32 $0x1, s29;
	[tilespmem:v1+s25+$0x0] =	vst.idx.add.f32.msk vm14, v62  }
0x3d0: {  	p0 =	sne.s32 s29, $0xFA;
	v63 =	vsel vm0, v41, v46;
	[tilespmem:v50+s25+$0x0] =	vst.idx.add.f32.msk vm8, v58  }
.Ltmp3:
0x3d1: {  	[tilespmem:v2+s25+$0x0] =	vst.idx.add.f32.msk vm15, v63;
	(pc) =	sbr.rel @p0 .LBB2_6-.Ltmp3, $4  }
0x3d2: {  	[spmem:s1] =	stream.indirect.scatter.add.f32 [tilespmem:s17], [sflag:$0x1], $0x80, s24, s21, $0xb8;
	[tilespmem:$0x14200] =	vst v63  }
0x3d3: {  	_ =	swait.ge [sflag:s18], $0x2800  }
0x3d4: {  	[sflag:s18] =	ssyncset.done $0x0  }
0x3d5: {  	[sflag:s18] =	ssyncadd.s32 $0xFFFFD800  }
0x3d6: {  	s0 =	stileid.u32  }
0x3d7: {  	s0 =	sshll.u32 s0, $0x6  }
0x3d8: {  	[bflag:$0x0] =	sbarrier.arrive $0xFFFF;
	s2 =	sshrl.u32 s8, $0x3;
	s0 =	sor.u32 $0x1C01, s0  }
0x3d9: {  	[hbm:s14], [sflag:s0] =	dma.local [spmem:s2], $0x1400  }
0x3da: {  	s26 =	sadd.s32 $0x1, s26;
	_ =	swait.ge [sflag:s18], $0x1400  }
0x3db: {  	p0 =	sne.s32 s26, s16;
	[sflag:s18] =	ssyncset.done $0x0  }
.Ltmp4:
0x3dc: {  	s31 =	simm.s32 $0x0;
	[sflag:s18] =	ssyncadd.s32 $0xFFFFEC00;
	(pc) =	sbr.rel @p0 .LBB2_1-.Ltmp4, $4  }
0x3dd: {  	[hbm4b:s15+s31] =	stream.linear.scatter [tilespmem:s25], [sflag:$0x1], $0x2800, $0x38;
	[tilespmem:$0x14200] =	vst v63  }
0x3de: {  	_ =	swait.ge [sflag:s18], $0x2800  }
0x3df: {  	[sflag:s18] =	ssyncset.done $0x0  }
0x3e0: {  	v0 =	vimm.f32 $0.0e+00;
	[sflag:s18] =	ssyncadd.s32 $0xFFFFD800  }
0x3e1: {  	_ =	sfence.sel $0x180000  }
0x3e2: {  	[bflag:$0x0] =	sbarrier.arrive $0xFFFF  }
0x3e3: {  	_ =	strace $0x90000047  }
0x3e4: {  	s0 =	stileid.u32;
	[bflag:$0x2] =	sbarrier.arrive $0xFFFF  }
0x3e5: {  	p0 =	sne.s32 s0, $0x0;
	s0 =	rddreg [dreg:$0x2]  }
0x3e6: {  	s0 =	sadd.s32 @!p0 $0x100000, s0  }
0x3e7: {  	[sflag:s0] =	ssyncadd.tile.s32 @!p0 $0x1;
	_ =	shalt  }
.Lfunc_end2:
_tile_overlayer_lowered:
.L_overlay_start_2:
0x3e8: {  	(tag) =	ssettag $0x2  }
0x3e9: {  	s0 =	rddreg [dreg:$0x0];
	s2 =	stileid.u32  }
0x3ea: {  	s1 =	rddreg [dreg:$0x1];
	p0 =	sne.s32 s2, $0x0  }
0x3eb: {  	s3 =	rddreg [dreg:$0x2];
	[bflag:$0x3] =	sbarrier.arrive $0xFFFF;
	s2 =	simm.s32 @!p0 $0x1C01  }
0x3ec: {  	[timem:s3], [sflag:s2] =	dma.local @!p0 [hbm:s0], s1  }
0x3ed: {  	s0 =	simm.s32 @!p0 $0x1  }
0x3ee: {  	_ =	swait.ge @!p0 [sflag:s0], s1  }
0x3ef: {  	s1 =	ssub.s32 @!p0 $0x0, s1;
	[sflag:s0] =	ssyncset.done @!p0 $0x0  }
0x3f0: {  	[sflag:s0] =	ssyncadd.s32 @!p0 s1  }
0x3f1: {  	[bflag:$0x3] =	sbarrier.arrive $0xFFFF  }
0x3f2: {  	_ =	shalt  }

// kernel: kernel.16.cloned.1.call-start
scs
__scs_entry_jumppad:
0x0: {  	(pc) =	sbr.rel $0x88, $3  }
0x1: {  	(tag) =	ssettag $0x0;
	lr =	simm.s32 $0x1  }
0x2: {  	[smem:$0x3F97] =	sst lr;
	_ =	strace $0xD0000000  }
0x3: {  	_ = 	snop  }
0x4: {  	_ = 	snop  }
0x5: {  	_ = 	snop  }
0x6: {  	_ = 	snop  }
0x7: {  	_ = 	snop  }
__scs_overlays_trampoline_lowered:
0x8: {  	[smem:$0x3FA6] =	sst s0  }
0x9: {  	[smem:$0x3FA7] =	sst s1  }
0xa: {  	[smem:$0x3FA8] =	sst s2  }
0xb: {  	[smem:$0x3FA9] =	sst s3  }
0xc: {  	[smem:$0x3FAA] =	sst s4  }
0xd: {  	[smem:$0x3FAB] =	sst s5  }
0xe: {  	[smem:$0x3FAC] =	sst s6  }
0xf: {  	[smem:$0x3FAD] =	sst s7  }
0x10: {  	[smem:$0x3FAE] =	sst s8  }
0x11: {  	[smem:$0x3FAF] =	sst s9;
	s0 =	simm.s32 @!p0 $0x0  }
0x12: {  	s1 =	sld [smem:$0x3F95];
	s0 =	simm.s32 @p0 $0x1  }
0x13: {  	[smem:$0x3FB0] =	sst s0;
	s0 =	simm.s32 @!p1 $0x0  }
0x14: {  	s2 =	sld [smem:$0x3F94];
	s0 =	simm.s32 @p1 $0x1  }
0x15: {  	[smem:$0x3FB1] =	sst s0;
	s0 =	simm.s32 @!p2 $0x0  }
0x16: {  	s3 =	sld [smem:$0x3FDB];
	s0 =	simm.s32 @p2 $0x1  }
0x17: {  	s4 =	simm.s32 $0x1BF5;
	[smem:$0x3FB3] =	sst s0  }
0x18: {  	s0 =	sld [smem:$0x3F96];
	_ =	swait.ge [sflag:s4], $0x0  }
0x19: {  	s7 =	sld [smem:$0x3F97]  }
0x1a: {  	s8 =	sadd.s32 $0xFFFFE003, lr  }
0x1b: {  	s9 =	sadd.s32 $0xFFFFFEF7, lr;
	s5 =	simm.s32 $0xFFFFFFFF;
	p2 =	slt.u32 s8, $0xFFFFF086  }
0x1c: {  	p1 =	slt.u32 s9, $0xF7A;
	s5 =	simm.s32 @!p2 $0x0  }
0x1d: {  	s5 =	simm.s32 @p1 $0x1;
	p0 =	seq.s32 s7, s2  }
0x1e: {  	s7 =	smul.u32 @!p0 $0xF7A, s2;
	p2 =	seq.s32 @!p0 s5, $0x0  }
0x1f: {  	s9 =	smul.u32 $0xF7A, s1;
	s8 =	simm.s32 @!p0 $0x1BF5;
	p2 =	por !p2, p0  }
0x20: {  	[sflag:s8] =	ssyncset.s32 @!p0 $0xFFFFF086;
	s6 =	sadd.s32 @!p0 s3, s7;
	s7 =	simm.s32 @!p0 $0x108  }
0x21: {  	s3 =	sadd.s32 s3, s9;
	s6 =	sadd.s32 @!p0 $0x88, s6;
	s7 =	simm.s32 @p2 $0x1082  }
0x22: {  	[simem:s7], [sflag:s8] =	dma.local @!p0 [hbm:s6], $0xF7A  }
0x23: {  	s9 =	sor.u32 $0xD0000000, s2;
	s6 =	simm.s32 $0x108;
	_ =	swait.ge @!p0 [sflag:s8], $0x0  }
0x24: {  	s3 =	sadd.s32 $0x88, s3;
	s6 =	simm.s32 @!p1 $0x1082;
	[sflag:s4] =	ssyncset.s32 $0xFFFFF086  }
0x25: {  	[simem:s6], [sflag:s4] =	dma.local [hbm:s3], $0xF7A  }
0x26: {  	[smem:$0x3F97] =	sst s1;
	(tag) =	ssettag s2;
	_ =	strace s9  }
0x27: {  	s1 =	sld [smem:$0x3FA7]  }
0x28: {  	s2 =	sld [smem:$0x3FA8]  }
0x29: {  	s4 =	sld [smem:$0x3FAA]  }
0x2a: {  	p0 =	seq.s32 s5, $0x0;
	s5 =	sld [smem:$0x3FAB]  }
0x2b: {  	s6 =	sld [smem:$0x3FAC]  }
0x2c: {  	s7 =	sld [smem:$0x3FAD]  }
0x2d: {  	s3 =	simm.s32 $0x108;
	s8 =	sld [smem:$0x3FAE]  }
0x2e: {  	s3 =	simm.s32 @!p0 $0x1082;
	s9 =	sld [smem:$0x3FAF]  }
0x2f: {  	lr =	sadd.s32 s0, s3;
	s0 =	sld [smem:$0x3FA6]  }
0x30: {  	s3 =	sld [smem:$0x3FA9]  }
0x31: {  	[smem:$0x3FB2] =	sst s10  }
0x32: {  	s10 =	sld [smem:$0x3FB0];
	_ =	sdelay $0x3  }
0x33: {  	p0 =	seq.s32 s10, $0x1;
	s10 =	sld [smem:$0x3FB2];
	_ =	sdelay $0x3  }
0x34: {  	[smem:$0x3FB2] =	sst s10  }
0x35: {  	s10 =	sld [smem:$0x3FB1];
	_ =	sdelay $0x3  }
0x36: {  	p1 =	seq.s32 s10, $0x1;
	s10 =	sld [smem:$0x3FB2];
	_ =	sdelay $0x3  }
0x37: {  	[smem:$0x3FB2] =	sst s10  }
0x38: {  	s10 =	sld [smem:$0x3FB3]  }
0x39: {  	_ = 	snop;
	(pc) =	sbr.ind lr, $3  }
0x3a: {  	_ = 	snop  }
0x3b: {  	_ = 	snop  }
0x3c: {  	p2 =	seq.s32 s10, $0x1;
	s10 =	sld [smem:$0x3FB2]  }
0x3d: {  	_ =	shalt  }
0x3e: {  	_ =	shalt  }
0x3f: {  	_ =	shalt  }
0x40: {  	_ =	shalt  }
0x41: {  	_ =	shalt  }
0x42: {  	_ =	shalt  }
0x43: {  	_ =	shalt  }
0x44: {  	_ =	shalt  }
0x45: {  	_ =	shalt  }
0x46: {  	_ =	shalt  }
0x47: {  	_ =	shalt  }
0x48: {  	_ =	shalt  }
0x49: {  	_ =	shalt  }
0x4a: {  	_ =	shalt  }
0x4b: {  	_ =	shalt  }
0x4c: {  	_ =	shalt  }
0x4d: {  	_ =	shalt  }
0x4e: {  	_ =	shalt  }
0x4f: {  	_ =	shalt  }
0x50: {  	_ =	shalt  }
0x51: {  	_ =	shalt  }
0x52: {  	_ =	shalt  }
0x53: {  	_ =	shalt  }
0x54: {  	_ =	shalt  }
0x55: {  	_ =	shalt  }
0x56: {  	_ =	shalt  }
0x57: {  	_ =	shalt  }
0x58: {  	_ =	shalt  }
0x59: {  	_ =	shalt  }
0x5a: {  	_ =	shalt  }
0x5b: {  	_ =	shalt  }
0x5c: {  	_ =	shalt  }
0x5d: {  	_ =	shalt  }
0x5e: {  	_ =	shalt  }
0x5f: {  	_ =	shalt  }
0x60: {  	_ =	shalt  }
0x61: {  	_ =	shalt  }
0x62: {  	_ =	shalt  }
0x63: {  	_ =	shalt  }
0x64: {  	_ =	shalt  }
0x65: {  	_ =	shalt  }
0x66: {  	_ =	shalt  }
0x67: {  	_ =	shalt  }
0x68: {  	_ =	shalt  }
0x69: {  	_ =	shalt  }
0x6a: {  	_ =	shalt  }
0x6b: {  	_ =	shalt  }
0x6c: {  	_ =	shalt  }
0x6d: {  	_ =	shalt  }
0x6e: {  	_ =	shalt  }
0x6f: {  	_ =	shalt  }
0x70: {  	_ =	shalt  }
0x71: {  	_ =	shalt  }
0x72: {  	_ =	shalt  }
0x73: {  	_ =	shalt  }
0x74: {  	_ =	shalt  }
0x75: {  	_ =	shalt  }
0x76: {  	_ =	shalt  }
0x77: {  	_ =	shalt  }
0x78: {  	_ =	shalt  }
0x79: {  	_ =	shalt  }
0x7a: {  	_ =	shalt  }
0x7b: {  	_ =	shalt  }
0x7c: {  	_ =	shalt  }
0x7d: {  	_ =	shalt  }
0x7e: {  	_ =	shalt  }
0x7f: {  	_ =	shalt  }
0x80: {  	_ =	shalt  }
0x81: {  	_ =	shalt  }
0x82: {  	_ =	shalt  }
0x83: {  	_ =	shalt  }
0x84: {  	_ =	shalt  }
0x85: {  	_ =	shalt  }
0x86: {  	_ =	shalt  }
0x87: {  	_ =	shalt  }
.Lfunc_end0:
.L_simem_size_0:
called_computation.2_lowered:
.L_overlay_start_0:
0x88: {  	s2 =	sld [smem:$0x3FD9]  }
0x89: {  	s3 =	sld [smem:$0x3FFE];
	_ =	sdelay $0x1  }
0x8a: {  	s1 =	srdreg.scid  }
0x8b: {  	s0 =	sand.u32 $0x1, s1  }
0x8c: {  	s16 =	sshll.u32 s0, $0xA;
	s2 =	sadd.s32 s3, s2  }
0x8d: {  	s2 =	sadd.s32 s2, s16  }
0x8e: {  	[smem:$0x3FBE] =	sst s2  }
0x8f: {  	_ = 	snop  }
0x90: {  	(tm) =	ssettm $0x1  }
0x91: {  	s17 =	sld [smem:$0x3FFB];
	_ =	sdelay $0x3  }
0x92: {  	_ =	strace s17  }
0x93: {  	s2 =	sld [smem:$0x3FFC];
	_ =	sdelay $0x3  }
0x94: {  	_ =	strace s2  }
0x95: {  	s2 =	sld [smem:$0x3FFD];
	_ =	sdelay $0x3  }
0x96: {  	_ =	strace s2  }
0x97: {  	_ =	strace $0x8FFFFFFF  }
0x98: {  	s18 =	sld [smem:$0x3FDB];
	_ =	sdelay $0x1  }
0x99: {  	s19 =	simm.s32 $_scs_section_size  }
0x9a: {  	s4 =	simm.s32 $_size__tile_overlayer_lowered;
	s5 =	simm.s32 $_tile_overlayer_lowered  }
0x9b: {  	s22 =	simm.s32 $0x1BFF;
	s21 =	sshll.u32 s5, $0x1;
	s2 =	sadd.s32 s19, s18  }
0x9c: {  	s6 =	simm.s32 $0x0;
	s20 =	sshll.u32 s4, $0x1;
	s4 =	sadd.s32 s21, s2  }
0x9d: {  	[timem:s6], [sflag:s22] =	dma.local [hbm:s4], s20  }
0x9e: {  	_ =	swait.ge [sflag:s22], s20  }
0x9f: {  	s3 =	ssub.s32 $0x0, s20;
	[sflag:s22] =	ssyncset.done $0x0  }
0xa0: {  	[sflag:s22] =	ssyncadd.s32 s3;
	_ =	sdelay $0x1  }
0xa1: {  	s23 =	simm.s32 $0x1B8B  }
0xa2: {  	_ =	swait.ge [sflag:s23], $0x1  }
0xa3: {  	[sflag:s23] =	ssyncset.done $0x0  }
0xa4: {  	s25 =	simm.s32 $0x1B8E;
	s24 =	sld [smem:$0x3FFE];
	[sflag:s23] =	ssyncadd.s32 $0xFFFFFFFF  }
0xa5: {  	s26 =	simm.s32 $execute0_lowered;
	[smem:$0x3FD2] =	sst s25  }
0xa6: {  	s4 =	sshll.u32 s26, $0x1;
	_ =	strace $0x8000004C;
	[dreg:$0x1] =	wrdreg $0xFFFFFFFF  }
0xa7: {  	s28 =	simm.s32 $_size_execute0_lowered;
	s2 =	sadd.s32 s2, s4;
	[dreg:$0x0] =	wrdreg $0x0  }
0xa8: {  	s4 =	sshll.u32 s28, $0x1;
	[dreg:$0x2] =	wrdreg s2  }
0xa9: {  	[dreg:$0x3] =	wrdreg s4  }
0xaa: {  	[dreg:$0x4] =	wrdreg $0xC0  }
0xab: {  	_ =	task [dreg:s6], $0x5FFFF  }
0xac: {  	[dreg:$0x1] =	wrdreg $0xFFFFFFFF  }
0xad: {  	[dreg:$0x0] =	wrdreg $0x60  }
0xae: {  	[dreg:$0x2] =	wrdreg s24  }
0xaf: {  	[dreg:$0x3] =	wrdreg $0x7A000  }
0xb0: {  	[dreg:$0x4] =	wrdreg $0x9  }
0xb1: {  	_ =	task.clear_ibuf [dreg:s6], $0x5FFFF;
	_ =	strace $0x9000004C  }
0xb2: {  	s29 =	simm.s32 $0x9;
	_ =	strace $0x8000004E  }
0xb3: {  	_ =	swait.ge [sflag:s29], $0x1  }
0xb4: {  	[sflag:s29] =	ssyncadd.s32 $0xFFFFFFFF  }
0xb5: {  	_ =	strace $0x9000004E  }
0xb6: {  	_ =	sfence  }
0xb7: {  	s30 =	sld [smem:$0x0];
	_ =	sdelay $0x2  }
0xb8: {  	s31 =	sshll.u32 s1, $0xD;
	s1 =	sshrl.u32 s1, $0x2  }
0xb9: {  	s3 =	sand.u32 $0x4000, s31;
	s1 =	sadd.s32 s1, s30  }
0xba: {  	s0 =	sor.u32 s3, s0;
	s1 =	sshll.u32 s1, $0x11  }
0xbb: {  	s0 =	sor.u32 s1, s0  }
0xbc: {  	s0 =	sadd.s32 $0x8F2B, s0  }
0xbd: {  	[sflag:s0] =	ssyncadd.remote.s32 $0x1  }
0xbe: {  	_ =	sfence.sel $0xFFFF  }
0xbf: {  	[dreg:$0x0] =	wrdreg $0xFFFFFFFF;
	(pc) =	sbr.abs _section_cstart, $3  }
0xc0: {  	[dreg:$0x1] =	wrdreg $0xFFFFFFFF  }
0xc1: {  	_ =	task.clear_ibuf [dreg:s6], $0x2FFFF;
	_ =	strace $0x9FFFFFFF  }
0xc2: {  	(tm) =	ssettm $0x7FFFFFFF  }
0xc3: {  	_ =	shalt  }
tec
execute0_lowered:
.L_overlay_start_1:
0x0: {  	(tag) =	ssettag $0x1  }
0x1: {  	s9 =	rddreg [dreg:$0x0]  }
0x2: {  	s1 =	rddreg [dreg:$0x1];
	s3 =	simm.s32 $0x0  }
0x3: {  	s4 =	srdreg.scid;
	s2 =	stileid.u32;
	s15 =	simm.s32 $0x1  }
0x4: {  	s16 =	simm.s32 $0x7980;
	s17 =	simm.s32 $0x80;
	s18 =	simm.s32 $0x50  }
0x5: {  	s20 =	simm.s32 $0x2980;
	s21 =	simm.s32 $0x100;
	[smem:$0x7FF] =	sst s3  }
0x6: {  	s10 =	sand.u32 $0x1, s4;
	s11 =	smul.u32 $0xA00, s2;
	s4 =	sadd.s32 $0xF000, s9  }
0x7: {  	s5 =	sadd.s32 $0x5200, s9;
	s6 =	sadd.s32 $0x18E00, s9;
	s13 =	smul.u32 $0x14000, s2  }
0x8: {  	s7 =	sadd.s32 $0x40000, s9;
	s8 =	sadd.s32 $0x10F400, s9;
	s12 =	smul.u32 $0xA000, s10  }
0x9: {  	_ =	strace $0x8000004D;
	s28 =	ssub.s32 $0x2, s10;
	s19 =	smul.u32 $0xFFFFEC78, s10  }
0xa: {  	s29 =	sshrl.u32 s28, $0x1;
	s30 =	sshrl.u32 s13, $0x2;
	s11 =	sadd.s32 s11, s12  }
0xb: {  	s31 =	ssub.s32 s28, s29;
	v1 =	vmov s19;
	s19 =	simm.s32 $0x180;
	s14 =	sadd.s32 s11, s9  }
0xc: {  	v0 =	vimm.f32 $0.0e+00;
	vm0 =	vcmask $0x2320;
	s9 =	sadd.s32 s30, s1;
	s11 =	smul.u32 $0x4E20, s2;
	s13 =	smax.u32 s31, $0x1  }
0xd: {  	v2 =	vsel vm0, $0x3F800000, v0;
	s10 =	sadd.s32 $0x2800, s9;
	s12 =	sadd.s32 $0x67200, s14;
	s14 =	simm.s32 $0x5180  }
.LBB2_1:
0xe: {  	s22 =	simm.s32 $0x0;
	s23 =	simm.s32 $0x200  }
.LBB2_2:
0xf: {  	p0 =	sne.s32 s23, $0x9E00;
	[tilespmem:s22+$0x51F0] =	vst v0  }
0x10: {  	[tilespmem:s22+$0x5180] =	vst v0  }
0x11: {  	[tilespmem:s22+$0x5190] =	vst v0  }
.Ltmp0:
0x12: {  	[tilespmem:s22+$0x51A0] =	vst v0;
	(pc) =	sbr.rel @p0 .LBB2_2-.Ltmp0, $4  }
0x13: {  	[tilespmem:s22+$0x51B0] =	vst v0  }
0x14: {  	[tilespmem:s22+$0x51C0] =	vst v0  }
0x15: {  	[tilespmem:s22+$0x51D0] =	vst v0  }
0x16: {  	[tilespmem:s22+$0x51E0] =	vst v0;
	s22 =	sshra.s32 s23, $0x2;
	s23 =	sadd.s32 $0x200, s23  }
0x17: {  	[tilespmem:s22+$0x51F0] =	vst v0  }
0x18: {  	[tilespmem:s22+$0x5180] =	vst v0  }
0x19: {  	[tilespmem:s22+$0x5190] =	vst v0  }
0x1a: {  	[tilespmem:s22+$0x51A0] =	vst v0  }
0x1b: {  	[tilespmem:s22+$0x51B0] =	vst v0  }
0x1c: {  	[tilespmem:s22+$0x51C0] =	vst v0  }
0x1d: {  	[tilespmem:s22+$0x51D0] =	vst v0  }
0x1e: {  	[tilespmem:s22+$0x51E0] =	vst v0  }
0x1f: {  	[spmem:s9] =	stream.linear.scatter [tilespmem:s14], [sflag:$0x1], $0x2800, $0x38;
	[tilespmem:$0xCA00] =	vst v63  }
0x20: {  	_ =	swait.ge [sflag:s15], $0x2800  }
0x21: {  	[sflag:s15] =	ssyncset.done $0x0  }
0x22: {  	[sflag:s15] =	ssyncadd.s32 $0xFFFFD800  }
0x23: {  	[spmem:s10] =	stream.linear.scatter [tilespmem:s14], [sflag:$0x1], $0x2800, $0x38;
	[tilespmem:$0xCA00] =	vst v63  }
0x24: {  	_ =	swait.ge [sflag:s15], $0x2800  }
0x25: {  	[sflag:s15] =	ssyncset.done $0x0  }
0x26: {  	s22 =	simm.s32 $0x0;
	[sflag:s15] =	ssyncadd.s32 $0xFFFFD800  }
0x27: {  	[tilespmem:s16], [sflag:$0x1] =	stream.linear.gather [hbm4b:s8+s22], $0x80, $0x38;
	[tilespmem:$0xCA00] =	vst v63  }
0x28: {  	_ =	swait.ge [sflag:s15], $0x80  }
0x29: {  	[sflag:s15] =	ssyncset.done $0x0  }
0x2a: {  	[sflag:s15] =	ssyncadd.s32 $0xFFFFFF80  }
0x2b: {  	[bflag:$0x0] =	sbarrier.arrive $0xFFFF  }
0x2c: {  	v3 =	vld [tilespmem:$0x7980]  }
0x2d: {  	v4 =	vld [tilespmem:$0x7990]  }
0x2e: {  	s23 =	simm.s32 $0x0;
	v5 =	vld [tilespmem:$0x79A0]  }
.LBB2_4:
0x2f: {  	s24 =	smul.u32 $0x50, s23;
	_ =	sdelay $0x1  }
0x30: {  	s24 =	sadd.s32 s11, s24  }
0x31: {  	s24 =	sshrl.u32 s24, $0x3  }
0x32: {  	s25 =	sadd.s32 s4, s24  }
0x33: {  	[tilespmem:s22], [sflag:$0x1] =	stream.linear.gather [hbm4b:s25+s22], $0x50, $0x38;
	[tilespmem:$0xCA00] =	vst v63  }
0x34: {  	_ =	swait.ge [sflag:s15], $0x50  }
0x35: {  	[sflag:s15] =	ssyncset.done $0x0  }
0x36: {  	s24 =	sadd.s32 s5, s24;
	[sflag:s15] =	ssyncadd.s32 $0xFFFFFFB0  }
0x37: {  	[tilespmem:s17], [sflag:$0x1] =	stream.linear.gather [hbm4b:s24+s22], $0x50, $0x38;
	[tilespmem:$0xCA00] =	vst v63  }
0x38: {  	_ =	swait.ge [sflag:s15], $0x50  }
0x39: {  	[sflag:s15] =	ssyncset.done $0x0  }
0x3a: {  	[sflag:s15] =	ssyncadd.s32 $0xFFFFFFB0  }
0x3b: {  	v6 =	vld [tilespmem:$0x80]  }
0x3c: {  	v7 =	vld [tilespmem:$0x90]  }
0x3d: {  	v8 =	vld [tilespmem:$0xA0];
	_ =	sdelay $0x2  }
0x3e: {  	v9 =	vld [tilespmem:$0xB0]  }
0x3f: {  	v10 =	vld [tilespmem:$0xC0];
	v6 =	vadd.s32 v1, v6  }
0x40: {  	v7 =	vadd.s32 v1, v7;
	v8 =	vadd.s32 v1, v8;
	vm0 =	vlt.u32 v6, $0x1388  }
0x41: {  	v6 =	vshrl.u32 v6, $0x1;
	vm10 =	vlt.u32 v7, $0x1388;
	v7 =	vshrl.u32 v7, $0x1  }
0x42: {  	vm1 =	vlt.u32 v8, $0x1388;
	v8 =	vshrl.u32 v8, $0x1;
	v6 =	vnsel vm0, $0x9D8, v6  }
0x43: {  	[tilespmem:$0x100] =	vst v6;
	v6 =	vnsel vm10, $0x9D8, v7;
	v7 =	vnsel vm1, $0x9D8, v8;
	v8 =	vadd.s32 v1, v9  }
0x44: {  	[tilespmem:$0x110] =	vst v6;
	vm11 =	vlt.u32 v8, $0x1388;
	v6 =	vshrl.u32 v8, $0x1;
	v8 =	vadd.s32 v1, v10  }
0x45: {  	[tilespmem:$0x120] =	vst v7;
	v6 =	vnsel vm11, $0x9D8, v6;
	vm12 =	vlt.u32 v8, $0x1388;
	v7 =	vshrl.u32 v8, $0x1  }
0x46: {  	[tilespmem:$0x130] =	vst v6;
	v6 =	vnsel vm12, $0x9D8, v7  }
0x47: {  	[tilespmem:$0x140] =	vst v6  }
0x48: {  	[tilespmem:s19], [sflag:$0x1] =	stream.indirect.gather [hbm4b:s6+s18], $0x80, s22, s18, $0xb8;
	[tilespmem:$0xCA00] =	vst v63  }
0x49: {  	_ =	swait.ge [sflag:s15], $0x2800  }
0x4a: {  	[sflag:s15] =	ssyncset.done $0x0  }
0x4b: {  	[sflag:s15] =	ssyncadd.s32 $0xFFFFD800  }
0x4c: {  	[tilespmem:s20], [sflag:$0x1] =	stream.indirect.gather [hbm4b:s7+s18], $0x80, s17, s18, $0xb8;
	[tilespmem:$0xCA00] =	vst v63  }
0x4d: {  	_ =	swait.ge [sflag:s15], $0x2800  }
0x4e: {  	[sflag:s15] =	ssyncset.done $0x0  }
0x4f: {  	s31 =	simm.s32 $0x280;
	[sflag:s15] =	ssyncadd.s32 $0xFFFFD800  }
0x50: {  	s0 =	simm.s32 $0x2A80;
	v7 =	vld [tilespmem:s31+$0x80]  }
0x51: {  	v8 =	vld [tilespmem:s0+$0x80]  }
0x52: {  	v6 =	vld [tilespmem:s31+$0x90]  }
0x53: {  	v9 =	vld [tilespmem:s0+$0x90]  }
0x54: {  	v10 =	vld [tilespmem:s31+$0xA0]  }
0x55: {  	v11 =	vld [tilespmem:s0+$0xA0]  }
0x56: {  	v8 =	vadd.f32 v8, v7  }
0x57: {  	v15 =	vld [tilespmem:s0+$0xFFFFFF00]  }
0x58: {  	v16 =	vld [tilespmem:s31+$0xFFFFFF80];
	v9 =	vadd.f32 v9, v6;
	v12 =	vmul.f32 $2.000000030e-01, v8  }
0x59: {  	v18 =	vld [tilespmem:s0+$0xFFFFFF80];
	vm13 =	vgt.f32 v8, $0.0e+00  }
0x5a: {  	v14 =	vld [tilespmem:s31+$0x0];
	v11 =	vadd.f32 v11, v10;
	v8 =	vsel vm13, v8, v12;
	v12 =	vmul.f32 $2.000000030e-01, v9  }
0x5b: {  	v19 =	vld [tilespmem:s0+$0x0];
	vm14 =	vgt.f32 v9, $0.0e+00;
	v8 =	vmul.f32 v8, v3  }
0x5c: {  	v13 =	vld [tilespmem:s31+$0xFFFFFF00];
	v20 =	vmul.f32 $2.000000030e-01, v11;
	v9 =	vsel vm14, v9, v12  }
0x5d: {  	v23 =	vld [tilespmem:s0+$0xFFFFFF10];
	vm15 =	vgt.f32 v11, $0.0e+00;
	v8 =	vadd.f32 $0.0e+00, v8;
	v9 =	vmul.f32 v9, v4  }
0x5e: {  	v17 =	vmov s22;
	v11 =	vsel vm15, v11, v20;
	v12 =	vld [tilespmem:s31+$0xFFFFFF10]  }
0x5f: {  	v21 =	vand.u32 $0xFFFFFFFC, v17;
	v17 =	vld [tilespmem:s31+$0xFFFFFF90];
	v8 =	vadd.f32 v9, v8;
	v9 =	vmul.f32 v11, v5  }
0x60: {  	s26 =	simm.s32 $0x1;
	v24 =	vld [tilespmem:s0+$0xFFFFFF90];
	v19 =	vadd.f32 v19, v14  }
0x61: {  	v22 =	vmov s26;
	v25 =	vld [tilespmem:s0+$0x10];
	v15 =	vadd.f32 v15, v13;
	v8 =	vadd.f32 v9, v8  }
0x62: {  	v22 =	vand.u32 $0xFFFFFFFD, v22;
	v28 =	vld [tilespmem:s31+$0xFFFFFF20];
	v11 =	vbroadcast v21, $0x0;
	v21 =	vadd.f32 v18, v16  }
0x63: {  	v26 =	vmul.f32 $2.000000030e-01, v19;
	v27 =	vmul.f32 $2.000000030e-01, v15;
	(xrf2) =	vadd.scan.msk.f32 $0xffff, v8;
	v8 =	vadd.f32 v23, v12;
	v23 =	vld [tilespmem:s0+$0xFFFFFF20]  }
0x64: {  	vm5 =	vgt.f32 v19, $0.0e+00;
	v18 =	vld [tilespmem:s31+$0x10];
	v9 =	vbroadcast v22, $0x0;
	v22 =	vmul.f32 $2.000000030e-01, v21  }
0x65: {  	vm2 =	vgt.f32 v15, $0.0e+00;
	v19 =	vsel vm5, v19, v26;
	v26 =	vld [tilespmem:s31+$0xFFFFFFA0];
	vm4 =	vgt.f32 v21, $0.0e+00  }
0x66: {  	s28 =	simm.s32 $0x2;
	v15 =	vsel vm2, v15, v27;
	v27 =	vld [tilespmem:s0+$0xFFFFFFA0];
	v21 =	vsel vm4, v21, v22;
	v22 =	vadd.f32 v24, v17  }
0x67: {  	v20 =	vmov s28  }
0x68: {  	v15 =	vmul.f32 v15, v3;
	v29 =	vmul.f32 $2.000000030e-01, v22;
	v23 =	vadd.f32 v23, v28  }
0x69: {  	v19 =	vmul.f32 v19, v3;
	v25 =	vadd.f32 v25, v18;
	vm7 =	vgt.f32 v22, $0.0e+00  }
0x6a: {  	v24 =	vmul.f32 $2.000000030e-01, v8;
	v22 =	vsel vm7, v22, v29;
	v29 =	vmul.f32 $2.000000030e-01, v23  }
0x6b: {  	v30 =	vld [tilespmem:s31+$0x20];
	v15 =	vadd.f32 $0.0e+00, v15;
	v27 =	vadd.f32 v27, v26;
	vm6 =	vgt.f32 v8, $0.0e+00  }
0x6c: {  	v21 =	vmul.f32 v21, v3;
	v31 =	vmul.f32 $2.000000030e-01, v25;
	v8 =	vsel vm6, v8, v24;
	v24 =	vld [tilespmem:s0+$0x20]  }
0x6d: {  	vm8 =	vgt.f32 v25, $0.0e+00;
	v8 =	vmul.f32 v8, v4;
	vm9 =	vgt.f32 v23, $0.0e+00  }
0x6e: {  	v25 =	vsel vm8, v25, v31;
	v31 =	vmul.f32 $2.000000030e-01, v27;
	v23 =	vsel vm9, v23, v29;
	v29, _, _ =	vpop (xrf2)  }
0x6f: {  	vm10 =	vgt.f32 v27, $0.0e+00;
	v8 =	vadd.f32 v8, v15;
	v15 =	vmul.f32 $1.442695020e+00, v29  }
0x70: {  	v21 =	vadd.f32 $0.0e+00, v21;
	v22 =	vmul.f32 v22, v4;
	v27 =	vsel vm10, v27, v31  }
0x71: {  	v11 =	vld.idx.msk [tilespmem:v11+s17+$0x0], $0xffff;
	v24 =	vadd.f32 v24, v30;
	v23 =	vmul.f32 v23, v5;
	v15 =	vbroadcast v15, $0xF  }
0x72: {  	s25 =	simm.s32 $0x2C80;
	v19 =	vadd.f32 $0.0e+00, v19;
	v21 =	vadd.f32 v22, v21;
	v22 =	vmul.f32 v27, v5  }
0x73: {  	s26 =	simm.s32 $0x3;
	v33 =	vld [tilespmem:s25+$0xA0];
	v8 =	vadd.f32 v23, v8;
	v23 =	vmul.f32 $2.000000030e-01, v24;
	(erf) = vpow2.f32 v15  }
0x74: {  	v35 =	vld [tilespmem:s25+$0xFFFFFF00];
	v25 =	vmul.f32 v25, v4;
	v27 =	vmov s26;
	vm11 =	vgt.f32 v24, $0.0e+00  }
0x75: {  	s24 =	simm.s32 $0x480;
	v9 =	vld.idx.msk [tilespmem:v9+s17+$0x0], $0xffff;
	(xrf2) =	vadd.scan.msk.f32 $0xffff, v8;
	v8 =	vand.u32 $0xFFFFFFFE, v20;
	v20 =	vadd.f32 v22, v21;
	v15 =	vsel vm11, v24, v23  }
0x76: {  	v11 =	vand.u32 $0x1, v11;
	v19 =	vadd.f32 v25, v19;
	v25 =	vld [tilespmem:s24+$0xA0];
	v15 =	vmul.f32 v15, v5  }
0x77: {  	vm1 =	veq.s32 v11, $0x0;
	v11 =	vld [tilespmem:s24+$0xFFFFFF00];
	(xrf2) =	vadd.scan.msk.f32 $0xffff, v20  }
0x78: {  	v15 =	vadd.f32 v15, v19  }
0x79: {  	s0 =	simm.s32 $0x5;
	v20 =	vld.idx.msk [tilespmem:v27+s17+$0x0], $0xffff  }
0x7a: {  	v10 =	vadd.f32 v2, v10;
	v34 =	vmov s0;
	s26 =	simm.s32 $0x6;
	v9 =	vand.u32 $0x1, v9  }
0x7b: {  	v47 =	vmov s26;
	vm15 =	veq.s32 v9, $0x0;
	v33 =	vadd.f32 v33, v25  }
0x7c: {  	v32 =	vld [tilespmem:s25+$0x90];
	v35 =	vadd.f32 v35, v11;
	v22 =	vadd.f32 v2, v26;
	v8 =	vbroadcast v8, $0x0;
	(xrf2) =	vadd.scan.msk.f32 $0xffff, v15;
	v15 =	vpop (erf)  }
0x7d: {  	v40 =	vld [tilespmem:s25+$0xFFFFFF90];
	v21 =	vadd.f32 v2, v30;
	v54 =	vmul.f32 $2.000000030e-01, v33;
	v7 =	vmul.f32 v15, v7  }
0x7e: {  	v26 =	vld [tilespmem:s25+$0x80];
	vm3 =	vgt.f32 v33, $0.0e+00;
	v20 =	vand.u32 $0x1, v20;
	v10 =	vmul.f32 v15, v10  }
0x7f: {  	vm5 =	vgt.f32 v35, $0.0e+00;
	v19 =	vld [tilespmem:s24+$0x80];
	vm12 =	veq.s32 v20, $0x0;
	v23, _, _ =	vpop (xrf2);
	v6 =	vmul.f32 v15, v6  }
0x80: {  	v9 =	vld [tilespmem:s24+$0xFFFFFF90];
	v24 =	vadd.f32 v2, v28;
	v23 =	vmul.f32 $1.442695020e+00, v23;
	v30 =	vsel vm12, $0x0, v10  }
0x81: {  	s31 =	simm.s32 $0x4;
	v20 =	vld [tilespmem:s24+$0x90];
	v31 =	vnsel vm12, $0x0, v7;
	v29 =	vsel vm12, $0x0, v7;
	v15 =	vnsel vm12, $0x0, v6;
	v7, _, _ =	vpop (xrf2)  }
0x82: {  	v27 =	vnsel vm12, $0x0, v10;
	v10 =	vmov s31;
	v7 =	vmul.f32 $1.442695020e+00, v7  }
0x83: {  	v37 =	vld [tilespmem:s25+$0xFFFFFF80];
	v28 =	vsel vm12, $0x0, v6;
	v6 =	vbroadcast v23, $0xF;
	v10 =	vand.u32 $0xFFFFFFFC, v10  }
0x84: {  	v38 =	vld [tilespmem:s25+$0x0];
	v36 =	vadd.f32 v26, v19;
	v23 =	vbroadcast v10, $0x0;
	v10 =	vbroadcast v7, $0xF  }
0x85: {  	v42 =	vld [tilespmem:s24+$0xFFFFFF20];
	v57 =	vmul.f32 $2.000000030e-01, v35;
	v40 =	vadd.f32 v40, v9;
	(erf) = vpow2.f32 v6  }
0x86: {  	v58 =	vld [tilespmem:s25+$0xFFFFFF20];
	v32 =	vadd.f32 v32, v20;
	v51, _, _ =	vpop (xrf2);
	(erf) = vpow2.f32 v10;
	v10 =	vmul.f32 $2.000000030e-01, v36  }
0x87: {  	v44 =	vld [tilespmem:s24+$0x20];
	vm13 =	vgt.f32 v36, $0.0e+00;
	v6 =	vand.u32 $0xFFFFFFFD, v34;
	v34 =	vmul.f32 $1.442695020e+00, v51  }
0x88: {  	v46 =	vld [tilespmem:s25+$0x20];
	v33 =	vsel vm3, v33, v54;
	v39 =	vmul.f32 $2.000000030e-01, v32;
	v36 =	vsel vm13, v36, v10  }
0x89: {  	v8 =	vld.idx.msk [tilespmem:v8+s17+$0x0], $0xffff;
	vm14 =	vgt.f32 v32, $0.0e+00;
	v34 =	vbroadcast v34, $0xF;
	v52 =	vmul.f32 v36, v3  }
0x8a: {  	v43 =	vmul.f32 $2.000000030e-01, v40;
	v26 =	vbroadcast v6, $0x0;
	v6 =	vld [tilespmem:s24+$0x0];
	v32 =	vsel vm14, v32, v39  }
0x8b: {  	v32 =	vmul.f32 v32, v4;
	v7 =	vld [tilespmem:s24+$0xFFFFFF80];
	(erf) = vpow2.f32 v34;
	v34 =	vadd.f32 $0.0e+00, v52  }
0x8c: {  	v53 =	vld [tilespmem:s25+$0xFFFFFF10];
	v59 =	vsel vm5, v35, v57;
	vm10 =	vgt.f32 v40, $0.0e+00;
	v33 =	vmul.f32 v33, v5  }
0x8d: {  	v61 =	vld [tilespmem:s24+$0xFFFFFFA0];
	v40 =	vsel vm10, v40, v43;
	v43 =	vadd.f32 v46, v44;
	v32 =	vadd.f32 v32, v34  }
0x8e: {  	v62 =	vld [tilespmem:s25+$0xFFFFFFA0];
	v40 =	vmul.f32 v40, v4;
	v8 =	vand.u32 $0x1, v8;
	v39 =	vadd.f32 v58, v42  }
0x8f: {  	v55 =	vld [tilespmem:s25+$0x10];
	s26 =	simm.s32 $0x5280;
	vm0 =	veq.s32 v8, $0x0;
	v38 =	vadd.f32 v38, v6;
	v32 =	vadd.f32 v33, v32  }
0x90: {  	[tilespmem:s26+$0x90] =	vst v15;
	v15 =	vadd.f32 v2, v42;
	vm14 =	vgt.f32 v43, $0.0e+00;
	v10 =	vld [tilespmem:s24+$0xFFFFFF10];
	v37 =	vadd.f32 v37, v7  }
0x91: {  	v8 =	vld [tilespmem:s24+$0x10];
	v48 =	vmul.f32 $2.000000030e-01, v39;
	vm12 =	vgt.f32 v39, $0.0e+00;
	v41 =	vmul.f32 $2.000000030e-01, v38;
	(xrf2) =	vadd.scan.msk.f32 $0xffff, v32  }
0x92: {  	vm4 =	vgt.f32 v38, $0.0e+00;
	vm8 =	vgt.f32 v37, $0.0e+00;
	v56 =	vmul.f32 $2.000000030e-01, v37  }
0x93: {  	v51 =	vpop (erf);
	v38 =	vsel vm4, v38, v41;
	v41 =	vadd.f32 v62, v61;
	v52 =	vmul.f32 $2.000000030e-01, v43  }
0x94: {  	[tilespmem:s26+$0xD0] =	vst v28;
	v28 =	vmul.f32 v51, v12;
	v24 =	vmul.f32 v51, v24;
	v12 =	vadd.f32 v2, v44  }
0x95: {  	v38 =	vmul.f32 v38, v3;
	v36 =	vadd.f32 v53, v10;
	v37 =	vsel vm8, v37, v56  }
0x96: {  	v34 =	vadd.f32 v55, v8;
	v49 =	vmul.f32 $2.000000030e-01, v41;
	v53 =	vmul.f32 v51, v13  }
0x97: {  	vm13 =	vgt.f32 v41, $0.0e+00;
	v37 =	vmul.f32 v37, v3;
	v60 =	vmul.f32 $2.000000030e-01, v36  }
0x98: {  	s31 =	simm.s32 $0x7;
	[tilespmem:s26+$0x80] =	vst v31;
	v31 =	vsel vm14, v43, v52;
	vm9 =	vgt.f32 v36, $0.0e+00;
	v32 =	vmul.f32 v59, v3  }
0x99: {  	v55 =	vmov s31;
	v37 =	vadd.f32 $0.0e+00, v37;
	v33 =	vsel vm9, v36, v60  }
0x9a: {  	v38 =	vadd.f32 $0.0e+00, v38;
	v33 =	vmul.f32 v33, v4;
	v32 =	vadd.f32 $0.0e+00, v32  }
0x9b: {  	v31 =	vmul.f32 v31, v5;
	v63 =	vmul.f32 $2.000000030e-01, v34;
	v37 =	vadd.f32 v40, v37;
	v50, _, _ =	vpop (xrf2)  }
0x9c: {  	v32 =	vadd.f32 v33, v32;
	v33 =	vsel vm12, v39, v48;
	v40 =	vmul.f32 $1.442695020e+00, v50  }
0x9d: {  	vm11 =	vgt.f32 v34, $0.0e+00;
	v56 =	vpop (erf);
	v57 =	vnsel vm1, $0x0, v53;
	v13 =	vmul.f32 v33, v5  }
0x9e: {  	v58 =	vsel vm1, $0x0, v53;
	v16 =	vmul.f32 v56, v16;
	v54 =	vbroadcast v40, $0xF  }
0x9f: {  	[tilespmem:s26+$0xC0] =	vst v29;
	v17 =	vmul.f32 v56, v17;
	v39 =	vsel vm13, v41, v49;
	v32 =	vadd.f32 v13, v32  }
0xa0: {  	[tilespmem:s26+$0xA0] =	vst v27;
	v34 =	vsel vm11, v34, v63;
	v29 =	vmul.f32 v39, v5;
	(erf) = vpow2.f32 v54  }
0xa1: {  	v27 =	vpop (erf);
	v22 =	vmul.f32 v56, v22;
	v36 =	vand.u32 $0xFFFFFFFE, v47;
	v34 =	vmul.f32 v34, v4;
	(xrf2) =	vadd.scan.msk.f32 $0xffff, v32  }
0xa2: {  	[tilespmem:s26+$0xE0] =	vst v30;
	v14 =	vmul.f32 v27, v14;
	v18 =	vmul.f32 v27, v18;
	v29 =	vadd.f32 v29, v37  }
0xa3: {  	[tilespmem:s26+$0xFFFFFF00] =	vst v57;
	v21 =	vmul.f32 v27, v21;
	v60 =	vnsel vm1, $0x0, v24;
	v34 =	vadd.f32 v34, v38  }
0xa4: {  	v24 =	vsel vm1, $0x0, v24;
	v30 =	vbroadcast v36, $0x0;
	v62 =	vsel vm15, $0x0, v16;
	(xrf2) =	vadd.scan.msk.f32 $0xffff, v29  }
0xa5: {  	[tilespmem:s26+$0xFFFFFF40] =	vst v58;
	v59 =	vld.idx.msk [tilespmem:v55+s17+$0x0], $0xffff;
	v63 =	vnsel vm15, $0x0, v17;
	v36 =	vsel vm15, $0x0, v22;
	v31 =	vadd.f32 v31, v34  }
0xa6: {  	[tilespmem:s26+$0xFFFFFF20] =	vst v60;
	v35 =	vnsel vm0, $0x0, v14;
	v27 =	vnsel vm0, $0x0, v18;
	v38 =	vnsel vm15, $0x0, v22  }
0xa7: {  	s25 =	simm.s32 $0x8;
	v13 =	vadd.f32 v2, v61;
	v61 =	vnsel vm15, $0x0, v16;
	v16 =	vadd.f32 v2, v25;
	(xrf2) =	vadd.scan.msk.f32 $0xffff, v31  }
0xa8: {  	[tilespmem:s26+$0xFFFFFF60] =	vst v24;
	v39 =	vsel vm15, $0x0, v17;
	v33 =	vnsel vm0, $0x0, v21;
	v37 =	vmov s25  }
0xa9: {  	[tilespmem:s26+$0xFFFFFFC0] =	vst v62;
	v32 =	vsel vm0, $0x0, v18;
	v29 =	vnsel vm1, $0x0, v28;
	v28 =	vsel vm1, $0x0, v28;
	v17 =	vpop (erf)  }
0xaa: {  	[tilespmem:s26+$0xFFFFFF10] =	vst v29;
	v31 =	vsel vm0, $0x0, v14;
	v14 =	vand.u32 $0x1, v59;
	v29 =	vld.idx.msk [tilespmem:v23+s17+$0x0], $0xffff;
	v22 =	vmul.f32 v17, v16  }
0xab: {  	[tilespmem:s26+$0xFFFFFF90] =	vst v63;
	vm15 =	veq.s32 v14, $0x0;
	v40 =	vld.idx.msk [tilespmem:v26+s17+$0x0], $0xffff;
	v19 =	vmul.f32 v17, v19;
	v17 =	vmul.f32 v17, v20;
	v16, _, _ =	vpop (xrf2)  }
0xac: {  	s29 =	simm.s32 $0x2E80;
	[tilespmem:s26+$0xFFFFFF50] =	vst v28;
	v28 =	vsel vm0, $0x0, v21;
	v21 =	vmul.f32 $1.442695020e+00, v16;
	v16 =	vld.idx.msk [tilespmem:v30+s17+$0x0], $0xffff;
	v14 =	vsel vm15, $0x0, v22  }
0xad: {  	s28 =	simm.s32 $0x680;
	s24 =	simm.s32 $0x5480;
	[tilespmem:s26+$0xFFFFFF80] =	vst v61;
	v30 =	vld [tilespmem:s29+$0x80];
	v26 =	vnsel vm15, $0x0, v19;
	v24 =	vsel vm15, $0x0, v19;
	v23 =	vnsel vm15, $0x0, v17  }
0xae: {  	s30 =	simm.s32 $0xC;
	v25, _, _ =	vpop (xrf2);
	v20 =	vsel vm15, $0x0, v17;
	v18 =	vnsel vm15, $0x0, v22;
	[tilespmem:s24+$0xE0] =	vst v14;
	v14 =	vld [tilespmem:s28+$0x80];
	v21 =	vbroadcast v21, $0xF  }
.LBB2_5:
0xaf: {  	p0 =	slt.u32 s30, $0x4C;
	v19 =	vand.u32 $0xFFFFFFFC, v37;
	s31 =	sadd.s32 $0x1, s25;
	s0 =	sadd.s32 $0x2, s25;
	v17 =	vld [tilespmem:s28+$0x90];
	v22 =	vmul.f32 $1.442695020e+00, v25;
	[tilespmem:s26+$0xFFFFFFD0] =	vst v39  }
0xb0: {  	v25 =	vmov s31;
	v34 =	vmov s0;
	v37 =	vld [tilespmem:s29+$0x90];
	(erf) = vpow2.f32 v21;
	[tilespmem:s26+$0xFFFFFFA0] =	vst v38  }
0xb1: {  	v19 =	vbroadcast v19, $0x0;
	v21 =	vand.u32 $0xFFFFFFFD, v25;
	v25 =	vld [tilespmem:s28+$0xA0];
	v22 =	vbroadcast v22, $0xF;
	v38, _, _ =	vpop (xrf2);
	[tilespmem:s26+$0xFFFFFFE0] =	vst v36  }
0xb2: {  	v34 =	vand.u32 $0xFFFFFFFE, v34;
	v21 =	vbroadcast v21, $0x0;
	v36 =	vld [tilespmem:s29+$0xA0];
	v38 =	vmul.f32 $1.442695020e+00, v38;
	[tilespmem:s26+$0x0] =	vst v35  }
0xb3: {  	v39 =	vand.u32 $0x1, v29;
	v35 =	vld [tilespmem:s29+$0xFFFFFF00];
	v30 =	vadd.f32 v30, v14;
	(erf) = vpow2.f32 v22;
	[tilespmem:s26+$0x40] =	vst v31  }
0xb4: {  	vm1 =	veq.s32 v39, $0x0;
	v22 =	vbroadcast v34, $0x0;
	v29 =	vld [tilespmem:s28+$0xFFFFFF80];
	v31 =	vbroadcast v38, $0xF;
	[tilespmem:s26+$0x10] =	vst v27  }
0xb5: {  	v39 =	vand.u32 $0x1, v40;
	v34 =	vld [tilespmem:s29+$0xFFFFFF80];
	v38 =	vmul.f32 $2.000000030e-01, v30;
	v37 =	vadd.f32 v37, v17;
	[tilespmem:s26+$0x50] =	vst v32  }
0xb6: {  	v16 =	vand.u32 $0x1, v16;
	vm0 =	vgt.f32 v30, $0.0e+00;
	v27 =	vld [tilespmem:s28+$0x0];
	(erf) = vpow2.f32 v31;
	[tilespmem:s26+$0x20] =	vst v33  }
0xb7: {  	v31 =	vld [tilespmem:s29+$0x0];
	v30 =	vsel vm0, v30, v38;
	v32 =	vmul.f32 $2.000000030e-01, v37;
	v33 =	vadd.f32 v36, v25;
	[tilespmem:s26+$0x60] =	vst v28;
	s26 =	smov.u32 s24  }
0xb8: {  	vm2 =	veq.s32 v39, $0x0;
	vm0 =	vgt.f32 v37, $0.0e+00;
	v28 =	vld [tilespmem:s28+$0xFFFFFF00];
	v30 =	vmul.f32 v30, v3;
	[tilespmem:s24+$0x80] =	vst v26  }
0xb9: {  	v26 =	vld [tilespmem:s28+$0xFFFFFF10];
	v32 =	vsel vm0, v37, v32;
	v36 =	vmul.f32 $2.000000030e-01, v33;
	vm0 =	veq.s32 v16, $0x0;
	[tilespmem:s24+$0xC0] =	vst v24;
	v16 =	vpop (erf)  }
0xba: {  	vm3 =	vgt.f32 v33, $0.0e+00;
	v24 =	vld [tilespmem:s29+$0xFFFFFF10];
	v30 =	vadd.f32 $0.0e+00, v30;
	v32 =	vmul.f32 v32, v4;
	[tilespmem:s24+$0x90] =	vst v23  }
0xbb: {  	v23 =	vadd.f32 v34, v29;
	v34 =	vld [tilespmem:s28+$0xFFFFFF90];
	v33 =	vsel vm3, v33, v36;
	v36 =	vmul.f32 v16, v11;
	[tilespmem:s24+$0xD0] =	vst v20  }
0xbc: {  	v20 =	vld [tilespmem:s29+$0xFFFFFF90];
	v31 =	vadd.f32 v31, v27;
	v30 =	vadd.f32 v32, v30;
	v32 =	vmul.f32 v33, v5;
	[tilespmem:s24+$0xA0] =	vst v18;
	v18 =	vpop (erf)  }
0xbd: {  	vm3 =	vgt.f32 v23, $0.0e+00;
	v33 =	vadd.f32 v35, v28;
	v35 =	vmul.f32 $2.000000030e-01, v23;
	v37 =	vld [tilespmem:s28+$0x10];
	v11 =	vmovc v28  }
0xbe: {  	vm4 =	vgt.f32 v31, $0.0e+00;
	v28 =	vmul.f32 $2.000000030e-01, v31;
	v38 =	vld [tilespmem:s29+$0x10];
	v30 =	vadd.f32 v32, v30  }
0xbf: {  	vm5 =	vgt.f32 v33, $0.0e+00;
	v32 =	vmul.f32 $2.000000030e-01, v33;
	v24 =	vadd.f32 v24, v26;
	v39 =	vld [tilespmem:s28+$0xFFFFFF20];
	v40 =	vpop (erf)  }
0xc0: {  	v23 =	vsel vm3, v23, v35;
	v41 =	vld [tilespmem:s29+$0xFFFFFF20];
	v28 =	vsel vm4, v31, v28;
	(xrf2) =	vadd.scan.msk.f32 $0xffff, v30;
	v30 =	vmul.f32 v16, v10  }
0xc1: {  	v10 =	vmovc v26;
	v31 =	vsel vm5, v33, v32;
	v32 =	vmul.f32 $2.000000030e-01, v24;
	v20 =	vadd.f32 v20, v34;
	v33 =	vld [tilespmem:s28+$0xFFFFFFA0]  }
0xc2: {  	v23 =	vmul.f32 v23, v3;
	vm3 =	vgt.f32 v24, $0.0e+00;
	v26 =	vmul.f32 v31, v3;
	v31 =	vld [tilespmem:s29+$0xFFFFFFA0]  }
0xc3: {  	v28 =	vmul.f32 v28, v3;
	v35 =	vmul.f32 $2.000000030e-01, v20;
	v38 =	vadd.f32 v38, v37;
	v42 =	vld [tilespmem:s28+$0x20]  }
0xc4: {  	v24 =	vsel vm3, v24, v32;
	vm3 =	vgt.f32 v20, $0.0e+00;
	v26 =	vadd.f32 $0.0e+00, v26;
	v32 =	vld [tilespmem:s29+$0x20]  }
0xc5: {  	v41 =	vadd.f32 v41, v39;
	vm4 =	vgt.f32 v38, $0.0e+00;
	v43 =	vmul.f32 $2.000000030e-01, v38  }
0xc6: {  	v23 =	vadd.f32 $0.0e+00, v23;
	v28 =	vadd.f32 $0.0e+00, v28;
	v20 =	vsel vm3, v20, v35  }
0xc7: {  	v44 =	vmul.f32 $2.000000030e-01, v41;
	v31 =	vadd.f32 v31, v33;
	v38 =	vsel vm4, v38, v43  }
0xc8: {  	v24 =	vmul.f32 v24, v4;
	v20 =	vmul.f32 v20, v4;
	vm3 =	vgt.f32 v41, $0.0e+00  }
0xc9: {  	v38 =	vmul.f32 v38, v4;
	v43 =	vmul.f32 $2.000000030e-01, v31;
	v32 =	vadd.f32 v32, v42  }
0xca: {  	v24 =	vadd.f32 v24, v26;
	v26 =	vsel vm3, v41, v44;
	vm3 =	vgt.f32 v31, $0.0e+00;
	v35, _, _ =	vpop (xrf2)  }
0xcb: {  	vm4 =	vgt.f32 v32, $0.0e+00;
	v41 =	vmul.f32 $2.000000030e-01, v32;
	v35 =	vmul.f32 $1.442695020e+00, v35  }
0xcc: {  	v20 =	vadd.f32 v20, v23;
	v28 =	vadd.f32 v38, v28;
	v23 =	vsel vm3, v31, v43  }
0xcd: {  	s0 =	sadd.s32 $0x3, s25;
	s25 =	smov.u32 s30;
	v26 =	vmul.f32 v26, v5;
	v31 =	vsel vm4, v32, v41;
	v32 =	vbroadcast v35, $0xF  }
0xce: {  	v23 =	vmul.f32 v23, v5;
	v35 =	vmov s0;
	v31 =	vmul.f32 v31, v5  }
0xcf: {  	v24 =	vadd.f32 v26, v24;
	v26 =	vadd.f32 v2, v39;
	(erf) = vpow2.f32 v32  }
0xd0: {  	v15 =	vmul.f32 v16, v15;
	v20 =	vadd.f32 v23, v20;
	v23 =	vadd.f32 v31, v28  }
0xd1: {  	v16 =	vadd.f32 v2, v33;
	v28 =	vadd.f32 v2, v42;
	(xrf2) =	vadd.scan.msk.f32 $0xffff, v24;
	v24 =	vmul.f32 v18, v7  }
0xd2: {  	v32 =	vmul.f32 v18, v9;
	v9 =	vmovc v34;
	v31 =	vnsel vm1, $0x0, v36;
	v18 =	vmul.f32 v18, v13;
	v7 =	vmovc v29  }
0xd3: {  	v33 =	vmul.f32 v40, v8;
	v13 =	vsel vm1, $0x0, v36;
	v29 =	vld.idx.msk [tilespmem:v35+s17+$0x0], $0xffff;
	[tilespmem:s24+$0xFFFFFF00] =	vst v31;
	v31 =	vmul.f32 v40, v6  }
0xd4: {  	v34 =	vmul.f32 v40, v12;
	v6 =	vmovc v27;
	(xrf2) =	vadd.scan.msk.f32 $0xffff, v20;
	v20 =	vnsel vm1, $0x0, v30;
	v30 =	vsel vm1, $0x0, v30  }
0xd5: {  	v8 =	vmovc v37;
	v41 =	vsel vm1, $0x0, v15;
	v40 =	vnsel vm1, $0x0, v15;
	v42 =	vnsel vm2, $0x0, v24;
	v15 =	vmovc v26;
	[tilespmem:s24+$0xFFFFFF40] =	vst v13  }
0xd6: {  	v43 =	vnsel vm2, $0x0, v32;
	v39 =	vsel vm2, $0x0, v32;
	v12 =	vmovc v28;
	v37 =	vsel vm2, $0x0, v24;
	v13 =	vmovc v16;
	[tilespmem:s24+$0xFFFFFF10] =	vst v20  }
0xd7: {  	v38 =	vnsel vm2, $0x0, v18;
	v36 =	vsel vm2, $0x0, v18;
	v16 =	vadd.f32 v2, v25;
	(xrf2) =	vadd.scan.msk.f32 $0xffff, v23  }
0xd8: {  	v27 =	vnsel vm0, $0x0, v33;
	v35 =	vnsel vm0, $0x0, v31;
	v31 =	vsel vm0, $0x0, v31;
	v18 =	vpop (erf);
	[tilespmem:s24+$0xFFFFFF50] =	vst v30  }
0xd9: {  	v20 =	vand.u32 $0x1, v29;
	v14 =	vmul.f32 v18, v14;
	v25 =	vmul.f32 v18, v16;
	[tilespmem:s24+$0xFFFFFF20] =	vst v40  }
.Ltmp1:
0xda: {  	v32 =	vsel vm0, $0x0, v33;
	v17 =	vmul.f32 v18, v17;
	vm1 =	veq.s32 v20, $0x0;
	v29 =	vld.idx.msk [tilespmem:v19+s17+$0x0], $0xffff;
	[tilespmem:s24+$0xFFFFFF60] =	vst v41;
	(pc) =	sbr.rel @p0 .LBB2_5-.Ltmp1, $4  }
0xdb: {  	v28 =	vsel vm0, $0x0, v34;
	v33 =	vnsel vm0, $0x0, v34;
	s24 =	sadd.s32 $0x200, s24;
	v40 =	vld.idx.msk [tilespmem:v21+s17+$0x0], $0xffff;
	v18 =	vsel vm1, $0x0, v25;
	v16, _, _ =	vpop (xrf2);
	[tilespmem:s26+$0xFFFFFF80] =	vst v42  }
0xdc: {  	s28 =	sadd.s32 $0x200, s28;
	v26 =	vnsel vm1, $0x0, v14;
	v24 =	vsel vm1, $0x0, v14;
	v19 =	vmul.f32 $1.442695020e+00, v16;
	v16 =	vld.idx.msk [tilespmem:v22+s17+$0x0], $0xffff;
	[tilespmem:s24+$0xE0] =	vst v18  }
0xdd: {  	s29 =	sadd.s32 $0x200, s29;
	v23 =	vnsel vm1, $0x0, v17;
	v20 =	vsel vm1, $0x0, v17;
	v18 =	vnsel vm1, $0x0, v25;
	v14 =	vld [tilespmem:s28+$0x80];
	[tilespmem:s26+$0xFFFFFFC0] =	vst v37  }
0xde: {  	s30 =	sadd.s32 $0x4, s30;
	v37 =	vmov s25;
	v30 =	vld [tilespmem:s29+$0x80];
	v21 =	vbroadcast v19, $0xF;
	v25, _, _ =	vpop (xrf2);
	[tilespmem:s26+$0xFFFFFF90] =	vst v43  }
0xdf: {  	v22 =	vld [tilespmem:s28+$0x90]  }
0xe0: {  	v17 =	vld [tilespmem:s29+$0x90]  }
0xe1: {  	v41 =	vld [tilespmem:s28+$0xA0]  }
0xe2: {  	v19 =	vld [tilespmem:s29+$0xA0]  }
0xe3: {  	v42 =	vld [tilespmem:s29+$0xFFFFFF00]  }
0xe4: {  	v44 =	vld [tilespmem:s29+$0xFFFFFF80]  }
0xe5: {  	v47 =	vld [tilespmem:s29+$0x0];
	v30 =	vadd.f32 v30, v14  }
0xe6: {  	v56 =	vmul.f32 $1.442695020e+00, v25;
	v25 =	vld [tilespmem:s28+$0xFFFFFF10];
	(erf) = vpow2.f32 v21  }
0xe7: {  	v48 =	vld [tilespmem:s29+$0xFFFFFF10];
	v17 =	vadd.f32 v17, v22;
	v34 =	vmul.f32 $2.000000030e-01, v30  }
0xe8: {  	v58 =	vand.u32 $0x1, v29;
	v60 =	vld [tilespmem:s29+$0xFFFFFF20];
	vm0 =	vgt.f32 v30, $0.0e+00  }
0xe9: {  	v29 =	vld [tilespmem:s28+$0xFFFFFF90];
	v43 =	vadd.f32 v19, v41;
	v55 =	vmul.f32 $2.000000030e-01, v17;
	v30 =	vsel vm0, v30, v34  }
0xea: {  	vm1 =	veq.s32 v58, $0x0;
	v19 =	vld [tilespmem:s28+$0xFFFFFF80];
	vm13 =	vgt.f32 v17, $0.0e+00;
	v30 =	vmul.f32 v30, v3  }
0xeb: {  	v54 =	vld [tilespmem:s29+$0xFFFFFF90];
	v61 =	vand.u32 $0x1, v40;
	v45 =	vmul.f32 $2.000000030e-01, v43;
	v34 =	vsel vm13, v17, v55  }
0xec: {  	vm14 =	vgt.f32 v43, $0.0e+00;
	v34 =	vmul.f32 v34, v4;
	v46 =	vadd.f32 $0.0e+00, v30;
	v30 =	vld [tilespmem:s28+$0xFFFFFF00]  }
0xed: {  	[tilespmem:s26+$0xFFFFFFE0] =	vst v36;
	v36 =	vld [tilespmem:s28+$0xFFFFFFA0];
	vm15 =	veq.s32 v61, $0x0;
	v53 =	vadd.f32 v48, v25;
	v43 =	vsel vm14, v43, v45  }
0xee: {  	v17 =	vld [tilespmem:s28+$0x0];
	v45 =	vbroadcast v56, $0xF;
	v43 =	vmul.f32 v43, v5;
	v34 =	vadd.f32 v34, v46  }
0xef: {  	v61 =	vld [tilespmem:s29+$0xFFFFFFA0];
	vm5 =	vgt.f32 v53, $0.0e+00;
	v56 =	vmul.f32 $2.000000030e-01, v53;
	v62 =	vadd.f32 v44, v19;
	v44 =	vpop (erf)  }
0xf0: {  	(erf) = vpow2.f32 v45;
	v11 =	vmul.f32 v44, v11;
	v43 =	vadd.f32 v43, v34;
	v34 =	vld [tilespmem:s28+$0xFFFFFF20]  }
0xf1: {  	[tilespmem:s26+$0x40] =	vst v31;
	v57, _, _ =	vpop (xrf2);
	v31 =	vmul.f32 v44, v10;
	v51 =	vmul.f32 $2.000000030e-01, v62;
	v42 =	vadd.f32 v42, v30  }
0xf2: {  	v15 =	vmul.f32 v44, v15;
	vm2 =	vgt.f32 v62, $0.0e+00;
	v46 =	vmul.f32 $1.442695020e+00, v57  }
0xf3: {  	v63 =	vadd.f32 v47, v17;
	v40 =	vsel vm2, v62, v51;
	v52 =	vmul.f32 $2.000000030e-01, v42  }
0xf4: {  	[tilespmem:s26+$0xFFFFFFD0] =	vst v39;
	v62 =	vadd.f32 v54, v29;
	v54 =	vadd.f32 v61, v36;
	vm4 =	vgt.f32 v42, $0.0e+00  }
0xf5: {  	[tilespmem:s26+$0xFFFFFFA0] =	vst v38;
	v59 =	vbroadcast v46, $0xF;
	v45 =	vadd.f32 v60, v34;
	v42 =	vsel vm4, v42, v52  }
0xf6: {  	[tilespmem:s26+$0x0] =	vst v35;
	v21 =	vld [tilespmem:s28+$0x10];
	v49 =	vmul.f32 v40, v3;
	v46 =	vnsel vm1, $0x0, v31;
	v42 =	vmul.f32 v42, v3  }
0xf7: {  	[tilespmem:s26+$0x10] =	vst v27;
	v57 =	vld [tilespmem:s29+$0x10];
	(erf) = vpow2.f32 v59;
	v59 =	vsel vm5, v53, v56;
	v58 =	vmul.f32 $2.000000030e-01, v45  }
0xf8: {  	(xrf2) =	vadd.scan.msk.f32 $0xffff, v43;
	v43 =	vmul.f32 v59, v4;
	vm6 =	vgt.f32 v45, $0.0e+00;
	v42 =	vadd.f32 $0.0e+00, v42  }
0xf9: {  	[tilespmem:s26+$0x50] =	vst v32;
	vm3 =	vgt.f32 v63, $0.0e+00;
	v55 =	vmul.f32 $2.000000030e-01, v63;
	v60 =	vsel vm6, v45, v58  }
0xfa: {  	[tilespmem:s26+$0x20] =	vst v33;
	s0 =	sadd.s32 $0x3, s25;
	v50 =	vmul.f32 $2.000000030e-01, v62;
	v47 =	vadd.f32 v43, v42;
	v35 =	vmul.f32 v60, v5  }
0xfb: {  	[tilespmem:s26+$0x60] =	vst v28;
	v10 =	vld [tilespmem:s28+$0x20];
	vm7 =	vgt.f32 v62, $0.0e+00;
	vm9 =	vgt.f32 v54, $0.0e+00;
	v56 =	vmov s0  }
0xfc: {  	[tilespmem:s24+$0x80] =	vst v26;
	v39 =	vsel vm3, v63, v55;
	v38 =	vadd.f32 v57, v21;
	v52 =	vld [tilespmem:s29+$0x20];
	v27 =	vadd.f32 v35, v47  }
0xfd: {  	[tilespmem:s24+$0xC0] =	vst v24;
	v59 =	vmul.f32 $2.000000030e-01, v54;
	v51 =	vmul.f32 v39, v3;
	v58 =	vsel vm7, v62, v50  }
0xfe: {  	v57 =	vadd.f32 $0.0e+00, v49;
	v55 =	vmul.f32 $2.000000030e-01, v38;
	v32 =	vmul.f32 v58, v4;
	(xrf2) =	vadd.scan.msk.f32 $0xffff, v27  }
0xff: {  	[tilespmem:s24+$0x90] =	vst v23;
	vm8 =	vgt.f32 v38, $0.0e+00;
	v33 =	vadd.f32 $0.0e+00, v51;
	v62 =	vsel vm9, v54, v59  }
0x100: {  	[tilespmem:s24+$0xD0] =	vst v20;
	v60 =	vsel vm8, v38, v55;
	v38 =	vmul.f32 v62, v5;
	v35 =	vadd.f32 v32, v57  }
0x101: {  	[tilespmem:s24+$0xA0] =	vst v18;
	v45 =	vpop (erf);
	v50 =	vnsel vm1, $0x0, v15;
	v15 =	vsel vm1, $0x0, v15;
	v61 =	vadd.f32 v52, v10  }
0x102: {  	[tilespmem:s24+$0xFFFFFF10] =	vst v46;
	v42 =	vnsel vm1, $0x0, v11;
	v7 =	vmul.f32 v45, v7;
	v63, _, _ =	vpop (xrf2);
	v23 =	vadd.f32 v38, v35  }
0x103: {  	v11 =	vsel vm1, $0x0, v11;
	[tilespmem:s24+$0xFFFFFF20] =	vst v50;
	v40 =	vmul.f32 $2.000000030e-01, v61;
	v48 =	vmul.f32 $1.442695020e+00, v63  }
0x104: {  	[tilespmem:s24+$0xFFFFFF60] =	vst v15;
	vm10 =	vgt.f32 v61, $0.0e+00;
	v63 =	vmul.f32 v60, v4;
	(xrf2) =	vadd.scan.msk.f32 $0xffff, v23  }
0x105: {  	v9 =	vmul.f32 v45, v9;
	[tilespmem:s24+$0xFFFFFF00] =	vst v42;
	v18 =	vsel vm10, v61, v40;
	v53 =	vbroadcast v48, $0xF  }
0x106: {  	[tilespmem:s24+$0xFFFFFF40] =	vst v11;
	v54 =	vnsel vm15, $0x0, v7;
	v20 =	vadd.f32 v63, v33;
	v18 =	vmul.f32 v18, v5  }
0x107: {  	v16 =	vand.u32 $0x1, v16;
	v7 =	vsel vm15, $0x0, v7;
	[tilespmem:s24+$0xFFFFFF80] =	vst v54;
	(erf) = vpow2.f32 v53  }
0x108: {  	v13 =	vmul.f32 v45, v13;
	v59 =	vnsel vm15, $0x0, v9;
	[tilespmem:s24+$0xFFFFFFC0] =	vst v7;
	v55 =	vadd.f32 v18, v20;
	v57, _, _ =	vpop (xrf2)  }
0x109: {  	v58 =	vand.u32 $0xFFFFFFFC, v37;
	v9 =	vsel vm15, $0x0, v9;
	[tilespmem:s24+$0xFFFFFF90] =	vst v59;
	v20 =	vmul.f32 $1.442695020e+00, v57  }
0x10a: {  	v43 =	vld.idx.msk [tilespmem:v56+s17+$0x0], $0xffff;
	v62 =	vsel vm15, $0x0, v13;
	v7 =	vbroadcast v58, $0x0;
	[tilespmem:s24+$0xFFFFFFD0] =	vst v9;
	v47 =	vpop (erf);
	(xrf2) =	vadd.scan.msk.f32 $0xffff, v55  }
0x10b: {  	s30 =	sadd.s32 $0x1, s25;
	[tilespmem:s24+$0xFFFFFFE0] =	vst v62;
	v61 =	vnsel vm15, $0x0, v13;
	v6 =	vmul.f32 v47, v6;
	v60 =	vbroadcast v20, $0xF  }
0x10c: {  	v24 =	vmov s30;
	vm12 =	veq.s32 v16, $0x0;
	v48 =	vsel vm1, $0x0, v31;
	[tilespmem:s24+$0xFFFFFFA0] =	vst v61  }
0x10d: {  	v8 =	vmul.f32 v47, v8;
	[tilespmem:s24+$0xFFFFFF50] =	vst v48;
	v63 =	vnsel vm12, $0x0, v6;
	(erf) = vpow2.f32 v60  }
0x10e: {  	v49 =	vadd.f32 v2, v41;
	v11 =	vmul.f32 v47, v12;
	v6 =	vsel vm12, $0x0, v6;
	[tilespmem:s24+$0x0] =	vst v63;
	v18, _, _ =	vpop (xrf2)  }
0x10f: {  	v53 =	vand.u32 $0x1, v43;
	v26 =	vnsel vm12, $0x0, v8;
	[tilespmem:s24+$0x40] =	vst v6;
	v20 =	vmul.f32 $1.442695020e+00, v18  }
0x110: {  	v8 =	vsel vm12, $0x0, v8;
	v28 =	vnsel vm12, $0x0, v11;
	v32 =	vsel vm12, $0x0, v11;
	[tilespmem:s24+$0x10] =	vst v26;
	v51 =	vpop (erf)  }
0x111: {  	v6 =	vand.u32 $0xFFFFFFFD, v24;
	[tilespmem:s24+$0x50] =	vst v8;
	v7 =	vld.idx.msk [tilespmem:v7+s17+$0x0], $0xffff;
	v52 =	vmul.f32 v51, v49;
	v9 =	vbroadcast v20, $0xF  }
0x112: {  	vm11 =	veq.s32 v53, $0x0;
	[tilespmem:s24+$0x20] =	vst v28;
	v6 =	vbroadcast v6, $0x0;
	v27 =	vmul.f32 v51, v14  }
0x113: {  	s29 =	sadd.s32 $0x200, s24;
	[tilespmem:s24+$0x60] =	vst v32;
	v56 =	vsel vm11, $0x0, v52;
	(erf) = vpow2.f32 v9  }
0x114: {  	s31 =	sadd.s32 $0x2, s25;
	v45 =	vadd.f32 v2, v34;
	v35 =	vmul.f32 v51, v22;
	v37 =	vnsel vm11, $0x0, v27;
	[tilespmem:s29+$0xE0] =	vst v56;
	v38, _, _ =	vpop (xrf2)  }
0x115: {  	v33 =	vmov s31;
	v40 =	vsel vm11, $0x0, v27;
	[tilespmem:s29+$0x80] =	vst v37;
	v41 =	vmul.f32 $1.442695020e+00, v38  }
0x116: {  	v39 =	vand.u32 $0xFFFFFFFE, v33;
	v7 =	vand.u32 $0x1, v7;
	v42 =	vnsel vm11, $0x0, v35;
	[tilespmem:s29+$0xC0] =	vst v40;
	v43 =	vpop (erf)  }
0x117: {  	v11 =	vsel vm11, $0x0, v35;
	[tilespmem:s29+$0x90] =	vst v42;
	v12 =	vbroadcast v41, $0xF;
	v44 =	vmul.f32 v43, v30  }
0x118: {  	v8 =	vbroadcast v39, $0x0;
	v6 =	vld.idx.msk [tilespmem:v6+s17+$0x0], $0xffff;
	vm13 =	veq.s32 v7, $0x0;
	v46 =	vnsel vm11, $0x0, v52;
	[tilespmem:s29+$0xD0] =	vst v11  }
0x119: {  	[tilespmem:s29+$0xA0] =	vst v46;
	(erf) = vpow2.f32 v12;
	v7 =	vmul.f32 v43, v25;
	v47 =	vnsel vm13, $0x0, v44  }
0x11a: {  	v48 =	vsel vm13, $0x0, v44;
	[tilespmem:s29+$0xFFFFFF00] =	vst v47  }
0x11b: {  	v9 =	vmul.f32 v43, v45;
	v49 =	vnsel vm13, $0x0, v7;
	[tilespmem:s29+$0xFFFFFF40] =	vst v48  }
0x11c: {  	v50 =	vpop (erf);
	v7 =	vsel vm13, $0x0, v7;
	[tilespmem:s29+$0xFFFFFF10] =	vst v49  }
0x11d: {  	v6 =	vand.u32 $0x1, v6;
	v51 =	vmul.f32 v50, v19;
	v52 =	vnsel vm13, $0x0, v9;
	[tilespmem:s29+$0xFFFFFF50] =	vst v7  }
0x11e: {  	v53 =	vadd.f32 v2, v36;
	vm14 =	veq.s32 v6, $0x0;
	v6 =	vsel vm13, $0x0, v9;
	v7 =	vld.idx.msk [tilespmem:v8+s17+$0x0], $0xffff;
	[tilespmem:s29+$0xFFFFFF20] =	vst v52  }
0x11f: {  	v54 =	vmul.f32 v50, v29;
	[tilespmem:s29+$0xFFFFFF60] =	vst v6;
	v55 =	vnsel vm14, $0x0, v51;
	v6 =	vsel vm14, $0x0, v51  }
0x120: {  	[tilespmem:s29+$0xFFFFFF80] =	vst v55  }
0x121: {  	v8 =	vmul.f32 v50, v53;
	v56 =	vnsel vm14, $0x0, v54;
	[tilespmem:s29+$0xFFFFFFC0] =	vst v6  }
0x122: {  	v9 =	vsel vm14, $0x0, v54;
	[tilespmem:s29+$0xFFFFFF90] =	vst v56;
	v6 =	vpop (erf)  }
0x123: {  	v58 =	vnsel vm14, $0x0, v8;
	[tilespmem:s29+$0xFFFFFFD0] =	vst v9;
	v7 =	vand.u32 $0x1, v7;
	v57 =	vmul.f32 v6, v17  }
0x124: {  	v59 =	vadd.f32 v2, v10;
	[tilespmem:s29+$0xFFFFFFA0] =	vst v58;
	vm15 =	veq.s32 v7, $0x0;
	v7 =	vsel vm14, $0x0, v8  }
0x125: {  	v60 =	vmul.f32 v6, v21;
	[tilespmem:s29+$0xFFFFFFE0] =	vst v7;
	v61 =	vnsel vm15, $0x0, v57  }
0x126: {  	v6 =	vmul.f32 v6, v59;
	v7 =	vsel vm15, $0x0, v57;
	[tilespmem:s29+$0x0] =	vst v61  }
0x127: {  	v62 =	vnsel vm15, $0x0, v60;
	[tilespmem:s29+$0x40] =	vst v7  }
0x128: {  	v63 =	vnsel vm15, $0x0, v6;
	[tilespmem:s29+$0x10] =	vst v62  }
0x129: {  	s23 =	sadd.s32 $0x1, s23;
	v6 =	vsel vm15, $0x0, v6;
	[tilespmem:s29+$0x20] =	vst v63  }
0x12a: {  	p0 =	sne.s32 s23, $0xFA;
	v7 =	vsel vm15, $0x0, v60;
	[tilespmem:s29+$0x60] =	vst v6  }
.Ltmp2:
0x12b: {  	[tilespmem:s29+$0x50] =	vst v7;
	(pc) =	sbr.rel @p0 .LBB2_4-.Ltmp2, $4  }
0x12c: {  	[spmem:s1] =	stream.indirect.scatter.add.f32 [tilespmem:s14], [sflag:$0x1], $0x80, s21, s18, $0xb8;
	[tilespmem:$0xCA00] =	vst v63  }
0x12d: {  	_ =	swait.ge [sflag:s15], $0x2800  }
0x12e: {  	[sflag:s15] =	ssyncset.done $0x0  }
0x12f: {  	[sflag:s15] =	ssyncadd.s32 $0xFFFFD800  }
0x130: {  	s3 =	sadd.s32 $0x1, s3  }
0x131: {  	s0 =	sshll.u32 s2, $0x6;
	[bflag:$0x0] =	sbarrier.arrive $0xFFFF;
	p0 =	sne.s32 s3, s13  }
.Ltmp3:
0x132: {  	s22 =	sshrl.u32 s9, $0x3;
	s0 =	sor.u32 $0x1C01, s0;
	(pc) =	sbr.rel @p0 .LBB2_1-.Ltmp3, $4  }
0x133: {  	[hbm:s12], [sflag:s0] =	dma.local [spmem:s22], $0xA00  }
0x134: {  	_ =	swait.ge [sflag:s15], $0xA00  }
0x135: {  	[sflag:s15] =	ssyncset.done $0x0  }
0x136: {  	[sflag:s15] =	ssyncadd.s32 $0xFFFFF600  }
0x137: {  	_ =	sfence.sel $0x180000  }
0x138: {  	[bflag:$0x0] =	sbarrier.arrive $0xFFFF  }
0x139: {  	_ =	strace $0x9000004D  }
0x13a: {  	[bflag:$0x2] =	sbarrier.arrive $0xFFFF  }
0x13b: {  	p0 =	sne.s32 s2, $0x0;
	s0 =	rddreg [dreg:$0x2]  }
0x13c: {  	s0 =	sadd.s32 @!p0 $0x100000, s0  }
0x13d: {  	[sflag:s0] =	ssyncadd.tile.s32 @!p0 $0x1;
	_ =	shalt  }
.Lfunc_end2:
_tile_overlayer_lowered:
.L_overlay_start_2:
0x13e: {  	(tag) =	ssettag $0x2  }
0x13f: {  	s0 =	rddreg [dreg:$0x0];
	s2 =	stileid.u32  }
0x140: {  	s1 =	rddreg [dreg:$0x1];
	p0 =	sne.s32 s2, $0x0  }
0x141: {  	s3 =	rddreg [dreg:$0x2];
	[bflag:$0x3] =	sbarrier.arrive $0xFFFF;
	s2 =	simm.s32 @!p0 $0x1C01  }
0x142: {  	[timem:s3], [sflag:s2] =	dma.local @!p0 [hbm:s0], s1  }
0x143: {  	s0 =	simm.s32 @!p0 $0x1  }
0x144: {  	_ =	swait.ge @!p0 [sflag:s0], s1  }
0x145: {  	s1 =	ssub.s32 @!p0 $0x0, s1;
	[sflag:s0] =	ssyncset.done @!p0 $0x0  }
0x146: {  	[sflag:s0] =	ssyncadd.s32 @!p0 s1  }
0x147: {  	[bflag:$0x3] =	sbarrier.arrive $0xFFFF  }
0x148: {  	_ =	shalt  }

</sc_bundles>
